<compile_context>
chip_gen: v7x
topology: tpu7x:2x2x1
jax: 0.10.2.dev20260603
libtpu: 0.0.44.dev20260713+nightly
codegen_flags: <defaults>
</compile_context>

<pallas_src>
import functools

import jax
import jax.numpy as jnp
from jax import lax
from jax.experimental import pallas as pl
from jax.experimental.pallas import tpu as pltpu
from jax.experimental.pallas import tpu_sc as plsc

BATCH = 16384
ROLE_DIM = 32
NUM_CORES = 2
NUM_SUBCORES = 16
NUM_WORKERS = NUM_CORES * NUM_SUBCORES
B_PER_W = BATCH // NUM_WORKERS
LANES = 16
GROUP = 8
NGROUPS = B_PER_W // GROUP


@functools.cache
def _build():
    mesh = plsc.VectorSubcoreMesh(core_axis_name="c", subcore_axis_name="s")

    @functools.partial(
        pl.kernel,
        mesh=mesh,
        out_type=jax.ShapeDtypeStruct((ROLE_DIM, BATCH), jnp.float32),
        scratch_types=[
            pltpu.VMEM((B_PER_W,), jnp.int32),
            pltpu.VMEM((GROUP, ROLE_DIM, 128), jnp.float32),
            pltpu.VMEM((GROUP, ROLE_DIM, 128), jnp.float32),
            pltpu.VMEM((GROUP, ROLE_DIM, 128), jnp.float32),
            pltpu.VMEM((ROLE_DIM, B_PER_W), jnp.float32),
            pltpu.SemaphoreType.DMA,
            pltpu.SemaphoreType.DMA,
            pltpu.SemaphoreType.DMA,
        ],
        compiler_params=pltpu.CompilerParams(
            use_tc_tiling_on_sc=True, needs_layout_passes=False
        ),
    )
    def gather_kernel(
        idx_hbm, table_hbm, out_hbm,
        idx_v, buf_a, buf_b, buf_c, blk_v, sem_a, sem_b, sem_c,
    ):
        wid = lax.axis_index("s") * NUM_CORES + lax.axis_index("c")
        base = wid * B_PER_W
        pltpu.sync_copy(idx_hbm.at[pl.ds(base, B_PER_W)], idx_v)

        lo = lax.iota(jnp.int32, LANES)
        hi = lo + LANES
        zero = jnp.zeros((LANES,), jnp.int32)

        def scalarize(g):
            vec = idx_v[pl.ds((g // 2) * LANES, LANES)]
            half = (g % 2) * GROUP
            return [
                jnp.max(jnp.where(lo == half + b, vec, zero))
                for b in range(GROUP)
            ]

        def issue(g, buf, sem):
            rs = scalarize(g)
            for b in range(GROUP):
                q = rs[b] >> 7
                pltpu.make_async_copy(
                    table_hbm.at[:, pl.ds(pl.multiple_of(q * 128, 128), 128)],
                    buf.at[b],
                    sem,
                ).start()

        def drain(g, buf, sem):
            rs = scalarize(g)
            for b in range(GROUP):
                pltpu.make_async_copy(
                    table_hbm.at[:, pl.ds(0, 128)], buf.at[b], sem
                ).wait()
            for b in range(GROUP):
                o = jnp.full((LANES,), rs[b] & 127, jnp.int32)
                col = jnp.full((LANES,), g * GROUP + b, jnp.int32)
                c0 = plsc.load_gather(buf.at[b], [lo, o])
                c1 = plsc.load_gather(buf.at[b], [hi, o])
                plsc.store_scatter(blk_v, [lo, col], c0)
                plsc.store_scatter(blk_v, [hi, col], c1)

        issue(0, buf_a, sem_a)
        issue(1, buf_b, sem_b)

        def body(j, carry):
            g = 3 * j
            issue(g + 2, buf_c, sem_c)
            drain(g, buf_a, sem_a)
            issue(g + 3, buf_a, sem_a)
            drain(g + 1, buf_b, sem_b)

            @pl.when(g + 4 < NGROUPS)
            def _issue_b():
                issue(g + 4, buf_b, sem_b)

            drain(g + 2, buf_c, sem_c)
            return carry

        lax.fori_loop(0, (NGROUPS - 1) // 3, body, 0)
        drain(NGROUPS - 1, buf_a, sem_a)
        pltpu.sync_copy(blk_v, out_hbm.at[:, pl.ds(base, B_PER_W)])

    return gather_kernel


def kernel(indices, embedding):
    out_t = _build()(indices, embedding.T)
    return out_t.T

# --- scband reference (transcript-rebuilt; emitter-appended) ---
"""Pipeline reference for scband-role-encoder-23124103922082 (READ-ONLY COPY).

The authoritative reference and input builder live on the scoring server;
editing this copy changes nothing except your own understanding.
"""

import jax, jax.numpy as jnp
import numpy as np

BUCKET_COUNT = 1000000
ROLE_DIM = 32
BATCH = 16384

def setup_inputs(seed: int = 0) -> dict:
    key = jax.random.key(seed)
    k_idx, k_emb = jax.random.split(key)
    indices = jax.random.randint(k_idx, (BATCH,), 0, BUCKET_COUNT, dtype=jnp.int64 if jax.config.jax_enable_x64 else jnp.int32).astype(jnp.int32)
    # embedding table, initialized like nn.Embedding (N(0,1))
    embedding = jax.random.normal(k_emb, (BUCKET_COUNT, ROLE_DIM), dtype=jnp.float32)
    return {"indices": indices, "embedding": embedding}

def reference(indices, embedding):
    # RoleEncoder.forward: role string -> stable hash index -> embedding lookup.
    # The string hashing (sha256 mod bucket_count) is a host-side preprocessing step;
    # here the hashed indices are supplied directly as an int tensor (batched).
    return jnp.take(embedding, indices, axis=0)

if __name__ == "__main__":
    import jax
    _d = setup_inputs()
    print(jax.jit(kernel)(*tuple(_d.values())))

</pallas_src>

<mosaic_0001>
#map = affine_map<(d0, d1) -> (0)>
#map1 = affine_map<(d0, d1) -> (0, 0)>
module attributes {stable_mosaic.version = 14 : i64} {
  func.func @gather_kernel(%arg0: i32, %arg1: i32, %arg2: memref<16384xi32, #tpu.memory_space<hbm>>, %arg3: memref<32x1000000xf32, #tpu.memory_space<hbm>>, %arg4: memref<32x16384xf32, #tpu.memory_space<hbm>>, %arg5: memref<512xi32, #tpu.memory_space<vmem>>, %arg6: memref<8x32x128xf32, #tpu.memory_space<vmem>>, %arg7: memref<8x32x128xf32, #tpu.memory_space<vmem>>, %arg8: memref<8x32x128xf32, #tpu.memory_space<vmem>>, %arg9: memref<32x512xf32, #tpu.memory_space<vmem>>, %arg10: memref<!tpu.dma_semaphore, #tpu.memory_space<semaphore_mem>>, %arg11: memref<!tpu.dma_semaphore, #tpu.memory_space<semaphore_mem>>, %arg12: memref<!tpu.dma_semaphore, #tpu.memory_space<semaphore_mem>>) attributes {dimension_semantics = [#tpu.dimension_semantics<core_parallel>, #tpu.dimension_semantics<subcore_parallel>], iteration_bounds = array<i64: 2, 16>, scalar_prefetch = 0 : i64, scratch_operands = 8 : i64, tpu.core_type = #tpu.core_type<sc_vector_subcore>, window_params = [{transform_indices = #map}, {transform_indices = #map1}, {transform_indices = #map1}]} {
    %mul3A = arith.constant 2 : i32
    %mul3A_0 = arith.muli %arg1, %mul3A : i32
    %add3A = arith.addi %mul3A_0, %arg0 : i32
    %mul3A_1 = arith.constant 512 : i32
    %mul3A_2 = arith.muli %add3A, %mul3A_1 : i32
    "tpu.region"() ({
      %run_scoped3A = tpu.sem_alloc : memref<!tpu.dma_semaphore, #tpu.memory_space<semaphore_mem>>
      %dma_start3A_840 = tpu.memref_slice %arg2[%mul3A_2] : memref<16384xi32, #tpu.memory_space<hbm>> -> memref<512xi32, #tpu.memory_space<hbm>>
      %dma_start3A_841 = tpu.memref_slice %arg2[%mul3A_2] : memref<16384xi32, #tpu.memory_space<hbm>> -> memref<512xi32, #tpu.memory_space<hbm>>
      tpu.enqueue_dma source(%dma_start3A_841 : memref<512xi32, #tpu.memory_space<hbm>>) target(%arg5 : memref<512xi32, #tpu.memory_space<vmem>>) target_semaphore(%run_scoped3A : memref<!tpu.dma_semaphore, #tpu.memory_space<semaphore_mem>>)
      %dma_wait3A_842 = tpu.memref_slice %arg2[%mul3A_2] : memref<16384xi32, #tpu.memory_space<hbm>> -> memref<512xi32, #tpu.memory_space<hbm>>
      %dma_wait3A_843 = tpu.memref_slice %arg2[%mul3A_2] : memref<16384xi32, #tpu.memory_space<hbm>> -> memref<512xi32, #tpu.memory_space<hbm>>
      tpu.wait_dma2 semaphore(%run_scoped3A : memref<!tpu.dma_semaphore, #tpu.memory_space<semaphore_mem>>) src(%dma_wait3A_843 : memref<512xi32, #tpu.memory_space<hbm>>) dst(%arg5 : memref<512xi32, #tpu.memory_space<vmem>>)
      tpu.yield
    }) : () -> ()
    %iota3A = tpu.iota {dimensions = array<i32: 0>} : vector<16xi32>
    %add3A_3 = arith.constant 16 : i32
    %add3A_4 = vector.broadcast %add3A_3 : i32 to vector<16xi32>
    %add3A_5 = arith.addi %iota3A, %add3A_4 : vector<16xi32>
    %broadcast_in_dim3A = arith.constant 0 : i32
    %broadcast_in_dim3A_6 = vector.broadcast %broadcast_in_dim3A : i32 to vector<16xi32>
    %get3A = arith.constant 0 : index
    %get3A_7 = tpu.vector_load %arg5[%get3A] {strides = array<i32>} : memref<512xi32, #tpu.memory_space<vmem>>, vector<16xi32>,
    %eq3A = arith.constant 0 : i32
    %eq3A_8 = vector.broadcast %eq3A : i32 to vector<16xi32>
    %eq3A_9 = arith.cmpi eq, %iota3A, %eq3A_8 : vector<16xi32>
    %select_n3A = arith.select %eq3A_9, %get3A_7, %broadcast_in_dim3A_6 : vector<16xi1>, vector<16xi32>
    %reduce_max3A = arith.constant true
    %reduce_max3A_10 = vector.broadcast %reduce_max3A : i1 to vector<16xi1>
    %reduce_max3A_11 = arith.constant -2147483648 : i32
    %reduce_max3A_12 = vector.broadcast %reduce_max3A_11 : i32 to vector<16xi32>
    %reduce_max3A_13 = arith.xori %select_n3A, %reduce_max3A_12 : vector<16xi32>
    %reduce_max3A_14 = tpu.scan <max>, %reduce_max3A_13 masked %reduce_max3A_10 : vector<16xi32>, vector<16xi1> -> vector<16xi32>
    %reduce_max3A_15 = arith.xori %reduce_max3A_14, %reduce_max3A_12 : vector<16xi32>
    %reduce_max3A_16 = vector.extract %reduce_max3A_15[15] : i32 from vector<16xi32>
    %eq3A_17 = arith.constant 1 : i32
    %eq3A_18 = vector.broadcast %eq3A_17 : i32 to vector<16xi32>
    %eq3A_19 = arith.cmpi eq, %iota3A, %eq3A_18 : vector<16xi32>
    %select_n3A_20 = arith.select %eq3A_19, %get3A_7, %broadcast_in_dim3A_6 : vector<16xi1>, vector<16xi32>
    %reduce_max3A_21 = arith.constant true
    %reduce_max3A_22 = vector.broadcast %reduce_max3A_21 : i1 to vector<16xi1>
    %reduce_max3A_23 = arith.constant -2147483648 : i32
    %reduce_max3A_24 = vector.broadcast %reduce_max3A_23 : i32 to vector<16xi32>
    %reduce_max3A_25 = arith.xori %select_n3A_20, %reduce_max3A_24 : vector<16xi32>
    %reduce_max3A_26 = tpu.scan <max>, %reduce_max3A_25 masked %reduce_max3A_22 : vector<16xi32>, vector<16xi1> -> vector<16xi32>
    %reduce_max3A_27 = arith.xori %reduce_max3A_26, %reduce_max3A_24 : vector<16xi32>
    %reduce_max3A_28 = vector.extract %reduce_max3A_27[15] : i32 from vector<16xi32>
    %eq3A_29 = arith.constant 2 : i32
    %eq3A_30 = vector.broadcast %eq3A_29 : i32 to vector<16xi32>
    %eq3A_31 = arith.cmpi eq, %iota3A, %eq3A_30 : vector<16xi32>
    %select_n3A_32 = arith.select %eq3A_31, %get3A_7, %broadcast_in_dim3A_6 : vector<16xi1>, vector<16xi32>
    %reduce_max3A_33 = arith.constant true
    %reduce_max3A_34 = vector.broadcast %reduce_max3A_33 : i1 to vector<16xi1>
    %reduce_max3A_35 = arith.constant -2147483648 : i32
    %reduce_max3A_36 = vector.broadcast %reduce_max3A_35 : i32 to vector<16xi32>
    %reduce_max3A_37 = arith.xori %select_n3A_32, %reduce_max3A_36 : vector<16xi32>
    %reduce_max3A_38 = tpu.scan <max>, %reduce_max3A_37 masked %reduce_max3A_34 : vector<16xi32>, vector<16xi1> -> vector<16xi32>
    %reduce_max3A_39 = arith.xori %reduce_max3A_38, %reduce_max3A_36 : vector<16xi32>
    %reduce_max3A_40 = vector.extract %reduce_max3A_39[15] : i32 from vector<16xi32>
    %eq3A_41 = arith.constant 3 : i32
    %eq3A_42 = vector.broadcast %eq3A_41 : i32 to vector<16xi32>
    %eq3A_43 = arith.cmpi eq, %iota3A, %eq3A_42 : vector<16xi32>
    %select_n3A_44 = arith.select %eq3A_43, %get3A_7, %broadcast_in_dim3A_6 : vector<16xi1>, vector<16xi32>
    %reduce_max3A_45 = arith.constant true
    %reduce_max3A_46 = vector.broadcast %reduce_max3A_45 : i1 to vector<16xi1>
    %reduce_max3A_47 = arith.constant -2147483648 : i32
    %reduce_max3A_48 = vector.broadcast %reduce_max3A_47 : i32 to vector<16xi32>
    %reduce_max3A_49 = arith.xori %select_n3A_44, %reduce_max3A_48 : vector<16xi32>
    %reduce_max3A_50 = tpu.scan <max>, %reduce_max3A_49 masked %reduce_max3A_46 : vector<16xi32>, vector<16xi1> -> vector<16xi32>
    %reduce_max3A_51 = arith.xori %reduce_max3A_50, %reduce_max3A_48 : vector<16xi32>
    %reduce_max3A_52 = vector.extract %reduce_max3A_51[15] : i32 from vector<16xi32>
    %eq3A_53 = arith.constant 4 : i32
    %eq3A_54 = vector.broadcast %eq3A_53 : i32 to vector<16xi32>
    %eq3A_55 = arith.cmpi eq, %iota3A, %eq3A_54 : vector<16xi32>
    %select_n3A_56 = arith.select %eq3A_55, %get3A_7, %broadcast_in_dim3A_6 : vector<16xi1>, vector<16xi32>
    %reduce_max3A_57 = arith.constant true
    %reduce_max3A_58 = vector.broadcast %reduce_max3A_57 : i1 to vector<16xi1>
    %reduce_max3A_59 = arith.constant -2147483648 : i32
    %reduce_max3A_60 = vector.broadcast %reduce_max3A_59 : i32 to vector<16xi32>
    %reduce_max3A_61 = arith.xori %select_n3A_56, %reduce_max3A_60 : vector<16xi32>
    %reduce_max3A_62 = tpu.scan <max>, %reduce_max3A_61 masked %reduce_max3A_58 : vector<16xi32>, vector<16xi1> -> vector<16xi32>
    %reduce_max3A_63 = arith.xori %reduce_max3A_62, %reduce_max3A_60 : vector<16xi32>
    %reduce_max3A_64 = vector.extract %reduce_max3A_63[15] : i32 from vector<16xi32>
    %eq3A_65 = arith.constant 5 : i32
    %eq3A_66 = vector.broadcast %eq3A_65 : i32 to vector<16xi32>
    %eq3A_67 = arith.cmpi eq, %iota3A, %eq3A_66 : vector<16xi32>
    %select_n3A_68 = arith.select %eq3A_67, %get3A_7, %broadcast_in_dim3A_6 : vector<16xi1>, vector<16xi32>
    %reduce_max3A_69 = arith.constant true
    %reduce_max3A_70 = vector.broadcast %reduce_max3A_69 : i1 to vector<16xi1>
    %reduce_max3A_71 = arith.constant -2147483648 : i32
    %reduce_max3A_72 = vector.broadcast %reduce_max3A_71 : i32 to vector<16xi32>
    %reduce_max3A_73 = arith.xori %select_n3A_68, %reduce_max3A_72 : vector<16xi32>
    %reduce_max3A_74 = tpu.scan <max>, %reduce_max3A_73 masked %reduce_max3A_70 : vector<16xi32>, vector<16xi1> -> vector<16xi32>
    %reduce_max3A_75 = arith.xori %reduce_max3A_74, %reduce_max3A_72 : vector<16xi32>
    %reduce_max3A_76 = vector.extract %reduce_max3A_75[15] : i32 from vector<16xi32>
    %eq3A_77 = arith.constant 6 : i32
    %eq3A_78 = vector.broadcast %eq3A_77 : i32 to vector<16xi32>
    %eq3A_79 = arith.cmpi eq, %iota3A, %eq3A_78 : vector<16xi32>
    %select_n3A_80 = arith.select %eq3A_79, %get3A_7, %broadcast_in_dim3A_6 : vector<16xi1>, vector<16xi32>
    %reduce_max3A_81 = arith.constant true
    %reduce_max3A_82 = vector.broadcast %reduce_max3A_81 : i1 to vector<16xi1>
    %reduce_max3A_83 = arith.constant -2147483648 : i32
    %reduce_max3A_84 = vector.broadcast %reduce_max3A_83 : i32 to vector<16xi32>
    %reduce_max3A_85 = arith.xori %select_n3A_80, %reduce_max3A_84 : vector<16xi32>
    %reduce_max3A_86 = tpu.scan <max>, %reduce_max3A_85 masked %reduce_max3A_82 : vector<16xi32>, vector<16xi1> -> vector<16xi32>
    %reduce_max3A_87 = arith.xori %reduce_max3A_86, %reduce_max3A_84 : vector<16xi32>
    %reduce_max3A_88 = vector.extract %reduce_max3A_87[15] : i32 from vector<16xi32>
    %eq3A_89 = arith.constant 7 : i32
    %eq3A_90 = vector.broadcast %eq3A_89 : i32 to vector<16xi32>
    %eq3A_91 = arith.cmpi eq, %iota3A, %eq3A_90 : vector<16xi32>
    %select_n3A_92 = arith.select %eq3A_91, %get3A_7, %broadcast_in_dim3A_6 : vector<16xi1>, vector<16xi32>
    %reduce_max3A_93 = arith.constant true
    %reduce_max3A_94 = vector.broadcast %reduce_max3A_93 : i1 to vector<16xi1>
    %reduce_max3A_95 = arith.constant -2147483648 : i32
    %reduce_max3A_96 = vector.broadcast %reduce_max3A_95 : i32 to vector<16xi32>
    %reduce_max3A_97 = arith.xori %select_n3A_92, %reduce_max3A_96 : vector<16xi32>
    %reduce_max3A_98 = tpu.scan <max>, %reduce_max3A_97 masked %reduce_max3A_94 : vector<16xi32>, vector<16xi1> -> vector<16xi32>
    %reduce_max3A_99 = arith.xori %reduce_max3A_98, %reduce_max3A_96 : vector<16xi32>
    %reduce_max3A_100 = vector.extract %reduce_max3A_99[15] : i32 from vector<16xi32>
    %shift_right_arithmetic3A = arith.constant 7 : i32
    %shift_right_arithmetic3A_101 = arith.shrsi %reduce_max3A_16, %shift_right_arithmetic3A : i32
    %mul3A_102 = arith.constant 128 : i32
    %mul3A_103 = arith.muli %shift_right_arithmetic3A_101, %mul3A_102 : i32
    %multiple_of3A = tpu.assume_multiple %mul3A_103, 128 : i32
    %dma_start3A = arith.constant 0 : i32
    %dma_start3A_104 = arith.constant 0 : i32
    %dma_start3A_105 = arith.constant 0 : i32
    %dma_start3A_106 = tpu.memref_slice %arg6[%dma_start3A, %dma_start3A_104, %dma_start3A_105] : memref<8x32x128xf32, #tpu.memory_space<vmem>> -> memref<1x32x128xf32, #tpu.memory_space<vmem>>
    %dma_start3A_107 = tpu.memref_squeeze %dma_start3A_106 : memref<1x32x128xf32, #tpu.memory_space<vmem>> -> memref<32x128xf32, #tpu.memory_space<vmem>>
    %dma_start3A_108 = arith.constant 0 : i32
    %dma_start3A_109 = tpu.memref_slice %arg3[%dma_start3A_108, %multiple_of3A] : memref<32x1000000xf32, #tpu.memory_space<hbm>> -> memref<32x128xf32, #tpu.memory_space<hbm>>
    %dma_start3A_110 = arith.constant 0 : i32
    %dma_start3A_111 = arith.constant 0 : i32
    %dma_start3A_112 = tpu.memref_slice %arg6[%dma_start3A, %dma_start3A_110, %dma_start3A_111] : memref<8x32x128xf32, #tpu.memory_space<vmem>> -> memref<1x32x128xf32, #tpu.memory_space<vmem>>
    %dma_start3A_113 = tpu.memref_squeeze %dma_start3A_112 : memref<1x32x128xf32, #tpu.memory_space<vmem>> -> memref<32x128xf32, #tpu.memory_space<vmem>>
    %dma_start3A_114 = arith.constant 0 : i32
    %dma_start3A_115 = tpu.memref_slice %arg3[%dma_start3A_114, %multiple_of3A] : memref<32x1000000xf32, #tpu.memory_space<hbm>> -> memref<32x128xf32, #tpu.memory_space<hbm>>
    tpu.enqueue_dma source(%dma_start3A_115 : memref<32x128xf32, #tpu.memory_space<hbm>>) target(%dma_start3A_113 : memref<32x128xf32, #tpu.memory_space<vmem>>) target_semaphore(%arg10 : memref<!tpu.dma_semaphore, #tpu.memory_space<semaphore_mem>>)
    %shift_right_arithmetic3A_116 = arith.constant 7 : i32
    %shift_right_arithmetic3A_117 = arith.shrsi %reduce_max3A_28, %shift_right_arithmetic3A_116 : i32
    %mul3A_118 = arith.constant 128 : i32
    %mul3A_119 = arith.muli %shift_right_arithmetic3A_117, %mul3A_118 : i32
    %multiple_of3A_120 = tpu.assume_multiple %mul3A_119, 128 : i32
    %dma_start3A_121 = arith.constant 1 : i32
    %dma_start3A_122 = arith.constant 0 : i32
    %dma_start3A_123 = arith.constant 0 : i32
    %dma_start3A_124 = tpu.memref_slice %arg6[%dma_start3A_121, %dma_start3A_122, %dma_start3A_123] : memref<8x32x128xf32, #tpu.memory_space<vmem>> -> memref<1x32x128xf32, #tpu.memory_space<vmem>>
    %dma_start3A_125 = tpu.memref_squeeze %dma_start3A_124 : memref<1x32x128xf32, #tpu.memory_space<vmem>> -> memref<32x128xf32, #tpu.memory_space<vmem>>
    %dma_start3A_126 = arith.constant 0 : i32
    %dma_start3A_127 = tpu.memref_slice %arg3[%dma_start3A_126, %multiple_of3A_120] : memref<32x1000000xf32, #tpu.memory_space<hbm>> -> memref<32x128xf32, #tpu.memory_space<hbm>>
    %dma_start3A_128 = arith.constant 0 : i32
    %dma_start3A_129 = arith.constant 0 : i32
    %dma_start3A_130 = tpu.memref_slice %arg6[%dma_start3A_121, %dma_start3A_128, %dma_start3A_129] : memref<8x32x128xf32, #tpu.memory_space<vmem>> -> memref<1x32x128xf32, #tpu.memory_space<vmem>>
    %dma_start3A_131 = tpu.memref_squeeze %dma_start3A_130 : memref<1x32x128xf32, #tpu.memory_space<vmem>> -> memref<32x128xf32, #tpu.memory_space<vmem>>
    %dma_start3A_132 = arith.constant 0 : i32
    %dma_start3A_133 = tpu.memref_slice %arg3[%dma_start3A_132, %multiple_of3A_120] : memref<32x1000000xf32, #tpu.memory_space<hbm>> -> memref<32x128xf32, #tpu.memory_space<hbm>>
    tpu.enqueue_dma source(%dma_start3A_133 : memref<32x128xf32, #tpu.memory_space<hbm>>) target(%dma_start3A_131 : memref<32x128xf32, #tpu.memory_space<vmem>>) target_semaphore(%arg10 : memref<!tpu.dma_semaphore, #tpu.memory_space<semaphore_mem>>)
    %shift_right_arithmetic3A_134 = arith.constant 7 : i32
    %shift_right_arithmetic3A_135 = arith.shrsi %reduce_max3A_40, %shift_right_arithmetic3A_134 : i32
    %mul3A_136 = arith.constant 128 : i32
    %mul3A_137 = arith.muli %shift_right_arithmetic3A_135, %mul3A_136 : i32
    %multiple_of3A_138 = tpu.assume_multiple %mul3A_137, 128 : i32
    %dma_start3A_139 = arith.constant 2 : i32
    %dma_start3A_140 = arith.constant 0 : i32
    %dma_start3A_141 = arith.constant 0 : i32
    %dma_start3A_142 = tpu.memref_slice %arg6[%dma_start3A_139, %dma_start3A_140, %dma_start3A_141] : memref<8x32x128xf32, #tpu.memory_space<vmem>> -> memref<1x32x128xf32, #tpu.memory_space<vmem>>
    %dma_start3A_143 = tpu.memref_squeeze %dma_start3A_142 : memref<1x32x128xf32, #tpu.memory_space<vmem>> -> memref<32x128xf32, #tpu.memory_space<vmem>>
    %dma_start3A_144 = arith.constant 0 : i32
    %dma_start3A_145 = tpu.memref_slice %arg3[%dma_start3A_144, %multiple_of3A_138] : memref<32x1000000xf32, #tpu.memory_space<hbm>> -> memref<32x128xf32, #tpu.memory_space<hbm>>
    %dma_start3A_146 = arith.constant 0 : i32
    %dma_start3A_147 = arith.constant 0 : i32
    %dma_start3A_148 = tpu.memref_slice %arg6[%dma_start3A_139, %dma_start3A_146, %dma_start3A_147] : memref<8x32x128xf32, #tpu.memory_space<vmem>> -> memref<1x32x128xf32, #tpu.memory_space<vmem>>
    %dma_start3A_149 = tpu.memref_squeeze %dma_start3A_148 : memref<1x32x128xf32, #tpu.memory_space<vmem>> -> memref<32x128xf32, #tpu.memory_space<vmem>>
    %dma_start3A_150 = arith.constant 0 : i32
    %dma_start3A_151 = tpu.memref_slice %arg3[%dma_start3A_150, %multiple_of3A_138] : memref<32x1000000xf32, #tpu.memory_space<hbm>> -> memref<32x128xf32, #tpu.memory_space<hbm>>
    tpu.enqueue_dma source(%dma_start3A_151 : memref<32x128xf32, #tpu.memory_space<hbm>>) target(%dma_start3A_149 : memref<32x128xf32, #tpu.memory_space<vmem>>) target_semaphore(%arg10 : memref<!tpu.dma_semaphore, #tpu.memory_space<semaphore_mem>>)
    %shift_right_arithmetic3A_152 = arith.constant 7 : i32
    %shift_right_arithmetic3A_153 = arith.shrsi %reduce_max3A_52, %shift_right_arithmetic3A_152 : i32
    %mul3A_154 = arith.constant 128 : i32
    %mul3A_155 = arith.muli %shift_right_arithmetic3A_153, %mul3A_154 : i32
    %multiple_of3A_156 = tpu.assume_multiple %mul3A_155, 128 : i32
    %dma_start3A_157 = arith.constant 3 : i32
    %dma_start3A_158 = arith.constant 0 : i32
    %dma_start3A_159 = arith.constant 0 : i32
    %dma_start3A_160 = tpu.memref_slice %arg6[%dma_start3A_157, %dma_start3A_158, %dma_start3A_159] : memref<8x32x128xf32, #tpu.memory_space<vmem>> -> memref<1x32x128xf32, #tpu.memory_space<vmem>>
    %dma_start3A_161 = tpu.memref_squeeze %dma_start3A_160 : memref<1x32x128xf32, #tpu.memory_space<vmem>> -> memref<32x128xf32, #tpu.memory_space<vmem>>
    %dma_start3A_162 = arith.constant 0 : i32
    %dma_start3A_163 = tpu.memref_slice %arg3[%dma_start3A_162, %multiple_of3A_156] : memref<32x1000000xf32, #tpu.memory_space<hbm>> -> memref<32x128xf32, #tpu.memory_space<hbm>>
    %dma_start3A_164 = arith.constant 0 : i32
    %dma_start3A_165 = arith.constant 0 : i32
    %dma_start3A_166 = tpu.memref_slice %arg6[%dma_start3A_157, %dma_start3A_164, %dma_start3A_165] : memref<8x32x128xf32, #tpu.memory_space<vmem>> -> memref<1x32x128xf32, #tpu.memory_space<vmem>>
    %dma_start3A_167 = tpu.memref_squeeze %dma_start3A_166 : memref<1x32x128xf32, #tpu.memory_space<vmem>> -> memref<32x128xf32, #tpu.memory_space<vmem>>
    %dma_start3A_168 = arith.constant 0 : i32
    %dma_start3A_169 = tpu.memref_slice %arg3[%dma_start3A_168, %multiple_of3A_156] : memref<32x1000000xf32, #tpu.memory_space<hbm>> -> memref<32x128xf32, #tpu.memory_space<hbm>>
    tpu.enqueue_dma source(%dma_start3A_169 : memref<32x128xf32, #tpu.memory_space<hbm>>) target(%dma_start3A_167 : memref<32x128xf32, #tpu.memory_space<vmem>>) target_semaphore(%arg10 : memref<!tpu.dma_semaphore, #tpu.memory_space<semaphore_mem>>)
    %shift_right_arithmetic3A_170 = arith.constant 7 : i32
    %shift_right_arithmetic3A_171 = arith.shrsi %reduce_max3A_64, %shift_right_arithmetic3A_170 : i32
    %mul3A_172 = arith.constant 128 : i32
    %mul3A_173 = arith.muli %shift_right_arithmetic3A_171, %mul3A_172 : i32
    %multiple_of3A_174 = tpu.assume_multiple %mul3A_173, 128 : i32
    %dma_start3A_175 = arith.constant 4 : i32
    %dma_start3A_176 = arith.constant 0 : i32
    %dma_start3A_177 = arith.constant 0 : i32
    %dma_start3A_178 = tpu.memref_slice %arg6[%dma_start3A_175, %dma_start3A_176, %dma_start3A_177] : memref<8x32x128xf32, #tpu.memory_space<vmem>> -> memref<1x32x128xf32, #tpu.memory_space<vmem>>
    %dma_start3A_179 = tpu.memref_squeeze %dma_start3A_178 : memref<1x32x128xf32, #tpu.memory_space<vmem>> -> memref<32x128xf32, #tpu.memory_space<vmem>>
    %dma_start3A_180 = arith.constant 0 : i32
    %dma_start3A_181 = tpu.memref_slice %arg3[%dma_start3A_180, %multiple_of3A_174] : memref<32x1000000xf32, #tpu.memory_space<hbm>> -> memref<32x128xf32, #tpu.memory_space<hbm>>
    %dma_start3A_182 = arith.constant 0 : i32
    %dma_start3A_183 = arith.constant 0 : i32
    %dma_start3A_184 = tpu.memref_slice %arg6[%dma_start3A_175, %dma_start3A_182, %dma_start3A_183] : memref<8x32x128xf32, #tpu.memory_space<vmem>> -> memref<1x32x128xf32, #tpu.memory_space<vmem>>
    %dma_start3A_185 = tpu.memref_squeeze %dma_start3A_184 : memref<1x32x128xf32, #tpu.memory_space<vmem>> -> memref<32x128xf32, #tpu.memory_space<vmem>>
    %dma_start3A_186 = arith.constant 0 : i32
    %dma_start3A_187 = tpu.memref_slice %arg3[%dma_start3A_186, %multiple_of3A_174] : memref<32x1000000xf32, #tpu.memory_space<hbm>> -> memref<32x128xf32, #tpu.memory_space<hbm>>
    tpu.enqueue_dma source(%dma_start3A_187 : memref<32x128xf32, #tpu.memory_space<hbm>>) target(%dma_start3A_185 : memref<32x128xf32, #tpu.memory_space<vmem>>) target_semaphore(%arg10 : memref<!tpu.dma_semaphore, #tpu.memory_space<semaphore_mem>>)
    %shift_right_arithmetic3A_188 = arith.constant 7 : i32
    %shift_right_arithmetic3A_189 = arith.shrsi %reduce_max3A_76, %shift_right_arithmetic3A_188 : i32
    %mul3A_190 = arith.constant 128 : i32
    %mul3A_191 = arith.muli %shift_right_arithmetic3A_189, %mul3A_190 : i32
    %multiple_of3A_192 = tpu.assume_multiple %mul3A_191, 128 : i32
    %dma_start3A_193 = arith.constant 5 : i32
    %dma_start3A_194 = arith.constant 0 : i32
    %dma_start3A_195 = arith.constant 0 : i32
    %dma_start3A_196 = tpu.memref_slice %arg6[%dma_start3A_193, %dma_start3A_194, %dma_start3A_195] : memref<8x32x128xf32, #tpu.memory_space<vmem>> -> memref<1x32x128xf32, #tpu.memory_space<vmem>>
    %dma_start3A_197 = tpu.memref_squeeze %dma_start3A_196 : memref<1x32x128xf32, #tpu.memory_space<vmem>> -> memref<32x128xf32, #tpu.memory_space<vmem>>
    %dma_start3A_198 = arith.constant 0 : i32
    %dma_start3A_199 = tpu.memref_slice %arg3[%dma_start3A_198, %multiple_of3A_192] : memref<32x1000000xf32, #tpu.memory_space<hbm>> -> memref<32x128xf32, #tpu.memory_space<hbm>>
    %dma_start3A_200 = arith.constant 0 : i32
    %dma_start3A_201 = arith.constant 0 : i32
    %dma_start3A_202 = tpu.memref_slice %arg6[%dma_start3A_193, %dma_start3A_200, %dma_start3A_201] : memref<8x32x128xf32, #tpu.memory_space<vmem>> -> memref<1x32x128xf32, #tpu.memory_space<vmem>>
    %dma_start3A_203 = tpu.memref_squeeze %dma_start3A_202 : memref<1x32x128xf32, #tpu.memory_space<vmem>> -> memref<32x128xf32, #tpu.memory_space<vmem>>
    %dma_start3A_204 = arith.constant 0 : i32
    %dma_start3A_205 = tpu.memref_slice %arg3[%dma_start3A_204, %multiple_of3A_192] : memref<32x1000000xf32, #tpu.memory_space<hbm>> -> memref<32x128xf32, #tpu.memory_space<hbm>>
    tpu.enqueue_dma source(%dma_start3A_205 : memref<32x128xf32, #tpu.memory_space<hbm>>) target(%dma_start3A_203 : memref<32x128xf32, #tpu.memory_space<vmem>>) target_semaphore(%arg10 : memref<!tpu.dma_semaphore, #tpu.memory_space<semaphore_mem>>)
    %shift_right_arithmetic3A_206 = arith.constant 7 : i32
    %shift_right_arithmetic3A_207 = arith.shrsi %reduce_max3A_88, %shift_right_arithmetic3A_206 : i32
    %mul3A_208 = arith.constant 128 : i32
    %mul3A_209 = arith.muli %shift_right_arithmetic3A_207, %mul3A_208 : i32
    %multiple_of3A_210 = tpu.assume_multiple %mul3A_209, 128 : i32
    %dma_start3A_211 = arith.constant 6 : i32
    %dma_start3A_212 = arith.constant 0 : i32
    %dma_start3A_213 = arith.constant 0 : i32
    %dma_start3A_214 = tpu.memref_slice %arg6[%dma_start3A_211, %dma_start3A_212, %dma_start3A_213] : memref<8x32x128xf32, #tpu.memory_space<vmem>> -> memref<1x32x128xf32, #tpu.memory_space<vmem>>
    %dma_start3A_215 = tpu.memref_squeeze %dma_start3A_214 : memref<1x32x128xf32, #tpu.memory_space<vmem>> -> memref<32x128xf32, #tpu.memory_space<vmem>>
    %dma_start3A_216 = arith.constant 0 : i32
    %dma_start3A_217 = tpu.memref_slice %arg3[%dma_start3A_216, %multiple_of3A_210] : memref<32x1000000xf32, #tpu.memory_space<hbm>> -> memref<32x128xf32, #tpu.memory_space<hbm>>
    %dma_start3A_218 = arith.constant 0 : i32
    %dma_start3A_219 = arith.constant 0 : i32
    %dma_start3A_220 = tpu.memref_slice %arg6[%dma_start3A_211, %dma_start3A_218, %dma_start3A_219] : memref<8x32x128xf32, #tpu.memory_space<vmem>> -> memref<1x32x128xf32, #tpu.memory_space<vmem>>
    %dma_start3A_221 = tpu.memref_squeeze %dma_start3A_220 : memref<1x32x128xf32, #tpu.memory_space<vmem>> -> memref<32x128xf32, #tpu.memory_space<vmem>>
    %dma_start3A_222 = arith.constant 0 : i32
    %dma_start3A_223 = tpu.memref_slice %arg3[%dma_start3A_222, %multiple_of3A_210] : memref<32x1000000xf32, #tpu.memory_space<hbm>> -> memref<32x128xf32, #tpu.memory_space<hbm>>
    tpu.enqueue_dma source(%dma_start3A_223 : memref<32x128xf32, #tpu.memory_space<hbm>>) target(%dma_start3A_221 : memref<32x128xf32, #tpu.memory_space<vmem>>) target_semaphore(%arg10 : memref<!tpu.dma_semaphore, #tpu.memory_space<semaphore_mem>>)
    %shift_right_arithmetic3A_224 = arith.constant 7 : i32
    %shift_right_arithmetic3A_225 = arith.shrsi %reduce_max3A_100, %shift_right_arithmetic3A_224 : i32
    %mul3A_226 = arith.constant 128 : i32
    %mul3A_227 = arith.muli %shift_right_arithmetic3A_225, %mul3A_226 : i32
    %multiple_of3A_228 = tpu.assume_multiple %mul3A_227, 128 : i32
    %dma_start3A_229 = arith.constant 7 : i32
    %dma_start3A_230 = arith.constant 0 : i32
    %dma_start3A_231 = arith.constant 0 : i32
    %dma_start3A_232 = tpu.memref_slice %arg6[%dma_start3A_229, %dma_start3A_230, %dma_start3A_231] : memref<8x32x128xf32, #tpu.memory_space<vmem>> -> memref<1x32x128xf32, #tpu.memory_space<vmem>>
    %dma_start3A_233 = tpu.memref_squeeze %dma_start3A_232 : memref<1x32x128xf32, #tpu.memory_space<vmem>> -> memref<32x128xf32, #tpu.memory_space<vmem>>
    %dma_start3A_234 = arith.constant 0 : i32
    %dma_start3A_235 = tpu.memref_slice %arg3[%dma_start3A_234, %multiple_of3A_228] : memref<32x1000000xf32, #tpu.memory_space<hbm>> -> memref<32x128xf32, #tpu.memory_space<hbm>>
    %dma_start3A_236 = arith.constant 0 : i32
    %dma_start3A_237 = arith.constant 0 : i32
    %dma_start3A_238 = tpu.memref_slice %arg6[%dma_start3A_229, %dma_start3A_236, %dma_start3A_237] : memref<8x32x128xf32, #tpu.memory_space<vmem>> -> memref<1x32x128xf32, #tpu.memory_space<vmem>>
    %dma_start3A_239 = tpu.memref_squeeze %dma_start3A_238 : memref<1x32x128xf32, #tpu.memory_space<vmem>> -> memref<32x128xf32, #tpu.memory_space<vmem>>
    %dma_start3A_240 = arith.constant 0 : i32
    %dma_start3A_241 = tpu.memref_slice %arg3[%dma_start3A_240, %multiple_of3A_228] : memref<32x1000000xf32, #tpu.memory_space<hbm>> -> memref<32x128xf32, #tpu.memory_space<hbm>>
    tpu.enqueue_dma source(%dma_start3A_241 : memref<32x128xf32, #tpu.memory_space<hbm>>) target(%dma_start3A_239 : memref<32x128xf32, #tpu.memory_space<vmem>>) target_semaphore(%arg10 : memref<!tpu.dma_semaphore, #tpu.memory_space<semaphore_mem>>)
    %get3A_242 = arith.constant 0 : index
    %get3A_243 = tpu.vector_load %arg5[%get3A_242] {strides = array<i32>} : memref<512xi32, #tpu.memory_space<vmem>>, vector<16xi32>,
    %eq3A_244 = arith.constant 8 : i32
    %eq3A_245 = vector.broadcast %eq3A_244 : i32 to vector<16xi32>
    %eq3A_246 = arith.cmpi eq, %iota3A, %eq3A_245 : vector<16xi32>
    %select_n3A_247 = arith.select %eq3A_246, %get3A_243, %broadcast_in_dim3A_6 : vector<16xi1>, vector<16xi32>
    %reduce_max3A_248 = arith.constant true
    %reduce_max3A_249 = vector.broadcast %reduce_max3A_248 : i1 to vector<16xi1>
    %reduce_max3A_250 = arith.constant -2147483648 : i32
    %reduce_max3A_251 = vector.broadcast %reduce_max3A_250 : i32 to vector<16xi32>
    %reduce_max3A_252 = arith.xori %select_n3A_247, %reduce_max3A_251 : vector<16xi32>
    %reduce_max3A_253 = tpu.scan <max>, %reduce_max3A_252 masked %reduce_max3A_249 : vector<16xi32>, vector<16xi1> -> vector<16xi32>
    %reduce_max3A_254 = arith.xori %reduce_max3A_253, %reduce_max3A_251 : vector<16xi32>
    %reduce_max3A_255 = vector.extract %reduce_max3A_254[15] : i32 from vector<16xi32>
    %eq3A_256 = arith.constant 9 : i32
    %eq3A_257 = vector.broadcast %eq3A_256 : i32 to vector<16xi32>
    %eq3A_258 = arith.cmpi eq, %iota3A, %eq3A_257 : vector<16xi32>
    %select_n3A_259 = arith.select %eq3A_258, %get3A_243, %broadcast_in_dim3A_6 : vector<16xi1>, vector<16xi32>
    %reduce_max3A_260 = arith.constant true
    %reduce_max3A_261 = vector.broadcast %reduce_max3A_260 : i1 to vector<16xi1>
    %reduce_max3A_262 = arith.constant -2147483648 : i32
    %reduce_max3A_263 = vector.broadcast %reduce_max3A_262 : i32 to vector<16xi32>
    %reduce_max3A_264 = arith.xori %select_n3A_259, %reduce_max3A_263 : vector<16xi32>
    %reduce_max3A_265 = tpu.scan <max>, %reduce_max3A_264 masked %reduce_max3A_261 : vector<16xi32>, vector<16xi1> -> vector<16xi32>
    %reduce_max3A_266 = arith.xori %reduce_max3A_265, %reduce_max3A_263 : vector<16xi32>
    %reduce_max3A_267 = vector.extract %reduce_max3A_266[15] : i32 from vector<16xi32>
    %eq3A_268 = arith.constant 10 : i32
    %eq3A_269 = vector.broadcast %eq3A_268 : i32 to vector<16xi32>
    %eq3A_270 = arith.cmpi eq, %iota3A, %eq3A_269 : vector<16xi32>
    %select_n3A_271 = arith.select %eq3A_270, %get3A_243, %broadcast_in_dim3A_6 : vector<16xi1>, vector<16xi32>
    %reduce_max3A_272 = arith.constant true
    %reduce_max3A_273 = vector.broadcast %reduce_max3A_272 : i1 to vector<16xi1>
    %reduce_max3A_274 = arith.constant -2147483648 : i32
    %reduce_max3A_275 = vector.broadcast %reduce_max3A_274 : i32 to vector<16xi32>
    %reduce_max3A_276 = arith.xori %select_n3A_271, %reduce_max3A_275 : vector<16xi32>
    %reduce_max3A_277 = tpu.scan <max>, %reduce_max3A_276 masked %reduce_max3A_273 : vector<16xi32>, vector<16xi1> -> vector<16xi32>
    %reduce_max3A_278 = arith.xori %reduce_max3A_277, %reduce_max3A_275 : vector<16xi32>
    %reduce_max3A_279 = vector.extract %reduce_max3A_278[15] : i32 from vector<16xi32>
    %eq3A_280 = arith.constant 11 : i32
    %eq3A_281 = vector.broadcast %eq3A_280 : i32 to vector<16xi32>
    %eq3A_282 = arith.cmpi eq, %iota3A, %eq3A_281 : vector<16xi32>
    %select_n3A_283 = arith.select %eq3A_282, %get3A_243, %broadcast_in_dim3A_6 : vector<16xi1>, vector<16xi32>
    %reduce_max3A_284 = arith.constant true
    %reduce_max3A_285 = vector.broadcast %reduce_max3A_284 : i1 to vector<16xi1>
    %reduce_max3A_286 = arith.constant -2147483648 : i32
    %reduce_max3A_287 = vector.broadcast %reduce_max3A_286 : i32 to vector<16xi32>
    %reduce_max3A_288 = arith.xori %select_n3A_283, %reduce_max3A_287 : vector<16xi32>
    %reduce_max3A_289 = tpu.scan <max>, %reduce_max3A_288 masked %reduce_max3A_285 : vector<16xi32>, vector<16xi1> -> vector<16xi32>
    %reduce_max3A_290 = arith.xori %reduce_max3A_289, %reduce_max3A_287 : vector<16xi32>
    %reduce_max3A_291 = vector.extract %reduce_max3A_290[15] : i32 from vector<16xi32>
    %eq3A_292 = arith.constant 12 : i32
    %eq3A_293 = vector.broadcast %eq3A_292 : i32 to vector<16xi32>
    %eq3A_294 = arith.cmpi eq, %iota3A, %eq3A_293 : vector<16xi32>
    %select_n3A_295 = arith.select %eq3A_294, %get3A_243, %broadcast_in_dim3A_6 : vector<16xi1>, vector<16xi32>
    %reduce_max3A_296 = arith.constant true
    %reduce_max3A_297 = vector.broadcast %reduce_max3A_296 : i1 to vector<16xi1>
    %reduce_max3A_298 = arith.constant -2147483648 : i32
    %reduce_max3A_299 = vector.broadcast %reduce_max3A_298 : i32 to vector<16xi32>
    %reduce_max3A_300 = arith.xori %select_n3A_295, %reduce_max3A_299 : vector<16xi32>
    %reduce_max3A_301 = tpu.scan <max>, %reduce_max3A_300 masked %reduce_max3A_297 : vector<16xi32>, vector<16xi1> -> vector<16xi32>
    %reduce_max3A_302 = arith.xori %reduce_max3A_301, %reduce_max3A_299 : vector<16xi32>
    %reduce_max3A_303 = vector.extract %reduce_max3A_302[15] : i32 from vector<16xi32>
    %eq3A_304 = arith.constant 13 : i32
    %eq3A_305 = vector.broadcast %eq3A_304 : i32 to vector<16xi32>
    %eq3A_306 = arith.cmpi eq, %iota3A, %eq3A_305 : vector<16xi32>
    %select_n3A_307 = arith.select %eq3A_306, %get3A_243, %broadcast_in_dim3A_6 : vector<16xi1>, vector<16xi32>
    %reduce_max3A_308 = arith.constant true
    %reduce_max3A_309 = vector.broadcast %reduce_max3A_308 : i1 to vector<16xi1>
    %reduce_max3A_310 = arith.constant -2147483648 : i32
    %reduce_max3A_311 = vector.broadcast %reduce_max3A_310 : i32 to vector<16xi32>
    %reduce_max3A_312 = arith.xori %select_n3A_307, %reduce_max3A_311 : vector<16xi32>
    %reduce_max3A_313 = tpu.scan <max>, %reduce_max3A_312 masked %reduce_max3A_309 : vector<16xi32>, vector<16xi1> -> vector<16xi32>
    %reduce_max3A_314 = arith.xori %reduce_max3A_313, %reduce_max3A_311 : vector<16xi32>
    %reduce_max3A_315 = vector.extract %reduce_max3A_314[15] : i32 from vector<16xi32>
    %eq3A_316 = arith.constant 14 : i32
    %eq3A_317 = vector.broadcast %eq3A_316 : i32 to vector<16xi32>
    %eq3A_318 = arith.cmpi eq, %iota3A, %eq3A_317 : vector<16xi32>
    %select_n3A_319 = arith.select %eq3A_318, %get3A_243, %broadcast_in_dim3A_6 : vector<16xi1>, vector<16xi32>
    %reduce_max3A_320 = arith.constant true
    %reduce_max3A_321 = vector.broadcast %reduce_max3A_320 : i1 to vector<16xi1>
    %reduce_max3A_322 = arith.constant -2147483648 : i32
    %reduce_max3A_323 = vector.broadcast %reduce_max3A_322 : i32 to vector<16xi32>
    %reduce_max3A_324 = arith.xori %select_n3A_319, %reduce_max3A_323 : vector<16xi32>
    %reduce_max3A_325 = tpu.scan <max>, %reduce_max3A_324 masked %reduce_max3A_321 : vector<16xi32>, vector<16xi1> -> vector<16xi32>
    %reduce_max3A_326 = arith.xori %reduce_max3A_325, %reduce_max3A_323 : vector<16xi32>
    %reduce_max3A_327 = vector.extract %reduce_max3A_326[15] : i32 from vector<16xi32>
    %eq3A_328 = arith.constant 15 : i32
    %eq3A_329 = vector.broadcast %eq3A_328 : i32 to vector<16xi32>
    %eq3A_330 = arith.cmpi eq, %iota3A, %eq3A_329 : vector<16xi32>
    %select_n3A_331 = arith.select %eq3A_330, %get3A_243, %broadcast_in_dim3A_6 : vector<16xi1>, vector<16xi32>
    %reduce_max3A_332 = arith.constant true
    %reduce_max3A_333 = vector.broadcast %reduce_max3A_332 : i1 to vector<16xi1>
    %reduce_max3A_334 = arith.constant -2147483648 : i32
    %reduce_max3A_335 = vector.broadcast %reduce_max3A_334 : i32 to vector<16xi32>
    %reduce_max3A_336 = arith.xori %select_n3A_331, %reduce_max3A_335 : vector<16xi32>
    %reduce_max3A_337 = tpu.scan <max>, %reduce_max3A_336 masked %reduce_max3A_333 : vector<16xi32>, vector<16xi1> -> vector<16xi32>
    %reduce_max3A_338 = arith.xori %reduce_max3A_337, %reduce_max3A_335 : vector<16xi32>
    %reduce_max3A_339 = vector.extract %reduce_max3A_338[15] : i32 from vector<16xi32>
    %shift_right_arithmetic3A_340 = arith.constant 7 : i32
    %shift_right_arithmetic3A_341 = arith.shrsi %reduce_max3A_255, %shift_right_arithmetic3A_340 : i32
    %mul3A_342 = arith.constant 128 : i32
    %mul3A_343 = arith.muli %shift_right_arithmetic3A_341, %mul3A_342 : i32
    %multiple_of3A_344 = tpu.assume_multiple %mul3A_343, 128 : i32
    %dma_start3A_345 = arith.constant 0 : i32
    %dma_start3A_346 = arith.constant 0 : i32
    %dma_start3A_347 = arith.constant 0 : i32
    %dma_start3A_348 = tpu.memref_slice %arg7[%dma_start3A_345, %dma_start3A_346, %dma_start3A_347] : memref<8x32x128xf32, #tpu.memory_space<vmem>> -> memref<1x32x128xf32, #tpu.memory_space<vmem>>
    %dma_start3A_349 = tpu.memref_squeeze %dma_start3A_348 : memref<1x32x128xf32, #tpu.memory_space<vmem>> -> memref<32x128xf32, #tpu.memory_space<vmem>>
    %dma_start3A_350 = arith.constant 0 : i32
    %dma_start3A_351 = tpu.memref_slice %arg3[%dma_start3A_350, %multiple_of3A_344] : memref<32x1000000xf32, #tpu.memory_space<hbm>> -> memref<32x128xf32, #tpu.memory_space<hbm>>
    %dma_start3A_352 = arith.constant 0 : i32
    %dma_start3A_353 = arith.constant 0 : i32
    %dma_start3A_354 = tpu.memref_slice %arg7[%dma_start3A_345, %dma_start3A_352, %dma_start3A_353] : memref<8x32x128xf32, #tpu.memory_space<vmem>> -> memref<1x32x128xf32, #tpu.memory_space<vmem>>
    %dma_start3A_355 = tpu.memref_squeeze %dma_start3A_354 : memref<1x32x128xf32, #tpu.memory_space<vmem>> -> memref<32x128xf32, #tpu.memory_space<vmem>>
    %dma_start3A_356 = arith.constant 0 : i32
    %dma_start3A_357 = tpu.memref_slice %arg3[%dma_start3A_356, %multiple_of3A_344] : memref<32x1000000xf32, #tpu.memory_space<hbm>> -> memref<32x128xf32, #tpu.memory_space<hbm>>
    tpu.enqueue_dma source(%dma_start3A_357 : memref<32x128xf32, #tpu.memory_space<hbm>>) target(%dma_start3A_355 : memref<32x128xf32, #tpu.memory_space<vmem>>) target_semaphore(%arg11 : memref<!tpu.dma_semaphore, #tpu.memory_space<semaphore_mem>>)
    %shift_right_arithmetic3A_358 = arith.constant 7 : i32
    %shift_right_arithmetic3A_359 = arith.shrsi %reduce_max3A_267, %shift_right_arithmetic3A_358 : i32
    %mul3A_360 = arith.constant 128 : i32
    %mul3A_361 = arith.muli %shift_right_arithmetic3A_359, %mul3A_360 : i32
    %multiple_of3A_362 = tpu.assume_multiple %mul3A_361, 128 : i32
    %dma_start3A_363 = arith.constant 1 : i32
    %dma_start3A_364 = arith.constant 0 : i32
    %dma_start3A_365 = arith.constant 0 : i32
    %dma_start3A_366 = tpu.memref_slice %arg7[%dma_start3A_363, %dma_start3A_364, %dma_start3A_365] : memref<8x32x128xf32, #tpu.memory_space<vmem>> -> memref<1x32x128xf32, #tpu.memory_space<vmem>>
    %dma_start3A_367 = tpu.memref_squeeze %dma_start3A_366 : memref<1x32x128xf32, #tpu.memory_space<vmem>> -> memref<32x128xf32, #tpu.memory_space<vmem>>
    %dma_start3A_368 = arith.constant 0 : i32
    %dma_start3A_369 = tpu.memref_slice %arg3[%dma_start3A_368, %multiple_of3A_362] : memref<32x1000000xf32, #tpu.memory_space<hbm>> -> memref<32x128xf32, #tpu.memory_space<hbm>>
    %dma_start3A_370 = arith.constant 0 : i32
    %dma_start3A_371 = arith.constant 0 : i32
    %dma_start3A_372 = tpu.memref_slice %arg7[%dma_start3A_363, %dma_start3A_370, %dma_start3A_371] : memref<8x32x128xf32, #tpu.memory_space<vmem>> -> memref<1x32x128xf32, #tpu.memory_space<vmem>>
    %dma_start3A_373 = tpu.memref_squeeze %dma_start3A_372 : memref<1x32x128xf32, #tpu.memory_space<vmem>> -> memref<32x128xf32, #tpu.memory_space<vmem>>
    %dma_start3A_374 = arith.constant 0 : i32
    %dma_start3A_375 = tpu.memref_slice %arg3[%dma_start3A_374, %multiple_of3A_362] : memref<32x1000000xf32, #tpu.memory_space<hbm>> -> memref<32x128xf32, #tpu.memory_space<hbm>>
    tpu.enqueue_dma source(%dma_start3A_375 : memref<32x128xf32, #tpu.memory_space<hbm>>) target(%dma_start3A_373 : memref<32x128xf32, #tpu.memory_space<vmem>>) target_semaphore(%arg11 : memref<!tpu.dma_semaphore, #tpu.memory_space<semaphore_mem>>)
    %shift_right_arithmetic3A_376 = arith.constant 7 : i32
    %shift_right_arithmetic3A_377 = arith.shrsi %reduce_max3A_279, %shift_right_arithmetic3A_376 : i32
    %mul3A_378 = arith.constant 128 : i32
    %mul3A_379 = arith.muli %shift_right_arithmetic3A_377, %mul3A_378 : i32
    %multiple_of3A_380 = tpu.assume_multiple %mul3A_379, 128 : i32
    %dma_start3A_381 = arith.constant 2 : i32
    %dma_start3A_382 = arith.constant 0 : i32
    %dma_start3A_383 = arith.constant 0 : i32
    %dma_start3A_384 = tpu.memref_slice %arg7[%dma_start3A_381, %dma_start3A_382, %dma_start3A_383] : memref<8x32x128xf32, #tpu.memory_space<vmem>> -> memref<1x32x128xf32, #tpu.memory_space<vmem>>
    %dma_start3A_385 = tpu.memref_squeeze %dma_start3A_384 : memref<1x32x128xf32, #tpu.memory_space<vmem>> -> memref<32x128xf32, #tpu.memory_space<vmem>>
    %dma_start3A_386 = arith.constant 0 : i32
    %dma_start3A_387 = tpu.memref_slice %arg3[%dma_start3A_386, %multiple_of3A_380] : memref<32x1000000xf32, #tpu.memory_space<hbm>> -> memref<32x128xf32, #tpu.memory_space<hbm>>
    %dma_start3A_388 = arith.constant 0 : i32
    %dma_start3A_389 = arith.constant 0 : i32
    %dma_start3A_390 = tpu.memref_slice %arg7[%dma_start3A_381, %dma_start3A_388, %dma_start3A_389] : memref<8x32x128xf32, #tpu.memory_space<vmem>> -> memref<1x32x128xf32, #tpu.memory_space<vmem>>
    %dma_start3A_391 = tpu.memref_squeeze %dma_start3A_390 : memref<1x32x128xf32, #tpu.memory_space<vmem>> -> memref<32x128xf32, #tpu.memory_space<vmem>>
    %dma_start3A_392 = arith.constant 0 : i32
    %dma_start3A_393 = tpu.memref_slice %arg3[%dma_start3A_392, %multiple_of3A_380] : memref<32x1000000xf32, #tpu.memory_space<hbm>> -> memref<32x128xf32, #tpu.memory_space<hbm>>
    tpu.enqueue_dma source(%dma_start3A_393 : memref<32x128xf32, #tpu.memory_space<hbm>>) target(%dma_start3A_391 : memref<32x128xf32, #tpu.memory_space<vmem>>) target_semaphore(%arg11 : memref<!tpu.dma_semaphore, #tpu.memory_space<semaphore_mem>>)
    %shift_right_arithmetic3A_394 = arith.constant 7 : i32
    %shift_right_arithmetic3A_395 = arith.shrsi %reduce_max3A_291, %shift_right_arithmetic3A_394 : i32
    %mul3A_396 = arith.constant 128 : i32
    %mul3A_397 = arith.muli %shift_right_arithmetic3A_395, %mul3A_396 : i32
    %multiple_of3A_398 = tpu.assume_multiple %mul3A_397, 128 : i32
    %dma_start3A_399 = arith.constant 3 : i32
    %dma_start3A_400 = arith.constant 0 : i32
    %dma_start3A_401 = arith.constant 0 : i32
    %dma_start3A_402 = tpu.memref_slice %arg7[%dma_start3A_399, %dma_start3A_400, %dma_start3A_401] : memref<8x32x128xf32, #tpu.memory_space<vmem>> -> memref<1x32x128xf32, #tpu.memory_space<vmem>>
    %dma_start3A_403 = tpu.memref_squeeze %dma_start3A_402 : memref<1x32x128xf32, #tpu.memory_space<vmem>> -> memref<32x128xf32, #tpu.memory_space<vmem>>
    %dma_start3A_404 = arith.constant 0 : i32
    %dma_start3A_405 = tpu.memref_slice %arg3[%dma_start3A_404, %multiple_of3A_398] : memref<32x1000000xf32, #tpu.memory_space<hbm>> -> memref<32x128xf32, #tpu.memory_space<hbm>>
    %dma_start3A_406 = arith.constant 0 : i32
    %dma_start3A_407 = arith.constant 0 : i32
    %dma_start3A_408 = tpu.memref_slice %arg7[%dma_start3A_399, %dma_start3A_406, %dma_start3A_407] : memref<8x32x128xf32, #tpu.memory_space<vmem>> -> memref<1x32x128xf32, #tpu.memory_space<vmem>>
    %dma_start3A_409 = tpu.memref_squeeze %dma_start3A_408 : memref<1x32x128xf32, #tpu.memory_space<vmem>> -> memref<32x128xf32, #tpu.memory_space<vmem>>
    %dma_start3A_410 = arith.constant 0 : i32
    %dma_start3A_411 = tpu.memref_slice %arg3[%dma_start3A_410, %multiple_of3A_398] : memref<32x1000000xf32, #tpu.memory_space<hbm>> -> memref<32x128xf32, #tpu.memory_space<hbm>>
    tpu.enqueue_dma source(%dma_start3A_411 : memref<32x128xf32, #tpu.memory_space<hbm>>) target(%dma_start3A_409 : memref<32x128xf32, #tpu.memory_space<vmem>>) target_semaphore(%arg11 : memref<!tpu.dma_semaphore, #tpu.memory_space<semaphore_mem>>)
    %shift_right_arithmetic3A_412 = arith.constant 7 : i32
    %shift_right_arithmetic3A_413 = arith.shrsi %reduce_max3A_303, %shift_right_arithmetic3A_412 : i32
    %mul3A_414 = arith.constant 128 : i32
    %mul3A_415 = arith.muli %shift_right_arithmetic3A_413, %mul3A_414 : i32
    %multiple_of3A_416 = tpu.assume_multiple %mul3A_415, 128 : i32
    %dma_start3A_417 = arith.constant 4 : i32
    %dma_start3A_418 = arith.constant 0 : i32
    %dma_start3A_419 = arith.constant 0 : i32
    %dma_start3A_420 = tpu.memref_slice %arg7[%dma_start3A_417, %dma_start3A_418, %dma_start3A_419] : memref<8x32x128xf32, #tpu.memory_space<vmem>> -> memref<1x32x128xf32, #tpu.memory_space<vmem>>
    %dma_start3A_421 = tpu.memref_squeeze %dma_start3A_420 : memref<1x32x128xf32, #tpu.memory_space<vmem>> -> memref<32x128xf32, #tpu.memory_space<vmem>>
    %dma_start3A_422 = arith.constant 0 : i32
    %dma_start3A_423 = tpu.memref_slice %arg3[%dma_start3A_422, %multiple_of3A_416] : memref<32x1000000xf32, #tpu.memory_space<hbm>> -> memref<32x128xf32, #tpu.memory_space<hbm>>
    %dma_start3A_424 = arith.constant 0 : i32
    %dma_start3A_425 = arith.constant 0 : i32
    %dma_start3A_426 = tpu.memref_slice %arg7[%dma_start3A_417, %dma_start3A_424, %dma_start3A_425] : memref<8x32x128xf32, #tpu.memory_space<vmem>> -> memref<1x32x128xf32, #tpu.memory_space<vmem>>
    %dma_start3A_427 = tpu.memref_squeeze %dma_start3A_426 : memref<1x32x128xf32, #tpu.memory_space<vmem>> -> memref<32x128xf32, #tpu.memory_space<vmem>>
    %dma_start3A_428 = arith.constant 0 : i32
    %dma_start3A_429 = tpu.memref_slice %arg3[%dma_start3A_428, %multiple_of3A_416] : memref<32x1000000xf32, #tpu.memory_space<hbm>> -> memref<32x128xf32, #tpu.memory_space<hbm>>
    tpu.enqueue_dma source(%dma_start3A_429 : memref<32x128xf32, #tpu.memory_space<hbm>>) target(%dma_start3A_427 : memref<32x128xf32, #tpu.memory_space<vmem>>) target_semaphore(%arg11 : memref<!tpu.dma_semaphore, #tpu.memory_space<semaphore_mem>>)
    %shift_right_arithmetic3A_430 = arith.constant 7 : i32
    %shift_right_arithmetic3A_431 = arith.shrsi %reduce_max3A_315, %shift_right_arithmetic3A_430 : i32
    %mul3A_432 = arith.constant 128 : i32
    %mul3A_433 = arith.muli %shift_right_arithmetic3A_431, %mul3A_432 : i32
    %multiple_of3A_434 = tpu.assume_multiple %mul3A_433, 128 : i32
    %dma_start3A_435 = arith.constant 5 : i32
    %dma_start3A_436 = arith.constant 0 : i32
    %dma_start3A_437 = arith.constant 0 : i32
    %dma_start3A_438 = tpu.memref_slice %arg7[%dma_start3A_435, %dma_start3A_436, %dma_start3A_437] : memref<8x32x128xf32, #tpu.memory_space<vmem>> -> memref<1x32x128xf32, #tpu.memory_space<vmem>>
    %dma_start3A_439 = tpu.memref_squeeze %dma_start3A_438 : memref<1x32x128xf32, #tpu.memory_space<vmem>> -> memref<32x128xf32, #tpu.memory_space<vmem>>
    %dma_start3A_440 = arith.constant 0 : i32
    %dma_start3A_441 = tpu.memref_slice %arg3[%dma_start3A_440, %multiple_of3A_434] : memref<32x1000000xf32, #tpu.memory_space<hbm>> -> memref<32x128xf32, #tpu.memory_space<hbm>>
    %dma_start3A_442 = arith.constant 0 : i32
    %dma_start3A_443 = arith.constant 0 : i32
    %dma_start3A_444 = tpu.memref_slice %arg7[%dma_start3A_435, %dma_start3A_442, %dma_start3A_443] : memref<8x32x128xf32, #tpu.memory_space<vmem>> -> memref<1x32x128xf32, #tpu.memory_space<vmem>>
    %dma_start3A_445 = tpu.memref_squeeze %dma_start3A_444 : memref<1x32x128xf32, #tpu.memory_space<vmem>> -> memref<32x128xf32, #tpu.memory_space<vmem>>
    %dma_start3A_446 = arith.constant 0 : i32
    %dma_start3A_447 = tpu.memref_slice %arg3[%dma_start3A_446, %multiple_of3A_434] : memref<32x1000000xf32, #tpu.memory_space<hbm>> -> memref<32x128xf32, #tpu.memory_space<hbm>>
    tpu.enqueue_dma source(%dma_start3A_447 : memref<32x128xf32, #tpu.memory_space<hbm>>) target(%dma_start3A_445 : memref<32x128xf32, #tpu.memory_space<vmem>>) target_semaphore(%arg11 : memref<!tpu.dma_semaphore, #tpu.memory_space<semaphore_mem>>)
    %shift_right_arithmetic3A_448 = arith.constant 7 : i32
    %shift_right_arithmetic3A_449 = arith.shrsi %reduce_max3A_327, %shift_right_arithmetic3A_448 : i32
    %mul3A_450 = arith.constant 128 : i32
    %mul3A_451 = arith.muli %shift_right_arithmetic3A_449, %mul3A_450 : i32
    %multiple_of3A_452 = tpu.assume_multiple %mul3A_451, 128 : i32
    %dma_start3A_453 = arith.constant 6 : i32
    %dma_start3A_454 = arith.constant 0 : i32
    %dma_start3A_455 = arith.constant 0 : i32
    %dma_start3A_456 = tpu.memref_slice %arg7[%dma_start3A_453, %dma_start3A_454, %dma_start3A_455] : memref<8x32x128xf32, #tpu.memory_space<vmem>> -> memref<1x32x128xf32, #tpu.memory_space<vmem>>
    %dma_start3A_457 = tpu.memref_squeeze %dma_start3A_456 : memref<1x32x128xf32, #tpu.memory_space<vmem>> -> memref<32x128xf32, #tpu.memory_space<vmem>>
    %dma_start3A_458 = arith.constant 0 : i32
    %dma_start3A_459 = tpu.memref_slice %arg3[%dma_start3A_458, %multiple_of3A_452] : memref<32x1000000xf32, #tpu.memory_space<hbm>> -> memref<32x128xf32, #tpu.memory_space<hbm>>
    %dma_start3A_460 = arith.constant 0 : i32
    %dma_start3A_461 = arith.constant 0 : i32
    %dma_start3A_462 = tpu.memref_slice %arg7[%dma_start3A_453, %dma_start3A_460, %dma_start3A_461] : memref<8x32x128xf32, #tpu.memory_space<vmem>> -> memref<1x32x128xf32, #tpu.memory_space<vmem>>
    %dma_start3A_463 = tpu.memref_squeeze %dma_start3A_462 : memref<1x32x128xf32, #tpu.memory_space<vmem>> -> memref<32x128xf32, #tpu.memory_space<vmem>>
    %dma_start3A_464 = arith.constant 0 : i32
    %dma_start3A_465 = tpu.memref_slice %arg3[%dma_start3A_464, %multiple_of3A_452] : memref<32x1000000xf32, #tpu.memory_space<hbm>> -> memref<32x128xf32, #tpu.memory_space<hbm>>
    tpu.enqueue_dma source(%dma_start3A_465 : memref<32x128xf32, #tpu.memory_space<hbm>>) target(%dma_start3A_463 : memref<32x128xf32, #tpu.memory_space<vmem>>) target_semaphore(%arg11 : memref<!tpu.dma_semaphore, #tpu.memory_space<semaphore_mem>>)
    %shift_right_arithmetic3A_466 = arith.constant 7 : i32
    %shift_right_arithmetic3A_467 = arith.shrsi %reduce_max3A_339, %shift_right_arithmetic3A_466 : i32
    %mul3A_468 = arith.constant 128 : i32
    %mul3A_469 = arith.muli %shift_right_arithmetic3A_467, %mul3A_468 : i32
    %multiple_of3A_470 = tpu.assume_multiple %mul3A_469, 128 : i32
    %dma_start3A_471 = arith.constant 7 : i32
    %dma_start3A_472 = arith.constant 0 : i32
    %dma_start3A_473 = arith.constant 0 : i32
    %dma_start3A_474 = tpu.memref_slice %arg7[%dma_start3A_471, %dma_start3A_472, %dma_start3A_473] : memref<8x32x128xf32, #tpu.memory_space<vmem>> -> memref<1x32x128xf32, #tpu.memory_space<vmem>>
    %dma_start3A_475 = tpu.memref_squeeze %dma_start3A_474 : memref<1x32x128xf32, #tpu.memory_space<vmem>> -> memref<32x128xf32, #tpu.memory_space<vmem>>
    %dma_start3A_476 = arith.constant 0 : i32
    %dma_start3A_477 = tpu.memref_slice %arg3[%dma_start3A_476, %multiple_of3A_470] : memref<32x1000000xf32, #tpu.memory_space<hbm>> -> memref<32x128xf32, #tpu.memory_space<hbm>>
    %dma_start3A_478 = arith.constant 0 : i32
    %dma_start3A_479 = arith.constant 0 : i32
    %dma_start3A_480 = tpu.memref_slice %arg7[%dma_start3A_471, %dma_start3A_478, %dma_start3A_479] : memref<8x32x128xf32, #tpu.memory_space<vmem>> -> memref<1x32x128xf32, #tpu.memory_space<vmem>>
    %dma_start3A_481 = tpu.memref_squeeze %dma_start3A_480 : memref<1x32x128xf32, #tpu.memory_space<vmem>> -> memref<32x128xf32, #tpu.memory_space<vmem>>
    %dma_start3A_482 = arith.constant 0 : i32
    %dma_start3A_483 = tpu.memref_slice %arg3[%dma_start3A_482, %multiple_of3A_470] : memref<32x1000000xf32, #tpu.memory_space<hbm>> -> memref<32x128xf32, #tpu.memory_space<hbm>>
    tpu.enqueue_dma source(%dma_start3A_483 : memref<32x128xf32, #tpu.memory_space<hbm>>) target(%dma_start3A_481 : memref<32x128xf32, #tpu.memory_space<vmem>>) target_semaphore(%arg11 : memref<!tpu.dma_semaphore, #tpu.memory_space<semaphore_mem>>)
    %scan3A = arith.constant 0 : i32
    %scan3A_484 = arith.constant 0 : i32
    %scan3A_485 = arith.constant 21 : i32
    %scan3A_486 = arith.addi %scan3A_484, %scan3A_485 : i32
    %scan3A_487 = arith.constant 1 : i32
    scf.for %scan3A_840 = %scan3A_484 to %scan3A_486 step %scan3A_487  : i32 {
      %mul3A_841 = arith.constant 3 : i32
      %mul3A_842 = arith.muli %mul3A_841, %scan3A_840 : i32
      %add3A_843 = arith.constant 2 : i32
      %add3A_844 = arith.addi %mul3A_842, %add3A_843 : i32
      %jit3A = arith.constant 2 : i32
      %div3A = arith.divsi %add3A_844, %jit3A : i32
      %sign3A = arith.constant 0 : i32
      %sign3A_845 = arith.cmpi sgt, %add3A_844, %sign3A : i32
      %sign3A_846 = arith.extui %sign3A_845 : i1 to i32
      %sign3A_847 = arith.constant 0 : i32
      %sign3A_848 = arith.cmpi slt, %add3A_844, %sign3A_847 : i32
      %sign3A_849 = arith.extui %sign3A_848 : i1 to i32
      %sign3A_850 = arith.subi %sign3A_846, %sign3A_849 : i32
      %sign3A_851 = arith.constant 0 : i32
      %sign3A_852 = arith.cmpi sgt, %jit3A, %sign3A_851 : i32
      %sign3A_853 = arith.extui %sign3A_852 : i1 to i32
      %sign3A_854 = arith.constant 0 : i32
      %sign3A_855 = arith.cmpi slt, %jit3A, %sign3A_854 : i32
      %sign3A_856 = arith.extui %sign3A_855 : i1 to i32
      %sign3A_857 = arith.subi %sign3A_853, %sign3A_856 : i32
      %ne3A = arith.cmpi ne, %sign3A_850, %sign3A_857 : i32
      %rem3A = arith.remsi %add3A_844, %jit3A : i32
      %ne3A_858 = arith.constant 0 : i32
      %ne3A_859 = arith.cmpi ne, %rem3A, %ne3A_858 : i32
      %and3A_860 = arith.andi %ne3A, %ne3A_859 : i1
      %sub3A = arith.constant 1 : i32
      %sub3A_861 = arith.subi %div3A, %sub3A : i32
      %select_n3A_862 = arith.select %and3A_860, %sub3A_861, %div3A : i32
      %mul3A_863 = arith.constant 16 : i32
      %mul3A_864 = arith.muli %select_n3A_862, %mul3A_863 : i32
      %get3A_865 = arith.index_cast %mul3A_864 : i32 to index
      %get3A_866 = tpu.vector_load %arg5[%get3A_865] {strides = array<i32>} : memref<512xi32, #tpu.memory_space<vmem>>, vector<16xi32>,
      %jit3A_867 = arith.constant 2 : i32
      %eq3A_868 = arith.constant 0 : i32
      %eq3A_869 = arith.cmpi eq, %jit3A_867, %eq3A_868 : i32
      %jit3A_870 = arith.constant 1 : i32
      %select_n3A_871 = arith.select %eq3A_869, %jit3A_870, %jit3A_867 : i32
      %rem3A_872 = arith.remsi %add3A_844, %select_n3A_871 : i32
      %ne3A_873 = arith.constant 0 : i32
      %ne3A_874 = arith.cmpi ne, %rem3A_872, %ne3A_873 : i32
      %lt3A = arith.constant 0 : i32
      %lt3A_875 = arith.cmpi slt, %rem3A_872, %lt3A : i32
      %lt3A_876 = arith.constant 0 : i32
      %lt3A_877 = arith.cmpi slt, %select_n3A_871, %lt3A_876 : i32
      %ne3A_878 = arith.xori %lt3A_875, %lt3A_877 : i1
      %and3A_879 = arith.andi %ne3A_878, %ne3A_874 : i1
      %add3A_880 = arith.addi %rem3A_872, %select_n3A_871 : i32
      %select_n3A_881 = arith.select %and3A_879, %add3A_880, %rem3A_872 : i32
      %mul3A_882 = arith.constant 8 : i32
      %mul3A_883 = arith.muli %select_n3A_881, %mul3A_882 : i32
      %add3A_884 = arith.constant 0 : i32
      %add3A_885 = arith.addi %mul3A_883, %add3A_884 : i32
      %eq3A_886 = vector.broadcast %add3A_885 : i32 to vector<16xi32>
      %eq3A_887 = arith.cmpi eq, %iota3A, %eq3A_886 : vector<16xi32>
      %select_n3A_888 = arith.select %eq3A_887, %get3A_866, %broadcast_in_dim3A_6 : vector<16xi1>, vector<16xi32>
      %reduce_max3A_889 = arith.constant true
      %reduce_max3A_890 = vector.broadcast %reduce_max3A_889 : i1 to vector<16xi1>
      %reduce_max3A_891 = arith.constant -2147483648 : i32
      %reduce_max3A_892 = vector.broadcast %reduce_max3A_891 : i32 to vector<16xi32>
      %reduce_max3A_893 = arith.xori %select_n3A_888, %reduce_max3A_892 : vector<16xi32>
      %reduce_max3A_894 = tpu.scan <max>, %reduce_max3A_893 masked %reduce_max3A_890 : vector<16xi32>, vector<16xi1> -> vector<16xi32>
      %reduce_max3A_895 = arith.xori %reduce_max3A_894, %reduce_max3A_892 : vector<16xi32>
      %reduce_max3A_896 = vector.extract %reduce_max3A_895[15] : i32 from vector<16xi32>
      %add3A_897 = arith.constant 1 : i32
      %add3A_898 = arith.addi %mul3A_883, %add3A_897 : i32
      %eq3A_899 = vector.broadcast %add3A_898 : i32 to vector<16xi32>
      %eq3A_900 = arith.cmpi eq, %iota3A, %eq3A_899 : vector<16xi32>
      %select_n3A_901 = arith.select %eq3A_900, %get3A_866, %broadcast_in_dim3A_6 : vector<16xi1>, vector<16xi32>
      %reduce_max3A_902 = arith.constant true
      %reduce_max3A_903 = vector.broadcast %reduce_max3A_902 : i1 to vector<16xi1>
      %reduce_max3A_904 = arith.constant -2147483648 : i32
      %reduce_max3A_905 = vector.broadcast %reduce_max3A_904 : i32 to vector<16xi32>
      %reduce_max3A_906 = arith.xori %select_n3A_901, %reduce_max3A_905 : vector<16xi32>
      %reduce_max3A_907 = tpu.scan <max>, %reduce_max3A_906 masked %reduce_max3A_903 : vector<16xi32>, vector<16xi1> -> vector<16xi32>
      %reduce_max3A_908 = arith.xori %reduce_max3A_907, %reduce_max3A_905 : vector<16xi32>
      %reduce_max3A_909 = vector.extract %reduce_max3A_908[15] : i32 from vector<16xi32>
      %add3A_910 = arith.constant 2 : i32
      %add3A_911 = arith.addi %mul3A_883, %add3A_910 : i32
      %eq3A_912 = vector.broadcast %add3A_911 : i32 to vector<16xi32>
      %eq3A_913 = arith.cmpi eq, %iota3A, %eq3A_912 : vector<16xi32>
      %select_n3A_914 = arith.select %eq3A_913, %get3A_866, %broadcast_in_dim3A_6 : vector<16xi1>, vector<16xi32>
      %reduce_max3A_915 = arith.constant true
      %reduce_max3A_916 = vector.broadcast %reduce_max3A_915 : i1 to vector<16xi1>
      %reduce_max3A_917 = arith.constant -2147483648 : i32
      %reduce_max3A_918 = vector.broadcast %reduce_max3A_917 : i32 to vector<16xi32>
      %reduce_max3A_919 = arith.xori %select_n3A_914, %reduce_max3A_918 : vector<16xi32>
      %reduce_max3A_920 = tpu.scan <max>, %reduce_max3A_919 masked %reduce_max3A_916 : vector<16xi32>, vector<16xi1> -> vector<16xi32>
      %reduce_max3A_921 = arith.xori %reduce_max3A_920, %reduce_max3A_918 : vector<16xi32>
      %reduce_max3A_922 = vector.extract %reduce_max3A_921[15] : i32 from vector<16xi32>
      %add3A_923 = arith.constant 3 : i32
      %add3A_924 = arith.addi %mul3A_883, %add3A_923 : i32
      %eq3A_925 = vector.broadcast %add3A_924 : i32 to vector<16xi32>
      %eq3A_926 = arith.cmpi eq, %iota3A, %eq3A_925 : vector<16xi32>
      %select_n3A_927 = arith.select %eq3A_926, %get3A_866, %broadcast_in_dim3A_6 : vector<16xi1>, vector<16xi32>
      %reduce_max3A_928 = arith.constant true
      %reduce_max3A_929 = vector.broadcast %reduce_max3A_928 : i1 to vector<16xi1>
      %reduce_max3A_930 = arith.constant -2147483648 : i32
      %reduce_max3A_931 = vector.broadcast %reduce_max3A_930 : i32 to vector<16xi32>
      %reduce_max3A_932 = arith.xori %select_n3A_927, %reduce_max3A_931 : vector<16xi32>
      %reduce_max3A_933 = tpu.scan <max>, %reduce_max3A_932 masked %reduce_max3A_929 : vector<16xi32>, vector<16xi1> -> vector<16xi32>
      %reduce_max3A_934 = arith.xori %reduce_max3A_933, %reduce_max3A_931 : vector<16xi32>
      %reduce_max3A_935 = vector.extract %reduce_max3A_934[15] : i32 from vector<16xi32>
      %add3A_936 = arith.constant 4 : i32
      %add3A_937 = arith.addi %mul3A_883, %add3A_936 : i32
      %eq3A_938 = vector.broadcast %add3A_937 : i32 to vector<16xi32>
      %eq3A_939 = arith.cmpi eq, %iota3A, %eq3A_938 : vector<16xi32>
      %select_n3A_940 = arith.select %eq3A_939, %get3A_866, %broadcast_in_dim3A_6 : vector<16xi1>, vector<16xi32>
      %reduce_max3A_941 = arith.constant true
      %reduce_max3A_942 = vector.broadcast %reduce_max3A_941 : i1 to vector<16xi1>
      %reduce_max3A_943 = arith.constant -2147483648 : i32
      %reduce_max3A_944 = vector.broadcast %reduce_max3A_943 : i32 to vector<16xi32>
      %reduce_max3A_945 = arith.xori %select_n3A_940, %reduce_max3A_944 : vector<16xi32>
      %reduce_max3A_946 = tpu.scan <max>, %reduce_max3A_945 masked %reduce_max3A_942 : vector<16xi32>, vector<16xi1> -> vector<16xi32>
      %reduce_max3A_947 = arith.xori %reduce_max3A_946, %reduce_max3A_944 : vector<16xi32>
      %reduce_max3A_948 = vector.extract %reduce_max3A_947[15] : i32 from vector<16xi32>
      %add3A_949 = arith.constant 5 : i32
      %add3A_950 = arith.addi %mul3A_883, %add3A_949 : i32
      %eq3A_951 = vector.broadcast %add3A_950 : i32 to vector<16xi32>
      %eq3A_952 = arith.cmpi eq, %iota3A, %eq3A_951 : vector<16xi32>
      %select_n3A_953 = arith.select %eq3A_952, %get3A_866, %broadcast_in_dim3A_6 : vector<16xi1>, vector<16xi32>
      %reduce_max3A_954 = arith.constant true
      %reduce_max3A_955 = vector.broadcast %reduce_max3A_954 : i1 to vector<16xi1>
      %reduce_max3A_956 = arith.constant -2147483648 : i32
      %reduce_max3A_957 = vector.broadcast %reduce_max3A_956 : i32 to vector<16xi32>
      %reduce_max3A_958 = arith.xori %select_n3A_953, %reduce_max3A_957 : vector<16xi32>
      %reduce_max3A_959 = tpu.scan <max>, %reduce_max3A_958 masked %reduce_max3A_955 : vector<16xi32>, vector<16xi1> -> vector<16xi32>
      %reduce_max3A_960 = arith.xori %reduce_max3A_959, %reduce_max3A_957 : vector<16xi32>
      %reduce_max3A_961 = vector.extract %reduce_max3A_960[15] : i32 from vector<16xi32>
      %add3A_962 = arith.constant 6 : i32
      %add3A_963 = arith.addi %mul3A_883, %add3A_962 : i32
      %eq3A_964 = vector.broadcast %add3A_963 : i32 to vector<16xi32>
      %eq3A_965 = arith.cmpi eq, %iota3A, %eq3A_964 : vector<16xi32>
      %select_n3A_966 = arith.select %eq3A_965, %get3A_866, %broadcast_in_dim3A_6 : vector<16xi1>, vector<16xi32>
      %reduce_max3A_967 = arith.constant true
      %reduce_max3A_968 = vector.broadcast %reduce_max3A_967 : i1 to vector<16xi1>
      %reduce_max3A_969 = arith.constant -2147483648 : i32
      %reduce_max3A_970 = vector.broadcast %reduce_max3A_969 : i32 to vector<16xi32>
      %reduce_max3A_971 = arith.xori %select_n3A_966, %reduce_max3A_970 : vector<16xi32>
      %reduce_max3A_972 = tpu.scan <max>, %reduce_max3A_971 masked %reduce_max3A_968 : vector<16xi32>, vector<16xi1> -> vector<16xi32>
      %reduce_max3A_973 = arith.xori %reduce_max3A_972, %reduce_max3A_970 : vector<16xi32>
      %reduce_max3A_974 = vector.extract %reduce_max3A_973[15] : i32 from vector<16xi32>
      %add3A_975 = arith.constant 7 : i32
      %add3A_976 = arith.addi %mul3A_883, %add3A_975 : i32
      %eq3A_977 = vector.broadcast %add3A_976 : i32 to vector<16xi32>
      %eq3A_978 = arith.cmpi eq, %iota3A, %eq3A_977 : vector<16xi32>
      %select_n3A_979 = arith.select %eq3A_978, %get3A_866, %broadcast_in_dim3A_6 : vector<16xi1>, vector<16xi32>
      %reduce_max3A_980 = arith.constant true
      %reduce_max3A_981 = vector.broadcast %reduce_max3A_980 : i1 to vector<16xi1>
      %reduce_max3A_982 = arith.constant -2147483648 : i32
      %reduce_max3A_983 = vector.broadcast %reduce_max3A_982 : i32 to vector<16xi32>
      %reduce_max3A_984 = arith.xori %select_n3A_979, %reduce_max3A_983 : vector<16xi32>
      %reduce_max3A_985 = tpu.scan <max>, %reduce_max3A_984 masked %reduce_max3A_981 : vector<16xi32>, vector<16xi1> -> vector<16xi32>
      %reduce_max3A_986 = arith.xori %reduce_max3A_985, %reduce_max3A_983 : vector<16xi32>
      %reduce_max3A_987 = vector.extract %reduce_max3A_986[15] : i32 from vector<16xi32>
      %shift_right_arithmetic3A_988 = arith.constant 7 : i32
      %shift_right_arithmetic3A_989 = arith.shrsi %reduce_max3A_896, %shift_right_arithmetic3A_988 : i32
      %mul3A_990 = arith.constant 128 : i32
      %mul3A_991 = arith.muli %shift_right_arithmetic3A_989, %mul3A_990 : i32
      %multiple_of3A_992 = tpu.assume_multiple %mul3A_991, 128 : i32
      %dma_start3A_993 = arith.constant 0 : i32
      %dma_start3A_994 = arith.constant 0 : i32
      %dma_start3A_995 = arith.constant 0 : i32
      %dma_start3A_996 = tpu.memref_slice %arg8[%dma_start3A_993, %dma_start3A_994, %dma_start3A_995] : memref<8x32x128xf32, #tpu.memory_space<vmem>> -> memref<1x32x128xf32, #tpu.memory_space<vmem>>
      %dma_start3A_997 = tpu.memref_squeeze %dma_start3A_996 : memref<1x32x128xf32, #tpu.memory_space<vmem>> -> memref<32x128xf32, #tpu.memory_space<vmem>>
      %dma_start3A_998 = arith.constant 0 : i32
      %dma_start3A_999 = tpu.memref_slice %arg3[%dma_start3A_998, %multiple_of3A_992] : memref<32x1000000xf32, #tpu.memory_space<hbm>> -> memref<32x128xf32, #tpu.memory_space<hbm>>
      %dma_start3A_1000 = arith.constant 0 : i32
      %dma_start3A_1001 = arith.constant 0 : i32
      %dma_start3A_1002 = tpu.memref_slice %arg8[%dma_start3A_993, %dma_start3A_1000, %dma_start3A_1001] : memref<8x32x128xf32, #tpu.memory_space<vmem>> -> memref<1x32x128xf32, #tpu.memory_space<vmem>>
      %dma_start3A_1003 = tpu.memref_squeeze %dma_start3A_1002 : memref<1x32x128xf32, #tpu.memory_space<vmem>> -> memref<32x128xf32, #tpu.memory_space<vmem>>
      %dma_start3A_1004 = arith.constant 0 : i32
      %dma_start3A_1005 = tpu.memref_slice %arg3[%dma_start3A_1004, %multiple_of3A_992] : memref<32x1000000xf32, #tpu.memory_space<hbm>> -> memref<32x128xf32, #tpu.memory_space<hbm>>
      tpu.enqueue_dma source(%dma_start3A_1005 : memref<32x128xf32, #tpu.memory_space<hbm>>) target(%dma_start3A_1003 : memref<32x128xf32, #tpu.memory_space<vmem>>) target_semaphore(%arg12 : memref<!tpu.dma_semaphore, #tpu.memory_space<semaphore_mem>>)
      %shift_right_arithmetic3A_1006 = arith.constant 7 : i32
      %shift_right_arithmetic3A_1007 = arith.shrsi %reduce_max3A_909, %shift_right_arithmetic3A_1006 : i32
      %mul3A_1008 = arith.constant 128 : i32
      %mul3A_1009 = arith.muli %shift_right_arithmetic3A_1007, %mul3A_1008 : i32
      %multiple_of3A_1010 = tpu.assume_multiple %mul3A_1009, 128 : i32
      %dma_start3A_1011 = arith.constant 1 : i32
      %dma_start3A_1012 = arith.constant 0 : i32
      %dma_start3A_1013 = arith.constant 0 : i32
      %dma_start3A_1014 = tpu.memref_slice %arg8[%dma_start3A_1011, %dma_start3A_1012, %dma_start3A_1013] : memref<8x32x128xf32, #tpu.memory_space<vmem>> -> memref<1x32x128xf32, #tpu.memory_space<vmem>>
      %dma_start3A_1015 = tpu.memref_squeeze %dma_start3A_1014 : memref<1x32x128xf32, #tpu.memory_space<vmem>> -> memref<32x128xf32, #tpu.memory_space<vmem>>
      %dma_start3A_1016 = arith.constant 0 : i32
      %dma_start3A_1017 = tpu.memref_slice %arg3[%dma_start3A_1016, %multiple_of3A_1010] : memref<32x1000000xf32, #tpu.memory_space<hbm>> -> memref<32x128xf32, #tpu.memory_space<hbm>>
      %dma_start3A_1018 = arith.constant 0 : i32
      %dma_start3A_1019 = arith.constant 0 : i32
      %dma_start3A_1020 = tpu.memref_slice %arg8[%dma_start3A_1011, %dma_start3A_1018, %dma_start3A_1019] : memref<8x32x128xf32, #tpu.memory_space<vmem>> -> memref<1x32x128xf32, #tpu.memory_space<vmem>>
      %dma_start3A_1021 = tpu.memref_squeeze %dma_start3A_1020 : memref<1x32x128xf32, #tpu.memory_space<vmem>> -> memref<32x128xf32, #tpu.memory_space<vmem>>
      %dma_start3A_1022 = arith.constant 0 : i32
      %dma_start3A_1023 = tpu.memref_slice %arg3[%dma_start3A_1022, %multiple_of3A_1010] : memref<32x1000000xf32, #tpu.memory_space<hbm>> -> memref<32x128xf32, #tpu.memory_space<hbm>>
      tpu.enqueue_dma source(%dma_start3A_1023 : memref<32x128xf32, #tpu.memory_space<hbm>>) target(%dma_start3A_1021 : memref<32x128xf32, #tpu.memory_space<vmem>>) target_semaphore(%arg12 : memref<!tpu.dma_semaphore, #tpu.memory_space<semaphore_mem>>)
      %shift_right_arithmetic3A_1024 = arith.constant 7 : i32
      %shift_right_arithmetic3A_1025 = arith.shrsi %reduce_max3A_922, %shift_right_arithmetic3A_1024 : i32
      %mul3A_1026 = arith.constant 128 : i32
      %mul3A_1027 = arith.muli %shift_right_arithmetic3A_1025, %mul3A_1026 : i32
      %multiple_of3A_1028 = tpu.assume_multiple %mul3A_1027, 128 : i32
      %dma_start3A_1029 = arith.constant 2 : i32
      %dma_start3A_1030 = arith.constant 0 : i32
      %dma_start3A_1031 = arith.constant 0 : i32
      %dma_start3A_1032 = tpu.memref_slice %arg8[%dma_start3A_1029, %dma_start3A_1030, %dma_start3A_1031] : memref<8x32x128xf32, #tpu.memory_space<vmem>> -> memref<1x32x128xf32, #tpu.memory_space<vmem>>
      %dma_start3A_1033 = tpu.memref_squeeze %dma_start3A_1032 : memref<1x32x128xf32, #tpu.memory_space<vmem>> -> memref<32x128xf32, #tpu.memory_space<vmem>>
      %dma_start3A_1034 = arith.constant 0 : i32
      %dma_start3A_1035 = tpu.memref_slice %arg3[%dma_start3A_1034, %multiple_of3A_1028] : memref<32x1000000xf32, #tpu.memory_space<hbm>> -> memref<32x128xf32, #tpu.memory_space<hbm>>
      %dma_start3A_1036 = arith.constant 0 : i32
      %dma_start3A_1037 = arith.constant 0 : i32
      %dma_start3A_1038 = tpu.memref_slice %arg8[%dma_start3A_1029, %dma_start3A_1036, %dma_start3A_1037] : memref<8x32x128xf32, #tpu.memory_space<vmem>> -> memref<1x32x128xf32, #tpu.memory_space<vmem>>
      %dma_start3A_1039 = tpu.memref_squeeze %dma_start3A_1038 : memref<1x32x128xf32, #tpu.memory_space<vmem>> -> memref<32x128xf32, #tpu.memory_space<vmem>>
      %dma_start3A_1040 = arith.constant 0 : i32
      %dma_start3A_1041 = tpu.memref_slice %arg3[%dma_start3A_1040, %multiple_of3A_1028] : memref<32x1000000xf32, #tpu.memory_space<hbm>> -> memref<32x128xf32, #tpu.memory_space<hbm>>
      tpu.enqueue_dma source(%dma_start3A_1041 : memref<32x128xf32, #tpu.memory_space<hbm>>) target(%dma_start3A_1039 : memref<32x128xf32, #tpu.memory_space<vmem>>) target_semaphore(%arg12 : memref<!tpu.dma_semaphore, #tpu.memory_space<semaphore_mem>>)
      %shift_right_arithmetic3A_1042 = arith.constant 7 : i32
      %shift_right_arithmetic3A_1043 = arith.shrsi %reduce_max3A_935, %shift_right_arithmetic3A_1042 : i32
      %mul3A_1044 = arith.constant 128 : i32
      %mul3A_1045 = arith.muli %shift_right_arithmetic3A_1043, %mul3A_1044 : i32
      %multiple_of3A_1046 = tpu.assume_multiple %mul3A_1045, 128 : i32
      %dma_start3A_1047 = arith.constant 3 : i32
      %dma_start3A_1048 = arith.constant 0 : i32
      %dma_start3A_1049 = arith.constant 0 : i32
      %dma_start3A_1050 = tpu.memref_slice %arg8[%dma_start3A_1047, %dma_start3A_1048, %dma_start3A_1049] : memref<8x32x128xf32, #tpu.memory_space<vmem>> -> memref<1x32x128xf32, #tpu.memory_space<vmem>>
      %dma_start3A_1051 = tpu.memref_squeeze %dma_start3A_1050 : memref<1x32x128xf32, #tpu.memory_space<vmem>> -> memref<32x128xf32, #tpu.memory_space<vmem>>
      %dma_start3A_1052 = arith.constant 0 : i32
      %dma_start3A_1053 = tpu.memref_slice %arg3[%dma_start3A_1052, %multiple_of3A_1046] : memref<32x1000000xf32, #tpu.memory_space<hbm>> -> memref<32x128xf32, #tpu.memory_space<hbm>>
      %dma_start3A_1054 = arith.constant 0 : i32
      %dma_start3A_1055 = arith.constant 0 : i32
      %dma_start3A_1056 = tpu.memref_slice %arg8[%dma_start3A_1047, %dma_start3A_1054, %dma_start3A_1055] : memref<8x32x128xf32, #tpu.memory_space<vmem>> -> memref<1x32x128xf32, #tpu.memory_space<vmem>>
      %dma_start3A_1057 = tpu.memref_squeeze %dma_start3A_1056 : memref<1x32x128xf32, #tpu.memory_space<vmem>> -> memref<32x128xf32, #tpu.memory_space<vmem>>
      %dma_start3A_1058 = arith.constant 0 : i32
      %dma_start3A_1059 = tpu.memref_slice %arg3[%dma_start3A_1058, %multiple_of3A_1046] : memref<32x1000000xf32, #tpu.memory_space<hbm>> -> memref<32x128xf32, #tpu.memory_space<hbm>>
      tpu.enqueue_dma source(%dma_start3A_1059 : memref<32x128xf32, #tpu.memory_space<hbm>>) target(%dma_start3A_1057 : memref<32x128xf32, #tpu.memory_space<vmem>>) target_semaphore(%arg12 : memref<!tpu.dma_semaphore, #tpu.memory_space<semaphore_mem>>)
      %shift_right_arithmetic3A_1060 = arith.constant 7 : i32
      %shift_right_arithmetic3A_1061 = arith.shrsi %reduce_max3A_948, %shift_right_arithmetic3A_1060 : i32
      %mul3A_1062 = arith.constant 128 : i32
      %mul3A_1063 = arith.muli %shift_right_arithmetic3A_1061, %mul3A_1062 : i32
      %multiple_of3A_1064 = tpu.assume_multiple %mul3A_1063, 128 : i32
      %dma_start3A_1065 = arith.constant 4 : i32
      %dma_start3A_1066 = arith.constant 0 : i32
      %dma_start3A_1067 = arith.constant 0 : i32
      %dma_start3A_1068 = tpu.memref_slice %arg8[%dma_start3A_1065, %dma_start3A_1066, %dma_start3A_1067] : memref<8x32x128xf32, #tpu.memory_space<vmem>> -> memref<1x32x128xf32, #tpu.memory_space<vmem>>
      %dma_start3A_1069 = tpu.memref_squeeze %dma_start3A_1068 : memref<1x32x128xf32, #tpu.memory_space<vmem>> -> memref<32x128xf32, #tpu.memory_space<vmem>>
      %dma_start3A_1070 = arith.constant 0 : i32
      %dma_start3A_1071 = tpu.memref_slice %arg3[%dma_start3A_1070, %multiple_of3A_1064] : memref<32x1000000xf32, #tpu.memory_space<hbm>> -> memref<32x128xf32, #tpu.memory_space<hbm>>
      %dma_start3A_1072 = arith.constant 0 : i32
      %dma_start3A_1073 = arith.constant 0 : i32
      %dma_start3A_1074 = tpu.memref_slice %arg8[%dma_start3A_1065, %dma_start3A_1072, %dma_start3A_1073] : memref<8x32x128xf32, #tpu.memory_space<vmem>> -> memref<1x32x128xf32, #tpu.memory_space<vmem>>
      %dma_start3A_1075 = tpu.memref_squeeze %dma_start3A_1074 : memref<1x32x128xf32, #tpu.memory_space<vmem>> -> memref<32x128xf32, #tpu.memory_space<vmem>>
      %dma_start3A_1076 = arith.constant 0 : i32
      %dma_start3A_1077 = tpu.memref_slice %arg3[%dma_start3A_1076, %multiple_of3A_1064] : memref<32x1000000xf32, #tpu.memory_space<hbm>> -> memref<32x128xf32, #tpu.memory_space<hbm>>
      tpu.enqueue_dma source(%dma_start3A_1077 : memref<32x128xf32, #tpu.memory_space<hbm>>) target(%dma_start3A_1075 : memref<32x128xf32, #tpu.memory_space<vmem>>) target_semaphore(%arg12 : memref<!tpu.dma_semaphore, #tpu.memory_space<semaphore_mem>>)
      %shift_right_arithmetic3A_1078 = arith.constant 7 : i32
      %shift_right_arithmetic3A_1079 = arith.shrsi %reduce_max3A_961, %shift_right_arithmetic3A_1078 : i32
      %mul3A_1080 = arith.constant 128 : i32
      %mul3A_1081 = arith.muli %shift_right_arithmetic3A_1079, %mul3A_1080 : i32
      %multiple_of3A_1082 = tpu.assume_multiple %mul3A_1081, 128 : i32
      %dma_start3A_1083 = arith.constant 5 : i32
      %dma_start3A_1084 = arith.constant 0 : i32
      %dma_start3A_1085 = arith.constant 0 : i32
      %dma_start3A_1086 = tpu.memref_slice %arg8[%dma_start3A_1083, %dma_start3A_1084, %dma_start3A_1085] : memref<8x32x128xf32, #tpu.memory_space<vmem>> -> memref<1x32x128xf32, #tpu.memory_space<vmem>>
      %dma_start3A_1087 = tpu.memref_squeeze %dma_start3A_1086 : memref<1x32x128xf32, #tpu.memory_space<vmem>> -> memref<32x128xf32, #tpu.memory_space<vmem>>
      %dma_start3A_1088 = arith.constant 0 : i32
      %dma_start3A_1089 = tpu.memref_slice %arg3[%dma_start3A_1088, %multiple_of3A_1082] : memref<32x1000000xf32, #tpu.memory_space<hbm>> -> memref<32x128xf32, #tpu.memory_space<hbm>>
      %dma_start3A_1090 = arith.constant 0 : i32
      %dma_start3A_1091 = arith.constant 0 : i32
      %dma_start3A_1092 = tpu.memref_slice %arg8[%dma_start3A_1083, %dma_start3A_1090, %dma_start3A_1091] : memref<8x32x128xf32, #tpu.memory_space<vmem>> -> memref<1x32x128xf32, #tpu.memory_space<vmem>>
      %dma_start3A_1093 = tpu.memref_squeeze %dma_start3A_1092 : memref<1x32x128xf32, #tpu.memory_space<vmem>> -> memref<32x128xf32, #tpu.memory_space<vmem>>
      %dma_start3A_1094 = arith.constant 0 : i32
      %dma_start3A_1095 = tpu.memref_slice %arg3[%dma_start3A_1094, %multiple_of3A_1082] : memref<32x1000000xf32, #tpu.memory_space<hbm>> -> memref<32x128xf32, #tpu.memory_space<hbm>>
      tpu.enqueue_dma source(%dma_start3A_1095 : memref<32x128xf32, #tpu.memory_space<hbm>>) target(%dma_start3A_1093 : memref<32x128xf32, #tpu.memory_space<vmem>>) target_semaphore(%arg12 : memref<!tpu.dma_semaphore, #tpu.memory_space<semaphore_mem>>)
      %shift_right_arithmetic3A_1096 = arith.constant 7 : i32
      %shift_right_arithmetic3A_1097 = arith.shrsi %reduce_max3A_974, %shift_right_arithmetic3A_1096 : i32
      %mul3A_1098 = arith.constant 128 : i32
      %mul3A_1099 = arith.muli %shift_right_arithmetic3A_1097, %mul3A_1098 : i32
      %multiple_of3A_1100 = tpu.assume_multiple %mul3A_1099, 128 : i32
      %dma_start3A_1101 = arith.constant 6 : i32
      %dma_start3A_1102 = arith.constant 0 : i32
      %dma_start3A_1103 = arith.constant 0 : i32
      %dma_start3A_1104 = tpu.memref_slice %arg8[%dma_start3A_1101, %dma_start3A_1102, %dma_start3A_1103] : memref<8x32x128xf32, #tpu.memory_space<vmem>> -> memref<1x32x128xf32, #tpu.memory_space<vmem>>
      %dma_start3A_1105 = tpu.memref_squeeze %dma_start3A_1104 : memref<1x32x128xf32, #tpu.memory_space<vmem>> -> memref<32x128xf32, #tpu.memory_space<vmem>>
      %dma_start3A_1106 = arith.constant 0 : i32
      %dma_start3A_1107 = tpu.memref_slice %arg3[%dma_start3A_1106, %multiple_of3A_1100] : memref<32x1000000xf32, #tpu.memory_space<hbm>> -> memref<32x128xf32, #tpu.memory_space<hbm>>
      %dma_start3A_1108 = arith.constant 0 : i32
      %dma_start3A_1109 = arith.constant 0 : i32
      %dma_start3A_1110 = tpu.memref_slice %arg8[%dma_start3A_1101, %dma_start3A_1108, %dma_start3A_1109] : memref<8x32x128xf32, #tpu.memory_space<vmem>> -> memref<1x32x128xf32, #tpu.memory_space<vmem>>
      %dma_start3A_1111 = tpu.memref_squeeze %dma_start3A_1110 : memref<1x32x128xf32, #tpu.memory_space<vmem>> -> memref<32x128xf32, #tpu.memory_space<vmem>>
      %dma_start3A_1112 = arith.constant 0 : i32
      %dma_start3A_1113 = tpu.memref_slice %arg3[%dma_start3A_1112, %multiple_of3A_1100] : memref<32x1000000xf32, #tpu.memory_space<hbm>> -> memref<32x128xf32, #tpu.memory_space<hbm>>
      tpu.enqueue_dma source(%dma_start3A_1113 : memref<32x128xf32, #tpu.memory_space<hbm>>) target(%dma_start3A_1111 : memref<32x128xf32, #tpu.memory_space<vmem>>) target_semaphore(%arg12 : memref<!tpu.dma_semaphore, #tpu.memory_space<semaphore_mem>>)
      %shift_right_arithmetic3A_1114 = arith.constant 7 : i32
      %shift_right_arithmetic3A_1115 = arith.shrsi %reduce_max3A_987, %shift_right_arithmetic3A_1114 : i32
      %mul3A_1116 = arith.constant 128 : i32
      %mul3A_1117 = arith.muli %shift_right_arithmetic3A_1115, %mul3A_1116 : i32
      %multiple_of3A_1118 = tpu.assume_multiple %mul3A_1117, 128 : i32
      %dma_start3A_1119 = arith.constant 7 : i32
      %dma_start3A_1120 = arith.constant 0 : i32
      %dma_start3A_1121 = arith.constant 0 : i32
      %dma_start3A_1122 = tpu.memref_slice %arg8[%dma_start3A_1119, %dma_start3A_1120, %dma_start3A_1121] : memref<8x32x128xf32, #tpu.memory_space<vmem>> -> memref<1x32x128xf32, #tpu.memory_space<vmem>>
      %dma_start3A_1123 = tpu.memref_squeeze %dma_start3A_1122 : memref<1x32x128xf32, #tpu.memory_space<vmem>> -> memref<32x128xf32, #tpu.memory_space<vmem>>
      %dma_start3A_1124 = arith.constant 0 : i32
      %dma_start3A_1125 = tpu.memref_slice %arg3[%dma_start3A_1124, %multiple_of3A_1118] : memref<32x1000000xf32, #tpu.memory_space<hbm>> -> memref<32x128xf32, #tpu.memory_space<hbm>>
      %dma_start3A_1126 = arith.constant 0 : i32
      %dma_start3A_1127 = arith.constant 0 : i32
      %dma_start3A_1128 = tpu.memref_slice %arg8[%dma_start3A_1119, %dma_start3A_1126, %dma_start3A_1127] : memref<8x32x128xf32, #tpu.memory_space<vmem>> -> memref<1x32x128xf32, #tpu.memory_space<vmem>>
      %dma_start3A_1129 = tpu.memref_squeeze %dma_start3A_1128 : memref<1x32x128xf32, #tpu.memory_space<vmem>> -> memref<32x128xf32, #tpu.memory_space<vmem>>
      %dma_start3A_1130 = arith.constant 0 : i32
      %dma_start3A_1131 = tpu.memref_slice %arg3[%dma_start3A_1130, %multiple_of3A_1118] : memref<32x1000000xf32, #tpu.memory_space<hbm>> -> memref<32x128xf32, #tpu.memory_space<hbm>>
      tpu.enqueue_dma source(%dma_start3A_1131 : memref<32x128xf32, #tpu.memory_space<hbm>>) target(%dma_start3A_1129 : memref<32x128xf32, #tpu.memory_space<vmem>>) target_semaphore(%arg12 : memref<!tpu.dma_semaphore, #tpu.memory_space<semaphore_mem>>)
      %jit3A_1132 = arith.constant 2 : i32
      %div3A_1133 = arith.divsi %mul3A_842, %jit3A_1132 : i32
      %sign3A_1134 = arith.constant 0 : i32
      %sign3A_1135 = arith.cmpi sgt, %mul3A_842, %sign3A_1134 : i32
      %sign3A_1136 = arith.extui %sign3A_1135 : i1 to i32
      %sign3A_1137 = arith.constant 0 : i32
      %sign3A_1138 = arith.cmpi slt, %mul3A_842, %sign3A_1137 : i32
      %sign3A_1139 = arith.extui %sign3A_1138 : i1 to i32
      %sign3A_1140 = arith.subi %sign3A_1136, %sign3A_1139 : i32
      %sign3A_1141 = arith.constant 0 : i32
      %sign3A_1142 = arith.cmpi sgt, %jit3A_1132, %sign3A_1141 : i32
      %sign3A_1143 = arith.extui %sign3A_1142 : i1 to i32
      %sign3A_1144 = arith.constant 0 : i32
      %sign3A_1145 = arith.cmpi slt, %jit3A_1132, %sign3A_1144 : i32
      %sign3A_1146 = arith.extui %sign3A_1145 : i1 to i32
      %sign3A_1147 = arith.subi %sign3A_1143, %sign3A_1146 : i32
      %ne3A_1148 = arith.cmpi ne, %sign3A_1140, %sign3A_1147 : i32
      %rem3A_1149 = arith.remsi %mul3A_842, %jit3A_1132 : i32
      %ne3A_1150 = arith.constant 0 : i32
      %ne3A_1151 = arith.cmpi ne, %rem3A_1149, %ne3A_1150 : i32
      %and3A_1152 = arith.andi %ne3A_1148, %ne3A_1151 : i1
      %sub3A_1153 = arith.constant 1 : i32
      %sub3A_1154 = arith.subi %div3A_1133, %sub3A_1153 : i32
      %select_n3A_1155 = arith.select %and3A_1152, %sub3A_1154, %div3A_1133 : i32
      %mul3A_1156 = arith.constant 16 : i32
      %mul3A_1157 = arith.muli %select_n3A_1155, %mul3A_1156 : i32
      %get3A_1158 = arith.index_cast %mul3A_1157 : i32 to index
      %get3A_1159 = tpu.vector_load %arg5[%get3A_1158] {strides = array<i32>} : memref<512xi32, #tpu.memory_space<vmem>>, vector<16xi32>,
      %jit3A_1160 = arith.constant 2 : i32
      %eq3A_1161 = arith.constant 0 : i32
      %eq3A_1162 = arith.cmpi eq, %jit3A_1160, %eq3A_1161 : i32
      %jit3A_1163 = arith.constant 1 : i32
      %select_n3A_1164 = arith.select %eq3A_1162, %jit3A_1163, %jit3A_1160 : i32
      %rem3A_1165 = arith.remsi %mul3A_842, %select_n3A_1164 : i32
      %ne3A_1166 = arith.constant 0 : i32
      %ne3A_1167 = arith.cmpi ne, %rem3A_1165, %ne3A_1166 : i32
      %lt3A_1168 = arith.constant 0 : i32
      %lt3A_1169 = arith.cmpi slt, %rem3A_1165, %lt3A_1168 : i32
      %lt3A_1170 = arith.constant 0 : i32
      %lt3A_1171 = arith.cmpi slt, %select_n3A_1164, %lt3A_1170 : i32
      %ne3A_1172 = arith.xori %lt3A_1169, %lt3A_1171 : i1
      %and3A_1173 = arith.andi %ne3A_1172, %ne3A_1167 : i1
      %add3A_1174 = arith.addi %rem3A_1165, %select_n3A_1164 : i32
      %select_n3A_1175 = arith.select %and3A_1173, %add3A_1174, %rem3A_1165 : i32
      %mul3A_1176 = arith.constant 8 : i32
      %mul3A_1177 = arith.muli %select_n3A_1175, %mul3A_1176 : i32
      %add3A_1178 = arith.constant 0 : i32
      %add3A_1179 = arith.addi %mul3A_1177, %add3A_1178 : i32
      %eq3A_1180 = vector.broadcast %add3A_1179 : i32 to vector<16xi32>
      %eq3A_1181 = arith.cmpi eq, %iota3A, %eq3A_1180 : vector<16xi32>
      %select_n3A_1182 = arith.select %eq3A_1181, %get3A_1159, %broadcast_in_dim3A_6 : vector<16xi1>, vector<16xi32>
      %reduce_max3A_1183 = arith.constant true
      %reduce_max3A_1184 = vector.broadcast %reduce_max3A_1183 : i1 to vector<16xi1>
      %reduce_max3A_1185 = arith.constant -2147483648 : i32
      %reduce_max3A_1186 = vector.broadcast %reduce_max3A_1185 : i32 to vector<16xi32>
      %reduce_max3A_1187 = arith.xori %select_n3A_1182, %reduce_max3A_1186 : vector<16xi32>
      %reduce_max3A_1188 = tpu.scan <max>, %reduce_max3A_1187 masked %reduce_max3A_1184 : vector<16xi32>, vector<16xi1> -> vector<16xi32>
      %reduce_max3A_1189 = arith.xori %reduce_max3A_1188, %reduce_max3A_1186 : vector<16xi32>
      %reduce_max3A_1190 = vector.extract %reduce_max3A_1189[15] : i32 from vector<16xi32>
      %add3A_1191 = arith.constant 1 : i32
      %add3A_1192 = arith.addi %mul3A_1177, %add3A_1191 : i32
      %eq3A_1193 = vector.broadcast %add3A_1192 : i32 to vector<16xi32>
      %eq3A_1194 = arith.cmpi eq, %iota3A, %eq3A_1193 : vector<16xi32>
      %select_n3A_1195 = arith.select %eq3A_1194, %get3A_1159, %broadcast_in_dim3A_6 : vector<16xi1>, vector<16xi32>
      %reduce_max3A_1196 = arith.constant true
      %reduce_max3A_1197 = vector.broadcast %reduce_max3A_1196 : i1 to vector<16xi1>
      %reduce_max3A_1198 = arith.constant -2147483648 : i32
      %reduce_max3A_1199 = vector.broadcast %reduce_max3A_1198 : i32 to vector<16xi32>
      %reduce_max3A_1200 = arith.xori %select_n3A_1195, %reduce_max3A_1199 : vector<16xi32>
      %reduce_max3A_1201 = tpu.scan <max>, %reduce_max3A_1200 masked %reduce_max3A_1197 : vector<16xi32>, vector<16xi1> -> vector<16xi32>
      %reduce_max3A_1202 = arith.xori %reduce_max3A_1201, %reduce_max3A_1199 : vector<16xi32>
      %reduce_max3A_1203 = vector.extract %reduce_max3A_1202[15] : i32 from vector<16xi32>
      %add3A_1204 = arith.constant 2 : i32
      %add3A_1205 = arith.addi %mul3A_1177, %add3A_1204 : i32
      %eq3A_1206 = vector.broadcast %add3A_1205 : i32 to vector<16xi32>
      %eq3A_1207 = arith.cmpi eq, %iota3A, %eq3A_1206 : vector<16xi32>
      %select_n3A_1208 = arith.select %eq3A_1207, %get3A_1159, %broadcast_in_dim3A_6 : vector<16xi1>, vector<16xi32>
      %reduce_max3A_1209 = arith.constant true
      %reduce_max3A_1210 = vector.broadcast %reduce_max3A_1209 : i1 to vector<16xi1>
      %reduce_max3A_1211 = arith.constant -2147483648 : i32
      %reduce_max3A_1212 = vector.broadcast %reduce_max3A_1211 : i32 to vector<16xi32>
      %reduce_max3A_1213 = arith.xori %select_n3A_1208, %reduce_max3A_1212 : vector<16xi32>
      %reduce_max3A_1214 = tpu.scan <max>, %reduce_max3A_1213 masked %reduce_max3A_1210 : vector<16xi32>, vector<16xi1> -> vector<16xi32>
      %reduce_max3A_1215 = arith.xori %reduce_max3A_1214, %reduce_max3A_1212 : vector<16xi32>
      %reduce_max3A_1216 = vector.extract %reduce_max3A_1215[15] : i32 from vector<16xi32>
      %add3A_1217 = arith.constant 3 : i32
      %add3A_1218 = arith.addi %mul3A_1177, %add3A_1217 : i32
      %eq3A_1219 = vector.broadcast %add3A_1218 : i32 to vector<16xi32>
      %eq3A_1220 = arith.cmpi eq, %iota3A, %eq3A_1219 : vector<16xi32>
      %select_n3A_1221 = arith.select %eq3A_1220, %get3A_1159, %broadcast_in_dim3A_6 : vector<16xi1>, vector<16xi32>
      %reduce_max3A_1222 = arith.constant true
      %reduce_max3A_1223 = vector.broadcast %reduce_max3A_1222 : i1 to vector<16xi1>
      %reduce_max3A_1224 = arith.constant -2147483648 : i32
      %reduce_max3A_1225 = vector.broadcast %reduce_max3A_1224 : i32 to vector<16xi32>
      %reduce_max3A_1226 = arith.xori %select_n3A_1221, %reduce_max3A_1225 : vector<16xi32>
      %reduce_max3A_1227 = tpu.scan <max>, %reduce_max3A_1226 masked %reduce_max3A_1223 : vector<16xi32>, vector<16xi1> -> vector<16xi32>
      %reduce_max3A_1228 = arith.xori %reduce_max3A_1227, %reduce_max3A_1225 : vector<16xi32>
      %reduce_max3A_1229 = vector.extract %reduce_max3A_1228[15] : i32 from vector<16xi32>
      %add3A_1230 = arith.constant 4 : i32
      %add3A_1231 = arith.addi %mul3A_1177, %add3A_1230 : i32
      %eq3A_1232 = vector.broadcast %add3A_1231 : i32 to vector<16xi32>
      %eq3A_1233 = arith.cmpi eq, %iota3A, %eq3A_1232 : vector<16xi32>
      %select_n3A_1234 = arith.select %eq3A_1233, %get3A_1159, %broadcast_in_dim3A_6 : vector<16xi1>, vector<16xi32>
      %reduce_max3A_1235 = arith.constant true
      %reduce_max3A_1236 = vector.broadcast %reduce_max3A_1235 : i1 to vector<16xi1>
      %reduce_max3A_1237 = arith.constant -2147483648 : i32
      %reduce_max3A_1238 = vector.broadcast %reduce_max3A_1237 : i32 to vector<16xi32>
      %reduce_max3A_1239 = arith.xori %select_n3A_1234, %reduce_max3A_1238 : vector<16xi32>
      %reduce_max3A_1240 = tpu.scan <max>, %reduce_max3A_1239 masked %reduce_max3A_1236 : vector<16xi32>, vector<16xi1> -> vector<16xi32>
      %reduce_max3A_1241 = arith.xori %reduce_max3A_1240, %reduce_max3A_1238 : vector<16xi32>
      %reduce_max3A_1242 = vector.extract %reduce_max3A_1241[15] : i32 from vector<16xi32>
      %add3A_1243 = arith.constant 5 : i32
      %add3A_1244 = arith.addi %mul3A_1177, %add3A_1243 : i32
      %eq3A_1245 = vector.broadcast %add3A_1244 : i32 to vector<16xi32>
      %eq3A_1246 = arith.cmpi eq, %iota3A, %eq3A_1245 : vector<16xi32>
      %select_n3A_1247 = arith.select %eq3A_1246, %get3A_1159, %broadcast_in_dim3A_6 : vector<16xi1>, vector<16xi32>
      %reduce_max3A_1248 = arith.constant true
      %reduce_max3A_1249 = vector.broadcast %reduce_max3A_1248 : i1 to vector<16xi1>
      %reduce_max3A_1250 = arith.constant -2147483648 : i32
      %reduce_max3A_1251 = vector.broadcast %reduce_max3A_1250 : i32 to vector<16xi32>
      %reduce_max3A_1252 = arith.xori %select_n3A_1247, %reduce_max3A_1251 : vector<16xi32>
      %reduce_max3A_1253 = tpu.scan <max>, %reduce_max3A_1252 masked %reduce_max3A_1249 : vector<16xi32>, vector<16xi1> -> vector<16xi32>
      %reduce_max3A_1254 = arith.xori %reduce_max3A_1253, %reduce_max3A_1251 : vector<16xi32>
      %reduce_max3A_1255 = vector.extract %reduce_max3A_1254[15] : i32 from vector<16xi32>
      %add3A_1256 = arith.constant 6 : i32
      %add3A_1257 = arith.addi %mul3A_1177, %add3A_1256 : i32
      %eq3A_1258 = vector.broadcast %add3A_1257 : i32 to vector<16xi32>
      %eq3A_1259 = arith.cmpi eq, %iota3A, %eq3A_1258 : vector<16xi32>
      %select_n3A_1260 = arith.select %eq3A_1259, %get3A_1159, %broadcast_in_dim3A_6 : vector<16xi1>, vector<16xi32>
      %reduce_max3A_1261 = arith.constant true
      %reduce_max3A_1262 = vector.broadcast %reduce_max3A_1261 : i1 to vector<16xi1>
      %reduce_max3A_1263 = arith.constant -2147483648 : i32
      %reduce_max3A_1264 = vector.broadcast %reduce_max3A_1263 : i32 to vector<16xi32>
      %reduce_max3A_1265 = arith.xori %select_n3A_1260, %reduce_max3A_1264 : vector<16xi32>
      %reduce_max3A_1266 = tpu.scan <max>, %reduce_max3A_1265 masked %reduce_max3A_1262 : vector<16xi32>, vector<16xi1> -> vector<16xi32>
      %reduce_max3A_1267 = arith.xori %reduce_max3A_1266, %reduce_max3A_1264 : vector<16xi32>
      %reduce_max3A_1268 = vector.extract %reduce_max3A_1267[15] : i32 from vector<16xi32>
      %add3A_1269 = arith.constant 7 : i32
      %add3A_1270 = arith.addi %mul3A_1177, %add3A_1269 : i32
      %eq3A_1271 = vector.broadcast %add3A_1270 : i32 to vector<16xi32>
      %eq3A_1272 = arith.cmpi eq, %iota3A, %eq3A_1271 : vector<16xi32>
      %select_n3A_1273 = arith.select %eq3A_1272, %get3A_1159, %broadcast_in_dim3A_6 : vector<16xi1>, vector<16xi32>
      %reduce_max3A_1274 = arith.constant true
      %reduce_max3A_1275 = vector.broadcast %reduce_max3A_1274 : i1 to vector<16xi1>
      %reduce_max3A_1276 = arith.constant -2147483648 : i32
      %reduce_max3A_1277 = vector.broadcast %reduce_max3A_1276 : i32 to vector<16xi32>
      %reduce_max3A_1278 = arith.xori %select_n3A_1273, %reduce_max3A_1277 : vector<16xi32>
      %reduce_max3A_1279 = tpu.scan <max>, %reduce_max3A_1278 masked %reduce_max3A_1275 : vector<16xi32>, vector<16xi1> -> vector<16xi32>
      %reduce_max3A_1280 = arith.xori %reduce_max3A_1279, %reduce_max3A_1277 : vector<16xi32>
      %reduce_max3A_1281 = vector.extract %reduce_max3A_1280[15] : i32 from vector<16xi32>
      %dma_wait3A_1282 = arith.constant 0 : i32
      %dma_wait3A_1283 = arith.constant 0 : i32
      %dma_wait3A_1284 = arith.constant 0 : i32
      %dma_wait3A_1285 = tpu.memref_slice %arg6[%dma_wait3A_1282, %dma_wait3A_1283, %dma_wait3A_1284] : memref<8x32x128xf32, #tpu.memory_space<vmem>> -> memref<1x32x128xf32, #tpu.memory_space<vmem>>
      %dma_wait3A_1286 = tpu.memref_squeeze %dma_wait3A_1285 : memref<1x32x128xf32, #tpu.memory_space<vmem>> -> memref<32x128xf32, #tpu.memory_space<vmem>>
      %dma_wait3A_1287 = arith.constant 0 : i32
      %dma_wait3A_1288 = arith.constant 0 : i32
      %dma_wait3A_1289 = tpu.memref_slice %arg3[%dma_wait3A_1287, %dma_wait3A_1288] : memref<32x1000000xf32, #tpu.memory_space<hbm>> -> memref<32x128xf32, #tpu.memory_space<hbm>>
      %dma_wait3A_1290 = arith.constant 0 : i32
      %dma_wait3A_1291 = arith.constant 0 : i32
      %dma_wait3A_1292 = tpu.memref_slice %arg6[%dma_wait3A_1282, %dma_wait3A_1290, %dma_wait3A_1291] : memref<8x32x128xf32, #tpu.memory_space<vmem>> -> memref<1x32x128xf32, #tpu.memory_space<vmem>>
      %dma_wait3A_1293 = tpu.memref_squeeze %dma_wait3A_1292 : memref<1x32x128xf32, #tpu.memory_space<vmem>> -> memref<32x128xf32, #tpu.memory_space<vmem>>
      %dma_wait3A_1294 = arith.constant 0 : i32
      %dma_wait3A_1295 = arith.constant 0 : i32
      %dma_wait3A_1296 = tpu.memref_slice %arg3[%dma_wait3A_1294, %dma_wait3A_1295] : memref<32x1000000xf32, #tpu.memory_space<hbm>> -> memref<32x128xf32, #tpu.memory_space<hbm>>
      tpu.wait_dma2 semaphore(%arg10 : memref<!tpu.dma_semaphore, #tpu.memory_space<semaphore_mem>>) src(%dma_wait3A_1296 : memref<32x128xf32, #tpu.memory_space<hbm>>) dst(%dma_wait3A_1293 : memref<32x128xf32, #tpu.memory_space<vmem>>)
      %dma_wait3A_1297 = arith.constant 1 : i32
      %dma_wait3A_1298 = arith.constant 0 : i32
      %dma_wait3A_1299 = arith.constant 0 : i32
      %dma_wait3A_1300 = tpu.memref_slice %arg6[%dma_wait3A_1297, %dma_wait3A_1298, %dma_wait3A_1299] : memref<8x32x128xf32, #tpu.memory_space<vmem>> -> memref<1x32x128xf32, #tpu.memory_space<vmem>>
      %dma_wait3A_1301 = tpu.memref_squeeze %dma_wait3A_1300 : memref<1x32x128xf32, #tpu.memory_space<vmem>> -> memref<32x128xf32, #tpu.memory_space<vmem>>
      %dma_wait3A_1302 = arith.constant 0 : i32
      %dma_wait3A_1303 = arith.constant 0 : i32
      %dma_wait3A_1304 = tpu.memref_slice %arg3[%dma_wait3A_1302, %dma_wait3A_1303] : memref<32x1000000xf32, #tpu.memory_space<hbm>> -> memref<32x128xf32, #tpu.memory_space<hbm>>
      %dma_wait3A_1305 = arith.constant 0 : i32
      %dma_wait3A_1306 = arith.constant 0 : i32
      %dma_wait3A_1307 = tpu.memref_slice %arg6[%dma_wait3A_1297, %dma_wait3A_1305, %dma_wait3A_1306] : memref<8x32x128xf32, #tpu.memory_space<vmem>> -> memref<1x32x128xf32, #tpu.memory_space<vmem>>
      %dma_wait3A_1308 = tpu.memref_squeeze %dma_wait3A_1307 : memref<1x32x128xf32, #tpu.memory_space<vmem>> -> memref<32x128xf32, #tpu.memory_space<vmem>>
      %dma_wait3A_1309 = arith.constant 0 : i32
      %dma_wait3A_1310 = arith.constant 0 : i32
      %dma_wait3A_1311 = tpu.memref_slice %arg3[%dma_wait3A_1309, %dma_wait3A_1310] : memref<32x1000000xf32, #tpu.memory_space<hbm>> -> memref<32x128xf32, #tpu.memory_space<hbm>>
      tpu.wait_dma2 semaphore(%arg10 : memref<!tpu.dma_semaphore, #tpu.memory_space<semaphore_mem>>) src(%dma_wait3A_1311 : memref<32x128xf32, #tpu.memory_space<hbm>>) dst(%dma_wait3A_1308 : memref<32x128xf32, #tpu.memory_space<vmem>>)
      %dma_wait3A_1312 = arith.constant 2 : i32
      %dma_wait3A_1313 = arith.constant 0 : i32
      %dma_wait3A_1314 = arith.constant 0 : i32
      %dma_wait3A_1315 = tpu.memref_slice %arg6[%dma_wait3A_1312, %dma_wait3A_1313, %dma_wait3A_1314] : memref<8x32x128xf32, #tpu.memory_space<vmem>> -> memref<1x32x128xf32, #tpu.memory_space<vmem>>
      %dma_wait3A_1316 = tpu.memref_squeeze %dma_wait3A_1315 : memref<1x32x128xf32, #tpu.memory_space<vmem>> -> memref<32x128xf32, #tpu.memory_space<vmem>>
      %dma_wait3A_1317 = arith.constant 0 : i32
      %dma_wait3A_1318 = arith.constant 0 : i32
      %dma_wait3A_1319 = tpu.memref_slice %arg3[%dma_wait3A_1317, %dma_wait3A_1318] : memref<32x1000000xf32, #tpu.memory_space<hbm>> -> memref<32x128xf32, #tpu.memory_space<hbm>>
      %dma_wait3A_1320 = arith.constant 0 : i32
      %dma_wait3A_1321 = arith.constant 0 : i32
      %dma_wait3A_1322 = tpu.memref_slice %arg6[%dma_wait3A_1312, %dma_wait3A_1320, %dma_wait3A_1321] : memref<8x32x128xf32, #tpu.memory_space<vmem>> -> memref<1x32x128xf32, #tpu.memory_space<vmem>>
      %dma_wait3A_1323 = tpu.memref_squeeze %dma_wait3A_1322 : memref<1x32x128xf32, #tpu.memory_space<vmem>> -> memref<32x128xf32, #tpu.memory_space<vmem>>
      %dma_wait3A_1324 = arith.constant 0 : i32
      %dma_wait3A_1325 = arith.constant 0 : i32
      %dma_wait3A_1326 = tpu.memref_slice %arg3[%dma_wait3A_1324, %dma_wait3A_1325] : memref<32x1000000xf32, #tpu.memory_space<hbm>> -> memref<32x128xf32, #tpu.memory_space<hbm>>
      tpu.wait_dma2 semaphore(%arg10 : memref<!tpu.dma_semaphore, #tpu.memory_space<semaphore_mem>>) src(%dma_wait3A_1326 : memref<32x128xf32, #tpu.memory_space<hbm>>) dst(%dma_wait3A_1323 : memref<32x128xf32, #tpu.memory_space<vmem>>)
      %dma_wait3A_1327 = arith.constant 3 : i32
      %dma_wait3A_1328 = arith.constant 0 : i32
      %dma_wait3A_1329 = arith.constant 0 : i32
      %dma_wait3A_1330 = tpu.memref_slice %arg6[%dma_wait3A_1327, %dma_wait3A_1328, %dma_wait3A_1329] : memref<8x32x128xf32, #tpu.memory_space<vmem>> -> memref<1x32x128xf32, #tpu.memory_space<vmem>>
      %dma_wait3A_1331 = tpu.memref_squeeze %dma_wait3A_1330 : memref<1x32x128xf32, #tpu.memory_space<vmem>> -> memref<32x128xf32, #tpu.memory_space<vmem>>
      %dma_wait3A_1332 = arith.constant 0 : i32
      %dma_wait3A_1333 = arith.constant 0 : i32
      %dma_wait3A_1334 = tpu.memref_slice %arg3[%dma_wait3A_1332, %dma_wait3A_1333] : memref<32x1000000xf32, #tpu.memory_space<hbm>> -> memref<32x128xf32, #tpu.memory_space<hbm>>
      %dma_wait3A_1335 = arith.constant 0 : i32
      %dma_wait3A_1336 = arith.constant 0 : i32
      %dma_wait3A_1337 = tpu.memref_slice %arg6[%dma_wait3A_1327, %dma_wait3A_1335, %dma_wait3A_1336] : memref<8x32x128xf32, #tpu.memory_space<vmem>> -> memref<1x32x128xf32, #tpu.memory_space<vmem>>
      %dma_wait3A_1338 = tpu.memref_squeeze %dma_wait3A_1337 : memref<1x32x128xf32, #tpu.memory_space<vmem>> -> memref<32x128xf32, #tpu.memory_space<vmem>>
      %dma_wait3A_1339 = arith.constant 0 : i32
      %dma_wait3A_1340 = arith.constant 0 : i32
      %dma_wait3A_1341 = tpu.memref_slice %arg3[%dma_wait3A_1339, %dma_wait3A_1340] : memref<32x1000000xf32, #tpu.memory_space<hbm>> -> memref<32x128xf32, #tpu.memory_space<hbm>>
      tpu.wait_dma2 semaphore(%arg10 : memref<!tpu.dma_semaphore, #tpu.memory_space<semaphore_mem>>) src(%dma_wait3A_1341 : memref<32x128xf32, #tpu.memory_space<hbm>>) dst(%dma_wait3A_1338 : memref<32x128xf32, #tpu.memory_space<vmem>>)
      %dma_wait3A_1342 = arith.constant 4 : i32
      %dma_wait3A_1343 = arith.constant 0 : i32
      %dma_wait3A_1344 = arith.constant 0 : i32
      %dma_wait3A_1345 = tpu.memref_slice %arg6[%dma_wait3A_1342, %dma_wait3A_1343, %dma_wait3A_1344] : memref<8x32x128xf32, #tpu.memory_space<vmem>> -> memref<1x32x128xf32, #tpu.memory_space<vmem>>
      %dma_wait3A_1346 = tpu.memref_squeeze %dma_wait3A_1345 : memref<1x32x128xf32, #tpu.memory_space<vmem>> -> memref<32x128xf32, #tpu.memory_space<vmem>>
      %dma_wait3A_1347 = arith.constant 0 : i32
      %dma_wait3A_1348 = arith.constant 0 : i32
      %dma_wait3A_1349 = tpu.memref_slice %arg3[%dma_wait3A_1347, %dma_wait3A_1348] : memref<32x1000000xf32, #tpu.memory_space<hbm>> -> memref<32x128xf32, #tpu.memory_space<hbm>>
      %dma_wait3A_1350 = arith.constant 0 : i32
      %dma_wait3A_1351 = arith.constant 0 : i32
      %dma_wait3A_1352 = tpu.memref_slice %arg6[%dma_wait3A_1342, %dma_wait3A_1350, %dma_wait3A_1351] : memref<8x32x128xf32, #tpu.memory_space<vmem>> -> memref<1x32x128xf32, #tpu.memory_space<vmem>>
      %dma_wait3A_1353 = tpu.memref_squeeze %dma_wait3A_1352 : memref<1x32x128xf32, #tpu.memory_space<vmem>> -> memref<32x128xf32, #tpu.memory_space<vmem>>
      %dma_wait3A_1354 = arith.constant 0 : i32
      %dma_wait3A_1355 = arith.constant 0 : i32
      %dma_wait3A_1356 = tpu.memref_slice %arg3[%dma_wait3A_1354, %dma_wait3A_1355] : memref<32x1000000xf32, #tpu.memory_space<hbm>> -> memref<32x128xf32, #tpu.memory_space<hbm>>
      tpu.wait_dma2 semaphore(%arg10 : memref<!tpu.dma_semaphore, #tpu.memory_space<semaphore_mem>>) src(%dma_wait3A_1356 : memref<32x128xf32, #tpu.memory_space<hbm>>) dst(%dma_wait3A_1353 : memref<32x128xf32, #tpu.memory_space<vmem>>)
      %dma_wait3A_1357 = arith.constant 5 : i32
      %dma_wait3A_1358 = arith.constant 0 : i32
      %dma_wait3A_1359 = arith.constant 0 : i32
      %dma_wait3A_1360 = tpu.memref_slice %arg6[%dma_wait3A_1357, %dma_wait3A_1358, %dma_wait3A_1359] : memref<8x32x128xf32, #tpu.memory_space<vmem>> -> memref<1x32x128xf32, #tpu.memory_space<vmem>>
      %dma_wait3A_1361 = tpu.memref_squeeze %dma_wait3A_1360 : memref<1x32x128xf32, #tpu.memory_space<vmem>> -> memref<32x128xf32, #tpu.memory_space<vmem>>
      %dma_wait3A_1362 = arith.constant 0 : i32
      %dma_wait3A_1363 = arith.constant 0 : i32
      %dma_wait3A_1364 = tpu.memref_slice %arg3[%dma_wait3A_1362, %dma_wait3A_1363] : memref<32x1000000xf32, #tpu.memory_space<hbm>> -> memref<32x128xf32, #tpu.memory_space<hbm>>
      %dma_wait3A_1365 = arith.constant 0 : i32
      %dma_wait3A_1366 = arith.constant 0 : i32
      %dma_wait3A_1367 = tpu.memref_slice %arg6[%dma_wait3A_1357, %dma_wait3A_1365, %dma_wait3A_1366] : memref<8x32x128xf32, #tpu.memory_space<vmem>> -> memref<1x32x128xf32, #tpu.memory_space<vmem>>
      %dma_wait3A_1368 = tpu.memref_squeeze %dma_wait3A_1367 : memref<1x32x128xf32, #tpu.memory_space<vmem>> -> memref<32x128xf32, #tpu.memory_space<vmem>>
      %dma_wait3A_1369 = arith.constant 0 : i32
      %dma_wait3A_1370 = arith.constant 0 : i32
      %dma_wait3A_1371 = tpu.memref_slice %arg3[%dma_wait3A_1369, %dma_wait3A_1370] : memref<32x1000000xf32, #tpu.memory_space<hbm>> -> memref<32x128xf32, #tpu.memory_space<hbm>>
      tpu.wait_dma2 semaphore(%arg10 : memref<!tpu.dma_semaphore, #tpu.memory_space<semaphore_mem>>) src(%dma_wait3A_1371 : memref<32x128xf32, #tpu.memory_space<hbm>>) dst(%dma_wait3A_1368 : memref<32x128xf32, #tpu.memory_space<vmem>>)
      %dma_wait3A_1372 = arith.constant 6 : i32
      %dma_wait3A_1373 = arith.constant 0 : i32
      %dma_wait3A_1374 = arith.constant 0 : i32
      %dma_wait3A_1375 = tpu.memref_slice %arg6[%dma_wait3A_1372, %dma_wait3A_1373, %dma_wait3A_1374] : memref<8x32x128xf32, #tpu.memory_space<vmem>> -> memref<1x32x128xf32, #tpu.memory_space<vmem>>
      %dma_wait3A_1376 = tpu.memref_squeeze %dma_wait3A_1375 : memref<1x32x128xf32, #tpu.memory_space<vmem>> -> memref<32x128xf32, #tpu.memory_space<vmem>>
      %dma_wait3A_1377 = arith.constant 0 : i32
      %dma_wait3A_1378 = arith.constant 0 : i32
      %dma_wait3A_1379 = tpu.memref_slice %arg3[%dma_wait3A_1377, %dma_wait3A_1378] : memref<32x1000000xf32, #tpu.memory_space<hbm>> -> memref<32x128xf32, #tpu.memory_space<hbm>>
      %dma_wait3A_1380 = arith.constant 0 : i32
      %dma_wait3A_1381 = arith.constant 0 : i32
      %dma_wait3A_1382 = tpu.memref_slice %arg6[%dma_wait3A_1372, %dma_wait3A_1380, %dma_wait3A_1381] : memref<8x32x128xf32, #tpu.memory_space<vmem>> -> memref<1x32x128xf32, #tpu.memory_space<vmem>>
      %dma_wait3A_1383 = tpu.memref_squeeze %dma_wait3A_1382 : memref<1x32x128xf32, #tpu.memory_space<vmem>> -> memref<32x128xf32, #tpu.memory_space<vmem>>
      %dma_wait3A_1384 = arith.constant 0 : i32
      %dma_wait3A_1385 = arith.constant 0 : i32
      %dma_wait3A_1386 = tpu.memref_slice %arg3[%dma_wait3A_1384, %dma_wait3A_1385] : memref<32x1000000xf32, #tpu.memory_space<hbm>> -> memref<32x128xf32, #tpu.memory_space<hbm>>
      tpu.wait_dma2 semaphore(%arg10 : memref<!tpu.dma_semaphore, #tpu.memory_space<semaphore_mem>>) src(%dma_wait3A_1386 : memref<32x128xf32, #tpu.memory_space<hbm>>) dst(%dma_wait3A_1383 : memref<32x128xf32, #tpu.memory_space<vmem>>)
      %dma_wait3A_1387 = arith.constant 7 : i32
      %dma_wait3A_1388 = arith.constant 0 : i32
      %dma_wait3A_1389 = arith.constant 0 : i32
      %dma_wait3A_1390 = tpu.memref_slice %arg6[%dma_wait3A_1387, %dma_wait3A_1388, %dma_wait3A_1389] : memref<8x32x128xf32, #tpu.memory_space<vmem>> -> memref<1x32x128xf32, #tpu.memory_space<vmem>>
      %dma_wait3A_1391 = tpu.memref_squeeze %dma_wait3A_1390 : memref<1x32x128xf32, #tpu.memory_space<vmem>> -> memref<32x128xf32, #tpu.memory_space<vmem>>
      %dma_wait3A_1392 = arith.constant 0 : i32
      %dma_wait3A_1393 = arith.constant 0 : i32
      %dma_wait3A_1394 = tpu.memref_slice %arg3[%dma_wait3A_1392, %dma_wait3A_1393] : memref<32x1000000xf32, #tpu.memory_space<hbm>> -> memref<32x128xf32, #tpu.memory_space<hbm>>
      %dma_wait3A_1395 = arith.constant 0 : i32
      %dma_wait3A_1396 = arith.constant 0 : i32
      %dma_wait3A_1397 = tpu.memref_slice %arg6[%dma_wait3A_1387, %dma_wait3A_1395, %dma_wait3A_1396] : memref<8x32x128xf32, #tpu.memory_space<vmem>> -> memref<1x32x128xf32, #tpu.memory_space<vmem>>
      %dma_wait3A_1398 = tpu.memref_squeeze %dma_wait3A_1397 : memref<1x32x128xf32, #tpu.memory_space<vmem>> -> memref<32x128xf32, #tpu.memory_space<vmem>>
      %dma_wait3A_1399 = arith.constant 0 : i32
      %dma_wait3A_1400 = arith.constant 0 : i32
      %dma_wait3A_1401 = tpu.memref_slice %arg3[%dma_wait3A_1399, %dma_wait3A_1400] : memref<32x1000000xf32, #tpu.memory_space<hbm>> -> memref<32x128xf32, #tpu.memory_space<hbm>>
      tpu.wait_dma2 semaphore(%arg10 : memref<!tpu.dma_semaphore, #tpu.memory_space<semaphore_mem>>) src(%dma_wait3A_1401 : memref<32x128xf32, #tpu.memory_space<hbm>>) dst(%dma_wait3A_1398 : memref<32x128xf32, #tpu.memory_space<vmem>>)
      %and3A_1402 = arith.constant 127 : i32
      %and3A_1403 = arith.andi %reduce_max3A_1190, %and3A_1402 : i32
      %broadcast_in_dim3A_1404 = vector.broadcast %and3A_1403 : i32 to vector<16xi32>
      %mul3A_1405 = arith.constant 8 : i32
      %mul3A_1406 = arith.muli %mul3A_842, %mul3A_1405 : i32
      %add3A_1407 = arith.constant 0 : i32
      %add3A_1408 = arith.addi %mul3A_1406, %add3A_1407 : i32
      %broadcast_in_dim3A_1409 = vector.broadcast %add3A_1408 : i32 to vector<16xi32>
      %gather3A_1410 = arith.constant 0 : i32
      %gather3A_1411 = arith.constant 0 : i32
      %gather3A_1412 = arith.constant 0 : i32
      %gather3A_1413 = tpu.memref_slice %arg6[%gather3A_1410, %gather3A_1411, %gather3A_1412] : memref<8x32x128xf32, #tpu.memory_space<vmem>> -> memref<1x32x128xf32, #tpu.memory_space<vmem>>
      %gather3A_1414 = tpu.memref_squeeze %gather3A_1413 : memref<1x32x128xf32, #tpu.memory_space<vmem>> -> memref<32x128xf32, #tpu.memory_space<vmem>>
      %gather3A_1415 = tpu.vector_load_idx %gather3A_1414[%iota3A, %broadcast_in_dim3A_1404] : memref<32x128xf32, #tpu.memory_space<vmem>>[vector<16xi32>, vector<16xi32>], vector<16xf32>,
      %gather3A_1416 = arith.constant 0 : i32
      %gather3A_1417 = arith.constant 0 : i32
      %gather3A_1418 = arith.constant 0 : i32
      %gather3A_1419 = tpu.memref_slice %arg6[%gather3A_1416, %gather3A_1417, %gather3A_1418] : memref<8x32x128xf32, #tpu.memory_space<vmem>> -> memref<1x32x128xf32, #tpu.memory_space<vmem>>
      %gather3A_1420 = tpu.memref_squeeze %gather3A_1419 : memref<1x32x128xf32, #tpu.memory_space<vmem>> -> memref<32x128xf32, #tpu.memory_space<vmem>>
      %gather3A_1421 = tpu.vector_load_idx %gather3A_1420[%add3A_5, %broadcast_in_dim3A_1404] : memref<32x128xf32, #tpu.memory_space<vmem>>[vector<16xi32>, vector<16xi32>], vector<16xf32>,
      tpu.vector_store_idx %arg9[%iota3A, %broadcast_in_dim3A_1409], %gather3A_1415 : memref<32x512xf32, #tpu.memory_space<vmem>>[vector<16xi32>, vector<16xi32>], vector<16xf32>,
      tpu.vector_store_idx %arg9[%add3A_5, %broadcast_in_dim3A_1409], %gather3A_1421 : memref<32x512xf32, #tpu.memory_space<vmem>>[vector<16xi32>, vector<16xi32>], vector<16xf32>,
      %and3A_1422 = arith.constant 127 : i32
      %and3A_1423 = arith.andi %reduce_max3A_1203, %and3A_1422 : i32
      %broadcast_in_dim3A_1424 = vector.broadcast %and3A_1423 : i32 to vector<16xi32>
      %mul3A_1425 = arith.constant 8 : i32
      %mul3A_1426 = arith.muli %mul3A_842, %mul3A_1425 : i32
      %add3A_1427 = arith.constant 1 : i32
      %add3A_1428 = arith.addi %mul3A_1426, %add3A_1427 : i32
      %broadcast_in_dim3A_1429 = vector.broadcast %add3A_1428 : i32 to vector<16xi32>
      %gather3A_1430 = arith.constant 1 : i32
      %gather3A_1431 = arith.constant 0 : i32
      %gather3A_1432 = arith.constant 0 : i32
      %gather3A_1433 = tpu.memref_slice %arg6[%gather3A_1430, %gather3A_1431, %gather3A_1432] : memref<8x32x128xf32, #tpu.memory_space<vmem>> -> memref<1x32x128xf32, #tpu.memory_space<vmem>>
      %gather3A_1434 = tpu.memref_squeeze %gather3A_1433 : memref<1x32x128xf32, #tpu.memory_space<vmem>> -> memref<32x128xf32, #tpu.memory_space<vmem>>
      %gather3A_1435 = tpu.vector_load_idx %gather3A_1434[%iota3A, %broadcast_in_dim3A_1424] : memref<32x128xf32, #tpu.memory_space<vmem>>[vector<16xi32>, vector<16xi32>], vector<16xf32>,
      %gather3A_1436 = arith.constant 1 : i32
      %gather3A_1437 = arith.constant 0 : i32
      %gather3A_1438 = arith.constant 0 : i32
      %gather3A_1439 = tpu.memref_slice %arg6[%gather3A_1436, %gather3A_1437, %gather3A_1438] : memref<8x32x128xf32, #tpu.memory_space<vmem>> -> memref<1x32x128xf32, #tpu.memory_space<vmem>>
      %gather3A_1440 = tpu.memref_squeeze %gather3A_1439 : memref<1x32x128xf32, #tpu.memory_space<vmem>> -> memref<32x128xf32, #tpu.memory_space<vmem>>
      %gather3A_1441 = tpu.vector_load_idx %gather3A_1440[%add3A_5, %broadcast_in_dim3A_1424] : memref<32x128xf32, #tpu.memory_space<vmem>>[vector<16xi32>, vector<16xi32>], vector<16xf32>,
      tpu.vector_store_idx %arg9[%iota3A, %broadcast_in_dim3A_1429], %gather3A_1435 : memref<32x512xf32, #tpu.memory_space<vmem>>[vector<16xi32>, vector<16xi32>], vector<16xf32>,
      tpu.vector_store_idx %arg9[%add3A_5, %broadcast_in_dim3A_1429], %gather3A_1441 : memref<32x512xf32, #tpu.memory_space<vmem>>[vector<16xi32>, vector<16xi32>], vector<16xf32>,
      %and3A_1442 = arith.constant 127 : i32
      %and3A_1443 = arith.andi %reduce_max3A_1216, %and3A_1442 : i32
      %broadcast_in_dim3A_1444 = vector.broadcast %and3A_1443 : i32 to vector<16xi32>
      %mul3A_1445 = arith.constant 8 : i32
      %mul3A_1446 = arith.muli %mul3A_842, %mul3A_1445 : i32
      %add3A_1447 = arith.constant 2 : i32
      %add3A_1448 = arith.addi %mul3A_1446, %add3A_1447 : i32
      %broadcast_in_dim3A_1449 = vector.broadcast %add3A_1448 : i32 to vector<16xi32>
      %gather3A_1450 = arith.constant 2 : i32
      %gather3A_1451 = arith.constant 0 : i32
      %gather3A_1452 = arith.constant 0 : i32
      %gather3A_1453 = tpu.memref_slice %arg6[%gather3A_1450, %gather3A_1451, %gather3A_1452] : memref<8x32x128xf32, #tpu.memory_space<vmem>> -> memref<1x32x128xf32, #tpu.memory_space<vmem>>
      %gather3A_1454 = tpu.memref_squeeze %gather3A_1453 : memref<1x32x128xf32, #tpu.memory_space<vmem>> -> memref<32x128xf32, #tpu.memory_space<vmem>>
      %gather3A_1455 = tpu.vector_load_idx %gather3A_1454[%iota3A, %broadcast_in_dim3A_1444] : memref<32x128xf32, #tpu.memory_space<vmem>>[vector<16xi32>, vector<16xi32>], vector<16xf32>,
      %gather3A_1456 = arith.constant 2 : i32
      %gather3A_1457 = arith.constant 0 : i32
      %gather3A_1458 = arith.constant 0 : i32
      %gather3A_1459 = tpu.memref_slice %arg6[%gather3A_1456, %gather3A_1457, %gather3A_1458] : memref<8x32x128xf32, #tpu.memory_space<vmem>> -> memref<1x32x128xf32, #tpu.memory_space<vmem>>
      %gather3A_1460 = tpu.memref_squeeze %gather3A_1459 : memref<1x32x128xf32, #tpu.memory_space<vmem>> -> memref<32x128xf32, #tpu.memory_space<vmem>>
      %gather3A_1461 = tpu.vector_load_idx %gather3A_1460[%add3A_5, %broadcast_in_dim3A_1444] : memref<32x128xf32, #tpu.memory_space<vmem>>[vector<16xi32>, vector<16xi32>], vector<16xf32>,
      tpu.vector_store_idx %arg9[%iota3A, %broadcast_in_dim3A_1449], %gather3A_1455 : memref<32x512xf32, #tpu.memory_space<vmem>>[vector<16xi32>, vector<16xi32>], vector<16xf32>,
      tpu.vector_store_idx %arg9[%add3A_5, %broadcast_in_dim3A_1449], %gather3A_1461 : memref<32x512xf32, #tpu.memory_space<vmem>>[vector<16xi32>, vector<16xi32>], vector<16xf32>,
      %and3A_1462 = arith.constant 127 : i32
      %and3A_1463 = arith.andi %reduce_max3A_1229, %and3A_1462 : i32
      %broadcast_in_dim3A_1464 = vector.broadcast %and3A_1463 : i32 to vector<16xi32>
      %mul3A_1465 = arith.constant 8 : i32
      %mul3A_1466 = arith.muli %mul3A_842, %mul3A_1465 : i32
      %add3A_1467 = arith.constant 3 : i32
      %add3A_1468 = arith.addi %mul3A_1466, %add3A_1467 : i32
      %broadcast_in_dim3A_1469 = vector.broadcast %add3A_1468 : i32 to vector<16xi32>
      %gather3A_1470 = arith.constant 3 : i32
      %gather3A_1471 = arith.constant 0 : i32
      %gather3A_1472 = arith.constant 0 : i32
      %gather3A_1473 = tpu.memref_slice %arg6[%gather3A_1470, %gather3A_1471, %gather3A_1472] : memref<8x32x128xf32, #tpu.memory_space<vmem>> -> memref<1x32x128xf32, #tpu.memory_space<vmem>>
      %gather3A_1474 = tpu.memref_squeeze %gather3A_1473 : memref<1x32x128xf32, #tpu.memory_space<vmem>> -> memref<32x128xf32, #tpu.memory_space<vmem>>
      %gather3A_1475 = tpu.vector_load_idx %gather3A_1474[%iota3A, %broadcast_in_dim3A_1464] : memref<32x128xf32, #tpu.memory_space<vmem>>[vector<16xi32>, vector<16xi32>], vector<16xf32>,
      %gather3A_1476 = arith.constant 3 : i32
      %gather3A_1477 = arith.constant 0 : i32
      %gather3A_1478 = arith.constant 0 : i32
      %gather3A_1479 = tpu.memref_slice %arg6[%gather3A_1476, %gather3A_1477, %gather3A_1478] : memref<8x32x128xf32, #tpu.memory_space<vmem>> -> memref<1x32x128xf32, #tpu.memory_space<vmem>>
      %gather3A_1480 = tpu.memref_squeeze %gather3A_1479 : memref<1x32x128xf32, #tpu.memory_space<vmem>> -> memref<32x128xf32, #tpu.memory_space<vmem>>
      %gather3A_1481 = tpu.vector_load_idx %gather3A_1480[%add3A_5, %broadcast_in_dim3A_1464] : memref<32x128xf32, #tpu.memory_space<vmem>>[vector<16xi32>, vector<16xi32>], vector<16xf32>,
      tpu.vector_store_idx %arg9[%iota3A, %broadcast_in_dim3A_1469], %gather3A_1475 : memref<32x512xf32, #tpu.memory_space<vmem>>[vector<16xi32>, vector<16xi32>], vector<16xf32>,
      tpu.vector_store_idx %arg9[%add3A_5, %broadcast_in_dim3A_1469], %gather3A_1481 : memref<32x512xf32, #tpu.memory_space<vmem>>[vector<16xi32>, vector<16xi32>], vector<16xf32>,
      %and3A_1482 = arith.constant 127 : i32
      %and3A_1483 = arith.andi %reduce_max3A_1242, %and3A_1482 : i32
      %broadcast_in_dim3A_1484 = vector.broadcast %and3A_1483 : i32 to vector<16xi32>
      %mul3A_1485 = arith.constant 8 : i32
      %mul3A_1486 = arith.muli %mul3A_842, %mul3A_1485 : i32
      %add3A_1487 = arith.constant 4 : i32
      %add3A_1488 = arith.addi %mul3A_1486, %add3A_1487 : i32
      %broadcast_in_dim3A_1489 = vector.broadcast %add3A_1488 : i32 to vector<16xi32>
      %gather3A_1490 = arith.constant 4 : i32
      %gather3A_1491 = arith.constant 0 : i32
      %gather3A_1492 = arith.constant 0 : i32
      %gather3A_1493 = tpu.memref_slice %arg6[%gather3A_1490, %gather3A_1491, %gather3A_1492] : memref<8x32x128xf32, #tpu.memory_space<vmem>> -> memref<1x32x128xf32, #tpu.memory_space<vmem>>
      %gather3A_1494 = tpu.memref_squeeze %gather3A_1493 : memref<1x32x128xf32, #tpu.memory_space<vmem>> -> memref<32x128xf32, #tpu.memory_space<vmem>>
      %gather3A_1495 = tpu.vector_load_idx %gather3A_1494[%iota3A, %broadcast_in_dim3A_1484] : memref<32x128xf32, #tpu.memory_space<vmem>>[vector<16xi32>, vector<16xi32>], vector<16xf32>,
      %gather3A_1496 = arith.constant 4 : i32
      %gather3A_1497 = arith.constant 0 : i32
      %gather3A_1498 = arith.constant 0 : i32
      %gather3A_1499 = tpu.memref_slice %arg6[%gather3A_1496, %gather3A_1497, %gather3A_1498] : memref<8x32x128xf32, #tpu.memory_space<vmem>> -> memref<1x32x128xf32, #tpu.memory_space<vmem>>
      %gather3A_1500 = tpu.memref_squeeze %gather3A_1499 : memref<1x32x128xf32, #tpu.memory_space<vmem>> -> memref<32x128xf32, #tpu.memory_space<vmem>>
      %gather3A_1501 = tpu.vector_load_idx %gather3A_1500[%add3A_5, %broadcast_in_dim3A_1484] : memref<32x128xf32, #tpu.memory_space<vmem>>[vector<16xi32>, vector<16xi32>], vector<16xf32>,
      tpu.vector_store_idx %arg9[%iota3A, %broadcast_in_dim3A_1489], %gather3A_1495 : memref<32x512xf32, #tpu.memory_space<vmem>>[vector<16xi32>, vector<16xi32>], vector<16xf32>,
      tpu.vector_store_idx %arg9[%add3A_5, %broadcast_in_dim3A_1489], %gather3A_1501 : memref<32x512xf32, #tpu.memory_space<vmem>>[vector<16xi32>, vector<16xi32>], vector<16xf32>,
      %and3A_1502 = arith.constant 127 : i32
      %and3A_1503 = arith.andi %reduce_max3A_1255, %and3A_1502 : i32
      %broadcast_in_dim3A_1504 = vector.broadcast %and3A_1503 : i32 to vector<16xi32>
      %mul3A_1505 = arith.constant 8 : i32
      %mul3A_1506 = arith.muli %mul3A_842, %mul3A_1505 : i32
      %add3A_1507 = arith.constant 5 : i32
      %add3A_1508 = arith.addi %mul3A_1506, %add3A_1507 : i32
      %broadcast_in_dim3A_1509 = vector.broadcast %add3A_1508 : i32 to vector<16xi32>
      %gather3A_1510 = arith.constant 5 : i32
      %gather3A_1511 = arith.constant 0 : i32
      %gather3A_1512 = arith.constant 0 : i32
      %gather3A_1513 = tpu.memref_slice %arg6[%gather3A_1510, %gather3A_1511, %gather3A_1512] : memref<8x32x128xf32, #tpu.memory_space<vmem>> -> memref<1x32x128xf32, #tpu.memory_space<vmem>>
      %gather3A_1514 = tpu.memref_squeeze %gather3A_1513 : memref<1x32x128xf32, #tpu.memory_space<vmem>> -> memref<32x128xf32, #tpu.memory_space<vmem>>
      %gather3A_1515 = tpu.vector_load_idx %gather3A_1514[%iota3A, %broadcast_in_dim3A_1504] : memref<32x128xf32, #tpu.memory_space<vmem>>[vector<16xi32>, vector<16xi32>], vector<16xf32>,
      %gather3A_1516 = arith.constant 5 : i32
      %gather3A_1517 = arith.constant 0 : i32
      %gather3A_1518 = arith.constant 0 : i32
      %gather3A_1519 = tpu.memref_slice %arg6[%gather3A_1516, %gather3A_1517, %gather3A_1518] : memref<8x32x128xf32, #tpu.memory_space<vmem>> -> memref<1x32x128xf32, #tpu.memory_space<vmem>>
      %gather3A_1520 = tpu.memref_squeeze %gather3A_1519 : memref<1x32x128xf32, #tpu.memory_space<vmem>> -> memref<32x128xf32, #tpu.memory_space<vmem>>
      %gather3A_1521 = tpu.vector_load_idx %gather3A_1520[%add3A_5, %broadcast_in_dim3A_1504] : memref<32x128xf32, #tpu.memory_space<vmem>>[vector<16xi32>, vector<16xi32>], vector<16xf32>,
      tpu.vector_store_idx %arg9[%iota3A, %broadcast_in_dim3A_1509], %gather3A_1515 : memref<32x512xf32, #tpu.memory_space<vmem>>[vector<16xi32>, vector<16xi32>], vector<16xf32>,
      tpu.vector_store_idx %arg9[%add3A_5, %broadcast_in_dim3A_1509], %gather3A_1521 : memref<32x512xf32, #tpu.memory_space<vmem>>[vector<16xi32>, vector<16xi32>], vector<16xf32>,
      %and3A_1522 = arith.constant 127 : i32
      %and3A_1523 = arith.andi %reduce_max3A_1268, %and3A_1522 : i32
      %broadcast_in_dim3A_1524 = vector.broadcast %and3A_1523 : i32 to vector<16xi32>
      %mul3A_1525 = arith.constant 8 : i32
      %mul3A_1526 = arith.muli %mul3A_842, %mul3A_1525 : i32
      %add3A_1527 = arith.constant 6 : i32
      %add3A_1528 = arith.addi %mul3A_1526, %add3A_1527 : i32
      %broadcast_in_dim3A_1529 = vector.broadcast %add3A_1528 : i32 to vector<16xi32>
      %gather3A_1530 = arith.constant 6 : i32
      %gather3A_1531 = arith.constant 0 : i32
      %gather3A_1532 = arith.constant 0 : i32
      %gather3A_1533 = tpu.memref_slice %arg6[%gather3A_1530, %gather3A_1531, %gather3A_1532] : memref<8x32x128xf32, #tpu.memory_space<vmem>> -> memref<1x32x128xf32, #tpu.memory_space<vmem>>
      %gather3A_1534 = tpu.memref_squeeze %gather3A_1533 : memref<1x32x128xf32, #tpu.memory_space<vmem>> -> memref<32x128xf32, #tpu.memory_space<vmem>>
      %gather3A_1535 = tpu.vector_load_idx %gather3A_1534[%iota3A, %broadcast_in_dim3A_1524] : memref<32x128xf32, #tpu.memory_space<vmem>>[vector<16xi32>, vector<16xi32>], vector<16xf32>,
      %gather3A_1536 = arith.constant 6 : i32
      %gather3A_1537 = arith.constant 0 : i32
      %gather3A_1538 = arith.constant 0 : i32
      %gather3A_1539 = tpu.memref_slice %arg6[%gather3A_1536, %gather3A_1537, %gather3A_1538] : memref<8x32x128xf32, #tpu.memory_space<vmem>> -> memref<1x32x128xf32, #tpu.memory_space<vmem>>
      %gather3A_1540 = tpu.memref_squeeze %gather3A_1539 : memref<1x32x128xf32, #tpu.memory_space<vmem>> -> memref<32x128xf32, #tpu.memory_space<vmem>>
      %gather3A_1541 = tpu.vector_load_idx %gather3A_1540[%add3A_5, %broadcast_in_dim3A_1524] : memref<32x128xf32, #tpu.memory_space<vmem>>[vector<16xi32>, vector<16xi32>], vector<16xf32>,
      tpu.vector_store_idx %arg9[%iota3A, %broadcast_in_dim3A_1529], %gather3A_1535 : memref<32x512xf32, #tpu.memory_space<vmem>>[vector<16xi32>, vector<16xi32>], vector<16xf32>,
      tpu.vector_store_idx %arg9[%add3A_5, %broadcast_in_dim3A_1529], %gather3A_1541 : memref<32x512xf32, #tpu.memory_space<vmem>>[vector<16xi32>, vector<16xi32>], vector<16xf32>,
      %and3A_1542 = arith.constant 127 : i32
      %and3A_1543 = arith.andi %reduce_max3A_1281, %and3A_1542 : i32
      %broadcast_in_dim3A_1544 = vector.broadcast %and3A_1543 : i32 to vector<16xi32>
      %mul3A_1545 = arith.constant 8 : i32
      %mul3A_1546 = arith.muli %mul3A_842, %mul3A_1545 : i32
      %add3A_1547 = arith.constant 7 : i32
      %add3A_1548 = arith.addi %mul3A_1546, %add3A_1547 : i32
      %broadcast_in_dim3A_1549 = vector.broadcast %add3A_1548 : i32 to vector<16xi32>
      %gather3A_1550 = arith.constant 7 : i32
      %gather3A_1551 = arith.constant 0 : i32
      %gather3A_1552 = arith.constant 0 : i32
      %gather3A_1553 = tpu.memref_slice %arg6[%gather3A_1550, %gather3A_1551, %gather3A_1552] : memref<8x32x128xf32, #tpu.memory_space<vmem>> -> memref<1x32x128xf32, #tpu.memory_space<vmem>>
      %gather3A_1554 = tpu.memref_squeeze %gather3A_1553 : memref<1x32x128xf32, #tpu.memory_space<vmem>> -> memref<32x128xf32, #tpu.memory_space<vmem>>
      %gather3A_1555 = tpu.vector_load_idx %gather3A_1554[%iota3A, %broadcast_in_dim3A_1544] : memref<32x128xf32, #tpu.memory_space<vmem>>[vector<16xi32>, vector<16xi32>], vector<16xf32>,
      %gather3A_1556 = arith.constant 7 : i32
      %gather3A_1557 = arith.constant 0 : i32
      %gather3A_1558 = arith.constant 0 : i32
      %gather3A_1559 = tpu.memref_slice %arg6[%gather3A_1556, %gather3A_1557, %gather3A_1558] : memref<8x32x128xf32, #tpu.memory_space<vmem>> -> memref<1x32x128xf32, #tpu.memory_space<vmem>>
      %gather3A_1560 = tpu.memref_squeeze %gather3A_1559 : memref<1x32x128xf32, #tpu.memory_space<vmem>> -> memref<32x128xf32, #tpu.memory_space<vmem>>
      %gather3A_1561 = tpu.vector_load_idx %gather3A_1560[%add3A_5, %broadcast_in_dim3A_1544] : memref<32x128xf32, #tpu.memory_space<vmem>>[vector<16xi32>, vector<16xi32>], vector<16xf32>,
      tpu.vector_store_idx %arg9[%iota3A, %broadcast_in_dim3A_1549], %gather3A_1555 : memref<32x512xf32, #tpu.memory_space<vmem>>[vector<16xi32>, vector<16xi32>], vector<16xf32>,
      tpu.vector_store_idx %arg9[%add3A_5, %broadcast_in_dim3A_1549], %gather3A_1561 : memref<32x512xf32, #tpu.memory_space<vmem>>[vector<16xi32>, vector<16xi32>], vector<16xf32>,
      %add3A_1562 = arith.constant 3 : i32
      %add3A_1563 = arith.addi %mul3A_842, %add3A_1562 : i32
      %jit3A_1564 = arith.constant 2 : i32
      %div3A_1565 = arith.divsi %add3A_1563, %jit3A_1564 : i32
      %sign3A_1566 = arith.constant 0 : i32
      %sign3A_1567 = arith.cmpi sgt, %add3A_1563, %sign3A_1566 : i32
      %sign3A_1568 = arith.extui %sign3A_1567 : i1 to i32
      %sign3A_1569 = arith.constant 0 : i32
      %sign3A_1570 = arith.cmpi slt, %add3A_1563, %sign3A_1569 : i32
      %sign3A_1571 = arith.extui %sign3A_1570 : i1 to i32
      %sign3A_1572 = arith.subi %sign3A_1568, %sign3A_1571 : i32
      %sign3A_1573 = arith.constant 0 : i32
      %sign3A_1574 = arith.cmpi sgt, %jit3A_1564, %sign3A_1573 : i32
      %sign3A_1575 = arith.extui %sign3A_1574 : i1 to i32
      %sign3A_1576 = arith.constant 0 : i32
      %sign3A_1577 = arith.cmpi slt, %jit3A_1564, %sign3A_1576 : i32
      %sign3A_1578 = arith.extui %sign3A_1577 : i1 to i32
      %sign3A_1579 = arith.subi %sign3A_1575, %sign3A_1578 : i32
      %ne3A_1580 = arith.cmpi ne, %sign3A_1572, %sign3A_1579 : i32
      %rem3A_1581 = arith.remsi %add3A_1563, %jit3A_1564 : i32
      %ne3A_1582 = arith.constant 0 : i32
      %ne3A_1583 = arith.cmpi ne, %rem3A_1581, %ne3A_1582 : i32
      %and3A_1584 = arith.andi %ne3A_1580, %ne3A_1583 : i1
      %sub3A_1585 = arith.constant 1 : i32
      %sub3A_1586 = arith.subi %div3A_1565, %sub3A_1585 : i32
      %select_n3A_1587 = arith.select %and3A_1584, %sub3A_1586, %div3A_1565 : i32
      %mul3A_1588 = arith.constant 16 : i32
      %mul3A_1589 = arith.muli %select_n3A_1587, %mul3A_1588 : i32
      %get3A_1590 = arith.index_cast %mul3A_1589 : i32 to index
      %get3A_1591 = tpu.vector_load %arg5[%get3A_1590] {strides = array<i32>} : memref<512xi32, #tpu.memory_space<vmem>>, vector<16xi32>,
      %jit3A_1592 = arith.constant 2 : i32
      %eq3A_1593 = arith.constant 0 : i32
      %eq3A_1594 = arith.cmpi eq, %jit3A_1592, %eq3A_1593 : i32
      %jit3A_1595 = arith.constant 1 : i32
      %select_n3A_1596 = arith.select %eq3A_1594, %jit3A_1595, %jit3A_1592 : i32
      %rem3A_1597 = arith.remsi %add3A_1563, %select_n3A_1596 : i32
      %ne3A_1598 = arith.constant 0 : i32
      %ne3A_1599 = arith.cmpi ne, %rem3A_1597, %ne3A_1598 : i32
      %lt3A_1600 = arith.constant 0 : i32
      %lt3A_1601 = arith.cmpi slt, %rem3A_1597, %lt3A_1600 : i32
      %lt3A_1602 = arith.constant 0 : i32
      %lt3A_1603 = arith.cmpi slt, %select_n3A_1596, %lt3A_1602 : i32
      %ne3A_1604 = arith.xori %lt3A_1601, %lt3A_1603 : i1
      %and3A_1605 = arith.andi %ne3A_1604, %ne3A_1599 : i1
      %add3A_1606 = arith.addi %rem3A_1597, %select_n3A_1596 : i32
      %select_n3A_1607 = arith.select %and3A_1605, %add3A_1606, %rem3A_1597 : i32
      %mul3A_1608 = arith.constant 8 : i32
      %mul3A_1609 = arith.muli %select_n3A_1607, %mul3A_1608 : i32
      %add3A_1610 = arith.constant 0 : i32
      %add3A_1611 = arith.addi %mul3A_1609, %add3A_1610 : i32
      %eq3A_1612 = vector.broadcast %add3A_1611 : i32 to vector<16xi32>
      %eq3A_1613 = arith.cmpi eq, %iota3A, %eq3A_1612 : vector<16xi32>
      %select_n3A_1614 = arith.select %eq3A_1613, %get3A_1591, %broadcast_in_dim3A_6 : vector<16xi1>, vector<16xi32>
      %reduce_max3A_1615 = arith.constant true
      %reduce_max3A_1616 = vector.broadcast %reduce_max3A_1615 : i1 to vector<16xi1>
      %reduce_max3A_1617 = arith.constant -2147483648 : i32
      %reduce_max3A_1618 = vector.broadcast %reduce_max3A_1617 : i32 to vector<16xi32>
      %reduce_max3A_1619 = arith.xori %select_n3A_1614, %reduce_max3A_1618 : vector<16xi32>
      %reduce_max3A_1620 = tpu.scan <max>, %reduce_max3A_1619 masked %reduce_max3A_1616 : vector<16xi32>, vector<16xi1> -> vector<16xi32>
      %reduce_max3A_1621 = arith.xori %reduce_max3A_1620, %reduce_max3A_1618 : vector<16xi32>
      %reduce_max3A_1622 = vector.extract %reduce_max3A_1621[15] : i32 from vector<16xi32>
      %add3A_1623 = arith.constant 1 : i32
      %add3A_1624 = arith.addi %mul3A_1609, %add3A_1623 : i32
      %eq3A_1625 = vector.broadcast %add3A_1624 : i32 to vector<16xi32>
      %eq3A_1626 = arith.cmpi eq, %iota3A, %eq3A_1625 : vector<16xi32>
      %select_n3A_1627 = arith.select %eq3A_1626, %get3A_1591, %broadcast_in_dim3A_6 : vector<16xi1>, vector<16xi32>
      %reduce_max3A_1628 = arith.constant true
      %reduce_max3A_1629 = vector.broadcast %reduce_max3A_1628 : i1 to vector<16xi1>
      %reduce_max3A_1630 = arith.constant -2147483648 : i32
      %reduce_max3A_1631 = vector.broadcast %reduce_max3A_1630 : i32 to vector<16xi32>
      %reduce_max3A_1632 = arith.xori %select_n3A_1627, %reduce_max3A_1631 : vector<16xi32>
      %reduce_max3A_1633 = tpu.scan <max>, %reduce_max3A_1632 masked %reduce_max3A_1629 : vector<16xi32>, vector<16xi1> -> vector<16xi32>
      %reduce_max3A_1634 = arith.xori %reduce_max3A_1633, %reduce_max3A_1631 : vector<16xi32>
      %reduce_max3A_1635 = vector.extract %reduce_max3A_1634[15] : i32 from vector<16xi32>
      %add3A_1636 = arith.constant 2 : i32
      %add3A_1637 = arith.addi %mul3A_1609, %add3A_1636 : i32
      %eq3A_1638 = vector.broadcast %add3A_1637 : i32 to vector<16xi32>
      %eq3A_1639 = arith.cmpi eq, %iota3A, %eq3A_1638 : vector<16xi32>
      %select_n3A_1640 = arith.select %eq3A_1639, %get3A_1591, %broadcast_in_dim3A_6 : vector<16xi1>, vector<16xi32>
      %reduce_max3A_1641 = arith.constant true
      %reduce_max3A_1642 = vector.broadcast %reduce_max3A_1641 : i1 to vector<16xi1>
      %reduce_max3A_1643 = arith.constant -2147483648 : i32
      %reduce_max3A_1644 = vector.broadcast %reduce_max3A_1643 : i32 to vector<16xi32>
      %reduce_max3A_1645 = arith.xori %select_n3A_1640, %reduce_max3A_1644 : vector<16xi32>
      %reduce_max3A_1646 = tpu.scan <max>, %reduce_max3A_1645 masked %reduce_max3A_1642 : vector<16xi32>, vector<16xi1> -> vector<16xi32>
      %reduce_max3A_1647 = arith.xori %reduce_max3A_1646, %reduce_max3A_1644 : vector<16xi32>
      %reduce_max3A_1648 = vector.extract %reduce_max3A_1647[15] : i32 from vector<16xi32>
      %add3A_1649 = arith.constant 3 : i32
      %add3A_1650 = arith.addi %mul3A_1609, %add3A_1649 : i32
      %eq3A_1651 = vector.broadcast %add3A_1650 : i32 to vector<16xi32>
      %eq3A_1652 = arith.cmpi eq, %iota3A, %eq3A_1651 : vector<16xi32>
      %select_n3A_1653 = arith.select %eq3A_1652, %get3A_1591, %broadcast_in_dim3A_6 : vector<16xi1>, vector<16xi32>
      %reduce_max3A_1654 = arith.constant true
      %reduce_max3A_1655 = vector.broadcast %reduce_max3A_1654 : i1 to vector<16xi1>
      %reduce_max3A_1656 = arith.constant -2147483648 : i32
      %reduce_max3A_1657 = vector.broadcast %reduce_max3A_1656 : i32 to vector<16xi32>
      %reduce_max3A_1658 = arith.xori %select_n3A_1653, %reduce_max3A_1657 : vector<16xi32>
      %reduce_max3A_1659 = tpu.scan <max>, %reduce_max3A_1658 masked %reduce_max3A_1655 : vector<16xi32>, vector<16xi1> -> vector<16xi32>
      %reduce_max3A_1660 = arith.xori %reduce_max3A_1659, %reduce_max3A_1657 : vector<16xi32>
      %reduce_max3A_1661 = vector.extract %reduce_max3A_1660[15] : i32 from vector<16xi32>
      %add3A_1662 = arith.constant 4 : i32
      %add3A_1663 = arith.addi %mul3A_1609, %add3A_1662 : i32
      %eq3A_1664 = vector.broadcast %add3A_1663 : i32 to vector<16xi32>
      %eq3A_1665 = arith.cmpi eq, %iota3A, %eq3A_1664 : vector<16xi32>
      %select_n3A_1666 = arith.select %eq3A_1665, %get3A_1591, %broadcast_in_dim3A_6 : vector<16xi1>, vector<16xi32>
      %reduce_max3A_1667 = arith.constant true
      %reduce_max3A_1668 = vector.broadcast %reduce_max3A_1667 : i1 to vector<16xi1>
      %reduce_max3A_1669 = arith.constant -2147483648 : i32
      %reduce_max3A_1670 = vector.broadcast %reduce_max3A_1669 : i32 to vector<16xi32>
      %reduce_max3A_1671 = arith.xori %select_n3A_1666, %reduce_max3A_1670 : vector<16xi32>
      %reduce_max3A_1672 = tpu.scan <max>, %reduce_max3A_1671 masked %reduce_max3A_1668 : vector<16xi32>, vector<16xi1> -> vector<16xi32>
      %reduce_max3A_1673 = arith.xori %reduce_max3A_1672, %reduce_max3A_1670 : vector<16xi32>
      %reduce_max3A_1674 = vector.extract %reduce_max3A_1673[15] : i32 from vector<16xi32>
      %add3A_1675 = arith.constant 5 : i32
      %add3A_1676 = arith.addi %mul3A_1609, %add3A_1675 : i32
      %eq3A_1677 = vector.broadcast %add3A_1676 : i32 to vector<16xi32>
      %eq3A_1678 = arith.cmpi eq, %iota3A, %eq3A_1677 : vector<16xi32>
      %select_n3A_1679 = arith.select %eq3A_1678, %get3A_1591, %broadcast_in_dim3A_6 : vector<16xi1>, vector<16xi32>
      %reduce_max3A_1680 = arith.constant true
      %reduce_max3A_1681 = vector.broadcast %reduce_max3A_1680 : i1 to vector<16xi1>
      %reduce_max3A_1682 = arith.constant -2147483648 : i32
      %reduce_max3A_1683 = vector.broadcast %reduce_max3A_1682 : i32 to vector<16xi32>
      %reduce_max3A_1684 = arith.xori %select_n3A_1679, %reduce_max3A_1683 : vector<16xi32>
      %reduce_max3A_1685 = tpu.scan <max>, %reduce_max3A_1684 masked %reduce_max3A_1681 : vector<16xi32>, vector<16xi1> -> vector<16xi32>
      %reduce_max3A_1686 = arith.xori %reduce_max3A_1685, %reduce_max3A_1683 : vector<16xi32>
      %reduce_max3A_1687 = vector.extract %reduce_max3A_1686[15] : i32 from vector<16xi32>
      %add3A_1688 = arith.constant 6 : i32
      %add3A_1689 = arith.addi %mul3A_1609, %add3A_1688 : i32
      %eq3A_1690 = vector.broadcast %add3A_1689 : i32 to vector<16xi32>
      %eq3A_1691 = arith.cmpi eq, %iota3A, %eq3A_1690 : vector<16xi32>
      %select_n3A_1692 = arith.select %eq3A_1691, %get3A_1591, %broadcast_in_dim3A_6 : vector<16xi1>, vector<16xi32>
      %reduce_max3A_1693 = arith.constant true
      %reduce_max3A_1694 = vector.broadcast %reduce_max3A_1693 : i1 to vector<16xi1>
      %reduce_max3A_1695 = arith.constant -2147483648 : i32
      %reduce_max3A_1696 = vector.broadcast %reduce_max3A_1695 : i32 to vector<16xi32>
      %reduce_max3A_1697 = arith.xori %select_n3A_1692, %reduce_max3A_1696 : vector<16xi32>
      %reduce_max3A_1698 = tpu.scan <max>, %reduce_max3A_1697 masked %reduce_max3A_1694 : vector<16xi32>, vector<16xi1> -> vector<16xi32>
      %reduce_max3A_1699 = arith.xori %reduce_max3A_1698, %reduce_max3A_1696 : vector<16xi32>
      %reduce_max3A_1700 = vector.extract %reduce_max3A_1699[15] : i32 from vector<16xi32>
      %add3A_1701 = arith.constant 7 : i32
      %add3A_1702 = arith.addi %mul3A_1609, %add3A_1701 : i32
      %eq3A_1703 = vector.broadcast %add3A_1702 : i32 to vector<16xi32>
      %eq3A_1704 = arith.cmpi eq, %iota3A, %eq3A_1703 : vector<16xi32>
      %select_n3A_1705 = arith.select %eq3A_1704, %get3A_1591, %broadcast_in_dim3A_6 : vector<16xi1>, vector<16xi32>
      %reduce_max3A_1706 = arith.constant true
      %reduce_max3A_1707 = vector.broadcast %reduce_max3A_1706 : i1 to vector<16xi1>
      %reduce_max3A_1708 = arith.constant -2147483648 : i32
      %reduce_max3A_1709 = vector.broadcast %reduce_max3A_1708 : i32 to vector<16xi32>
      %reduce_max3A_1710 = arith.xori %select_n3A_1705, %reduce_max3A_1709 : vector<16xi32>
      %reduce_max3A_1711 = tpu.scan <max>, %reduce_max3A_1710 masked %reduce_max3A_1707 : vector<16xi32>, vector<16xi1> -> vector<16xi32>
      %reduce_max3A_1712 = arith.xori %reduce_max3A_1711, %reduce_max3A_1709 : vector<16xi32>
      %reduce_max3A_1713 = vector.extract %reduce_max3A_1712[15] : i32 from vector<16xi32>
      %shift_right_arithmetic3A_1714 = arith.constant 7 : i32
      %shift_right_arithmetic3A_1715 = arith.shrsi %reduce_max3A_1622, %shift_right_arithmetic3A_1714 : i32
      %mul3A_1716 = arith.constant 128 : i32
      %mul3A_1717 = arith.muli %shift_right_arithmetic3A_1715, %mul3A_1716 : i32
      %multiple_of3A_1718 = tpu.assume_multiple %mul3A_1717, 128 : i32
      %dma_start3A_1719 = arith.constant 0 : i32
      %dma_start3A_1720 = arith.constant 0 : i32
      %dma_start3A_1721 = arith.constant 0 : i32
      %dma_start3A_1722 = tpu.memref_slice %arg6[%dma_start3A_1719, %dma_start3A_1720, %dma_start3A_1721] : memref<8x32x128xf32, #tpu.memory_space<vmem>> -> memref<1x32x128xf32, #tpu.memory_space<vmem>>
      %dma_start3A_1723 = tpu.memref_squeeze %dma_start3A_1722 : memref<1x32x128xf32, #tpu.memory_space<vmem>> -> memref<32x128xf32, #tpu.memory_space<vmem>>
      %dma_start3A_1724 = arith.constant 0 : i32
      %dma_start3A_1725 = tpu.memref_slice %arg3[%dma_start3A_1724, %multiple_of3A_1718] : memref<32x1000000xf32, #tpu.memory_space<hbm>> -> memref<32x128xf32, #tpu.memory_space<hbm>>
      %dma_start3A_1726 = arith.constant 0 : i32
      %dma_start3A_1727 = arith.constant 0 : i32
      %dma_start3A_1728 = tpu.memref_slice %arg6[%dma_start3A_1719, %dma_start3A_1726, %dma_start3A_1727] : memref<8x32x128xf32, #tpu.memory_space<vmem>> -> memref<1x32x128xf32, #tpu.memory_space<vmem>>
      %dma_start3A_1729 = tpu.memref_squeeze %dma_start3A_1728 : memref<1x32x128xf32, #tpu.memory_space<vmem>> -> memref<32x128xf32, #tpu.memory_space<vmem>>
      %dma_start3A_1730 = arith.constant 0 : i32
      %dma_start3A_1731 = tpu.memref_slice %arg3[%dma_start3A_1730, %multiple_of3A_1718] : memref<32x1000000xf32, #tpu.memory_space<hbm>> -> memref<32x128xf32, #tpu.memory_space<hbm>>
      tpu.enqueue_dma source(%dma_start3A_1731 : memref<32x128xf32, #tpu.memory_space<hbm>>) target(%dma_start3A_1729 : memref<32x128xf32, #tpu.memory_space<vmem>>) target_semaphore(%arg10 : memref<!tpu.dma_semaphore, #tpu.memory_space<semaphore_mem>>)
      %shift_right_arithmetic3A_1732 = arith.constant 7 : i32
      %shift_right_arithmetic3A_1733 = arith.shrsi %reduce_max3A_1635, %shift_right_arithmetic3A_1732 : i32
      %mul3A_1734 = arith.constant 128 : i32
      %mul3A_1735 = arith.muli %shift_right_arithmetic3A_1733, %mul3A_1734 : i32
      %multiple_of3A_1736 = tpu.assume_multiple %mul3A_1735, 128 : i32
      %dma_start3A_1737 = arith.constant 1 : i32
      %dma_start3A_1738 = arith.constant 0 : i32
      %dma_start3A_1739 = arith.constant 0 : i32
      %dma_start3A_1740 = tpu.memref_slice %arg6[%dma_start3A_1737, %dma_start3A_1738, %dma_start3A_1739] : memref<8x32x128xf32, #tpu.memory_space<vmem>> -> memref<1x32x128xf32, #tpu.memory_space<vmem>>
      %dma_start3A_1741 = tpu.memref_squeeze %dma_start3A_1740 : memref<1x32x128xf32, #tpu.memory_space<vmem>> -> memref<32x128xf32, #tpu.memory_space<vmem>>
      %dma_start3A_1742 = arith.constant 0 : i32
      %dma_start3A_1743 = tpu.memref_slice %arg3[%dma_start3A_1742, %multiple_of3A_1736] : memref<32x1000000xf32, #tpu.memory_space<hbm>> -> memref<32x128xf32, #tpu.memory_space<hbm>>
      %dma_start3A_1744 = arith.constant 0 : i32
      %dma_start3A_1745 = arith.constant 0 : i32
      %dma_start3A_1746 = tpu.memref_slice %arg6[%dma_start3A_1737, %dma_start3A_1744, %dma_start3A_1745] : memref<8x32x128xf32, #tpu.memory_space<vmem>> -> memref<1x32x128xf32, #tpu.memory_space<vmem>>
      %dma_start3A_1747 = tpu.memref_squeeze %dma_start3A_1746 : memref<1x32x128xf32, #tpu.memory_space<vmem>> -> memref<32x128xf32, #tpu.memory_space<vmem>>
      %dma_start3A_1748 = arith.constant 0 : i32
      %dma_start3A_1749 = tpu.memref_slice %arg3[%dma_start3A_1748, %multiple_of3A_1736] : memref<32x1000000xf32, #tpu.memory_space<hbm>> -> memref<32x128xf32, #tpu.memory_space<hbm>>
      tpu.enqueue_dma source(%dma_start3A_1749 : memref<32x128xf32, #tpu.memory_space<hbm>>) target(%dma_start3A_1747 : memref<32x128xf32, #tpu.memory_space<vmem>>) target_semaphore(%arg10 : memref<!tpu.dma_semaphore, #tpu.memory_space<semaphore_mem>>)
      %shift_right_arithmetic3A_1750 = arith.constant 7 : i32
      %shift_right_arithmetic3A_1751 = arith.shrsi %reduce_max3A_1648, %shift_right_arithmetic3A_1750 : i32
      %mul3A_1752 = arith.constant 128 : i32
      %mul3A_1753 = arith.muli %shift_right_arithmetic3A_1751, %mul3A_1752 : i32
      %multiple_of3A_1754 = tpu.assume_multiple %mul3A_1753, 128 : i32
      %dma_start3A_1755 = arith.constant 2 : i32
      %dma_start3A_1756 = arith.constant 0 : i32
      %dma_start3A_1757 = arith.constant 0 : i32
      %dma_start3A_1758 = tpu.memref_slice %arg6[%dma_start3A_1755, %dma_start3A_1756, %dma_start3A_1757] : memref<8x32x128xf32, #tpu.memory_space<vmem>> -> memref<1x32x128xf32, #tpu.memory_space<vmem>>
      %dma_start3A_1759 = tpu.memref_squeeze %dma_start3A_1758 : memref<1x32x128xf32, #tpu.memory_space<vmem>> -> memref<32x128xf32, #tpu.memory_space<vmem>>
      %dma_start3A_1760 = arith.constant 0 : i32
      %dma_start3A_1761 = tpu.memref_slice %arg3[%dma_start3A_1760, %multiple_of3A_1754] : memref<32x1000000xf32, #tpu.memory_space<hbm>> -> memref<32x128xf32, #tpu.memory_space<hbm>>
      %dma_start3A_1762 = arith.constant 0 : i32
      %dma_start3A_1763 = arith.constant 0 : i32
      %dma_start3A_1764 = tpu.memref_slice %arg6[%dma_start3A_1755, %dma_start3A_1762, %dma_start3A_1763] : memref<8x32x128xf32, #tpu.memory_space<vmem>> -> memref<1x32x128xf32, #tpu.memory_space<vmem>>
      %dma_start3A_1765 = tpu.memref_squeeze %dma_start3A_1764 : memref<1x32x128xf32, #tpu.memory_space<vmem>> -> memref<32x128xf32, #tpu.memory_space<vmem>>
      %dma_start3A_1766 = arith.constant 0 : i32
      %dma_start3A_1767 = tpu.memref_slice %arg3[%dma_start3A_1766, %multiple_of3A_1754] : memref<32x1000000xf32, #tpu.memory_space<hbm>> -> memref<32x128xf32, #tpu.memory_space<hbm>>
      tpu.enqueue_dma source(%dma_start3A_1767 : memref<32x128xf32, #tpu.memory_space<hbm>>) target(%dma_start3A_1765 : memref<32x128xf32, #tpu.memory_space<vmem>>) target_semaphore(%arg10 : memref<!tpu.dma_semaphore, #tpu.memory_space<semaphore_mem>>)
      %shift_right_arithmetic3A_1768 = arith.constant 7 : i32
      %shift_right_arithmetic3A_1769 = arith.shrsi %reduce_max3A_1661, %shift_right_arithmetic3A_1768 : i32
      %mul3A_1770 = arith.constant 128 : i32
      %mul3A_1771 = arith.muli %shift_right_arithmetic3A_1769, %mul3A_1770 : i32
      %multiple_of3A_1772 = tpu.assume_multiple %mul3A_1771, 128 : i32
      %dma_start3A_1773 = arith.constant 3 : i32
      %dma_start3A_1774 = arith.constant 0 : i32
      %dma_start3A_1775 = arith.constant 0 : i32
      %dma_start3A_1776 = tpu.memref_slice %arg6[%dma_start3A_1773, %dma_start3A_1774, %dma_start3A_1775] : memref<8x32x128xf32, #tpu.memory_space<vmem>> -> memref<1x32x128xf32, #tpu.memory_space<vmem>>
      %dma_start3A_1777 = tpu.memref_squeeze %dma_start3A_1776 : memref<1x32x128xf32, #tpu.memory_space<vmem>> -> memref<32x128xf32, #tpu.memory_space<vmem>>
      %dma_start3A_1778 = arith.constant 0 : i32
      %dma_start3A_1779 = tpu.memref_slice %arg3[%dma_start3A_1778, %multiple_of3A_1772] : memref<32x1000000xf32, #tpu.memory_space<hbm>> -> memref<32x128xf32, #tpu.memory_space<hbm>>
      %dma_start3A_1780 = arith.constant 0 : i32
      %dma_start3A_1781 = arith.constant 0 : i32
      %dma_start3A_1782 = tpu.memref_slice %arg6[%dma_start3A_1773, %dma_start3A_1780, %dma_start3A_1781] : memref<8x32x128xf32, #tpu.memory_space<vmem>> -> memref<1x32x128xf32, #tpu.memory_space<vmem>>
      %dma_start3A_1783 = tpu.memref_squeeze %dma_start3A_1782 : memref<1x32x128xf32, #tpu.memory_space<vmem>> -> memref<32x128xf32, #tpu.memory_space<vmem>>
      %dma_start3A_1784 = arith.constant 0 : i32
      %dma_start3A_1785 = tpu.memref_slice %arg3[%dma_start3A_1784, %multiple_of3A_1772] : memref<32x1000000xf32, #tpu.memory_space<hbm>> -> memref<32x128xf32, #tpu.memory_space<hbm>>
      tpu.enqueue_dma source(%dma_start3A_1785 : memref<32x128xf32, #tpu.memory_space<hbm>>) target(%dma_start3A_1783 : memref<32x128xf32, #tpu.memory_space<vmem>>) target_semaphore(%arg10 : memref<!tpu.dma_semaphore, #tpu.memory_space<semaphore_mem>>)
      %shift_right_arithmetic3A_1786 = arith.constant 7 : i32
      %shift_right_arithmetic3A_1787 = arith.shrsi %reduce_max3A_1674, %shift_right_arithmetic3A_1786 : i32
      %mul3A_1788 = arith.constant 128 : i32
      %mul3A_1789 = arith.muli %shift_right_arithmetic3A_1787, %mul3A_1788 : i32
      %multiple_of3A_1790 = tpu.assume_multiple %mul3A_1789, 128 : i32
      %dma_start3A_1791 = arith.constant 4 : i32
      %dma_start3A_1792 = arith.constant 0 : i32
      %dma_start3A_1793 = arith.constant 0 : i32
      %dma_start3A_1794 = tpu.memref_slice %arg6[%dma_start3A_1791, %dma_start3A_1792, %dma_start3A_1793] : memref<8x32x128xf32, #tpu.memory_space<vmem>> -> memref<1x32x128xf32, #tpu.memory_space<vmem>>
      %dma_start3A_1795 = tpu.memref_squeeze %dma_start3A_1794 : memref<1x32x128xf32, #tpu.memory_space<vmem>> -> memref<32x128xf32, #tpu.memory_space<vmem>>
      %dma_start3A_1796 = arith.constant 0 : i32
      %dma_start3A_1797 = tpu.memref_slice %arg3[%dma_start3A_1796, %multiple_of3A_1790] : memref<32x1000000xf32, #tpu.memory_space<hbm>> -> memref<32x128xf32, #tpu.memory_space<hbm>>
      %dma_start3A_1798 = arith.constant 0 : i32
      %dma_start3A_1799 = arith.constant 0 : i32
      %dma_start3A_1800 = tpu.memref_slice %arg6[%dma_start3A_1791, %dma_start3A_1798, %dma_start3A_1799] : memref<8x32x128xf32, #tpu.memory_space<vmem>> -> memref<1x32x128xf32, #tpu.memory_space<vmem>>
      %dma_start3A_1801 = tpu.memref_squeeze %dma_start3A_1800 : memref<1x32x128xf32, #tpu.memory_space<vmem>> -> memref<32x128xf32, #tpu.memory_space<vmem>>
      %dma_start3A_1802 = arith.constant 0 : i32
      %dma_start3A_1803 = tpu.memref_slice %arg3[%dma_start3A_1802, %multiple_of3A_1790] : memref<32x1000000xf32, #tpu.memory_space<hbm>> -> memref<32x128xf32, #tpu.memory_space<hbm>>
      tpu.enqueue_dma source(%dma_start3A_1803 : memref<32x128xf32, #tpu.memory_space<hbm>>) target(%dma_start3A_1801 : memref<32x128xf32, #tpu.memory_space<vmem>>) target_semaphore(%arg10 : memref<!tpu.dma_semaphore, #tpu.memory_space<semaphore_mem>>)
      %shift_right_arithmetic3A_1804 = arith.constant 7 : i32
      %shift_right_arithmetic3A_1805 = arith.shrsi %reduce_max3A_1687, %shift_right_arithmetic3A_1804 : i32
      %mul3A_1806 = arith.constant 128 : i32
      %mul3A_1807 = arith.muli %shift_right_arithmetic3A_1805, %mul3A_1806 : i32
      %multiple_of3A_1808 = tpu.assume_multiple %mul3A_1807, 128 : i32
      %dma_start3A_1809 = arith.constant 5 : i32
      %dma_start3A_1810 = arith.constant 0 : i32
      %dma_start3A_1811 = arith.constant 0 : i32
      %dma_start3A_1812 = tpu.memref_slice %arg6[%dma_start3A_1809, %dma_start3A_1810, %dma_start3A_1811] : memref<8x32x128xf32, #tpu.memory_space<vmem>> -> memref<1x32x128xf32, #tpu.memory_space<vmem>>
      %dma_start3A_1813 = tpu.memref_squeeze %dma_start3A_1812 : memref<1x32x128xf32, #tpu.memory_space<vmem>> -> memref<32x128xf32, #tpu.memory_space<vmem>>
      %dma_start3A_1814 = arith.constant 0 : i32
      %dma_start3A_1815 = tpu.memref_slice %arg3[%dma_start3A_1814, %multiple_of3A_1808] : memref<32x1000000xf32, #tpu.memory_space<hbm>> -> memref<32x128xf32, #tpu.memory_space<hbm>>
      %dma_start3A_1816 = arith.constant 0 : i32
      %dma_start3A_1817 = arith.constant 0 : i32
      %dma_start3A_1818 = tpu.memref_slice %arg6[%dma_start3A_1809, %dma_start3A_1816, %dma_start3A_1817] : memref<8x32x128xf32, #tpu.memory_space<vmem>> -> memref<1x32x128xf32, #tpu.memory_space<vmem>>
      %dma_start3A_1819 = tpu.memref_squeeze %dma_start3A_1818 : memref<1x32x128xf32, #tpu.memory_space<vmem>> -> memref<32x128xf32, #tpu.memory_space<vmem>>
      %dma_start3A_1820 = arith.constant 0 : i32
      %dma_start3A_1821 = tpu.memref_slice %arg3[%dma_start3A_1820, %multiple_of3A_1808] : memref<32x1000000xf32, #tpu.memory_space<hbm>> -> memref<32x128xf32, #tpu.memory_space<hbm>>
      tpu.enqueue_dma source(%dma_start3A_1821 : memref<32x128xf32, #tpu.memory_space<hbm>>) target(%dma_start3A_1819 : memref<32x128xf32, #tpu.memory_space<vmem>>) target_semaphore(%arg10 : memref<!tpu.dma_semaphore, #tpu.memory_space<semaphore_mem>>)
      %shift_right_arithmetic3A_1822 = arith.constant 7 : i32
      %shift_right_arithmetic3A_1823 = arith.shrsi %reduce_max3A_1700, %shift_right_arithmetic3A_1822 : i32
      %mul3A_1824 = arith.constant 128 : i32
      %mul3A_1825 = arith.muli %shift_right_arithmetic3A_1823, %mul3A_1824 : i32
      %multiple_of3A_1826 = tpu.assume_multiple %mul3A_1825, 128 : i32
      %dma_start3A_1827 = arith.constant 6 : i32
      %dma_start3A_1828 = arith.constant 0 : i32
      %dma_start3A_1829 = arith.constant 0 : i32
      %dma_start3A_1830 = tpu.memref_slice %arg6[%dma_start3A_1827, %dma_start3A_1828, %dma_start3A_1829] : memref<8x32x128xf32, #tpu.memory_space<vmem>> -> memref<1x32x128xf32, #tpu.memory_space<vmem>>
      %dma_start3A_1831 = tpu.memref_squeeze %dma_start3A_1830 : memref<1x32x128xf32, #tpu.memory_space<vmem>> -> memref<32x128xf32, #tpu.memory_space<vmem>>
      %dma_start3A_1832 = arith.constant 0 : i32
      %dma_start3A_1833 = tpu.memref_slice %arg3[%dma_start3A_1832, %multiple_of3A_1826] : memref<32x1000000xf32, #tpu.memory_space<hbm>> -> memref<32x128xf32, #tpu.memory_space<hbm>>
      %dma_start3A_1834 = arith.constant 0 : i32
      %dma_start3A_1835 = arith.constant 0 : i32
      %dma_start3A_1836 = tpu.memref_slice %arg6[%dma_start3A_1827, %dma_start3A_1834, %dma_start3A_1835] : memref<8x32x128xf32, #tpu.memory_space<vmem>> -> memref<1x32x128xf32, #tpu.memory_space<vmem>>
      %dma_start3A_1837 = tpu.memref_squeeze %dma_start3A_1836 : memref<1x32x128xf32, #tpu.memory_space<vmem>> -> memref<32x128xf32, #tpu.memory_space<vmem>>
      %dma_start3A_1838 = arith.constant 0 : i32
      %dma_start3A_1839 = tpu.memref_slice %arg3[%dma_start3A_1838, %multiple_of3A_1826] : memref<32x1000000xf32, #tpu.memory_space<hbm>> -> memref<32x128xf32, #tpu.memory_space<hbm>>
      tpu.enqueue_dma source(%dma_start3A_1839 : memref<32x128xf32, #tpu.memory_space<hbm>>) target(%dma_start3A_1837 : memref<32x128xf32, #tpu.memory_space<vmem>>) target_semaphore(%arg10 : memref<!tpu.dma_semaphore, #tpu.memory_space<semaphore_mem>>)
      %shift_right_arithmetic3A_1840 = arith.constant 7 : i32
      %shift_right_arithmetic3A_1841 = arith.shrsi %reduce_max3A_1713, %shift_right_arithmetic3A_1840 : i32
      %mul3A_1842 = arith.constant 128 : i32
      %mul3A_1843 = arith.muli %shift_right_arithmetic3A_1841, %mul3A_1842 : i32
      %multiple_of3A_1844 = tpu.assume_multiple %mul3A_1843, 128 : i32
      %dma_start3A_1845 = arith.constant 7 : i32
      %dma_start3A_1846 = arith.constant 0 : i32
      %dma_start3A_1847 = arith.constant 0 : i32
      %dma_start3A_1848 = tpu.memref_slice %arg6[%dma_start3A_1845, %dma_start3A_1846, %dma_start3A_1847] : memref<8x32x128xf32, #tpu.memory_space<vmem>> -> memref<1x32x128xf32, #tpu.memory_space<vmem>>
      %dma_start3A_1849 = tpu.memref_squeeze %dma_start3A_1848 : memref<1x32x128xf32, #tpu.memory_space<vmem>> -> memref<32x128xf32, #tpu.memory_space<vmem>>
      %dma_start3A_1850 = arith.constant 0 : i32
      %dma_start3A_1851 = tpu.memref_slice %arg3[%dma_start3A_1850, %multiple_of3A_1844] : memref<32x1000000xf32, #tpu.memory_space<hbm>> -> memref<32x128xf32, #tpu.memory_space<hbm>>
      %dma_start3A_1852 = arith.constant 0 : i32
      %dma_start3A_1853 = arith.constant 0 : i32
      %dma_start3A_1854 = tpu.memref_slice %arg6[%dma_start3A_1845, %dma_start3A_1852, %dma_start3A_1853] : memref<8x32x128xf32, #tpu.memory_space<vmem>> -> memref<1x32x128xf32, #tpu.memory_space<vmem>>
      %dma_start3A_1855 = tpu.memref_squeeze %dma_start3A_1854 : memref<1x32x128xf32, #tpu.memory_space<vmem>> -> memref<32x128xf32, #tpu.memory_space<vmem>>
      %dma_start3A_1856 = arith.constant 0 : i32
      %dma_start3A_1857 = tpu.memref_slice %arg3[%dma_start3A_1856, %multiple_of3A_1844] : memref<32x1000000xf32, #tpu.memory_space<hbm>> -> memref<32x128xf32, #tpu.memory_space<hbm>>
      tpu.enqueue_dma source(%dma_start3A_1857 : memref<32x128xf32, #tpu.memory_space<hbm>>) target(%dma_start3A_1855 : memref<32x128xf32, #tpu.memory_space<vmem>>) target_semaphore(%arg10 : memref<!tpu.dma_semaphore, #tpu.memory_space<semaphore_mem>>)
      %add3A_1858 = arith.constant 1 : i32
      %add3A_1859 = arith.addi %mul3A_842, %add3A_1858 : i32
      %jit3A_1860 = arith.constant 2 : i32
      %div3A_1861 = arith.divsi %add3A_1859, %jit3A_1860 : i32
      %sign3A_1862 = arith.constant 0 : i32
      %sign3A_1863 = arith.cmpi sgt, %add3A_1859, %sign3A_1862 : i32
      %sign3A_1864 = arith.extui %sign3A_1863 : i1 to i32
      %sign3A_1865 = arith.constant 0 : i32
      %sign3A_1866 = arith.cmpi slt, %add3A_1859, %sign3A_1865 : i32
      %sign3A_1867 = arith.extui %sign3A_1866 : i1 to i32
      %sign3A_1868 = arith.subi %sign3A_1864, %sign3A_1867 : i32
      %sign3A_1869 = arith.constant 0 : i32
      %sign3A_1870 = arith.cmpi sgt, %jit3A_1860, %sign3A_1869 : i32
      %sign3A_1871 = arith.extui %sign3A_1870 : i1 to i32
      %sign3A_1872 = arith.constant 0 : i32
      %sign3A_1873 = arith.cmpi slt, %jit3A_1860, %sign3A_1872 : i32
      %sign3A_1874 = arith.extui %sign3A_1873 : i1 to i32
      %sign3A_1875 = arith.subi %sign3A_1871, %sign3A_1874 : i32
      %ne3A_1876 = arith.cmpi ne, %sign3A_1868, %sign3A_1875 : i32
      %rem3A_1877 = arith.remsi %add3A_1859, %jit3A_1860 : i32
      %ne3A_1878 = arith.constant 0 : i32
      %ne3A_1879 = arith.cmpi ne, %rem3A_1877, %ne3A_1878 : i32
      %and3A_1880 = arith.andi %ne3A_1876, %ne3A_1879 : i1
      %sub3A_1881 = arith.constant 1 : i32
      %sub3A_1882 = arith.subi %div3A_1861, %sub3A_1881 : i32
      %select_n3A_1883 = arith.select %and3A_1880, %sub3A_1882, %div3A_1861 : i32
      %mul3A_1884 = arith.constant 16 : i32
      %mul3A_1885 = arith.muli %select_n3A_1883, %mul3A_1884 : i32
      %get3A_1886 = arith.index_cast %mul3A_1885 : i32 to index
      %get3A_1887 = tpu.vector_load %arg5[%get3A_1886] {strides = array<i32>} : memref<512xi32, #tpu.memory_space<vmem>>, vector<16xi32>,
      %jit3A_1888 = arith.constant 2 : i32
      %eq3A_1889 = arith.constant 0 : i32
      %eq3A_1890 = arith.cmpi eq, %jit3A_1888, %eq3A_1889 : i32
      %jit3A_1891 = arith.constant 1 : i32
      %select_n3A_1892 = arith.select %eq3A_1890, %jit3A_1891, %jit3A_1888 : i32
      %rem3A_1893 = arith.remsi %add3A_1859, %select_n3A_1892 : i32
      %ne3A_1894 = arith.constant 0 : i32
      %ne3A_1895 = arith.cmpi ne, %rem3A_1893, %ne3A_1894 : i32
      %lt3A_1896 = arith.constant 0 : i32
      %lt3A_1897 = arith.cmpi slt, %rem3A_1893, %lt3A_1896 : i32
      %lt3A_1898 = arith.constant 0 : i32
      %lt3A_1899 = arith.cmpi slt, %select_n3A_1892, %lt3A_1898 : i32
      %ne3A_1900 = arith.xori %lt3A_1897, %lt3A_1899 : i1
      %and3A_1901 = arith.andi %ne3A_1900, %ne3A_1895 : i1
      %add3A_1902 = arith.addi %rem3A_1893, %select_n3A_1892 : i32
      %select_n3A_1903 = arith.select %and3A_1901, %add3A_1902, %rem3A_1893 : i32
      %mul3A_1904 = arith.constant 8 : i32
      %mul3A_1905 = arith.muli %select_n3A_1903, %mul3A_1904 : i32
      %add3A_1906 = arith.constant 0 : i32
      %add3A_1907 = arith.addi %mul3A_1905, %add3A_1906 : i32
      %eq3A_1908 = vector.broadcast %add3A_1907 : i32 to vector<16xi32>
      %eq3A_1909 = arith.cmpi eq, %iota3A, %eq3A_1908 : vector<16xi32>
      %select_n3A_1910 = arith.select %eq3A_1909, %get3A_1887, %broadcast_in_dim3A_6 : vector<16xi1>, vector<16xi32>
      %reduce_max3A_1911 = arith.constant true
      %reduce_max3A_1912 = vector.broadcast %reduce_max3A_1911 : i1 to vector<16xi1>
      %reduce_max3A_1913 = arith.constant -2147483648 : i32
      %reduce_max3A_1914 = vector.broadcast %reduce_max3A_1913 : i32 to vector<16xi32>
      %reduce_max3A_1915 = arith.xori %select_n3A_1910, %reduce_max3A_1914 : vector<16xi32>
      %reduce_max3A_1916 = tpu.scan <max>, %reduce_max3A_1915 masked %reduce_max3A_1912 : vector<16xi32>, vector<16xi1> -> vector<16xi32>
      %reduce_max3A_1917 = arith.xori %reduce_max3A_1916, %reduce_max3A_1914 : vector<16xi32>
      %reduce_max3A_1918 = vector.extract %reduce_max3A_1917[15] : i32 from vector<16xi32>
      %add3A_1919 = arith.constant 1 : i32
      %add3A_1920 = arith.addi %mul3A_1905, %add3A_1919 : i32
      %eq3A_1921 = vector.broadcast %add3A_1920 : i32 to vector<16xi32>
      %eq3A_1922 = arith.cmpi eq, %iota3A, %eq3A_1921 : vector<16xi32>
      %select_n3A_1923 = arith.select %eq3A_1922, %get3A_1887, %broadcast_in_dim3A_6 : vector<16xi1>, vector<16xi32>
      %reduce_max3A_1924 = arith.constant true
      %reduce_max3A_1925 = vector.broadcast %reduce_max3A_1924 : i1 to vector<16xi1>
      %reduce_max3A_1926 = arith.constant -2147483648 : i32
      %reduce_max3A_1927 = vector.broadcast %reduce_max3A_1926 : i32 to vector<16xi32>
      %reduce_max3A_1928 = arith.xori %select_n3A_1923, %reduce_max3A_1927 : vector<16xi32>
      %reduce_max3A_1929 = tpu.scan <max>, %reduce_max3A_1928 masked %reduce_max3A_1925 : vector<16xi32>, vector<16xi1> -> vector<16xi32>
      %reduce_max3A_1930 = arith.xori %reduce_max3A_1929, %reduce_max3A_1927 : vector<16xi32>
      %reduce_max3A_1931 = vector.extract %reduce_max3A_1930[15] : i32 from vector<16xi32>
      %add3A_1932 = arith.constant 2 : i32
      %add3A_1933 = arith.addi %mul3A_1905, %add3A_1932 : i32
      %eq3A_1934 = vector.broadcast %add3A_1933 : i32 to vector<16xi32>
      %eq3A_1935 = arith.cmpi eq, %iota3A, %eq3A_1934 : vector<16xi32>
      %select_n3A_1936 = arith.select %eq3A_1935, %get3A_1887, %broadcast_in_dim3A_6 : vector<16xi1>, vector<16xi32>
      %reduce_max3A_1937 = arith.constant true
      %reduce_max3A_1938 = vector.broadcast %reduce_max3A_1937 : i1 to vector<16xi1>
      %reduce_max3A_1939 = arith.constant -2147483648 : i32
      %reduce_max3A_1940 = vector.broadcast %reduce_max3A_1939 : i32 to vector<16xi32>
      %reduce_max3A_1941 = arith.xori %select_n3A_1936, %reduce_max3A_1940 : vector<16xi32>
      %reduce_max3A_1942 = tpu.scan <max>, %reduce_max3A_1941 masked %reduce_max3A_1938 : vector<16xi32>, vector<16xi1> -> vector<16xi32>
      %reduce_max3A_1943 = arith.xori %reduce_max3A_1942, %reduce_max3A_1940 : vector<16xi32>
      %reduce_max3A_1944 = vector.extract %reduce_max3A_1943[15] : i32 from vector<16xi32>
      %add3A_1945 = arith.constant 3 : i32
      %add3A_1946 = arith.addi %mul3A_1905, %add3A_1945 : i32
      %eq3A_1947 = vector.broadcast %add3A_1946 : i32 to vector<16xi32>
      %eq3A_1948 = arith.cmpi eq, %iota3A, %eq3A_1947 : vector<16xi32>
      %select_n3A_1949 = arith.select %eq3A_1948, %get3A_1887, %broadcast_in_dim3A_6 : vector<16xi1>, vector<16xi32>
      %reduce_max3A_1950 = arith.constant true
      %reduce_max3A_1951 = vector.broadcast %reduce_max3A_1950 : i1 to vector<16xi1>
      %reduce_max3A_1952 = arith.constant -2147483648 : i32
      %reduce_max3A_1953 = vector.broadcast %reduce_max3A_1952 : i32 to vector<16xi32>
      %reduce_max3A_1954 = arith.xori %select_n3A_1949, %reduce_max3A_1953 : vector<16xi32>
      %reduce_max3A_1955 = tpu.scan <max>, %reduce_max3A_1954 masked %reduce_max3A_1951 : vector<16xi32>, vector<16xi1> -> vector<16xi32>
      %reduce_max3A_1956 = arith.xori %reduce_max3A_1955, %reduce_max3A_1953 : vector<16xi32>
      %reduce_max3A_1957 = vector.extract %reduce_max3A_1956[15] : i32 from vector<16xi32>
      %add3A_1958 = arith.constant 4 : i32
      %add3A_1959 = arith.addi %mul3A_1905, %add3A_1958 : i32
      %eq3A_1960 = vector.broadcast %add3A_1959 : i32 to vector<16xi32>
      %eq3A_1961 = arith.cmpi eq, %iota3A, %eq3A_1960 : vector<16xi32>
      %select_n3A_1962 = arith.select %eq3A_1961, %get3A_1887, %broadcast_in_dim3A_6 : vector<16xi1>, vector<16xi32>
      %reduce_max3A_1963 = arith.constant true
      %reduce_max3A_1964 = vector.broadcast %reduce_max3A_1963 : i1 to vector<16xi1>
      %reduce_max3A_1965 = arith.constant -2147483648 : i32
      %reduce_max3A_1966 = vector.broadcast %reduce_max3A_1965 : i32 to vector<16xi32>
      %reduce_max3A_1967 = arith.xori %select_n3A_1962, %reduce_max3A_1966 : vector<16xi32>
      %reduce_max3A_1968 = tpu.scan <max>, %reduce_max3A_1967 masked %reduce_max3A_1964 : vector<16xi32>, vector<16xi1> -> vector<16xi32>
      %reduce_max3A_1969 = arith.xori %reduce_max3A_1968, %reduce_max3A_1966 : vector<16xi32>
      %reduce_max3A_1970 = vector.extract %reduce_max3A_1969[15] : i32 from vector<16xi32>
      %add3A_1971 = arith.constant 5 : i32
      %add3A_1972 = arith.addi %mul3A_1905, %add3A_1971 : i32
      %eq3A_1973 = vector.broadcast %add3A_1972 : i32 to vector<16xi32>
      %eq3A_1974 = arith.cmpi eq, %iota3A, %eq3A_1973 : vector<16xi32>
      %select_n3A_1975 = arith.select %eq3A_1974, %get3A_1887, %broadcast_in_dim3A_6 : vector<16xi1>, vector<16xi32>
      %reduce_max3A_1976 = arith.constant true
      %reduce_max3A_1977 = vector.broadcast %reduce_max3A_1976 : i1 to vector<16xi1>
      %reduce_max3A_1978 = arith.constant -2147483648 : i32
      %reduce_max3A_1979 = vector.broadcast %reduce_max3A_1978 : i32 to vector<16xi32>
      %reduce_max3A_1980 = arith.xori %select_n3A_1975, %reduce_max3A_1979 : vector<16xi32>
      %reduce_max3A_1981 = tpu.scan <max>, %reduce_max3A_1980 masked %reduce_max3A_1977 : vector<16xi32>, vector<16xi1> -> vector<16xi32>
      %reduce_max3A_1982 = arith.xori %reduce_max3A_1981, %reduce_max3A_1979 : vector<16xi32>
      %reduce_max3A_1983 = vector.extract %reduce_max3A_1982[15] : i32 from vector<16xi32>
      %add3A_1984 = arith.constant 6 : i32
      %add3A_1985 = arith.addi %mul3A_1905, %add3A_1984 : i32
      %eq3A_1986 = vector.broadcast %add3A_1985 : i32 to vector<16xi32>
      %eq3A_1987 = arith.cmpi eq, %iota3A, %eq3A_1986 : vector<16xi32>
      %select_n3A_1988 = arith.select %eq3A_1987, %get3A_1887, %broadcast_in_dim3A_6 : vector<16xi1>, vector<16xi32>
      %reduce_max3A_1989 = arith.constant true
      %reduce_max3A_1990 = vector.broadcast %reduce_max3A_1989 : i1 to vector<16xi1>
      %reduce_max3A_1991 = arith.constant -2147483648 : i32
      %reduce_max3A_1992 = vector.broadcast %reduce_max3A_1991 : i32 to vector<16xi32>
      %reduce_max3A_1993 = arith.xori %select_n3A_1988, %reduce_max3A_1992 : vector<16xi32>
      %reduce_max3A_1994 = tpu.scan <max>, %reduce_max3A_1993 masked %reduce_max3A_1990 : vector<16xi32>, vector<16xi1> -> vector<16xi32>
      %reduce_max3A_1995 = arith.xori %reduce_max3A_1994, %reduce_max3A_1992 : vector<16xi32>
      %reduce_max3A_1996 = vector.extract %reduce_max3A_1995[15] : i32 from vector<16xi32>
      %add3A_1997 = arith.constant 7 : i32
      %add3A_1998 = arith.addi %mul3A_1905, %add3A_1997 : i32
      %eq3A_1999 = vector.broadcast %add3A_1998 : i32 to vector<16xi32>
      %eq3A_2000 = arith.cmpi eq, %iota3A, %eq3A_1999 : vector<16xi32>
      %select_n3A_2001 = arith.select %eq3A_2000, %get3A_1887, %broadcast_in_dim3A_6 : vector<16xi1>, vector<16xi32>
      %reduce_max3A_2002 = arith.constant true
      %reduce_max3A_2003 = vector.broadcast %reduce_max3A_2002 : i1 to vector<16xi1>
      %reduce_max3A_2004 = arith.constant -2147483648 : i32
      %reduce_max3A_2005 = vector.broadcast %reduce_max3A_2004 : i32 to vector<16xi32>
      %reduce_max3A_2006 = arith.xori %select_n3A_2001, %reduce_max3A_2005 : vector<16xi32>
      %reduce_max3A_2007 = tpu.scan <max>, %reduce_max3A_2006 masked %reduce_max3A_2003 : vector<16xi32>, vector<16xi1> -> vector<16xi32>
      %reduce_max3A_2008 = arith.xori %reduce_max3A_2007, %reduce_max3A_2005 : vector<16xi32>
      %reduce_max3A_2009 = vector.extract %reduce_max3A_2008[15] : i32 from vector<16xi32>
      %dma_wait3A_2010 = arith.constant 0 : i32
      %dma_wait3A_2011 = arith.constant 0 : i32
      %dma_wait3A_2012 = arith.constant 0 : i32
      %dma_wait3A_2013 = tpu.memref_slice %arg7[%dma_wait3A_2010, %dma_wait3A_2011, %dma_wait3A_2012] : memref<8x32x128xf32, #tpu.memory_space<vmem>> -> memref<1x32x128xf32, #tpu.memory_space<vmem>>
      %dma_wait3A_2014 = tpu.memref_squeeze %dma_wait3A_2013 : memref<1x32x128xf32, #tpu.memory_space<vmem>> -> memref<32x128xf32, #tpu.memory_space<vmem>>
      %dma_wait3A_2015 = arith.constant 0 : i32
      %dma_wait3A_2016 = arith.constant 0 : i32
      %dma_wait3A_2017 = tpu.memref_slice %arg3[%dma_wait3A_2015, %dma_wait3A_2016] : memref<32x1000000xf32, #tpu.memory_space<hbm>> -> memref<32x128xf32, #tpu.memory_space<hbm>>
      %dma_wait3A_2018 = arith.constant 0 : i32
      %dma_wait3A_2019 = arith.constant 0 : i32
      %dma_wait3A_2020 = tpu.memref_slice %arg7[%dma_wait3A_2010, %dma_wait3A_2018, %dma_wait3A_2019] : memref<8x32x128xf32, #tpu.memory_space<vmem>> -> memref<1x32x128xf32, #tpu.memory_space<vmem>>
      %dma_wait3A_2021 = tpu.memref_squeeze %dma_wait3A_2020 : memref<1x32x128xf32, #tpu.memory_space<vmem>> -> memref<32x128xf32, #tpu.memory_space<vmem>>
      %dma_wait3A_2022 = arith.constant 0 : i32
      %dma_wait3A_2023 = arith.constant 0 : i32
      %dma_wait3A_2024 = tpu.memref_slice %arg3[%dma_wait3A_2022, %dma_wait3A_2023] : memref<32x1000000xf32, #tpu.memory_space<hbm>> -> memref<32x128xf32, #tpu.memory_space<hbm>>
      tpu.wait_dma2 semaphore(%arg11 : memref<!tpu.dma_semaphore, #tpu.memory_space<semaphore_mem>>) src(%dma_wait3A_2024 : memref<32x128xf32, #tpu.memory_space<hbm>>) dst(%dma_wait3A_2021 : memref<32x128xf32, #tpu.memory_space<vmem>>)
      %dma_wait3A_2025 = arith.constant 1 : i32
      %dma_wait3A_2026 = arith.constant 0 : i32
      %dma_wait3A_2027 = arith.constant 0 : i32
      %dma_wait3A_2028 = tpu.memref_slice %arg7[%dma_wait3A_2025, %dma_wait3A_2026, %dma_wait3A_2027] : memref<8x32x128xf32, #tpu.memory_space<vmem>> -> memref<1x32x128xf32, #tpu.memory_space<vmem>>
      %dma_wait3A_2029 = tpu.memref_squeeze %dma_wait3A_2028 : memref<1x32x128xf32, #tpu.memory_space<vmem>> -> memref<32x128xf32, #tpu.memory_space<vmem>>
      %dma_wait3A_2030 = arith.constant 0 : i32
      %dma_wait3A_2031 = arith.constant 0 : i32
      %dma_wait3A_2032 = tpu.memref_slice %arg3[%dma_wait3A_2030, %dma_wait3A_2031] : memref<32x1000000xf32, #tpu.memory_space<hbm>> -> memref<32x128xf32, #tpu.memory_space<hbm>>
      %dma_wait3A_2033 = arith.constant 0 : i32
      %dma_wait3A_2034 = arith.constant 0 : i32
      %dma_wait3A_2035 = tpu.memref_slice %arg7[%dma_wait3A_2025, %dma_wait3A_2033, %dma_wait3A_2034] : memref<8x32x128xf32, #tpu.memory_space<vmem>> -> memref<1x32x128xf32, #tpu.memory_space<vmem>>
      %dma_wait3A_2036 = tpu.memref_squeeze %dma_wait3A_2035 : memref<1x32x128xf32, #tpu.memory_space<vmem>> -> memref<32x128xf32, #tpu.memory_space<vmem>>
      %dma_wait3A_2037 = arith.constant 0 : i32
      %dma_wait3A_2038 = arith.constant 0 : i32
      %dma_wait3A_2039 = tpu.memref_slice %arg3[%dma_wait3A_2037, %dma_wait3A_2038] : memref<32x1000000xf32, #tpu.memory_space<hbm>> -> memref<32x128xf32, #tpu.memory_space<hbm>>
      tpu.wait_dma2 semaphore(%arg11 : memref<!tpu.dma_semaphore, #tpu.memory_space<semaphore_mem>>) src(%dma_wait3A_2039 : memref<32x128xf32, #tpu.memory_space<hbm>>) dst(%dma_wait3A_2036 : memref<32x128xf32, #tpu.memory_space<vmem>>)
      %dma_wait3A_2040 = arith.constant 2 : i32
      %dma_wait3A_2041 = arith.constant 0 : i32
      %dma_wait3A_2042 = arith.constant 0 : i32
      %dma_wait3A_2043 = tpu.memref_slice %arg7[%dma_wait3A_2040, %dma_wait3A_2041, %dma_wait3A_2042] : memref<8x32x128xf32, #tpu.memory_space<vmem>> -> memref<1x32x128xf32, #tpu.memory_space<vmem>>
      %dma_wait3A_2044 = tpu.memref_squeeze %dma_wait3A_2043 : memref<1x32x128xf32, #tpu.memory_space<vmem>> -> memref<32x128xf32, #tpu.memory_space<vmem>>
      %dma_wait3A_2045 = arith.constant 0 : i32
      %dma_wait3A_2046 = arith.constant 0 : i32
      %dma_wait3A_2047 = tpu.memref_slice %arg3[%dma_wait3A_2045, %dma_wait3A_2046] : memref<32x1000000xf32, #tpu.memory_space<hbm>> -> memref<32x128xf32, #tpu.memory_space<hbm>>
      %dma_wait3A_2048 = arith.constant 0 : i32
      %dma_wait3A_2049 = arith.constant 0 : i32
      %dma_wait3A_2050 = tpu.memref_slice %arg7[%dma_wait3A_2040, %dma_wait3A_2048, %dma_wait3A_2049] : memref<8x32x128xf32, #tpu.memory_space<vmem>> -> memref<1x32x128xf32, #tpu.memory_space<vmem>>
      %dma_wait3A_2051 = tpu.memref_squeeze %dma_wait3A_2050 : memref<1x32x128xf32, #tpu.memory_space<vmem>> -> memref<32x128xf32, #tpu.memory_space<vmem>>
      %dma_wait3A_2052 = arith.constant 0 : i32
      %dma_wait3A_2053 = arith.constant 0 : i32
      %dma_wait3A_2054 = tpu.memref_slice %arg3[%dma_wait3A_2052, %dma_wait3A_2053] : memref<32x1000000xf32, #tpu.memory_space<hbm>> -> memref<32x128xf32, #tpu.memory_space<hbm>>
      tpu.wait_dma2 semaphore(%arg11 : memref<!tpu.dma_semaphore, #tpu.memory_space<semaphore_mem>>) src(%dma_wait3A_2054 : memref<32x128xf32, #tpu.memory_space<hbm>>) dst(%dma_wait3A_2051 : memref<32x128xf32, #tpu.memory_space<vmem>>)
      %dma_wait3A_2055 = arith.constant 3 : i32
      %dma_wait3A_2056 = arith.constant 0 : i32
      %dma_wait3A_2057 = arith.constant 0 : i32
      %dma_wait3A_2058 = tpu.memref_slice %arg7[%dma_wait3A_2055, %dma_wait3A_2056, %dma_wait3A_2057] : memref<8x32x128xf32, #tpu.memory_space<vmem>> -> memref<1x32x128xf32, #tpu.memory_space<vmem>>
      %dma_wait3A_2059 = tpu.memref_squeeze %dma_wait3A_2058 : memref<1x32x128xf32, #tpu.memory_space<vmem>> -> memref<32x128xf32, #tpu.memory_space<vmem>>
      %dma_wait3A_2060 = arith.constant 0 : i32
      %dma_wait3A_2061 = arith.constant 0 : i32
      %dma_wait3A_2062 = tpu.memref_slice %arg3[%dma_wait3A_2060, %dma_wait3A_2061] : memref<32x1000000xf32, #tpu.memory_space<hbm>> -> memref<32x128xf32, #tpu.memory_space<hbm>>
      %dma_wait3A_2063 = arith.constant 0 : i32
      %dma_wait3A_2064 = arith.constant 0 : i32
      %dma_wait3A_2065 = tpu.memref_slice %arg7[%dma_wait3A_2055, %dma_wait3A_2063, %dma_wait3A_2064] : memref<8x32x128xf32, #tpu.memory_space<vmem>> -> memref<1x32x128xf32, #tpu.memory_space<vmem>>
      %dma_wait3A_2066 = tpu.memref_squeeze %dma_wait3A_2065 : memref<1x32x128xf32, #tpu.memory_space<vmem>> -> memref<32x128xf32, #tpu.memory_space<vmem>>
      %dma_wait3A_2067 = arith.constant 0 : i32
      %dma_wait3A_2068 = arith.constant 0 : i32
      %dma_wait3A_2069 = tpu.memref_slice %arg3[%dma_wait3A_2067, %dma_wait3A_2068] : memref<32x1000000xf32, #tpu.memory_space<hbm>> -> memref<32x128xf32, #tpu.memory_space<hbm>>
      tpu.wait_dma2 semaphore(%arg11 : memref<!tpu.dma_semaphore, #tpu.memory_space<semaphore_mem>>) src(%dma_wait3A_2069 : memref<32x128xf32, #tpu.memory_space<hbm>>) dst(%dma_wait3A_2066 : memref<32x128xf32, #tpu.memory_space<vmem>>)
      %dma_wait3A_2070 = arith.constant 4 : i32
      %dma_wait3A_2071 = arith.constant 0 : i32
      %dma_wait3A_2072 = arith.constant 0 : i32
      %dma_wait3A_2073 = tpu.memref_slice %arg7[%dma_wait3A_2070, %dma_wait3A_2071, %dma_wait3A_2072] : memref<8x32x128xf32, #tpu.memory_space<vmem>> -> memref<1x32x128xf32, #tpu.memory_space<vmem>>
      %dma_wait3A_2074 = tpu.memref_squeeze %dma_wait3A_2073 : memref<1x32x128xf32, #tpu.memory_space<vmem>> -> memref<32x128xf32, #tpu.memory_space<vmem>>
      %dma_wait3A_2075 = arith.constant 0 : i32
      %dma_wait3A_2076 = arith.constant 0 : i32
      %dma_wait3A_2077 = tpu.memref_slice %arg3[%dma_wait3A_2075, %dma_wait3A_2076] : memref<32x1000000xf32, #tpu.memory_space<hbm>> -> memref<32x128xf32, #tpu.memory_space<hbm>>
      %dma_wait3A_2078 = arith.constant 0 : i32
      %dma_wait3A_2079 = arith.constant 0 : i32
      %dma_wait3A_2080 = tpu.memref_slice %arg7[%dma_wait3A_2070, %dma_wait3A_2078, %dma_wait3A_2079] : memref<8x32x128xf32, #tpu.memory_space<vmem>> -> memref<1x32x128xf32, #tpu.memory_space<vmem>>
      %dma_wait3A_2081 = tpu.memref_squeeze %dma_wait3A_2080 : memref<1x32x128xf32, #tpu.memory_space<vmem>> -> memref<32x128xf32, #tpu.memory_space<vmem>>
      %dma_wait3A_2082 = arith.constant 0 : i32
      %dma_wait3A_2083 = arith.constant 0 : i32
      %dma_wait3A_2084 = tpu.memref_slice %arg3[%dma_wait3A_2082, %dma_wait3A_2083] : memref<32x1000000xf32, #tpu.memory_space<hbm>> -> memref<32x128xf32, #tpu.memory_space<hbm>>
      tpu.wait_dma2 semaphore(%arg11 : memref<!tpu.dma_semaphore, #tpu.memory_space<semaphore_mem>>) src(%dma_wait3A_2084 : memref<32x128xf32, #tpu.memory_space<hbm>>) dst(%dma_wait3A_2081 : memref<32x128xf32, #tpu.memory_space<vmem>>)
      %dma_wait3A_2085 = arith.constant 5 : i32
      %dma_wait3A_2086 = arith.constant 0 : i32
      %dma_wait3A_2087 = arith.constant 0 : i32
      %dma_wait3A_2088 = tpu.memref_slice %arg7[%dma_wait3A_2085, %dma_wait3A_2086, %dma_wait3A_2087] : memref<8x32x128xf32, #tpu.memory_space<vmem>> -> memref<1x32x128xf32, #tpu.memory_space<vmem>>
      %dma_wait3A_2089 = tpu.memref_squeeze %dma_wait3A_2088 : memref<1x32x128xf32, #tpu.memory_space<vmem>> -> memref<32x128xf32, #tpu.memory_space<vmem>>
      %dma_wait3A_2090 = arith.constant 0 : i32
      %dma_wait3A_2091 = arith.constant 0 : i32
      %dma_wait3A_2092 = tpu.memref_slice %arg3[%dma_wait3A_2090, %dma_wait3A_2091] : memref<32x1000000xf32, #tpu.memory_space<hbm>> -> memref<32x128xf32, #tpu.memory_space<hbm>>
      %dma_wait3A_2093 = arith.constant 0 : i32
      %dma_wait3A_2094 = arith.constant 0 : i32
      %dma_wait3A_2095 = tpu.memref_slice %arg7[%dma_wait3A_2085, %dma_wait3A_2093, %dma_wait3A_2094] : memref<8x32x128xf32, #tpu.memory_space<vmem>> -> memref<1x32x128xf32, #tpu.memory_space<vmem>>
      %dma_wait3A_2096 = tpu.memref_squeeze %dma_wait3A_2095 : memref<1x32x128xf32, #tpu.memory_space<vmem>> -> memref<32x128xf32, #tpu.memory_space<vmem>>
      %dma_wait3A_2097 = arith.constant 0 : i32
      %dma_wait3A_2098 = arith.constant 0 : i32
      %dma_wait3A_2099 = tpu.memref_slice %arg3[%dma_wait3A_2097, %dma_wait3A_2098] : memref<32x1000000xf32, #tpu.memory_space<hbm>> -> memref<32x128xf32, #tpu.memory_space<hbm>>
      tpu.wait_dma2 semaphore(%arg11 : memref<!tpu.dma_semaphore, #tpu.memory_space<semaphore_mem>>) src(%dma_wait3A_2099 : memref<32x128xf32, #tpu.memory_space<hbm>>) dst(%dma_wait3A_2096 : memref<32x128xf32, #tpu.memory_space<vmem>>)
      %dma_wait3A_2100 = arith.constant 6 : i32
      %dma_wait3A_2101 = arith.constant 0 : i32
      %dma_wait3A_2102 = arith.constant 0 : i32
      %dma_wait3A_2103 = tpu.memref_slice %arg7[%dma_wait3A_2100, %dma_wait3A_2101, %dma_wait3A_2102] : memref<8x32x128xf32, #tpu.memory_space<vmem>> -> memref<1x32x128xf32, #tpu.memory_space<vmem>>
      %dma_wait3A_2104 = tpu.memref_squeeze %dma_wait3A_2103 : memref<1x32x128xf32, #tpu.memory_space<vmem>> -> memref<32x128xf32, #tpu.memory_space<vmem>>
      %dma_wait3A_2105 = arith.constant 0 : i32
      %dma_wait3A_2106 = arith.constant 0 : i32
      %dma_wait3A_2107 = tpu.memref_slice %arg3[%dma_wait3A_2105, %dma_wait3A_2106] : memref<32x1000000xf32, #tpu.memory_space<hbm>> -> memref<32x128xf32, #tpu.memory_space<hbm>>
      %dma_wait3A_2108 = arith.constant 0 : i32
      %dma_wait3A_2109 = arith.constant 0 : i32
      %dma_wait3A_2110 = tpu.memref_slice %arg7[%dma_wait3A_2100, %dma_wait3A_2108, %dma_wait3A_2109] : memref<8x32x128xf32, #tpu.memory_space<vmem>> -> memref<1x32x128xf32, #tpu.memory_space<vmem>>
      %dma_wait3A_2111 = tpu.memref_squeeze %dma_wait3A_2110 : memref<1x32x128xf32, #tpu.memory_space<vmem>> -> memref<32x128xf32, #tpu.memory_space<vmem>>
      %dma_wait3A_2112 = arith.constant 0 : i32
      %dma_wait3A_2113 = arith.constant 0 : i32
      %dma_wait3A_2114 = tpu.memref_slice %arg3[%dma_wait3A_2112, %dma_wait3A_2113] : memref<32x1000000xf32, #tpu.memory_space<hbm>> -> memref<32x128xf32, #tpu.memory_space<hbm>>
      tpu.wait_dma2 semaphore(%arg11 : memref<!tpu.dma_semaphore, #tpu.memory_space<semaphore_mem>>) src(%dma_wait3A_2114 : memref<32x128xf32, #tpu.memory_space<hbm>>) dst(%dma_wait3A_2111 : memref<32x128xf32, #tpu.memory_space<vmem>>)
      %dma_wait3A_2115 = arith.constant 7 : i32
      %dma_wait3A_2116 = arith.constant 0 : i32
      %dma_wait3A_2117 = arith.constant 0 : i32
      %dma_wait3A_2118 = tpu.memref_slice %arg7[%dma_wait3A_2115, %dma_wait3A_2116, %dma_wait3A_2117] : memref<8x32x128xf32, #tpu.memory_space<vmem>> -> memref<1x32x128xf32, #tpu.memory_space<vmem>>
      %dma_wait3A_2119 = tpu.memref_squeeze %dma_wait3A_2118 : memref<1x32x128xf32, #tpu.memory_space<vmem>> -> memref<32x128xf32, #tpu.memory_space<vmem>>
      %dma_wait3A_2120 = arith.constant 0 : i32
      %dma_wait3A_2121 = arith.constant 0 : i32
      %dma_wait3A_2122 = tpu.memref_slice %arg3[%dma_wait3A_2120, %dma_wait3A_2121] : memref<32x1000000xf32, #tpu.memory_space<hbm>> -> memref<32x128xf32, #tpu.memory_space<hbm>>
      %dma_wait3A_2123 = arith.constant 0 : i32
      %dma_wait3A_2124 = arith.constant 0 : i32
      %dma_wait3A_2125 = tpu.memref_slice %arg7[%dma_wait3A_2115, %dma_wait3A_2123, %dma_wait3A_2124] : memref<8x32x128xf32, #tpu.memory_space<vmem>> -> memref<1x32x128xf32, #tpu.memory_space<vmem>>
      %dma_wait3A_2126 = tpu.memref_squeeze %dma_wait3A_2125 : memref<1x32x128xf32, #tpu.memory_space<vmem>> -> memref<32x128xf32, #tpu.memory_space<vmem>>
      %dma_wait3A_2127 = arith.constant 0 : i32
      %dma_wait3A_2128 = arith.constant 0 : i32
      %dma_wait3A_2129 = tpu.memref_slice %arg3[%dma_wait3A_2127, %dma_wait3A_2128] : memref<32x1000000xf32, #tpu.memory_space<hbm>> -> memref<32x128xf32, #tpu.memory_space<hbm>>
      tpu.wait_dma2 semaphore(%arg11 : memref<!tpu.dma_semaphore, #tpu.memory_space<semaphore_mem>>) src(%dma_wait3A_2129 : memref<32x128xf32, #tpu.memory_space<hbm>>) dst(%dma_wait3A_2126 : memref<32x128xf32, #tpu.memory_space<vmem>>)
      %and3A_2130 = arith.constant 127 : i32
      %and3A_2131 = arith.andi %reduce_max3A_1918, %and3A_2130 : i32
      %broadcast_in_dim3A_2132 = vector.broadcast %and3A_2131 : i32 to vector<16xi32>
      %mul3A_2133 = arith.constant 8 : i32
      %mul3A_2134 = arith.muli %add3A_1859, %mul3A_2133 : i32
      %add3A_2135 = arith.constant 0 : i32
      %add3A_2136 = arith.addi %mul3A_2134, %add3A_2135 : i32
      %broadcast_in_dim3A_2137 = vector.broadcast %add3A_2136 : i32 to vector<16xi32>
      %gather3A_2138 = arith.constant 0 : i32
      %gather3A_2139 = arith.constant 0 : i32
      %gather3A_2140 = arith.constant 0 : i32
      %gather3A_2141 = tpu.memref_slice %arg7[%gather3A_2138, %gather3A_2139, %gather3A_2140] : memref<8x32x128xf32, #tpu.memory_space<vmem>> -> memref<1x32x128xf32, #tpu.memory_space<vmem>>
      %gather3A_2142 = tpu.memref_squeeze %gather3A_2141 : memref<1x32x128xf32, #tpu.memory_space<vmem>> -> memref<32x128xf32, #tpu.memory_space<vmem>>
      %gather3A_2143 = tpu.vector_load_idx %gather3A_2142[%iota3A, %broadcast_in_dim3A_2132] : memref<32x128xf32, #tpu.memory_space<vmem>>[vector<16xi32>, vector<16xi32>], vector<16xf32>,
      %gather3A_2144 = arith.constant 0 : i32
      %gather3A_2145 = arith.constant 0 : i32
      %gather3A_2146 = arith.constant 0 : i32
      %gather3A_2147 = tpu.memref_slice %arg7[%gather3A_2144, %gather3A_2145, %gather3A_2146] : memref<8x32x128xf32, #tpu.memory_space<vmem>> -> memref<1x32x128xf32, #tpu.memory_space<vmem>>
      %gather3A_2148 = tpu.memref_squeeze %gather3A_2147 : memref<1x32x128xf32, #tpu.memory_space<vmem>> -> memref<32x128xf32, #tpu.memory_space<vmem>>
      %gather3A_2149 = tpu.vector_load_idx %gather3A_2148[%add3A_5, %broadcast_in_dim3A_2132] : memref<32x128xf32, #tpu.memory_space<vmem>>[vector<16xi32>, vector<16xi32>], vector<16xf32>,
      tpu.vector_store_idx %arg9[%iota3A, %broadcast_in_dim3A_2137], %gather3A_2143 : memref<32x512xf32, #tpu.memory_space<vmem>>[vector<16xi32>, vector<16xi32>], vector<16xf32>,
      tpu.vector_store_idx %arg9[%add3A_5, %broadcast_in_dim3A_2137], %gather3A_2149 : memref<32x512xf32, #tpu.memory_space<vmem>>[vector<16xi32>, vector<16xi32>], vector<16xf32>,
      %and3A_2150 = arith.constant 127 : i32
      %and3A_2151 = arith.andi %reduce_max3A_1931, %and3A_2150 : i32
      %broadcast_in_dim3A_2152 = vector.broadcast %and3A_2151 : i32 to vector<16xi32>
      %mul3A_2153 = arith.constant 8 : i32
      %mul3A_2154 = arith.muli %add3A_1859, %mul3A_2153 : i32
      %add3A_2155 = arith.constant 1 : i32
      %add3A_2156 = arith.addi %mul3A_2154, %add3A_2155 : i32
      %broadcast_in_dim3A_2157 = vector.broadcast %add3A_2156 : i32 to vector<16xi32>
      %gather3A_2158 = arith.constant 1 : i32
      %gather3A_2159 = arith.constant 0 : i32
      %gather3A_2160 = arith.constant 0 : i32
      %gather3A_2161 = tpu.memref_slice %arg7[%gather3A_2158, %gather3A_2159, %gather3A_2160] : memref<8x32x128xf32, #tpu.memory_space<vmem>> -> memref<1x32x128xf32, #tpu.memory_space<vmem>>
      %gather3A_2162 = tpu.memref_squeeze %gather3A_2161 : memref<1x32x128xf32, #tpu.memory_space<vmem>> -> memref<32x128xf32, #tpu.memory_space<vmem>>
      %gather3A_2163 = tpu.vector_load_idx %gather3A_2162[%iota3A, %broadcast_in_dim3A_2152] : memref<32x128xf32, #tpu.memory_space<vmem>>[vector<16xi32>, vector<16xi32>], vector<16xf32>,
      %gather3A_2164 = arith.constant 1 : i32
      %gather3A_2165 = arith.constant 0 : i32
      %gather3A_2166 = arith.constant 0 : i32
      %gather3A_2167 = tpu.memref_slice %arg7[%gather3A_2164, %gather3A_2165, %gather3A_2166] : memref<8x32x128xf32, #tpu.memory_space<vmem>> -> memref<1x32x128xf32, #tpu.memory_space<vmem>>
      %gather3A_2168 = tpu.memref_squeeze %gather3A_2167 : memref<1x32x128xf32, #tpu.memory_space<vmem>> -> memref<32x128xf32, #tpu.memory_space<vmem>>
      %gather3A_2169 = tpu.vector_load_idx %gather3A_2168[%add3A_5, %broadcast_in_dim3A_2152] : memref<32x128xf32, #tpu.memory_space<vmem>>[vector<16xi32>, vector<16xi32>], vector<16xf32>,
      tpu.vector_store_idx %arg9[%iota3A, %broadcast_in_dim3A_2157], %gather3A_2163 : memref<32x512xf32, #tpu.memory_space<vmem>>[vector<16xi32>, vector<16xi32>], vector<16xf32>,
      tpu.vector_store_idx %arg9[%add3A_5, %broadcast_in_dim3A_2157], %gather3A_2169 : memref<32x512xf32, #tpu.memory_space<vmem>>[vector<16xi32>, vector<16xi32>], vector<16xf32>,
      %and3A_2170 = arith.constant 127 : i32
      %and3A_2171 = arith.andi %reduce_max3A_1944, %and3A_2170 : i32
      %broadcast_in_dim3A_2172 = vector.broadcast %and3A_2171 : i32 to vector<16xi32>
      %mul3A_2173 = arith.constant 8 : i32
      %mul3A_2174 = arith.muli %add3A_1859, %mul3A_2173 : i32
      %add3A_2175 = arith.constant 2 : i32
      %add3A_2176 = arith.addi %mul3A_2174, %add3A_2175 : i32
      %broadcast_in_dim3A_2177 = vector.broadcast %add3A_2176 : i32 to vector<16xi32>
      %gather3A_2178 = arith.constant 2 : i32
      %gather3A_2179 = arith.constant 0 : i32
      %gather3A_2180 = arith.constant 0 : i32
      %gather3A_2181 = tpu.memref_slice %arg7[%gather3A_2178, %gather3A_2179, %gather3A_2180] : memref<8x32x128xf32, #tpu.memory_space<vmem>> -> memref<1x32x128xf32, #tpu.memory_space<vmem>>
      %gather3A_2182 = tpu.memref_squeeze %gather3A_2181 : memref<1x32x128xf32, #tpu.memory_space<vmem>> -> memref<32x128xf32, #tpu.memory_space<vmem>>
      %gather3A_2183 = tpu.vector_load_idx %gather3A_2182[%iota3A, %broadcast_in_dim3A_2172] : memref<32x128xf32, #tpu.memory_space<vmem>>[vector<16xi32>, vector<16xi32>], vector<16xf32>,
      %gather3A_2184 = arith.constant 2 : i32
      %gather3A_2185 = arith.constant 0 : i32
      %gather3A_2186 = arith.constant 0 : i32
      %gather3A_2187 = tpu.memref_slice %arg7[%gather3A_2184, %gather3A_2185, %gather3A_2186] : memref<8x32x128xf32, #tpu.memory_space<vmem>> -> memref<1x32x128xf32, #tpu.memory_space<vmem>>
      %gather3A_2188 = tpu.memref_squeeze %gather3A_2187 : memref<1x32x128xf32, #tpu.memory_space<vmem>> -> memref<32x128xf32, #tpu.memory_space<vmem>>
      %gather3A_2189 = tpu.vector_load_idx %gather3A_2188[%add3A_5, %broadcast_in_dim3A_2172] : memref<32x128xf32, #tpu.memory_space<vmem>>[vector<16xi32>, vector<16xi32>], vector<16xf32>,
      tpu.vector_store_idx %arg9[%iota3A, %broadcast_in_dim3A_2177], %gather3A_2183 : memref<32x512xf32, #tpu.memory_space<vmem>>[vector<16xi32>, vector<16xi32>], vector<16xf32>,
      tpu.vector_store_idx %arg9[%add3A_5, %broadcast_in_dim3A_2177], %gather3A_2189 : memref<32x512xf32, #tpu.memory_space<vmem>>[vector<16xi32>, vector<16xi32>], vector<16xf32>,
      %and3A_2190 = arith.constant 127 : i32
      %and3A_2191 = arith.andi %reduce_max3A_1957, %and3A_2190 : i32
      %broadcast_in_dim3A_2192 = vector.broadcast %and3A_2191 : i32 to vector<16xi32>
      %mul3A_2193 = arith.constant 8 : i32
      %mul3A_2194 = arith.muli %add3A_1859, %mul3A_2193 : i32
      %add3A_2195 = arith.constant 3 : i32
      %add3A_2196 = arith.addi %mul3A_2194, %add3A_2195 : i32
      %broadcast_in_dim3A_2197 = vector.broadcast %add3A_2196 : i32 to vector<16xi32>
      %gather3A_2198 = arith.constant 3 : i32
      %gather3A_2199 = arith.constant 0 : i32
      %gather3A_2200 = arith.constant 0 : i32
      %gather3A_2201 = tpu.memref_slice %arg7[%gather3A_2198, %gather3A_2199, %gather3A_2200] : memref<8x32x128xf32, #tpu.memory_space<vmem>> -> memref<1x32x128xf32, #tpu.memory_space<vmem>>
      %gather3A_2202 = tpu.memref_squeeze %gather3A_2201 : memref<1x32x128xf32, #tpu.memory_space<vmem>> -> memref<32x128xf32, #tpu.memory_space<vmem>>
      %gather3A_2203 = tpu.vector_load_idx %gather3A_2202[%iota3A, %broadcast_in_dim3A_2192] : memref<32x128xf32, #tpu.memory_space<vmem>>[vector<16xi32>, vector<16xi32>], vector<16xf32>,
      %gather3A_2204 = arith.constant 3 : i32
      %gather3A_2205 = arith.constant 0 : i32
      %gather3A_2206 = arith.constant 0 : i32
      %gather3A_2207 = tpu.memref_slice %arg7[%gather3A_2204, %gather3A_2205, %gather3A_2206] : memref<8x32x128xf32, #tpu.memory_space<vmem>> -> memref<1x32x128xf32, #tpu.memory_space<vmem>>
      %gather3A_2208 = tpu.memref_squeeze %gather3A_2207 : memref<1x32x128xf32, #tpu.memory_space<vmem>> -> memref<32x128xf32, #tpu.memory_space<vmem>>
      %gather3A_2209 = tpu.vector_load_idx %gather3A_2208[%add3A_5, %broadcast_in_dim3A_2192] : memref<32x128xf32, #tpu.memory_space<vmem>>[vector<16xi32>, vector<16xi32>], vector<16xf32>,
      tpu.vector_store_idx %arg9[%iota3A, %broadcast_in_dim3A_2197], %gather3A_2203 : memref<32x512xf32, #tpu.memory_space<vmem>>[vector<16xi32>, vector<16xi32>], vector<16xf32>,
      tpu.vector_store_idx %arg9[%add3A_5, %broadcast_in_dim3A_2197], %gather3A_2209 : memref<32x512xf32, #tpu.memory_space<vmem>>[vector<16xi32>, vector<16xi32>], vector<16xf32>,
      %and3A_2210 = arith.constant 127 : i32
      %and3A_2211 = arith.andi %reduce_max3A_1970, %and3A_2210 : i32
      %broadcast_in_dim3A_2212 = vector.broadcast %and3A_2211 : i32 to vector<16xi32>
      %mul3A_2213 = arith.constant 8 : i32
      %mul3A_2214 = arith.muli %add3A_1859, %mul3A_2213 : i32
      %add3A_2215 = arith.constant 4 : i32
      %add3A_2216 = arith.addi %mul3A_2214, %add3A_2215 : i32
      %broadcast_in_dim3A_2217 = vector.broadcast %add3A_2216 : i32 to vector<16xi32>
      %gather3A_2218 = arith.constant 4 : i32
      %gather3A_2219 = arith.constant 0 : i32
      %gather3A_2220 = arith.constant 0 : i32
      %gather3A_2221 = tpu.memref_slice %arg7[%gather3A_2218, %gather3A_2219, %gather3A_2220] : memref<8x32x128xf32, #tpu.memory_space<vmem>> -> memref<1x32x128xf32, #tpu.memory_space<vmem>>
      %gather3A_2222 = tpu.memref_squeeze %gather3A_2221 : memref<1x32x128xf32, #tpu.memory_space<vmem>> -> memref<32x128xf32, #tpu.memory_space<vmem>>
      %gather3A_2223 = tpu.vector_load_idx %gather3A_2222[%iota3A, %broadcast_in_dim3A_2212] : memref<32x128xf32, #tpu.memory_space<vmem>>[vector<16xi32>, vector<16xi32>], vector<16xf32>,
      %gather3A_2224 = arith.constant 4 : i32
      %gather3A_2225 = arith.constant 0 : i32
      %gather3A_2226 = arith.constant 0 : i32
      %gather3A_2227 = tpu.memref_slice %arg7[%gather3A_2224, %gather3A_2225, %gather3A_2226] : memref<8x32x128xf32, #tpu.memory_space<vmem>> -> memref<1x32x128xf32, #tpu.memory_space<vmem>>
      %gather3A_2228 = tpu.memref_squeeze %gather3A_2227 : memref<1x32x128xf32, #tpu.memory_space<vmem>> -> memref<32x128xf32, #tpu.memory_space<vmem>>
      %gather3A_2229 = tpu.vector_load_idx %gather3A_2228[%add3A_5, %broadcast_in_dim3A_2212] : memref<32x128xf32, #tpu.memory_space<vmem>>[vector<16xi32>, vector<16xi32>], vector<16xf32>,
      tpu.vector_store_idx %arg9[%iota3A, %broadcast_in_dim3A_2217], %gather3A_2223 : memref<32x512xf32, #tpu.memory_space<vmem>>[vector<16xi32>, vector<16xi32>], vector<16xf32>,
      tpu.vector_store_idx %arg9[%add3A_5, %broadcast_in_dim3A_2217], %gather3A_2229 : memref<32x512xf32, #tpu.memory_space<vmem>>[vector<16xi32>, vector<16xi32>], vector<16xf32>,
      %and3A_2230 = arith.constant 127 : i32
      %and3A_2231 = arith.andi %reduce_max3A_1983, %and3A_2230 : i32
      %broadcast_in_dim3A_2232 = vector.broadcast %and3A_2231 : i32 to vector<16xi32>
      %mul3A_2233 = arith.constant 8 : i32
      %mul3A_2234 = arith.muli %add3A_1859, %mul3A_2233 : i32
      %add3A_2235 = arith.constant 5 : i32
      %add3A_2236 = arith.addi %mul3A_2234, %add3A_2235 : i32
      %broadcast_in_dim3A_2237 = vector.broadcast %add3A_2236 : i32 to vector<16xi32>
      %gather3A_2238 = arith.constant 5 : i32
      %gather3A_2239 = arith.constant 0 : i32
      %gather3A_2240 = arith.constant 0 : i32
      %gather3A_2241 = tpu.memref_slice %arg7[%gather3A_2238, %gather3A_2239, %gather3A_2240] : memref<8x32x128xf32, #tpu.memory_space<vmem>> -> memref<1x32x128xf32, #tpu.memory_space<vmem>>
      %gather3A_2242 = tpu.memref_squeeze %gather3A_2241 : memref<1x32x128xf32, #tpu.memory_space<vmem>> -> memref<32x128xf32, #tpu.memory_space<vmem>>
      %gather3A_2243 = tpu.vector_load_idx %gather3A_2242[%iota3A, %broadcast_in_dim3A_2232] : memref<32x128xf32, #tpu.memory_space<vmem>>[vector<16xi32>, vector<16xi32>], vector<16xf32>,
      %gather3A_2244 = arith.constant 5 : i32
      %gather3A_2245 = arith.constant 0 : i32
      %gather3A_2246 = arith.constant 0 : i32
      %gather3A_2247 = tpu.memref_slice %arg7[%gather3A_2244, %gather3A_2245, %gather3A_2246] : memref<8x32x128xf32, #tpu.memory_space<vmem>> -> memref<1x32x128xf32, #tpu.memory_space<vmem>>
      %gather3A_2248 = tpu.memref_squeeze %gather3A_2247 : memref<1x32x128xf32, #tpu.memory_space<vmem>> -> memref<32x128xf32, #tpu.memory_space<vmem>>
      %gather3A_2249 = tpu.vector_load_idx %gather3A_2248[%add3A_5, %broadcast_in_dim3A_2232] : memref<32x128xf32, #tpu.memory_space<vmem>>[vector<16xi32>, vector<16xi32>], vector<16xf32>,
      tpu.vector_store_idx %arg9[%iota3A, %broadcast_in_dim3A_2237], %gather3A_2243 : memref<32x512xf32, #tpu.memory_space<vmem>>[vector<16xi32>, vector<16xi32>], vector<16xf32>,
      tpu.vector_store_idx %arg9[%add3A_5, %broadcast_in_dim3A_2237], %gather3A_2249 : memref<32x512xf32, #tpu.memory_space<vmem>>[vector<16xi32>, vector<16xi32>], vector<16xf32>,
      %and3A_2250 = arith.constant 127 : i32
      %and3A_2251 = arith.andi %reduce_max3A_1996, %and3A_2250 : i32
      %broadcast_in_dim3A_2252 = vector.broadcast %and3A_2251 : i32 to vector<16xi32>
      %mul3A_2253 = arith.constant 8 : i32
      %mul3A_2254 = arith.muli %add3A_1859, %mul3A_2253 : i32
      %add3A_2255 = arith.constant 6 : i32
      %add3A_2256 = arith.addi %mul3A_2254, %add3A_2255 : i32
      %broadcast_in_dim3A_2257 = vector.broadcast %add3A_2256 : i32 to vector<16xi32>
      %gather3A_2258 = arith.constant 6 : i32
      %gather3A_2259 = arith.constant 0 : i32
      %gather3A_2260 = arith.constant 0 : i32
      %gather3A_2261 = tpu.memref_slice %arg7[%gather3A_2258, %gather3A_2259, %gather3A_2260] : memref<8x32x128xf32, #tpu.memory_space<vmem>> -> memref<1x32x128xf32, #tpu.memory_space<vmem>>
      %gather3A_2262 = tpu.memref_squeeze %gather3A_2261 : memref<1x32x128xf32, #tpu.memory_space<vmem>> -> memref<32x128xf32, #tpu.memory_space<vmem>>
      %gather3A_2263 = tpu.vector_load_idx %gather3A_2262[%iota3A, %broadcast_in_dim3A_2252] : memref<32x128xf32, #tpu.memory_space<vmem>>[vector<16xi32>, vector<16xi32>], vector<16xf32>,
      %gather3A_2264 = arith.constant 6 : i32
      %gather3A_2265 = arith.constant 0 : i32
      %gather3A_2266 = arith.constant 0 : i32
      %gather3A_2267 = tpu.memref_slice %arg7[%gather3A_2264, %gather3A_2265, %gather3A_2266] : memref<8x32x128xf32, #tpu.memory_space<vmem>> -> memref<1x32x128xf32, #tpu.memory_space<vmem>>
      %gather3A_2268 = tpu.memref_squeeze %gather3A_2267 : memref<1x32x128xf32, #tpu.memory_space<vmem>> -> memref<32x128xf32, #tpu.memory_space<vmem>>
      %gather3A_2269 = tpu.vector_load_idx %gather3A_2268[%add3A_5, %broadcast_in_dim3A_2252] : memref<32x128xf32, #tpu.memory_space<vmem>>[vector<16xi32>, vector<16xi32>], vector<16xf32>,
      tpu.vector_store_idx %arg9[%iota3A, %broadcast_in_dim3A_2257], %gather3A_2263 : memref<32x512xf32, #tpu.memory_space<vmem>>[vector<16xi32>, vector<16xi32>], vector<16xf32>,
      tpu.vector_store_idx %arg9[%add3A_5, %broadcast_in_dim3A_2257], %gather3A_2269 : memref<32x512xf32, #tpu.memory_space<vmem>>[vector<16xi32>, vector<16xi32>], vector<16xf32>,
      %and3A_2270 = arith.constant 127 : i32
      %and3A_2271 = arith.andi %reduce_max3A_2009, %and3A_2270 : i32
      %broadcast_in_dim3A_2272 = vector.broadcast %and3A_2271 : i32 to vector<16xi32>
      %mul3A_2273 = arith.constant 8 : i32
      %mul3A_2274 = arith.muli %add3A_1859, %mul3A_2273 : i32
      %add3A_2275 = arith.constant 7 : i32
      %add3A_2276 = arith.addi %mul3A_2274, %add3A_2275 : i32
      %broadcast_in_dim3A_2277 = vector.broadcast %add3A_2276 : i32 to vector<16xi32>
      %gather3A_2278 = arith.constant 7 : i32
      %gather3A_2279 = arith.constant 0 : i32
      %gather3A_2280 = arith.constant 0 : i32
      %gather3A_2281 = tpu.memref_slice %arg7[%gather3A_2278, %gather3A_2279, %gather3A_2280] : memref<8x32x128xf32, #tpu.memory_space<vmem>> -> memref<1x32x128xf32, #tpu.memory_space<vmem>>
      %gather3A_2282 = tpu.memref_squeeze %gather3A_2281 : memref<1x32x128xf32, #tpu.memory_space<vmem>> -> memref<32x128xf32, #tpu.memory_space<vmem>>
      %gather3A_2283 = tpu.vector_load_idx %gather3A_2282[%iota3A, %broadcast_in_dim3A_2272] : memref<32x128xf32, #tpu.memory_space<vmem>>[vector<16xi32>, vector<16xi32>], vector<16xf32>,
      %gather3A_2284 = arith.constant 7 : i32
      %gather3A_2285 = arith.constant 0 : i32
      %gather3A_2286 = arith.constant 0 : i32
      %gather3A_2287 = tpu.memref_slice %arg7[%gather3A_2284, %gather3A_2285, %gather3A_2286] : memref<8x32x128xf32, #tpu.memory_space<vmem>> -> memref<1x32x128xf32, #tpu.memory_space<vmem>>
      %gather3A_2288 = tpu.memref_squeeze %gather3A_2287 : memref<1x32x128xf32, #tpu.memory_space<vmem>> -> memref<32x128xf32, #tpu.memory_space<vmem>>
      %gather3A_2289 = tpu.vector_load_idx %gather3A_2288[%add3A_5, %broadcast_in_dim3A_2272] : memref<32x128xf32, #tpu.memory_space<vmem>>[vector<16xi32>, vector<16xi32>], vector<16xf32>,
      tpu.vector_store_idx %arg9[%iota3A, %broadcast_in_dim3A_2277], %gather3A_2283 : memref<32x512xf32, #tpu.memory_space<vmem>>[vector<16xi32>, vector<16xi32>], vector<16xf32>,
      tpu.vector_store_idx %arg9[%add3A_5, %broadcast_in_dim3A_2277], %gather3A_2289 : memref<32x512xf32, #tpu.memory_space<vmem>>[vector<16xi32>, vector<16xi32>], vector<16xf32>,
      %add3A_2290 = arith.constant 4 : i32
      %add3A_2291 = arith.addi %mul3A_842, %add3A_2290 : i32
      %lt3A_2292 = arith.constant 64 : i32
      %lt3A_2293 = arith.cmpi slt, %add3A_2291, %lt3A_2292 : i32
      %convert_element_type3A = arith.extui %lt3A_2293 : i1 to i32
      %cond3A = arith.constant 0 : i32
      %cond3A_2294 = arith.cmpi ne, %convert_element_type3A, %cond3A : i32
      scf.if %cond3A_2294 {
        %add3A_2727 = arith.constant 4 : i32
        %add3A_2728 = arith.addi %mul3A_842, %add3A_2727 : i32
        %jit3A_2729 = arith.constant 2 : i32
        %div3A_2730 = arith.divsi %add3A_2728, %jit3A_2729 : i32
        %sign3A_2731 = arith.constant 0 : i32
        %sign3A_2732 = arith.cmpi sgt, %add3A_2728, %sign3A_2731 : i32
        %sign3A_2733 = arith.extui %sign3A_2732 : i1 to i32
        %sign3A_2734 = arith.constant 0 : i32
        %sign3A_2735 = arith.cmpi slt, %add3A_2728, %sign3A_2734 : i32
        %sign3A_2736 = arith.extui %sign3A_2735 : i1 to i32
        %sign3A_2737 = arith.subi %sign3A_2733, %sign3A_2736 : i32
        %sign3A_2738 = arith.constant 0 : i32
        %sign3A_2739 = arith.cmpi sgt, %jit3A_2729, %sign3A_2738 : i32
        %sign3A_2740 = arith.extui %sign3A_2739 : i1 to i32
        %sign3A_2741 = arith.constant 0 : i32
        %sign3A_2742 = arith.cmpi slt, %jit3A_2729, %sign3A_2741 : i32
        %sign3A_2743 = arith.extui %sign3A_2742 : i1 to i32
        %sign3A_2744 = arith.subi %sign3A_2740, %sign3A_2743 : i32
        %ne3A_2745 = arith.cmpi ne, %sign3A_2737, %sign3A_2744 : i32
        %rem3A_2746 = arith.remsi %add3A_2728, %jit3A_2729 : i32
        %ne3A_2747 = arith.constant 0 : i32
        %ne3A_2748 = arith.cmpi ne, %rem3A_2746, %ne3A_2747 : i32
        %and3A_2749 = arith.andi %ne3A_2745, %ne3A_2748 : i1
        %sub3A_2750 = arith.constant 1 : i32
        %sub3A_2751 = arith.subi %div3A_2730, %sub3A_2750 : i32
        %select_n3A_2752 = arith.select %and3A_2749, %sub3A_2751, %div3A_2730 : i32
        %mul3A_2753 = arith.constant 16 : i32
        %mul3A_2754 = arith.muli %select_n3A_2752, %mul3A_2753 : i32
        %get3A_2755 = arith.index_cast %mul3A_2754 : i32 to index
        %get3A_2756 = tpu.vector_load %arg5[%get3A_2755] {strides = array<i32>} : memref<512xi32, #tpu.memory_space<vmem>>, vector<16xi32>,
        %jit3A_2757 = arith.constant 2 : i32
        %eq3A_2758 = arith.constant 0 : i32
        %eq3A_2759 = arith.cmpi eq, %jit3A_2757, %eq3A_2758 : i32
        %jit3A_2760 = arith.constant 1 : i32
        %select_n3A_2761 = arith.select %eq3A_2759, %jit3A_2760, %jit3A_2757 : i32
        %rem3A_2762 = arith.remsi %add3A_2728, %select_n3A_2761 : i32
        %ne3A_2763 = arith.constant 0 : i32
        %ne3A_2764 = arith.cmpi ne, %rem3A_2762, %ne3A_2763 : i32
        %lt3A_2765 = arith.constant 0 : i32
        %lt3A_2766 = arith.cmpi slt, %rem3A_2762, %lt3A_2765 : i32
        %lt3A_2767 = arith.constant 0 : i32
        %lt3A_2768 = arith.cmpi slt, %select_n3A_2761, %lt3A_2767 : i32
        %ne3A_2769 = arith.xori %lt3A_2766, %lt3A_2768 : i1
        %and3A_2770 = arith.andi %ne3A_2769, %ne3A_2764 : i1
        %add3A_2771 = arith.addi %rem3A_2762, %select_n3A_2761 : i32
        %select_n3A_2772 = arith.select %and3A_2770, %add3A_2771, %rem3A_2762 : i32
        %mul3A_2773 = arith.constant 8 : i32
        %mul3A_2774 = arith.muli %select_n3A_2772, %mul3A_2773 : i32
        %add3A_2775 = arith.constant 0 : i32
        %add3A_2776 = arith.addi %mul3A_2774, %add3A_2775 : i32
        %eq3A_2777 = vector.broadcast %add3A_2776 : i32 to vector<16xi32>
        %eq3A_2778 = arith.cmpi eq, %iota3A, %eq3A_2777 : vector<16xi32>
        %select_n3A_2779 = arith.select %eq3A_2778, %get3A_2756, %broadcast_in_dim3A_6 : vector<16xi1>, vector<16xi32>
        %reduce_max3A_2780 = arith.constant true
        %reduce_max3A_2781 = vector.broadcast %reduce_max3A_2780 : i1 to vector<16xi1>
        %reduce_max3A_2782 = arith.constant -2147483648 : i32
        %reduce_max3A_2783 = vector.broadcast %reduce_max3A_2782 : i32 to vector<16xi32>
        %reduce_max3A_2784 = arith.xori %select_n3A_2779, %reduce_max3A_2783 : vector<16xi32>
        %reduce_max3A_2785 = tpu.scan <max>, %reduce_max3A_2784 masked %reduce_max3A_2781 : vector<16xi32>, vector<16xi1> -> vector<16xi32>
        %reduce_max3A_2786 = arith.xori %reduce_max3A_2785, %reduce_max3A_2783 : vector<16xi32>
        %reduce_max3A_2787 = vector.extract %reduce_max3A_2786[15] : i32 from vector<16xi32>
        %add3A_2788 = arith.constant 1 : i32
        %add3A_2789 = arith.addi %mul3A_2774, %add3A_2788 : i32
        %eq3A_2790 = vector.broadcast %add3A_2789 : i32 to vector<16xi32>
        %eq3A_2791 = arith.cmpi eq, %iota3A, %eq3A_2790 : vector<16xi32>
        %select_n3A_2792 = arith.select %eq3A_2791, %get3A_2756, %broadcast_in_dim3A_6 : vector<16xi1>, vector<16xi32>
        %reduce_max3A_2793 = arith.constant true
        %reduce_max3A_2794 = vector.broadcast %reduce_max3A_2793 : i1 to vector<16xi1>
        %reduce_max3A_2795 = arith.constant -2147483648 : i32
        %reduce_max3A_2796 = vector.broadcast %reduce_max3A_2795 : i32 to vector<16xi32>
        %reduce_max3A_2797 = arith.xori %select_n3A_2792, %reduce_max3A_2796 : vector<16xi32>
        %reduce_max3A_2798 = tpu.scan <max>, %reduce_max3A_2797 masked %reduce_max3A_2794 : vector<16xi32>, vector<16xi1> -> vector<16xi32>
        %reduce_max3A_2799 = arith.xori %reduce_max3A_2798, %reduce_max3A_2796 : vector<16xi32>
        %reduce_max3A_2800 = vector.extract %reduce_max3A_2799[15] : i32 from vector<16xi32>
        %add3A_2801 = arith.constant 2 : i32
        %add3A_2802 = arith.addi %mul3A_2774, %add3A_2801 : i32
        %eq3A_2803 = vector.broadcast %add3A_2802 : i32 to vector<16xi32>
        %eq3A_2804 = arith.cmpi eq, %iota3A, %eq3A_2803 : vector<16xi32>
        %select_n3A_2805 = arith.select %eq3A_2804, %get3A_2756, %broadcast_in_dim3A_6 : vector<16xi1>, vector<16xi32>
        %reduce_max3A_2806 = arith.constant true
        %reduce_max3A_2807 = vector.broadcast %reduce_max3A_2806 : i1 to vector<16xi1>
        %reduce_max3A_2808 = arith.constant -2147483648 : i32
        %reduce_max3A_2809 = vector.broadcast %reduce_max3A_2808 : i32 to vector<16xi32>
        %reduce_max3A_2810 = arith.xori %select_n3A_2805, %reduce_max3A_2809 : vector<16xi32>
        %reduce_max3A_2811 = tpu.scan <max>, %reduce_max3A_2810 masked %reduce_max3A_2807 : vector<16xi32>, vector<16xi1> -> vector<16xi32>
        %reduce_max3A_2812 = arith.xori %reduce_max3A_2811, %reduce_max3A_2809 : vector<16xi32>
        %reduce_max3A_2813 = vector.extract %reduce_max3A_2812[15] : i32 from vector<16xi32>
        %add3A_2814 = arith.constant 3 : i32
        %add3A_2815 = arith.addi %mul3A_2774, %add3A_2814 : i32
        %eq3A_2816 = vector.broadcast %add3A_2815 : i32 to vector<16xi32>
        %eq3A_2817 = arith.cmpi eq, %iota3A, %eq3A_2816 : vector<16xi32>
        %select_n3A_2818 = arith.select %eq3A_2817, %get3A_2756, %broadcast_in_dim3A_6 : vector<16xi1>, vector<16xi32>
        %reduce_max3A_2819 = arith.constant true
        %reduce_max3A_2820 = vector.broadcast %reduce_max3A_2819 : i1 to vector<16xi1>
        %reduce_max3A_2821 = arith.constant -2147483648 : i32
        %reduce_max3A_2822 = vector.broadcast %reduce_max3A_2821 : i32 to vector<16xi32>
        %reduce_max3A_2823 = arith.xori %select_n3A_2818, %reduce_max3A_2822 : vector<16xi32>
        %reduce_max3A_2824 = tpu.scan <max>, %reduce_max3A_2823 masked %reduce_max3A_2820 : vector<16xi32>, vector<16xi1> -> vector<16xi32>
        %reduce_max3A_2825 = arith.xori %reduce_max3A_2824, %reduce_max3A_2822 : vector<16xi32>
        %reduce_max3A_2826 = vector.extract %reduce_max3A_2825[15] : i32 from vector<16xi32>
        %add3A_2827 = arith.constant 4 : i32
        %add3A_2828 = arith.addi %mul3A_2774, %add3A_2827 : i32
        %eq3A_2829 = vector.broadcast %add3A_2828 : i32 to vector<16xi32>
        %eq3A_2830 = arith.cmpi eq, %iota3A, %eq3A_2829 : vector<16xi32>
        %select_n3A_2831 = arith.select %eq3A_2830, %get3A_2756, %broadcast_in_dim3A_6 : vector<16xi1>, vector<16xi32>
        %reduce_max3A_2832 = arith.constant true
        %reduce_max3A_2833 = vector.broadcast %reduce_max3A_2832 : i1 to vector<16xi1>
        %reduce_max3A_2834 = arith.constant -2147483648 : i32
        %reduce_max3A_2835 = vector.broadcast %reduce_max3A_2834 : i32 to vector<16xi32>
        %reduce_max3A_2836 = arith.xori %select_n3A_2831, %reduce_max3A_2835 : vector<16xi32>
        %reduce_max3A_2837 = tpu.scan <max>, %reduce_max3A_2836 masked %reduce_max3A_2833 : vector<16xi32>, vector<16xi1> -> vector<16xi32>
        %reduce_max3A_2838 = arith.xori %reduce_max3A_2837, %reduce_max3A_2835 : vector<16xi32>
        %reduce_max3A_2839 = vector.extract %reduce_max3A_2838[15] : i32 from vector<16xi32>
        %add3A_2840 = arith.constant 5 : i32
        %add3A_2841 = arith.addi %mul3A_2774, %add3A_2840 : i32
        %eq3A_2842 = vector.broadcast %add3A_2841 : i32 to vector<16xi32>
        %eq3A_2843 = arith.cmpi eq, %iota3A, %eq3A_2842 : vector<16xi32>
        %select_n3A_2844 = arith.select %eq3A_2843, %get3A_2756, %broadcast_in_dim3A_6 : vector<16xi1>, vector<16xi32>
        %reduce_max3A_2845 = arith.constant true
        %reduce_max3A_2846 = vector.broadcast %reduce_max3A_2845 : i1 to vector<16xi1>
        %reduce_max3A_2847 = arith.constant -2147483648 : i32
        %reduce_max3A_2848 = vector.broadcast %reduce_max3A_2847 : i32 to vector<16xi32>
        %reduce_max3A_2849 = arith.xori %select_n3A_2844, %reduce_max3A_2848 : vector<16xi32>
        %reduce_max3A_2850 = tpu.scan <max>, %reduce_max3A_2849 masked %reduce_max3A_2846 : vector<16xi32>, vector<16xi1> -> vector<16xi32>
        %reduce_max3A_2851 = arith.xori %reduce_max3A_2850, %reduce_max3A_2848 : vector<16xi32>
        %reduce_max3A_2852 = vector.extract %reduce_max3A_2851[15] : i32 from vector<16xi32>
        %add3A_2853 = arith.constant 6 : i32
        %add3A_2854 = arith.addi %mul3A_2774, %add3A_2853 : i32
        %eq3A_2855 = vector.broadcast %add3A_2854 : i32 to vector<16xi32>
        %eq3A_2856 = arith.cmpi eq, %iota3A, %eq3A_2855 : vector<16xi32>
        %select_n3A_2857 = arith.select %eq3A_2856, %get3A_2756, %broadcast_in_dim3A_6 : vector<16xi1>, vector<16xi32>
        %reduce_max3A_2858 = arith.constant true
        %reduce_max3A_2859 = vector.broadcast %reduce_max3A_2858 : i1 to vector<16xi1>
        %reduce_max3A_2860 = arith.constant -2147483648 : i32
        %reduce_max3A_2861 = vector.broadcast %reduce_max3A_2860 : i32 to vector<16xi32>
        %reduce_max3A_2862 = arith.xori %select_n3A_2857, %reduce_max3A_2861 : vector<16xi32>
        %reduce_max3A_2863 = tpu.scan <max>, %reduce_max3A_2862 masked %reduce_max3A_2859 : vector<16xi32>, vector<16xi1> -> vector<16xi32>
        %reduce_max3A_2864 = arith.xori %reduce_max3A_2863, %reduce_max3A_2861 : vector<16xi32>
        %reduce_max3A_2865 = vector.extract %reduce_max3A_2864[15] : i32 from vector<16xi32>
        %add3A_2866 = arith.constant 7 : i32
        %add3A_2867 = arith.addi %mul3A_2774, %add3A_2866 : i32
        %eq3A_2868 = vector.broadcast %add3A_2867 : i32 to vector<16xi32>
        %eq3A_2869 = arith.cmpi eq, %iota3A, %eq3A_2868 : vector<16xi32>
        %select_n3A_2870 = arith.select %eq3A_2869, %get3A_2756, %broadcast_in_dim3A_6 : vector<16xi1>, vector<16xi32>
        %reduce_max3A_2871 = arith.constant true
        %reduce_max3A_2872 = vector.broadcast %reduce_max3A_2871 : i1 to vector<16xi1>
        %reduce_max3A_2873 = arith.constant -2147483648 : i32
        %reduce_max3A_2874 = vector.broadcast %reduce_max3A_2873 : i32 to vector<16xi32>
        %reduce_max3A_2875 = arith.xori %select_n3A_2870, %reduce_max3A_2874 : vector<16xi32>
        %reduce_max3A_2876 = tpu.scan <max>, %reduce_max3A_2875 masked %reduce_max3A_2872 : vector<16xi32>, vector<16xi1> -> vector<16xi32>
        %reduce_max3A_2877 = arith.xori %reduce_max3A_2876, %reduce_max3A_2874 : vector<16xi32>
        %reduce_max3A_2878 = vector.extract %reduce_max3A_2877[15] : i32 from vector<16xi32>
        %shift_right_arithmetic3A_2879 = arith.constant 7 : i32
        %shift_right_arithmetic3A_2880 = arith.shrsi %reduce_max3A_2787, %shift_right_arithmetic3A_2879 : i32
        %mul3A_2881 = arith.constant 128 : i32
        %mul3A_2882 = arith.muli %shift_right_arithmetic3A_2880, %mul3A_2881 : i32
        %multiple_of3A_2883 = tpu.assume_multiple %mul3A_2882, 128 : i32
        %dma_start3A_2884 = arith.constant 0 : i32
        %dma_start3A_2885 = arith.constant 0 : i32
        %dma_start3A_2886 = arith.constant 0 : i32
        %dma_start3A_2887 = tpu.memref_slice %arg7[%dma_start3A_2884, %dma_start3A_2885, %dma_start3A_2886] : memref<8x32x128xf32, #tpu.memory_space<vmem>> -> memref<1x32x128xf32, #tpu.memory_space<vmem>>
        %dma_start3A_2888 = tpu.memref_squeeze %dma_start3A_2887 : memref<1x32x128xf32, #tpu.memory_space<vmem>> -> memref<32x128xf32, #tpu.memory_space<vmem>>
        %dma_start3A_2889 = arith.constant 0 : i32
        %dma_start3A_2890 = tpu.memref_slice %arg3[%dma_start3A_2889, %multiple_of3A_2883] : memref<32x1000000xf32, #tpu.memory_space<hbm>> -> memref<32x128xf32, #tpu.memory_space<hbm>>
        %dma_start3A_2891 = arith.constant 0 : i32
        %dma_start3A_2892 = arith.constant 0 : i32
        %dma_start3A_2893 = tpu.memref_slice %arg7[%dma_start3A_2884, %dma_start3A_2891, %dma_start3A_2892] : memref<8x32x128xf32, #tpu.memory_space<vmem>> -> memref<1x32x128xf32, #tpu.memory_space<vmem>>
        %dma_start3A_2894 = tpu.memref_squeeze %dma_start3A_2893 : memref<1x32x128xf32, #tpu.memory_space<vmem>> -> memref<32x128xf32, #tpu.memory_space<vmem>>
        %dma_start3A_2895 = arith.constant 0 : i32
        %dma_start3A_2896 = tpu.memref_slice %arg3[%dma_start3A_2895, %multiple_of3A_2883] : memref<32x1000000xf32, #tpu.memory_space<hbm>> -> memref<32x128xf32, #tpu.memory_space<hbm>>
        tpu.enqueue_dma source(%dma_start3A_2896 : memref<32x128xf32, #tpu.memory_space<hbm>>) target(%dma_start3A_2894 : memref<32x128xf32, #tpu.memory_space<vmem>>) target_semaphore(%arg11 : memref<!tpu.dma_semaphore, #tpu.memory_space<semaphore_mem>>)
        %shift_right_arithmetic3A_2897 = arith.constant 7 : i32
        %shift_right_arithmetic3A_2898 = arith.shrsi %reduce_max3A_2800, %shift_right_arithmetic3A_2897 : i32
        %mul3A_2899 = arith.constant 128 : i32
        %mul3A_2900 = arith.muli %shift_right_arithmetic3A_2898, %mul3A_2899 : i32
        %multiple_of3A_2901 = tpu.assume_multiple %mul3A_2900, 128 : i32
        %dma_start3A_2902 = arith.constant 1 : i32
        %dma_start3A_2903 = arith.constant 0 : i32
        %dma_start3A_2904 = arith.constant 0 : i32
        %dma_start3A_2905 = tpu.memref_slice %arg7[%dma_start3A_2902, %dma_start3A_2903, %dma_start3A_2904] : memref<8x32x128xf32, #tpu.memory_space<vmem>> -> memref<1x32x128xf32, #tpu.memory_space<vmem>>
        %dma_start3A_2906 = tpu.memref_squeeze %dma_start3A_2905 : memref<1x32x128xf32, #tpu.memory_space<vmem>> -> memref<32x128xf32, #tpu.memory_space<vmem>>
        %dma_start3A_2907 = arith.constant 0 : i32
        %dma_start3A_2908 = tpu.memref_slice %arg3[%dma_start3A_2907, %multiple_of3A_2901] : memref<32x1000000xf32, #tpu.memory_space<hbm>> -> memref<32x128xf32, #tpu.memory_space<hbm>>
        %dma_start3A_2909 = arith.constant 0 : i32
        %dma_start3A_2910 = arith.constant 0 : i32
        %dma_start3A_2911 = tpu.memref_slice %arg7[%dma_start3A_2902, %dma_start3A_2909, %dma_start3A_2910] : memref<8x32x128xf32, #tpu.memory_space<vmem>> -> memref<1x32x128xf32, #tpu.memory_space<vmem>>
        %dma_start3A_2912 = tpu.memref_squeeze %dma_start3A_2911 : memref<1x32x128xf32, #tpu.memory_space<vmem>> -> memref<32x128xf32, #tpu.memory_space<vmem>>
        %dma_start3A_2913 = arith.constant 0 : i32
        %dma_start3A_2914 = tpu.memref_slice %arg3[%dma_start3A_2913, %multiple_of3A_2901] : memref<32x1000000xf32, #tpu.memory_space<hbm>> -> memref<32x128xf32, #tpu.memory_space<hbm>>
        tpu.enqueue_dma source(%dma_start3A_2914 : memref<32x128xf32, #tpu.memory_space<hbm>>) target(%dma_start3A_2912 : memref<32x128xf32, #tpu.memory_space<vmem>>) target_semaphore(%arg11 : memref<!tpu.dma_semaphore, #tpu.memory_space<semaphore_mem>>)
        %shift_right_arithmetic3A_2915 = arith.constant 7 : i32
        %shift_right_arithmetic3A_2916 = arith.shrsi %reduce_max3A_2813, %shift_right_arithmetic3A_2915 : i32
        %mul3A_2917 = arith.constant 128 : i32
        %mul3A_2918 = arith.muli %shift_right_arithmetic3A_2916, %mul3A_2917 : i32
        %multiple_of3A_2919 = tpu.assume_multiple %mul3A_2918, 128 : i32
        %dma_start3A_2920 = arith.constant 2 : i32
        %dma_start3A_2921 = arith.constant 0 : i32
        %dma_start3A_2922 = arith.constant 0 : i32
        %dma_start3A_2923 = tpu.memref_slice %arg7[%dma_start3A_2920, %dma_start3A_2921, %dma_start3A_2922] : memref<8x32x128xf32, #tpu.memory_space<vmem>> -> memref<1x32x128xf32, #tpu.memory_space<vmem>>
        %dma_start3A_2924 = tpu.memref_squeeze %dma_start3A_2923 : memref<1x32x128xf32, #tpu.memory_space<vmem>> -> memref<32x128xf32, #tpu.memory_space<vmem>>
        %dma_start3A_2925 = arith.constant 0 : i32
        %dma_start3A_2926 = tpu.memref_slice %arg3[%dma_start3A_2925, %multiple_of3A_2919] : memref<32x1000000xf32, #tpu.memory_space<hbm>> -> memref<32x128xf32, #tpu.memory_space<hbm>>
        %dma_start3A_2927 = arith.constant 0 : i32
        %dma_start3A_2928 = arith.constant 0 : i32
        %dma_start3A_2929 = tpu.memref_slice %arg7[%dma_start3A_2920, %dma_start3A_2927, %dma_start3A_2928] : memref<8x32x128xf32, #tpu.memory_space<vmem>> -> memref<1x32x128xf32, #tpu.memory_space<vmem>>
        %dma_start3A_2930 = tpu.memref_squeeze %dma_start3A_2929 : memref<1x32x128xf32, #tpu.memory_space<vmem>> -> memref<32x128xf32, #tpu.memory_space<vmem>>
        %dma_start3A_2931 = arith.constant 0 : i32
        %dma_start3A_2932 = tpu.memref_slice %arg3[%dma_start3A_2931, %multiple_of3A_2919] : memref<32x1000000xf32, #tpu.memory_space<hbm>> -> memref<32x128xf32, #tpu.memory_space<hbm>>
        tpu.enqueue_dma source(%dma_start3A_2932 : memref<32x128xf32, #tpu.memory_space<hbm>>) target(%dma_start3A_2930 : memref<32x128xf32, #tpu.memory_space<vmem>>) target_semaphore(%arg11 : memref<!tpu.dma_semaphore, #tpu.memory_space<semaphore_mem>>)
        %shift_right_arithmetic3A_2933 = arith.constant 7 : i32
        %shift_right_arithmetic3A_2934 = arith.shrsi %reduce_max3A_2826, %shift_right_arithmetic3A_2933 : i32
        %mul3A_2935 = arith.constant 128 : i32
        %mul3A_2936 = arith.muli %shift_right_arithmetic3A_2934, %mul3A_2935 : i32
        %multiple_of3A_2937 = tpu.assume_multiple %mul3A_2936, 128 : i32
        %dma_start3A_2938 = arith.constant 3 : i32
        %dma_start3A_2939 = arith.constant 0 : i32
        %dma_start3A_2940 = arith.constant 0 : i32
        %dma_start3A_2941 = tpu.memref_slice %arg7[%dma_start3A_2938, %dma_start3A_2939, %dma_start3A_2940] : memref<8x32x128xf32, #tpu.memory_space<vmem>> -> memref<1x32x128xf32, #tpu.memory_space<vmem>>
        %dma_start3A_2942 = tpu.memref_squeeze %dma_start3A_2941 : memref<1x32x128xf32, #tpu.memory_space<vmem>> -> memref<32x128xf32, #tpu.memory_space<vmem>>
        %dma_start3A_2943 = arith.constant 0 : i32
        %dma_start3A_2944 = tpu.memref_slice %arg3[%dma_start3A_2943, %multiple_of3A_2937] : memref<32x1000000xf32, #tpu.memory_space<hbm>> -> memref<32x128xf32, #tpu.memory_space<hbm>>
        %dma_start3A_2945 = arith.constant 0 : i32
        %dma_start3A_2946 = arith.constant 0 : i32
        %dma_start3A_2947 = tpu.memref_slice %arg7[%dma_start3A_2938, %dma_start3A_2945, %dma_start3A_2946] : memref<8x32x128xf32, #tpu.memory_space<vmem>> -> memref<1x32x128xf32, #tpu.memory_space<vmem>>
        %dma_start3A_2948 = tpu.memref_squeeze %dma_start3A_2947 : memref<1x32x128xf32, #tpu.memory_space<vmem>> -> memref<32x128xf32, #tpu.memory_space<vmem>>
        %dma_start3A_2949 = arith.constant 0 : i32
        %dma_start3A_2950 = tpu.memref_slice %arg3[%dma_start3A_2949, %multiple_of3A_2937] : memref<32x1000000xf32, #tpu.memory_space<hbm>> -> memref<32x128xf32, #tpu.memory_space<hbm>>
        tpu.enqueue_dma source(%dma_start3A_2950 : memref<32x128xf32, #tpu.memory_space<hbm>>) target(%dma_start3A_2948 : memref<32x128xf32, #tpu.memory_space<vmem>>) target_semaphore(%arg11 : memref<!tpu.dma_semaphore, #tpu.memory_space<semaphore_mem>>)
        %shift_right_arithmetic3A_2951 = arith.constant 7 : i32
        %shift_right_arithmetic3A_2952 = arith.shrsi %reduce_max3A_2839, %shift_right_arithmetic3A_2951 : i32
        %mul3A_2953 = arith.constant 128 : i32
        %mul3A_2954 = arith.muli %shift_right_arithmetic3A_2952, %mul3A_2953 : i32
        %multiple_of3A_2955 = tpu.assume_multiple %mul3A_2954, 128 : i32
        %dma_start3A_2956 = arith.constant 4 : i32
        %dma_start3A_2957 = arith.constant 0 : i32
        %dma_start3A_2958 = arith.constant 0 : i32
        %dma_start3A_2959 = tpu.memref_slice %arg7[%dma_start3A_2956, %dma_start3A_2957, %dma_start3A_2958] : memref<8x32x128xf32, #tpu.memory_space<vmem>> -> memref<1x32x128xf32, #tpu.memory_space<vmem>>
        %dma_start3A_2960 = tpu.memref_squeeze %dma_start3A_2959 : memref<1x32x128xf32, #tpu.memory_space<vmem>> -> memref<32x128xf32, #tpu.memory_space<vmem>>
        %dma_start3A_2961 = arith.constant 0 : i32
        %dma_start3A_2962 = tpu.memref_slice %arg3[%dma_start3A_2961, %multiple_of3A_2955] : memref<32x1000000xf32, #tpu.memory_space<hbm>> -> memref<32x128xf32, #tpu.memory_space<hbm>>
        %dma_start3A_2963 = arith.constant 0 : i32
        %dma_start3A_2964 = arith.constant 0 : i32
        %dma_start3A_2965 = tpu.memref_slice %arg7[%dma_start3A_2956, %dma_start3A_2963, %dma_start3A_2964] : memref<8x32x128xf32, #tpu.memory_space<vmem>> -> memref<1x32x128xf32, #tpu.memory_space<vmem>>
        %dma_start3A_2966 = tpu.memref_squeeze %dma_start3A_2965 : memref<1x32x128xf32, #tpu.memory_space<vmem>> -> memref<32x128xf32, #tpu.memory_space<vmem>>
        %dma_start3A_2967 = arith.constant 0 : i32
        %dma_start3A_2968 = tpu.memref_slice %arg3[%dma_start3A_2967, %multiple_of3A_2955] : memref<32x1000000xf32, #tpu.memory_space<hbm>> -> memref<32x128xf32, #tpu.memory_space<hbm>>
        tpu.enqueue_dma source(%dma_start3A_2968 : memref<32x128xf32, #tpu.memory_space<hbm>>) target(%dma_start3A_2966 : memref<32x128xf32, #tpu.memory_space<vmem>>) target_semaphore(%arg11 : memref<!tpu.dma_semaphore, #tpu.memory_space<semaphore_mem>>)
        %shift_right_arithmetic3A_2969 = arith.constant 7 : i32
        %shift_right_arithmetic3A_2970 = arith.shrsi %reduce_max3A_2852, %shift_right_arithmetic3A_2969 : i32
        %mul3A_2971 = arith.constant 128 : i32
        %mul3A_2972 = arith.muli %shift_right_arithmetic3A_2970, %mul3A_2971 : i32
        %multiple_of3A_2973 = tpu.assume_multiple %mul3A_2972, 128 : i32
        %dma_start3A_2974 = arith.constant 5 : i32
        %dma_start3A_2975 = arith.constant 0 : i32
        %dma_start3A_2976 = arith.constant 0 : i32
        %dma_start3A_2977 = tpu.memref_slice %arg7[%dma_start3A_2974, %dma_start3A_2975, %dma_start3A_2976] : memref<8x32x128xf32, #tpu.memory_space<vmem>> -> memref<1x32x128xf32, #tpu.memory_space<vmem>>
        %dma_start3A_2978 = tpu.memref_squeeze %dma_start3A_2977 : memref<1x32x128xf32, #tpu.memory_space<vmem>> -> memref<32x128xf32, #tpu.memory_space<vmem>>
        %dma_start3A_2979 = arith.constant 0 : i32
        %dma_start3A_2980 = tpu.memref_slice %arg3[%dma_start3A_2979, %multiple_of3A_2973] : memref<32x1000000xf32, #tpu.memory_space<hbm>> -> memref<32x128xf32, #tpu.memory_space<hbm>>
        %dma_start3A_2981 = arith.constant 0 : i32
        %dma_start3A_2982 = arith.constant 0 : i32
        %dma_start3A_2983 = tpu.memref_slice %arg7[%dma_start3A_2974, %dma_start3A_2981, %dma_start3A_2982] : memref<8x32x128xf32, #tpu.memory_space<vmem>> -> memref<1x32x128xf32, #tpu.memory_space<vmem>>
        %dma_start3A_2984 = tpu.memref_squeeze %dma_start3A_2983 : memref<1x32x128xf32, #tpu.memory_space<vmem>> -> memref<32x128xf32, #tpu.memory_space<vmem>>
        %dma_start3A_2985 = arith.constant 0 : i32
        %dma_start3A_2986 = tpu.memref_slice %arg3[%dma_start3A_2985, %multiple_of3A_2973] : memref<32x1000000xf32, #tpu.memory_space<hbm>> -> memref<32x128xf32, #tpu.memory_space<hbm>>
        tpu.enqueue_dma source(%dma_start3A_2986 : memref<32x128xf32, #tpu.memory_space<hbm>>) target(%dma_start3A_2984 : memref<32x128xf32, #tpu.memory_space<vmem>>) target_semaphore(%arg11 : memref<!tpu.dma_semaphore, #tpu.memory_space<semaphore_mem>>)
        %shift_right_arithmetic3A_2987 = arith.constant 7 : i32
        %shift_right_arithmetic3A_2988 = arith.shrsi %reduce_max3A_2865, %shift_right_arithmetic3A_2987 : i32
        %mul3A_2989 = arith.constant 128 : i32
        %mul3A_2990 = arith.muli %shift_right_arithmetic3A_2988, %mul3A_2989 : i32
        %multiple_of3A_2991 = tpu.assume_multiple %mul3A_2990, 128 : i32
        %dma_start3A_2992 = arith.constant 6 : i32
        %dma_start3A_2993 = arith.constant 0 : i32
        %dma_start3A_2994 = arith.constant 0 : i32
        %dma_start3A_2995 = tpu.memref_slice %arg7[%dma_start3A_2992, %dma_start3A_2993, %dma_start3A_2994] : memref<8x32x128xf32, #tpu.memory_space<vmem>> -> memref<1x32x128xf32, #tpu.memory_space<vmem>>
        %dma_start3A_2996 = tpu.memref_squeeze %dma_start3A_2995 : memref<1x32x128xf32, #tpu.memory_space<vmem>> -> memref<32x128xf32, #tpu.memory_space<vmem>>
        %dma_start3A_2997 = arith.constant 0 : i32
        %dma_start3A_2998 = tpu.memref_slice %arg3[%dma_start3A_2997, %multiple_of3A_2991] : memref<32x1000000xf32, #tpu.memory_space<hbm>> -> memref<32x128xf32, #tpu.memory_space<hbm>>
        %dma_start3A_2999 = arith.constant 0 : i32
        %dma_start3A_3000 = arith.constant 0 : i32
        %dma_start3A_3001 = tpu.memref_slice %arg7[%dma_start3A_2992, %dma_start3A_2999, %dma_start3A_3000] : memref<8x32x128xf32, #tpu.memory_space<vmem>> -> memref<1x32x128xf32, #tpu.memory_space<vmem>>
        %dma_start3A_3002 = tpu.memref_squeeze %dma_start3A_3001 : memref<1x32x128xf32, #tpu.memory_space<vmem>> -> memref<32x128xf32, #tpu.memory_space<vmem>>
        %dma_start3A_3003 = arith.constant 0 : i32
        %dma_start3A_3004 = tpu.memref_slice %arg3[%dma_start3A_3003, %multiple_of3A_2991] : memref<32x1000000xf32, #tpu.memory_space<hbm>> -> memref<32x128xf32, #tpu.memory_space<hbm>>
        tpu.enqueue_dma source(%dma_start3A_3004 : memref<32x128xf32, #tpu.memory_space<hbm>>) target(%dma_start3A_3002 : memref<32x128xf32, #tpu.memory_space<vmem>>) target_semaphore(%arg11 : memref<!tpu.dma_semaphore, #tpu.memory_space<semaphore_mem>>)
        %shift_right_arithmetic3A_3005 = arith.constant 7 : i32
        %shift_right_arithmetic3A_3006 = arith.shrsi %reduce_max3A_2878, %shift_right_arithmetic3A_3005 : i32
        %mul3A_3007 = arith.constant 128 : i32
        %mul3A_3008 = arith.muli %shift_right_arithmetic3A_3006, %mul3A_3007 : i32
        %multiple_of3A_3009 = tpu.assume_multiple %mul3A_3008, 128 : i32
        %dma_start3A_3010 = arith.constant 7 : i32
        %dma_start3A_3011 = arith.constant 0 : i32
        %dma_start3A_3012 = arith.constant 0 : i32
        %dma_start3A_3013 = tpu.memref_slice %arg7[%dma_start3A_3010, %dma_start3A_3011, %dma_start3A_3012] : memref<8x32x128xf32, #tpu.memory_space<vmem>> -> memref<1x32x128xf32, #tpu.memory_space<vmem>>
        %dma_start3A_3014 = tpu.memref_squeeze %dma_start3A_3013 : memref<1x32x128xf32, #tpu.memory_space<vmem>> -> memref<32x128xf32, #tpu.memory_space<vmem>>
        %dma_start3A_3015 = arith.constant 0 : i32
        %dma_start3A_3016 = tpu.memref_slice %arg3[%dma_start3A_3015, %multiple_of3A_3009] : memref<32x1000000xf32, #tpu.memory_space<hbm>> -> memref<32x128xf32, #tpu.memory_space<hbm>>
        %dma_start3A_3017 = arith.constant 0 : i32
        %dma_start3A_3018 = arith.constant 0 : i32
        %dma_start3A_3019 = tpu.memref_slice %arg7[%dma_start3A_3010, %dma_start3A_3017, %dma_start3A_3018] : memref<8x32x128xf32, #tpu.memory_space<vmem>> -> memref<1x32x128xf32, #tpu.memory_space<vmem>>
        %dma_start3A_3020 = tpu.memref_squeeze %dma_start3A_3019 : memref<1x32x128xf32, #tpu.memory_space<vmem>> -> memref<32x128xf32, #tpu.memory_space<vmem>>
        %dma_start3A_3021 = arith.constant 0 : i32
        %dma_start3A_3022 = tpu.memref_slice %arg3[%dma_start3A_3021, %multiple_of3A_3009] : memref<32x1000000xf32, #tpu.memory_space<hbm>> -> memref<32x128xf32, #tpu.memory_space<hbm>>
        tpu.enqueue_dma source(%dma_start3A_3022 : memref<32x128xf32, #tpu.memory_space<hbm>>) target(%dma_start3A_3020 : memref<32x128xf32, #tpu.memory_space<vmem>>) target_semaphore(%arg11 : memref<!tpu.dma_semaphore, #tpu.memory_space<semaphore_mem>>)
      } else {
      }
      %add3A_2295 = arith.constant 2 : i32
      %add3A_2296 = arith.addi %mul3A_842, %add3A_2295 : i32
      %jit3A_2297 = arith.constant 2 : i32
      %div3A_2298 = arith.divsi %add3A_2296, %jit3A_2297 : i32
      %sign3A_2299 = arith.constant 0 : i32
      %sign3A_2300 = arith.cmpi sgt, %add3A_2296, %sign3A_2299 : i32
      %sign3A_2301 = arith.extui %sign3A_2300 : i1 to i32
      %sign3A_2302 = arith.constant 0 : i32
      %sign3A_2303 = arith.cmpi slt, %add3A_2296, %sign3A_2302 : i32
      %sign3A_2304 = arith.extui %sign3A_2303 : i1 to i32
      %sign3A_2305 = arith.subi %sign3A_2301, %sign3A_2304 : i32
      %sign3A_2306 = arith.constant 0 : i32
      %sign3A_2307 = arith.cmpi sgt, %jit3A_2297, %sign3A_2306 : i32
      %sign3A_2308 = arith.extui %sign3A_2307 : i1 to i32
      %sign3A_2309 = arith.constant 0 : i32
      %sign3A_2310 = arith.cmpi slt, %jit3A_2297, %sign3A_2309 : i32
      %sign3A_2311 = arith.extui %sign3A_2310 : i1 to i32
      %sign3A_2312 = arith.subi %sign3A_2308, %sign3A_2311 : i32
      %ne3A_2313 = arith.cmpi ne, %sign3A_2305, %sign3A_2312 : i32
      %rem3A_2314 = arith.remsi %add3A_2296, %jit3A_2297 : i32
      %ne3A_2315 = arith.constant 0 : i32
      %ne3A_2316 = arith.cmpi ne, %rem3A_2314, %ne3A_2315 : i32
      %and3A_2317 = arith.andi %ne3A_2313, %ne3A_2316 : i1
      %sub3A_2318 = arith.constant 1 : i32
      %sub3A_2319 = arith.subi %div3A_2298, %sub3A_2318 : i32
      %select_n3A_2320 = arith.select %and3A_2317, %sub3A_2319, %div3A_2298 : i32
      %mul3A_2321 = arith.constant 16 : i32
      %mul3A_2322 = arith.muli %select_n3A_2320, %mul3A_2321 : i32
      %get3A_2323 = arith.index_cast %mul3A_2322 : i32 to index
      %get3A_2324 = tpu.vector_load %arg5[%get3A_2323] {strides = array<i32>} : memref<512xi32, #tpu.memory_space<vmem>>, vector<16xi32>,
      %jit3A_2325 = arith.constant 2 : i32
      %eq3A_2326 = arith.constant 0 : i32
      %eq3A_2327 = arith.cmpi eq, %jit3A_2325, %eq3A_2326 : i32
      %jit3A_2328 = arith.constant 1 : i32
      %select_n3A_2329 = arith.select %eq3A_2327, %jit3A_2328, %jit3A_2325 : i32
      %rem3A_2330 = arith.remsi %add3A_2296, %select_n3A_2329 : i32
      %ne3A_2331 = arith.constant 0 : i32
      %ne3A_2332 = arith.cmpi ne, %rem3A_2330, %ne3A_2331 : i32
      %lt3A_2333 = arith.constant 0 : i32
      %lt3A_2334 = arith.cmpi slt, %rem3A_2330, %lt3A_2333 : i32
      %lt3A_2335 = arith.constant 0 : i32
      %lt3A_2336 = arith.cmpi slt, %select_n3A_2329, %lt3A_2335 : i32
      %ne3A_2337 = arith.xori %lt3A_2334, %lt3A_2336 : i1
      %and3A_2338 = arith.andi %ne3A_2337, %ne3A_2332 : i1
      %add3A_2339 = arith.addi %rem3A_2330, %select_n3A_2329 : i32
      %select_n3A_2340 = arith.select %and3A_2338, %add3A_2339, %rem3A_2330 : i32
      %mul3A_2341 = arith.constant 8 : i32
      %mul3A_2342 = arith.muli %select_n3A_2340, %mul3A_2341 : i32
      %add3A_2343 = arith.constant 0 : i32
      %add3A_2344 = arith.addi %mul3A_2342, %add3A_2343 : i32
      %eq3A_2345 = vector.broadcast %add3A_2344 : i32 to vector<16xi32>
      %eq3A_2346 = arith.cmpi eq, %iota3A, %eq3A_2345 : vector<16xi32>
      %select_n3A_2347 = arith.select %eq3A_2346, %get3A_2324, %broadcast_in_dim3A_6 : vector<16xi1>, vector<16xi32>
      %reduce_max3A_2348 = arith.constant true
      %reduce_max3A_2349 = vector.broadcast %reduce_max3A_2348 : i1 to vector<16xi1>
      %reduce_max3A_2350 = arith.constant -2147483648 : i32
      %reduce_max3A_2351 = vector.broadcast %reduce_max3A_2350 : i32 to vector<16xi32>
      %reduce_max3A_2352 = arith.xori %select_n3A_2347, %reduce_max3A_2351 : vector<16xi32>
      %reduce_max3A_2353 = tpu.scan <max>, %reduce_max3A_2352 masked %reduce_max3A_2349 : vector<16xi32>, vector<16xi1> -> vector<16xi32>
      %reduce_max3A_2354 = arith.xori %reduce_max3A_2353, %reduce_max3A_2351 : vector<16xi32>
      %reduce_max3A_2355 = vector.extract %reduce_max3A_2354[15] : i32 from vector<16xi32>
      %add3A_2356 = arith.constant 1 : i32
      %add3A_2357 = arith.addi %mul3A_2342, %add3A_2356 : i32
      %eq3A_2358 = vector.broadcast %add3A_2357 : i32 to vector<16xi32>
      %eq3A_2359 = arith.cmpi eq, %iota3A, %eq3A_2358 : vector<16xi32>
      %select_n3A_2360 = arith.select %eq3A_2359, %get3A_2324, %broadcast_in_dim3A_6 : vector<16xi1>, vector<16xi32>
      %reduce_max3A_2361 = arith.constant true
      %reduce_max3A_2362 = vector.broadcast %reduce_max3A_2361 : i1 to vector<16xi1>
      %reduce_max3A_2363 = arith.constant -2147483648 : i32
      %reduce_max3A_2364 = vector.broadcast %reduce_max3A_2363 : i32 to vector<16xi32>
      %reduce_max3A_2365 = arith.xori %select_n3A_2360, %reduce_max3A_2364 : vector<16xi32>
      %reduce_max3A_2366 = tpu.scan <max>, %reduce_max3A_2365 masked %reduce_max3A_2362 : vector<16xi32>, vector<16xi1> -> vector<16xi32>
      %reduce_max3A_2367 = arith.xori %reduce_max3A_2366, %reduce_max3A_2364 : vector<16xi32>
      %reduce_max3A_2368 = vector.extract %reduce_max3A_2367[15] : i32 from vector<16xi32>
      %add3A_2369 = arith.constant 2 : i32
      %add3A_2370 = arith.addi %mul3A_2342, %add3A_2369 : i32
      %eq3A_2371 = vector.broadcast %add3A_2370 : i32 to vector<16xi32>
      %eq3A_2372 = arith.cmpi eq, %iota3A, %eq3A_2371 : vector<16xi32>
      %select_n3A_2373 = arith.select %eq3A_2372, %get3A_2324, %broadcast_in_dim3A_6 : vector<16xi1>, vector<16xi32>
      %reduce_max3A_2374 = arith.constant true
      %reduce_max3A_2375 = vector.broadcast %reduce_max3A_2374 : i1 to vector<16xi1>
      %reduce_max3A_2376 = arith.constant -2147483648 : i32
      %reduce_max3A_2377 = vector.broadcast %reduce_max3A_2376 : i32 to vector<16xi32>
      %reduce_max3A_2378 = arith.xori %select_n3A_2373, %reduce_max3A_2377 : vector<16xi32>
      %reduce_max3A_2379 = tpu.scan <max>, %reduce_max3A_2378 masked %reduce_max3A_2375 : vector<16xi32>, vector<16xi1> -> vector<16xi32>
      %reduce_max3A_2380 = arith.xori %reduce_max3A_2379, %reduce_max3A_2377 : vector<16xi32>
      %reduce_max3A_2381 = vector.extract %reduce_max3A_2380[15] : i32 from vector<16xi32>
      %add3A_2382 = arith.constant 3 : i32
      %add3A_2383 = arith.addi %mul3A_2342, %add3A_2382 : i32
      %eq3A_2384 = vector.broadcast %add3A_2383 : i32 to vector<16xi32>
      %eq3A_2385 = arith.cmpi eq, %iota3A, %eq3A_2384 : vector<16xi32>
      %select_n3A_2386 = arith.select %eq3A_2385, %get3A_2324, %broadcast_in_dim3A_6 : vector<16xi1>, vector<16xi32>
      %reduce_max3A_2387 = arith.constant true
      %reduce_max3A_2388 = vector.broadcast %reduce_max3A_2387 : i1 to vector<16xi1>
      %reduce_max3A_2389 = arith.constant -2147483648 : i32
      %reduce_max3A_2390 = vector.broadcast %reduce_max3A_2389 : i32 to vector<16xi32>
      %reduce_max3A_2391 = arith.xori %select_n3A_2386, %reduce_max3A_2390 : vector<16xi32>
      %reduce_max3A_2392 = tpu.scan <max>, %reduce_max3A_2391 masked %reduce_max3A_2388 : vector<16xi32>, vector<16xi1> -> vector<16xi32>
      %reduce_max3A_2393 = arith.xori %reduce_max3A_2392, %reduce_max3A_2390 : vector<16xi32>
      %reduce_max3A_2394 = vector.extract %reduce_max3A_2393[15] : i32 from vector<16xi32>
      %add3A_2395 = arith.constant 4 : i32
      %add3A_2396 = arith.addi %mul3A_2342, %add3A_2395 : i32
      %eq3A_2397 = vector.broadcast %add3A_2396 : i32 to vector<16xi32>
      %eq3A_2398 = arith.cmpi eq, %iota3A, %eq3A_2397 : vector<16xi32>
      %select_n3A_2399 = arith.select %eq3A_2398, %get3A_2324, %broadcast_in_dim3A_6 : vector<16xi1>, vector<16xi32>
      %reduce_max3A_2400 = arith.constant true
      %reduce_max3A_2401 = vector.broadcast %reduce_max3A_2400 : i1 to vector<16xi1>
      %reduce_max3A_2402 = arith.constant -2147483648 : i32
      %reduce_max3A_2403 = vector.broadcast %reduce_max3A_2402 : i32 to vector<16xi32>
      %reduce_max3A_2404 = arith.xori %select_n3A_2399, %reduce_max3A_2403 : vector<16xi32>
      %reduce_max3A_2405 = tpu.scan <max>, %reduce_max3A_2404 masked %reduce_max3A_2401 : vector<16xi32>, vector<16xi1> -> vector<16xi32>
      %reduce_max3A_2406 = arith.xori %reduce_max3A_2405, %reduce_max3A_2403 : vector<16xi32>
      %reduce_max3A_2407 = vector.extract %reduce_max3A_2406[15] : i32 from vector<16xi32>
      %add3A_2408 = arith.constant 5 : i32
      %add3A_2409 = arith.addi %mul3A_2342, %add3A_2408 : i32
      %eq3A_2410 = vector.broadcast %add3A_2409 : i32 to vector<16xi32>
      %eq3A_2411 = arith.cmpi eq, %iota3A, %eq3A_2410 : vector<16xi32>
      %select_n3A_2412 = arith.select %eq3A_2411, %get3A_2324, %broadcast_in_dim3A_6 : vector<16xi1>, vector<16xi32>
      %reduce_max3A_2413 = arith.constant true
      %reduce_max3A_2414 = vector.broadcast %reduce_max3A_2413 : i1 to vector<16xi1>
      %reduce_max3A_2415 = arith.constant -2147483648 : i32
      %reduce_max3A_2416 = vector.broadcast %reduce_max3A_2415 : i32 to vector<16xi32>
      %reduce_max3A_2417 = arith.xori %select_n3A_2412, %reduce_max3A_2416 : vector<16xi32>
      %reduce_max3A_2418 = tpu.scan <max>, %reduce_max3A_2417 masked %reduce_max3A_2414 : vector<16xi32>, vector<16xi1> -> vector<16xi32>
      %reduce_max3A_2419 = arith.xori %reduce_max3A_2418, %reduce_max3A_2416 : vector<16xi32>
      %reduce_max3A_2420 = vector.extract %reduce_max3A_2419[15] : i32 from vector<16xi32>
      %add3A_2421 = arith.constant 6 : i32
      %add3A_2422 = arith.addi %mul3A_2342, %add3A_2421 : i32
      %eq3A_2423 = vector.broadcast %add3A_2422 : i32 to vector<16xi32>
      %eq3A_2424 = arith.cmpi eq, %iota3A, %eq3A_2423 : vector<16xi32>
      %select_n3A_2425 = arith.select %eq3A_2424, %get3A_2324, %broadcast_in_dim3A_6 : vector<16xi1>, vector<16xi32>
      %reduce_max3A_2426 = arith.constant true
      %reduce_max3A_2427 = vector.broadcast %reduce_max3A_2426 : i1 to vector<16xi1>
      %reduce_max3A_2428 = arith.constant -2147483648 : i32
      %reduce_max3A_2429 = vector.broadcast %reduce_max3A_2428 : i32 to vector<16xi32>
      %reduce_max3A_2430 = arith.xori %select_n3A_2425, %reduce_max3A_2429 : vector<16xi32>
      %reduce_max3A_2431 = tpu.scan <max>, %reduce_max3A_2430 masked %reduce_max3A_2427 : vector<16xi32>, vector<16xi1> -> vector<16xi32>
      %reduce_max3A_2432 = arith.xori %reduce_max3A_2431, %reduce_max3A_2429 : vector<16xi32>
      %reduce_max3A_2433 = vector.extract %reduce_max3A_2432[15] : i32 from vector<16xi32>
      %add3A_2434 = arith.constant 7 : i32
      %add3A_2435 = arith.addi %mul3A_2342, %add3A_2434 : i32
      %eq3A_2436 = vector.broadcast %add3A_2435 : i32 to vector<16xi32>
      %eq3A_2437 = arith.cmpi eq, %iota3A, %eq3A_2436 : vector<16xi32>
      %select_n3A_2438 = arith.select %eq3A_2437, %get3A_2324, %broadcast_in_dim3A_6 : vector<16xi1>, vector<16xi32>
      %reduce_max3A_2439 = arith.constant true
      %reduce_max3A_2440 = vector.broadcast %reduce_max3A_2439 : i1 to vector<16xi1>
      %reduce_max3A_2441 = arith.constant -2147483648 : i32
      %reduce_max3A_2442 = vector.broadcast %reduce_max3A_2441 : i32 to vector<16xi32>
      %reduce_max3A_2443 = arith.xori %select_n3A_2438, %reduce_max3A_2442 : vector<16xi32>
      %reduce_max3A_2444 = tpu.scan <max>, %reduce_max3A_2443 masked %reduce_max3A_2440 : vector<16xi32>, vector<16xi1> -> vector<16xi32>
      %reduce_max3A_2445 = arith.xori %reduce_max3A_2444, %reduce_max3A_2442 : vector<16xi32>
      %reduce_max3A_2446 = vector.extract %reduce_max3A_2445[15] : i32 from vector<16xi32>
      %dma_wait3A_2447 = arith.constant 0 : i32
      %dma_wait3A_2448 = arith.constant 0 : i32
      %dma_wait3A_2449 = arith.constant 0 : i32
      %dma_wait3A_2450 = tpu.memref_slice %arg8[%dma_wait3A_2447, %dma_wait3A_2448, %dma_wait3A_2449] : memref<8x32x128xf32, #tpu.memory_space<vmem>> -> memref<1x32x128xf32, #tpu.memory_space<vmem>>
      %dma_wait3A_2451 = tpu.memref_squeeze %dma_wait3A_2450 : memref<1x32x128xf32, #tpu.memory_space<vmem>> -> memref<32x128xf32, #tpu.memory_space<vmem>>
      %dma_wait3A_2452 = arith.constant 0 : i32
      %dma_wait3A_2453 = arith.constant 0 : i32
      %dma_wait3A_2454 = tpu.memref_slice %arg3[%dma_wait3A_2452, %dma_wait3A_2453] : memref<32x1000000xf32, #tpu.memory_space<hbm>> -> memref<32x128xf32, #tpu.memory_space<hbm>>
      %dma_wait3A_2455 = arith.constant 0 : i32
      %dma_wait3A_2456 = arith.constant 0 : i32
      %dma_wait3A_2457 = tpu.memref_slice %arg8[%dma_wait3A_2447, %dma_wait3A_2455, %dma_wait3A_2456] : memref<8x32x128xf32, #tpu.memory_space<vmem>> -> memref<1x32x128xf32, #tpu.memory_space<vmem>>
      %dma_wait3A_2458 = tpu.memref_squeeze %dma_wait3A_2457 : memref<1x32x128xf32, #tpu.memory_space<vmem>> -> memref<32x128xf32, #tpu.memory_space<vmem>>
      %dma_wait3A_2459 = arith.constant 0 : i32
      %dma_wait3A_2460 = arith.constant 0 : i32
      %dma_wait3A_2461 = tpu.memref_slice %arg3[%dma_wait3A_2459, %dma_wait3A_2460] : memref<32x1000000xf32, #tpu.memory_space<hbm>> -> memref<32x128xf32, #tpu.memory_space<hbm>>
      tpu.wait_dma2 semaphore(%arg12 : memref<!tpu.dma_semaphore, #tpu.memory_space<semaphore_mem>>) src(%dma_wait3A_2461 : memref<32x128xf32, #tpu.memory_space<hbm>>) dst(%dma_wait3A_2458 : memref<32x128xf32, #tpu.memory_space<vmem>>)
      %dma_wait3A_2462 = arith.constant 1 : i32
      %dma_wait3A_2463 = arith.constant 0 : i32
      %dma_wait3A_2464 = arith.constant 0 : i32
      %dma_wait3A_2465 = tpu.memref_slice %arg8[%dma_wait3A_2462, %dma_wait3A_2463, %dma_wait3A_2464] : memref<8x32x128xf32, #tpu.memory_space<vmem>> -> memref<1x32x128xf32, #tpu.memory_space<vmem>>
      %dma_wait3A_2466 = tpu.memref_squeeze %dma_wait3A_2465 : memref<1x32x128xf32, #tpu.memory_space<vmem>> -> memref<32x128xf32, #tpu.memory_space<vmem>>
      %dma_wait3A_2467 = arith.constant 0 : i32
      %dma_wait3A_2468 = arith.constant 0 : i32
      %dma_wait3A_2469 = tpu.memref_slice %arg3[%dma_wait3A_2467, %dma_wait3A_2468] : memref<32x1000000xf32, #tpu.memory_space<hbm>> -> memref<32x128xf32, #tpu.memory_space<hbm>>
      %dma_wait3A_2470 = arith.constant 0 : i32
      %dma_wait3A_2471 = arith.constant 0 : i32
      %dma_wait3A_2472 = tpu.memref_slice %arg8[%dma_wait3A_2462, %dma_wait3A_2470, %dma_wait3A_2471] : memref<8x32x128xf32, #tpu.memory_space<vmem>> -> memref<1x32x128xf32, #tpu.memory_space<vmem>>
      %dma_wait3A_2473 = tpu.memref_squeeze %dma_wait3A_2472 : memref<1x32x128xf32, #tpu.memory_space<vmem>> -> memref<32x128xf32, #tpu.memory_space<vmem>>
      %dma_wait3A_2474 = arith.constant 0 : i32
      %dma_wait3A_2475 = arith.constant 0 : i32
      %dma_wait3A_2476 = tpu.memref_slice %arg3[%dma_wait3A_2474, %dma_wait3A_2475] : memref<32x1000000xf32, #tpu.memory_space<hbm>> -> memref<32x128xf32, #tpu.memory_space<hbm>>
      tpu.wait_dma2 semaphore(%arg12 : memref<!tpu.dma_semaphore, #tpu.memory_space<semaphore_mem>>) src(%dma_wait3A_2476 : memref<32x128xf32, #tpu.memory_space<hbm>>) dst(%dma_wait3A_2473 : memref<32x128xf32, #tpu.memory_space<vmem>>)
      %dma_wait3A_2477 = arith.constant 2 : i32
      %dma_wait3A_2478 = arith.constant 0 : i32
      %dma_wait3A_2479 = arith.constant 0 : i32
      %dma_wait3A_2480 = tpu.memref_slice %arg8[%dma_wait3A_2477, %dma_wait3A_2478, %dma_wait3A_2479] : memref<8x32x128xf32, #tpu.memory_space<vmem>> -> memref<1x32x128xf32, #tpu.memory_space<vmem>>
      %dma_wait3A_2481 = tpu.memref_squeeze %dma_wait3A_2480 : memref<1x32x128xf32, #tpu.memory_space<vmem>> -> memref<32x128xf32, #tpu.memory_space<vmem>>
      %dma_wait3A_2482 = arith.constant 0 : i32
      %dma_wait3A_2483 = arith.constant 0 : i32
      %dma_wait3A_2484 = tpu.memref_slice %arg3[%dma_wait3A_2482, %dma_wait3A_2483] : memref<32x1000000xf32, #tpu.memory_space<hbm>> -> memref<32x128xf32, #tpu.memory_space<hbm>>
      %dma_wait3A_2485 = arith.constant 0 : i32
      %dma_wait3A_2486 = arith.constant 0 : i32
      %dma_wait3A_2487 = tpu.memref_slice %arg8[%dma_wait3A_2477, %dma_wait3A_2485, %dma_wait3A_2486] : memref<8x32x128xf32, #tpu.memory_space<vmem>> -> memref<1x32x128xf32, #tpu.memory_space<vmem>>
      %dma_wait3A_2488 = tpu.memref_squeeze %dma_wait3A_2487 : memref<1x32x128xf32, #tpu.memory_space<vmem>> -> memref<32x128xf32, #tpu.memory_space<vmem>>
      %dma_wait3A_2489 = arith.constant 0 : i32
      %dma_wait3A_2490 = arith.constant 0 : i32
      %dma_wait3A_2491 = tpu.memref_slice %arg3[%dma_wait3A_2489, %dma_wait3A_2490] : memref<32x1000000xf32, #tpu.memory_space<hbm>> -> memref<32x128xf32, #tpu.memory_space<hbm>>
      tpu.wait_dma2 semaphore(%arg12 : memref<!tpu.dma_semaphore, #tpu.memory_space<semaphore_mem>>) src(%dma_wait3A_2491 : memref<32x128xf32, #tpu.memory_space<hbm>>) dst(%dma_wait3A_2488 : memref<32x128xf32, #tpu.memory_space<vmem>>)
      %dma_wait3A_2492 = arith.constant 3 : i32
      %dma_wait3A_2493 = arith.constant 0 : i32
      %dma_wait3A_2494 = arith.constant 0 : i32
      %dma_wait3A_2495 = tpu.memref_slice %arg8[%dma_wait3A_2492, %dma_wait3A_2493, %dma_wait3A_2494] : memref<8x32x128xf32, #tpu.memory_space<vmem>> -> memref<1x32x128xf32, #tpu.memory_space<vmem>>
      %dma_wait3A_2496 = tpu.memref_squeeze %dma_wait3A_2495 : memref<1x32x128xf32, #tpu.memory_space<vmem>> -> memref<32x128xf32, #tpu.memory_space<vmem>>
      %dma_wait3A_2497 = arith.constant 0 : i32
      %dma_wait3A_2498 = arith.constant 0 : i32
      %dma_wait3A_2499 = tpu.memref_slice %arg3[%dma_wait3A_2497, %dma_wait3A_2498] : memref<32x1000000xf32, #tpu.memory_space<hbm>> -> memref<32x128xf32, #tpu.memory_space<hbm>>
      %dma_wait3A_2500 = arith.constant 0 : i32
      %dma_wait3A_2501 = arith.constant 0 : i32
      %dma_wait3A_2502 = tpu.memref_slice %arg8[%dma_wait3A_2492, %dma_wait3A_2500, %dma_wait3A_2501] : memref<8x32x128xf32, #tpu.memory_space<vmem>> -> memref<1x32x128xf32, #tpu.memory_space<vmem>>
      %dma_wait3A_2503 = tpu.memref_squeeze %dma_wait3A_2502 : memref<1x32x128xf32, #tpu.memory_space<vmem>> -> memref<32x128xf32, #tpu.memory_space<vmem>>
      %dma_wait3A_2504 = arith.constant 0 : i32
      %dma_wait3A_2505 = arith.constant 0 : i32
      %dma_wait3A_2506 = tpu.memref_slice %arg3[%dma_wait3A_2504, %dma_wait3A_2505] : memref<32x1000000xf32, #tpu.memory_space<hbm>> -> memref<32x128xf32, #tpu.memory_space<hbm>>
      tpu.wait_dma2 semaphore(%arg12 : memref<!tpu.dma_semaphore, #tpu.memory_space<semaphore_mem>>) src(%dma_wait3A_2506 : memref<32x128xf32, #tpu.memory_space<hbm>>) dst(%dma_wait3A_2503 : memref<32x128xf32, #tpu.memory_space<vmem>>)
      %dma_wait3A_2507 = arith.constant 4 : i32
      %dma_wait3A_2508 = arith.constant 0 : i32
      %dma_wait3A_2509 = arith.constant 0 : i32
      %dma_wait3A_2510 = tpu.memref_slice %arg8[%dma_wait3A_2507, %dma_wait3A_2508, %dma_wait3A_2509] : memref<8x32x128xf32, #tpu.memory_space<vmem>> -> memref<1x32x128xf32, #tpu.memory_space<vmem>>
      %dma_wait3A_2511 = tpu.memref_squeeze %dma_wait3A_2510 : memref<1x32x128xf32, #tpu.memory_space<vmem>> -> memref<32x128xf32, #tpu.memory_space<vmem>>
      %dma_wait3A_2512 = arith.constant 0 : i32
      %dma_wait3A_2513 = arith.constant 0 : i32
      %dma_wait3A_2514 = tpu.memref_slice %arg3[%dma_wait3A_2512, %dma_wait3A_2513] : memref<32x1000000xf32, #tpu.memory_space<hbm>> -> memref<32x128xf32, #tpu.memory_space<hbm>>
      %dma_wait3A_2515 = arith.constant 0 : i32
      %dma_wait3A_2516 = arith.constant 0 : i32
      %dma_wait3A_2517 = tpu.memref_slice %arg8[%dma_wait3A_2507, %dma_wait3A_2515, %dma_wait3A_2516] : memref<8x32x128xf32, #tpu.memory_space<vmem>> -> memref<1x32x128xf32, #tpu.memory_space<vmem>>
      %dma_wait3A_2518 = tpu.memref_squeeze %dma_wait3A_2517 : memref<1x32x128xf32, #tpu.memory_space<vmem>> -> memref<32x128xf32, #tpu.memory_space<vmem>>
      %dma_wait3A_2519 = arith.constant 0 : i32
      %dma_wait3A_2520 = arith.constant 0 : i32
      %dma_wait3A_2521 = tpu.memref_slice %arg3[%dma_wait3A_2519, %dma_wait3A_2520] : memref<32x1000000xf32, #tpu.memory_space<hbm>> -> memref<32x128xf32, #tpu.memory_space<hbm>>
      tpu.wait_dma2 semaphore(%arg12 : memref<!tpu.dma_semaphore, #tpu.memory_space<semaphore_mem>>) src(%dma_wait3A_2521 : memref<32x128xf32, #tpu.memory_space<hbm>>) dst(%dma_wait3A_2518 : memref<32x128xf32, #tpu.memory_space<vmem>>)
      %dma_wait3A_2522 = arith.constant 5 : i32
      %dma_wait3A_2523 = arith.constant 0 : i32
      %dma_wait3A_2524 = arith.constant 0 : i32
      %dma_wait3A_2525 = tpu.memref_slice %arg8[%dma_wait3A_2522, %dma_wait3A_2523, %dma_wait3A_2524] : memref<8x32x128xf32, #tpu.memory_space<vmem>> -> memref<1x32x128xf32, #tpu.memory_space<vmem>>
      %dma_wait3A_2526 = tpu.memref_squeeze %dma_wait3A_2525 : memref<1x32x128xf32, #tpu.memory_space<vmem>> -> memref<32x128xf32, #tpu.memory_space<vmem>>
      %dma_wait3A_2527 = arith.constant 0 : i32
      %dma_wait3A_2528 = arith.constant 0 : i32
      %dma_wait3A_2529 = tpu.memref_slice %arg3[%dma_wait3A_2527, %dma_wait3A_2528] : memref<32x1000000xf32, #tpu.memory_space<hbm>> -> memref<32x128xf32, #tpu.memory_space<hbm>>
      %dma_wait3A_2530 = arith.constant 0 : i32
      %dma_wait3A_2531 = arith.constant 0 : i32
      %dma_wait3A_2532 = tpu.memref_slice %arg8[%dma_wait3A_2522, %dma_wait3A_2530, %dma_wait3A_2531] : memref<8x32x128xf32, #tpu.memory_space<vmem>> -> memref<1x32x128xf32, #tpu.memory_space<vmem>>
      %dma_wait3A_2533 = tpu.memref_squeeze %dma_wait3A_2532 : memref<1x32x128xf32, #tpu.memory_space<vmem>> -> memref<32x128xf32, #tpu.memory_space<vmem>>
      %dma_wait3A_2534 = arith.constant 0 : i32
      %dma_wait3A_2535 = arith.constant 0 : i32
      %dma_wait3A_2536 = tpu.memref_slice %arg3[%dma_wait3A_2534, %dma_wait3A_2535] : memref<32x1000000xf32, #tpu.memory_space<hbm>> -> memref<32x128xf32, #tpu.memory_space<hbm>>
      tpu.wait_dma2 semaphore(%arg12 : memref<!tpu.dma_semaphore, #tpu.memory_space<semaphore_mem>>) src(%dma_wait3A_2536 : memref<32x128xf32, #tpu.memory_space<hbm>>) dst(%dma_wait3A_2533 : memref<32x128xf32, #tpu.memory_space<vmem>>)
      %dma_wait3A_2537 = arith.constant 6 : i32
      %dma_wait3A_2538 = arith.constant 0 : i32
      %dma_wait3A_2539 = arith.constant 0 : i32
      %dma_wait3A_2540 = tpu.memref_slice %arg8[%dma_wait3A_2537, %dma_wait3A_2538, %dma_wait3A_2539] : memref<8x32x128xf32, #tpu.memory_space<vmem>> -> memref<1x32x128xf32, #tpu.memory_space<vmem>>
      %dma_wait3A_2541 = tpu.memref_squeeze %dma_wait3A_2540 : memref<1x32x128xf32, #tpu.memory_space<vmem>> -> memref<32x128xf32, #tpu.memory_space<vmem>>
      %dma_wait3A_2542 = arith.constant 0 : i32
      %dma_wait3A_2543 = arith.constant 0 : i32
      %dma_wait3A_2544 = tpu.memref_slice %arg3[%dma_wait3A_2542, %dma_wait3A_2543] : memref<32x1000000xf32, #tpu.memory_space<hbm>> -> memref<32x128xf32, #tpu.memory_space<hbm>>
      %dma_wait3A_2545 = arith.constant 0 : i32
      %dma_wait3A_2546 = arith.constant 0 : i32
      %dma_wait3A_2547 = tpu.memref_slice %arg8[%dma_wait3A_2537, %dma_wait3A_2545, %dma_wait3A_2546] : memref<8x32x128xf32, #tpu.memory_space<vmem>> -> memref<1x32x128xf32, #tpu.memory_space<vmem>>
      %dma_wait3A_2548 = tpu.memref_squeeze %dma_wait3A_2547 : memref<1x32x128xf32, #tpu.memory_space<vmem>> -> memref<32x128xf32, #tpu.memory_space<vmem>>
      %dma_wait3A_2549 = arith.constant 0 : i32
      %dma_wait3A_2550 = arith.constant 0 : i32
      %dma_wait3A_2551 = tpu.memref_slice %arg3[%dma_wait3A_2549, %dma_wait3A_2550] : memref<32x1000000xf32, #tpu.memory_space<hbm>> -> memref<32x128xf32, #tpu.memory_space<hbm>>
      tpu.wait_dma2 semaphore(%arg12 : memref<!tpu.dma_semaphore, #tpu.memory_space<semaphore_mem>>) src(%dma_wait3A_2551 : memref<32x128xf32, #tpu.memory_space<hbm>>) dst(%dma_wait3A_2548 : memref<32x128xf32, #tpu.memory_space<vmem>>)
      %dma_wait3A_2552 = arith.constant 7 : i32
      %dma_wait3A_2553 = arith.constant 0 : i32
      %dma_wait3A_2554 = arith.constant 0 : i32
      %dma_wait3A_2555 = tpu.memref_slice %arg8[%dma_wait3A_2552, %dma_wait3A_2553, %dma_wait3A_2554] : memref<8x32x128xf32, #tpu.memory_space<vmem>> -> memref<1x32x128xf32, #tpu.memory_space<vmem>>
      %dma_wait3A_2556 = tpu.memref_squeeze %dma_wait3A_2555 : memref<1x32x128xf32, #tpu.memory_space<vmem>> -> memref<32x128xf32, #tpu.memory_space<vmem>>
      %dma_wait3A_2557 = arith.constant 0 : i32
      %dma_wait3A_2558 = arith.constant 0 : i32
      %dma_wait3A_2559 = tpu.memref_slice %arg3[%dma_wait3A_2557, %dma_wait3A_2558] : memref<32x1000000xf32, #tpu.memory_space<hbm>> -> memref<32x128xf32, #tpu.memory_space<hbm>>
      %dma_wait3A_2560 = arith.constant 0 : i32
      %dma_wait3A_2561 = arith.constant 0 : i32
      %dma_wait3A_2562 = tpu.memref_slice %arg8[%dma_wait3A_2552, %dma_wait3A_2560, %dma_wait3A_2561] : memref<8x32x128xf32, #tpu.memory_space<vmem>> -> memref<1x32x128xf32, #tpu.memory_space<vmem>>
      %dma_wait3A_2563 = tpu.memref_squeeze %dma_wait3A_2562 : memref<1x32x128xf32, #tpu.memory_space<vmem>> -> memref<32x128xf32, #tpu.memory_space<vmem>>
      %dma_wait3A_2564 = arith.constant 0 : i32
      %dma_wait3A_2565 = arith.constant 0 : i32
      %dma_wait3A_2566 = tpu.memref_slice %arg3[%dma_wait3A_2564, %dma_wait3A_2565] : memref<32x1000000xf32, #tpu.memory_space<hbm>> -> memref<32x128xf32, #tpu.memory_space<hbm>>
      tpu.wait_dma2 semaphore(%arg12 : memref<!tpu.dma_semaphore, #tpu.memory_space<semaphore_mem>>) src(%dma_wait3A_2566 : memref<32x128xf32, #tpu.memory_space<hbm>>) dst(%dma_wait3A_2563 : memref<32x128xf32, #tpu.memory_space<vmem>>)
      %and3A_2567 = arith.constant 127 : i32
      %and3A_2568 = arith.andi %reduce_max3A_2355, %and3A_2567 : i32
      %broadcast_in_dim3A_2569 = vector.broadcast %and3A_2568 : i32 to vector<16xi32>
      %mul3A_2570 = arith.constant 8 : i32
      %mul3A_2571 = arith.muli %add3A_2296, %mul3A_2570 : i32
      %add3A_2572 = arith.constant 0 : i32
      %add3A_2573 = arith.addi %mul3A_2571, %add3A_2572 : i32
      %broadcast_in_dim3A_2574 = vector.broadcast %add3A_2573 : i32 to vector<16xi32>
      %gather3A_2575 = arith.constant 0 : i32
      %gather3A_2576 = arith.constant 0 : i32
      %gather3A_2577 = arith.constant 0 : i32
      %gather3A_2578 = tpu.memref_slice %arg8[%gather3A_2575, %gather3A_2576, %gather3A_2577] : memref<8x32x128xf32, #tpu.memory_space<vmem>> -> memref<1x32x128xf32, #tpu.memory_space<vmem>>
      %gather3A_2579 = tpu.memref_squeeze %gather3A_2578 : memref<1x32x128xf32, #tpu.memory_space<vmem>> -> memref<32x128xf32, #tpu.memory_space<vmem>>
      %gather3A_2580 = tpu.vector_load_idx %gather3A_2579[%iota3A, %broadcast_in_dim3A_2569] : memref<32x128xf32, #tpu.memory_space<vmem>>[vector<16xi32>, vector<16xi32>], vector<16xf32>,
      %gather3A_2581 = arith.constant 0 : i32
      %gather3A_2582 = arith.constant 0 : i32
      %gather3A_2583 = arith.constant 0 : i32
      %gather3A_2584 = tpu.memref_slice %arg8[%gather3A_2581, %gather3A_2582, %gather3A_2583] : memref<8x32x128xf32, #tpu.memory_space<vmem>> -> memref<1x32x128xf32, #tpu.memory_space<vmem>>
      %gather3A_2585 = tpu.memref_squeeze %gather3A_2584 : memref<1x32x128xf32, #tpu.memory_space<vmem>> -> memref<32x128xf32, #tpu.memory_space<vmem>>
      %gather3A_2586 = tpu.vector_load_idx %gather3A_2585[%add3A_5, %broadcast_in_dim3A_2569] : memref<32x128xf32, #tpu.memory_space<vmem>>[vector<16xi32>, vector<16xi32>], vector<16xf32>,
      tpu.vector_store_idx %arg9[%iota3A, %broadcast_in_dim3A_2574], %gather3A_2580 : memref<32x512xf32, #tpu.memory_space<vmem>>[vector<16xi32>, vector<16xi32>], vector<16xf32>,
      tpu.vector_store_idx %arg9[%add3A_5, %broadcast_in_dim3A_2574], %gather3A_2586 : memref<32x512xf32, #tpu.memory_space<vmem>>[vector<16xi32>, vector<16xi32>], vector<16xf32>,
      %and3A_2587 = arith.constant 127 : i32
      %and3A_2588 = arith.andi %reduce_max3A_2368, %and3A_2587 : i32
      %broadcast_in_dim3A_2589 = vector.broadcast %and3A_2588 : i32 to vector<16xi32>
      %mul3A_2590 = arith.constant 8 : i32
      %mul3A_2591 = arith.muli %add3A_2296, %mul3A_2590 : i32
      %add3A_2592 = arith.constant 1 : i32
      %add3A_2593 = arith.addi %mul3A_2591, %add3A_2592 : i32
      %broadcast_in_dim3A_2594 = vector.broadcast %add3A_2593 : i32 to vector<16xi32>
      %gather3A_2595 = arith.constant 1 : i32
      %gather3A_2596 = arith.constant 0 : i32
      %gather3A_2597 = arith.constant 0 : i32
      %gather3A_2598 = tpu.memref_slice %arg8[%gather3A_2595, %gather3A_2596, %gather3A_2597] : memref<8x32x128xf32, #tpu.memory_space<vmem>> -> memref<1x32x128xf32, #tpu.memory_space<vmem>>
      %gather3A_2599 = tpu.memref_squeeze %gather3A_2598 : memref<1x32x128xf32, #tpu.memory_space<vmem>> -> memref<32x128xf32, #tpu.memory_space<vmem>>
      %gather3A_2600 = tpu.vector_load_idx %gather3A_2599[%iota3A, %broadcast_in_dim3A_2589] : memref<32x128xf32, #tpu.memory_space<vmem>>[vector<16xi32>, vector<16xi32>], vector<16xf32>,
      %gather3A_2601 = arith.constant 1 : i32
      %gather3A_2602 = arith.constant 0 : i32
      %gather3A_2603 = arith.constant 0 : i32
      %gather3A_2604 = tpu.memref_slice %arg8[%gather3A_2601, %gather3A_2602, %gather3A_2603] : memref<8x32x128xf32, #tpu.memory_space<vmem>> -> memref<1x32x128xf32, #tpu.memory_space<vmem>>
      %gather3A_2605 = tpu.memref_squeeze %gather3A_2604 : memref<1x32x128xf32, #tpu.memory_space<vmem>> -> memref<32x128xf32, #tpu.memory_space<vmem>>
      %gather3A_2606 = tpu.vector_load_idx %gather3A_2605[%add3A_5, %broadcast_in_dim3A_2589] : memref<32x128xf32, #tpu.memory_space<vmem>>[vector<16xi32>, vector<16xi32>], vector<16xf32>,
      tpu.vector_store_idx %arg9[%iota3A, %broadcast_in_dim3A_2594], %gather3A_2600 : memref<32x512xf32, #tpu.memory_space<vmem>>[vector<16xi32>, vector<16xi32>], vector<16xf32>,
      tpu.vector_store_idx %arg9[%add3A_5, %broadcast_in_dim3A_2594], %gather3A_2606 : memref<32x512xf32, #tpu.memory_space<vmem>>[vector<16xi32>, vector<16xi32>], vector<16xf32>,
      %and3A_2607 = arith.constant 127 : i32
      %and3A_2608 = arith.andi %reduce_max3A_2381, %and3A_2607 : i32
      %broadcast_in_dim3A_2609 = vector.broadcast %and3A_2608 : i32 to vector<16xi32>
      %mul3A_2610 = arith.constant 8 : i32
      %mul3A_2611 = arith.muli %add3A_2296, %mul3A_2610 : i32
      %add3A_2612 = arith.constant 2 : i32
      %add3A_2613 = arith.addi %mul3A_2611, %add3A_2612 : i32
      %broadcast_in_dim3A_2614 = vector.broadcast %add3A_2613 : i32 to vector<16xi32>
      %gather3A_2615 = arith.constant 2 : i32
      %gather3A_2616 = arith.constant 0 : i32
      %gather3A_2617 = arith.constant 0 : i32
      %gather3A_2618 = tpu.memref_slice %arg8[%gather3A_2615, %gather3A_2616, %gather3A_2617] : memref<8x32x128xf32, #tpu.memory_space<vmem>> -> memref<1x32x128xf32, #tpu.memory_space<vmem>>
      %gather3A_2619 = tpu.memref_squeeze %gather3A_2618 : memref<1x32x128xf32, #tpu.memory_space<vmem>> -> memref<32x128xf32, #tpu.memory_space<vmem>>
      %gather3A_2620 = tpu.vector_load_idx %gather3A_2619[%iota3A, %broadcast_in_dim3A_2609] : memref<32x128xf32, #tpu.memory_space<vmem>>[vector<16xi32>, vector<16xi32>], vector<16xf32>,
      %gather3A_2621 = arith.constant 2 : i32
      %gather3A_2622 = arith.constant 0 : i32
      %gather3A_2623 = arith.constant 0 : i32
      %gather3A_2624 = tpu.memref_slice %arg8[%gather3A_2621, %gather3A_2622, %gather3A_2623] : memref<8x32x128xf32, #tpu.memory_space<vmem>> -> memref<1x32x128xf32, #tpu.memory_space<vmem>>
      %gather3A_2625 = tpu.memref_squeeze %gather3A_2624 : memref<1x32x128xf32, #tpu.memory_space<vmem>> -> memref<32x128xf32, #tpu.memory_space<vmem>>
      %gather3A_2626 = tpu.vector_load_idx %gather3A_2625[%add3A_5, %broadcast_in_dim3A_2609] : memref<32x128xf32, #tpu.memory_space<vmem>>[vector<16xi32>, vector<16xi32>], vector<16xf32>,
      tpu.vector_store_idx %arg9[%iota3A, %broadcast_in_dim3A_2614], %gather3A_2620 : memref<32x512xf32, #tpu.memory_space<vmem>>[vector<16xi32>, vector<16xi32>], vector<16xf32>,
      tpu.vector_store_idx %arg9[%add3A_5, %broadcast_in_dim3A_2614], %gather3A_2626 : memref<32x512xf32, #tpu.memory_space<vmem>>[vector<16xi32>, vector<16xi32>], vector<16xf32>,
      %and3A_2627 = arith.constant 127 : i32
      %and3A_2628 = arith.andi %reduce_max3A_2394, %and3A_2627 : i32
      %broadcast_in_dim3A_2629 = vector.broadcast %and3A_2628 : i32 to vector<16xi32>
      %mul3A_2630 = arith.constant 8 : i32
      %mul3A_2631 = arith.muli %add3A_2296, %mul3A_2630 : i32
      %add3A_2632 = arith.constant 3 : i32
      %add3A_2633 = arith.addi %mul3A_2631, %add3A_2632 : i32
      %broadcast_in_dim3A_2634 = vector.broadcast %add3A_2633 : i32 to vector<16xi32>
      %gather3A_2635 = arith.constant 3 : i32
      %gather3A_2636 = arith.constant 0 : i32
      %gather3A_2637 = arith.constant 0 : i32
      %gather3A_2638 = tpu.memref_slice %arg8[%gather3A_2635, %gather3A_2636, %gather3A_2637] : memref<8x32x128xf32, #tpu.memory_space<vmem>> -> memref<1x32x128xf32, #tpu.memory_space<vmem>>
      %gather3A_2639 = tpu.memref_squeeze %gather3A_2638 : memref<1x32x128xf32, #tpu.memory_space<vmem>> -> memref<32x128xf32, #tpu.memory_space<vmem>>
      %gather3A_2640 = tpu.vector_load_idx %gather3A_2639[%iota3A, %broadcast_in_dim3A_2629] : memref<32x128xf32, #tpu.memory_space<vmem>>[vector<16xi32>, vector<16xi32>], vector<16xf32>,
      %gather3A_2641 = arith.constant 3 : i32
      %gather3A_2642 = arith.constant 0 : i32
      %gather3A_2643 = arith.constant 0 : i32
      %gather3A_2644 = tpu.memref_slice %arg8[%gather3A_2641, %gather3A_2642, %gather3A_2643] : memref<8x32x128xf32, #tpu.memory_space<vmem>> -> memref<1x32x128xf32, #tpu.memory_space<vmem>>
      %gather3A_2645 = tpu.memref_squeeze %gather3A_2644 : memref<1x32x128xf32, #tpu.memory_space<vmem>> -> memref<32x128xf32, #tpu.memory_space<vmem>>
      %gather3A_2646 = tpu.vector_load_idx %gather3A_2645[%add3A_5, %broadcast_in_dim3A_2629] : memref<32x128xf32, #tpu.memory_space<vmem>>[vector<16xi32>, vector<16xi32>], vector<16xf32>,
      tpu.vector_store_idx %arg9[%iota3A, %broadcast_in_dim3A_2634], %gather3A_2640 : memref<32x512xf32, #tpu.memory_space<vmem>>[vector<16xi32>, vector<16xi32>], vector<16xf32>,
      tpu.vector_store_idx %arg9[%add3A_5, %broadcast_in_dim3A_2634], %gather3A_2646 : memref<32x512xf32, #tpu.memory_space<vmem>>[vector<16xi32>, vector<16xi32>], vector<16xf32>,
      %and3A_2647 = arith.constant 127 : i32
      %and3A_2648 = arith.andi %reduce_max3A_2407, %and3A_2647 : i32
      %broadcast_in_dim3A_2649 = vector.broadcast %and3A_2648 : i32 to vector<16xi32>
      %mul3A_2650 = arith.constant 8 : i32
      %mul3A_2651 = arith.muli %add3A_2296, %mul3A_2650 : i32
      %add3A_2652 = arith.constant 4 : i32
      %add3A_2653 = arith.addi %mul3A_2651, %add3A_2652 : i32
      %broadcast_in_dim3A_2654 = vector.broadcast %add3A_2653 : i32 to vector<16xi32>
      %gather3A_2655 = arith.constant 4 : i32
      %gather3A_2656 = arith.constant 0 : i32
      %gather3A_2657 = arith.constant 0 : i32
      %gather3A_2658 = tpu.memref_slice %arg8[%gather3A_2655, %gather3A_2656, %gather3A_2657] : memref<8x32x128xf32, #tpu.memory_space<vmem>> -> memref<1x32x128xf32, #tpu.memory_space<vmem>>
      %gather3A_2659 = tpu.memref_squeeze %gather3A_2658 : memref<1x32x128xf32, #tpu.memory_space<vmem>> -> memref<32x128xf32, #tpu.memory_space<vmem>>
      %gather3A_2660 = tpu.vector_load_idx %gather3A_2659[%iota3A, %broadcast_in_dim3A_2649] : memref<32x128xf32, #tpu.memory_space<vmem>>[vector<16xi32>, vector<16xi32>], vector<16xf32>,
      %gather3A_2661 = arith.constant 4 : i32
      %gather3A_2662 = arith.constant 0 : i32
      %gather3A_2663 = arith.constant 0 : i32
      %gather3A_2664 = tpu.memref_slice %arg8[%gather3A_2661, %gather3A_2662, %gather3A_2663] : memref<8x32x128xf32, #tpu.memory_space<vmem>> -> memref<1x32x128xf32, #tpu.memory_space<vmem>>
      %gather3A_2665 = tpu.memref_squeeze %gather3A_2664 : memref<1x32x128xf32, #tpu.memory_space<vmem>> -> memref<32x128xf32, #tpu.memory_space<vmem>>
      %gather3A_2666 = tpu.vector_load_idx %gather3A_2665[%add3A_5, %broadcast_in_dim3A_2649] : memref<32x128xf32, #tpu.memory_space<vmem>>[vector<16xi32>, vector<16xi32>], vector<16xf32>,
      tpu.vector_store_idx %arg9[%iota3A, %broadcast_in_dim3A_2654], %gather3A_2660 : memref<32x512xf32, #tpu.memory_space<vmem>>[vector<16xi32>, vector<16xi32>], vector<16xf32>,
      tpu.vector_store_idx %arg9[%add3A_5, %broadcast_in_dim3A_2654], %gather3A_2666 : memref<32x512xf32, #tpu.memory_space<vmem>>[vector<16xi32>, vector<16xi32>], vector<16xf32>,
      %and3A_2667 = arith.constant 127 : i32
      %and3A_2668 = arith.andi %reduce_max3A_2420, %and3A_2667 : i32
      %broadcast_in_dim3A_2669 = vector.broadcast %and3A_2668 : i32 to vector<16xi32>
      %mul3A_2670 = arith.constant 8 : i32
      %mul3A_2671 = arith.muli %add3A_2296, %mul3A_2670 : i32
      %add3A_2672 = arith.constant 5 : i32
      %add3A_2673 = arith.addi %mul3A_2671, %add3A_2672 : i32
      %broadcast_in_dim3A_2674 = vector.broadcast %add3A_2673 : i32 to vector<16xi32>
      %gather3A_2675 = arith.constant 5 : i32
      %gather3A_2676 = arith.constant 0 : i32
      %gather3A_2677 = arith.constant 0 : i32
      %gather3A_2678 = tpu.memref_slice %arg8[%gather3A_2675, %gather3A_2676, %gather3A_2677] : memref<8x32x128xf32, #tpu.memory_space<vmem>> -> memref<1x32x128xf32, #tpu.memory_space<vmem>>
      %gather3A_2679 = tpu.memref_squeeze %gather3A_2678 : memref<1x32x128xf32, #tpu.memory_space<vmem>> -> memref<32x128xf32, #tpu.memory_space<vmem>>
      %gather3A_2680 = tpu.vector_load_idx %gather3A_2679[%iota3A, %broadcast_in_dim3A_2669] : memref<32x128xf32, #tpu.memory_space<vmem>>[vector<16xi32>, vector<16xi32>], vector<16xf32>,
      %gather3A_2681 = arith.constant 5 : i32
      %gather3A_2682 = arith.constant 0 : i32
      %gather3A_2683 = arith.constant 0 : i32
      %gather3A_2684 = tpu.memref_slice %arg8[%gather3A_2681, %gather3A_2682, %gather3A_2683] : memref<8x32x128xf32, #tpu.memory_space<vmem>> -> memref<1x32x128xf32, #tpu.memory_space<vmem>>
      %gather3A_2685 = tpu.memref_squeeze %gather3A_2684 : memref<1x32x128xf32, #tpu.memory_space<vmem>> -> memref<32x128xf32, #tpu.memory_space<vmem>>
      %gather3A_2686 = tpu.vector_load_idx %gather3A_2685[%add3A_5, %broadcast_in_dim3A_2669] : memref<32x128xf32, #tpu.memory_space<vmem>>[vector<16xi32>, vector<16xi32>], vector<16xf32>,
      tpu.vector_store_idx %arg9[%iota3A, %broadcast_in_dim3A_2674], %gather3A_2680 : memref<32x512xf32, #tpu.memory_space<vmem>>[vector<16xi32>, vector<16xi32>], vector<16xf32>,
      tpu.vector_store_idx %arg9[%add3A_5, %broadcast_in_dim3A_2674], %gather3A_2686 : memref<32x512xf32, #tpu.memory_space<vmem>>[vector<16xi32>, vector<16xi32>], vector<16xf32>,
      %and3A_2687 = arith.constant 127 : i32
      %and3A_2688 = arith.andi %reduce_max3A_2433, %and3A_2687 : i32
      %broadcast_in_dim3A_2689 = vector.broadcast %and3A_2688 : i32 to vector<16xi32>
      %mul3A_2690 = arith.constant 8 : i32
      %mul3A_2691 = arith.muli %add3A_2296, %mul3A_2690 : i32
      %add3A_2692 = arith.constant 6 : i32
      %add3A_2693 = arith.addi %mul3A_2691, %add3A_2692 : i32
      %broadcast_in_dim3A_2694 = vector.broadcast %add3A_2693 : i32 to vector<16xi32>
      %gather3A_2695 = arith.constant 6 : i32
      %gather3A_2696 = arith.constant 0 : i32
      %gather3A_2697 = arith.constant 0 : i32
      %gather3A_2698 = tpu.memref_slice %arg8[%gather3A_2695, %gather3A_2696, %gather3A_2697] : memref<8x32x128xf32, #tpu.memory_space<vmem>> -> memref<1x32x128xf32, #tpu.memory_space<vmem>>
      %gather3A_2699 = tpu.memref_squeeze %gather3A_2698 : memref<1x32x128xf32, #tpu.memory_space<vmem>> -> memref<32x128xf32, #tpu.memory_space<vmem>>
      %gather3A_2700 = tpu.vector_load_idx %gather3A_2699[%iota3A, %broadcast_in_dim3A_2689] : memref<32x128xf32, #tpu.memory_space<vmem>>[vector<16xi32>, vector<16xi32>], vector<16xf32>,
      %gather3A_2701 = arith.constant 6 : i32
      %gather3A_2702 = arith.constant 0 : i32
      %gather3A_2703 = arith.constant 0 : i32
      %gather3A_2704 = tpu.memref_slice %arg8[%gather3A_2701, %gather3A_2702, %gather3A_2703] : memref<8x32x128xf32, #tpu.memory_space<vmem>> -> memref<1x32x128xf32, #tpu.memory_space<vmem>>
      %gather3A_2705 = tpu.memref_squeeze %gather3A_2704 : memref<1x32x128xf32, #tpu.memory_space<vmem>> -> memref<32x128xf32, #tpu.memory_space<vmem>>
      %gather3A_2706 = tpu.vector_load_idx %gather3A_2705[%add3A_5, %broadcast_in_dim3A_2689] : memref<32x128xf32, #tpu.memory_space<vmem>>[vector<16xi32>, vector<16xi32>], vector<16xf32>,
      tpu.vector_store_idx %arg9[%iota3A, %broadcast_in_dim3A_2694], %gather3A_2700 : memref<32x512xf32, #tpu.memory_space<vmem>>[vector<16xi32>, vector<16xi32>], vector<16xf32>,
      tpu.vector_store_idx %arg9[%add3A_5, %broadcast_in_dim3A_2694], %gather3A_2706 : memref<32x512xf32, #tpu.memory_space<vmem>>[vector<16xi32>, vector<16xi32>], vector<16xf32>,
      %and3A_2707 = arith.constant 127 : i32
      %and3A_2708 = arith.andi %reduce_max3A_2446, %and3A_2707 : i32
      %broadcast_in_dim3A_2709 = vector.broadcast %and3A_2708 : i32 to vector<16xi32>
      %mul3A_2710 = arith.constant 8 : i32
      %mul3A_2711 = arith.muli %add3A_2296, %mul3A_2710 : i32
      %add3A_2712 = arith.constant 7 : i32
      %add3A_2713 = arith.addi %mul3A_2711, %add3A_2712 : i32
      %broadcast_in_dim3A_2714 = vector.broadcast %add3A_2713 : i32 to vector<16xi32>
      %gather3A_2715 = arith.constant 7 : i32
      %gather3A_2716 = arith.constant 0 : i32
      %gather3A_2717 = arith.constant 0 : i32
      %gather3A_2718 = tpu.memref_slice %arg8[%gather3A_2715, %gather3A_2716, %gather3A_2717] : memref<8x32x128xf32, #tpu.memory_space<vmem>> -> memref<1x32x128xf32, #tpu.memory_space<vmem>>
      %gather3A_2719 = tpu.memref_squeeze %gather3A_2718 : memref<1x32x128xf32, #tpu.memory_space<vmem>> -> memref<32x128xf32, #tpu.memory_space<vmem>>
      %gather3A_2720 = tpu.vector_load_idx %gather3A_2719[%iota3A, %broadcast_in_dim3A_2709] : memref<32x128xf32, #tpu.memory_space<vmem>>[vector<16xi32>, vector<16xi32>], vector<16xf32>,
      %gather3A_2721 = arith.constant 7 : i32
      %gather3A_2722 = arith.constant 0 : i32
      %gather3A_2723 = arith.constant 0 : i32
      %gather3A_2724 = tpu.memref_slice %arg8[%gather3A_2721, %gather3A_2722, %gather3A_2723] : memref<8x32x128xf32, #tpu.memory_space<vmem>> -> memref<1x32x128xf32, #tpu.memory_space<vmem>>
      %gather3A_2725 = tpu.memref_squeeze %gather3A_2724 : memref<1x32x128xf32, #tpu.memory_space<vmem>> -> memref<32x128xf32, #tpu.memory_space<vmem>>
      %gather3A_2726 = tpu.vector_load_idx %gather3A_2725[%add3A_5, %broadcast_in_dim3A_2709] : memref<32x128xf32, #tpu.memory_space<vmem>>[vector<16xi32>, vector<16xi32>], vector<16xf32>,
      tpu.vector_store_idx %arg9[%iota3A, %broadcast_in_dim3A_2714], %gather3A_2720 : memref<32x512xf32, #tpu.memory_space<vmem>>[vector<16xi32>, vector<16xi32>], vector<16xf32>,
      tpu.vector_store_idx %arg9[%add3A_5, %broadcast_in_dim3A_2714], %gather3A_2726 : memref<32x512xf32, #tpu.memory_space<vmem>>[vector<16xi32>, vector<16xi32>], vector<16xf32>,
    }
    %scan3A_488 = arith.constant 21 : i32
    %get3A_489 = arith.constant 496 : index
    %get3A_490 = tpu.vector_load %arg5[%get3A_489] {strides = array<i32>} : memref<512xi32, #tpu.memory_space<vmem>>, vector<16xi32>,
    %eq3A_491 = arith.constant 8 : i32
    %eq3A_492 = vector.broadcast %eq3A_491 : i32 to vector<16xi32>
    %eq3A_493 = arith.cmpi eq, %iota3A, %eq3A_492 : vector<16xi32>
    %select_n3A_494 = arith.select %eq3A_493, %get3A_490, %broadcast_in_dim3A_6 : vector<16xi1>, vector<16xi32>
    %reduce_max3A_495 = arith.constant true
    %reduce_max3A_496 = vector.broadcast %reduce_max3A_495 : i1 to vector<16xi1>
    %reduce_max3A_497 = arith.constant -2147483648 : i32
    %reduce_max3A_498 = vector.broadcast %reduce_max3A_497 : i32 to vector<16xi32>
    %reduce_max3A_499 = arith.xori %select_n3A_494, %reduce_max3A_498 : vector<16xi32>
    %reduce_max3A_500 = tpu.scan <max>, %reduce_max3A_499 masked %reduce_max3A_496 : vector<16xi32>, vector<16xi1> -> vector<16xi32>
    %reduce_max3A_501 = arith.xori %reduce_max3A_500, %reduce_max3A_498 : vector<16xi32>
    %reduce_max3A_502 = vector.extract %reduce_max3A_501[15] : i32 from vector<16xi32>
    %eq3A_503 = arith.constant 9 : i32
    %eq3A_504 = vector.broadcast %eq3A_503 : i32 to vector<16xi32>
    %eq3A_505 = arith.cmpi eq, %iota3A, %eq3A_504 : vector<16xi32>
    %select_n3A_506 = arith.select %eq3A_505, %get3A_490, %broadcast_in_dim3A_6 : vector<16xi1>, vector<16xi32>
    %reduce_max3A_507 = arith.constant true
    %reduce_max3A_508 = vector.broadcast %reduce_max3A_507 : i1 to vector<16xi1>
    %reduce_max3A_509 = arith.constant -2147483648 : i32
    %reduce_max3A_510 = vector.broadcast %reduce_max3A_509 : i32 to vector<16xi32>
    %reduce_max3A_511 = arith.xori %select_n3A_506, %reduce_max3A_510 : vector<16xi32>
    %reduce_max3A_512 = tpu.scan <max>, %reduce_max3A_511 masked %reduce_max3A_508 : vector<16xi32>, vector<16xi1> -> vector<16xi32>
    %reduce_max3A_513 = arith.xori %reduce_max3A_512, %reduce_max3A_510 : vector<16xi32>
    %reduce_max3A_514 = vector.extract %reduce_max3A_513[15] : i32 from vector<16xi32>
    %eq3A_515 = arith.constant 10 : i32
    %eq3A_516 = vector.broadcast %eq3A_515 : i32 to vector<16xi32>
    %eq3A_517 = arith.cmpi eq, %iota3A, %eq3A_516 : vector<16xi32>
    %select_n3A_518 = arith.select %eq3A_517, %get3A_490, %broadcast_in_dim3A_6 : vector<16xi1>, vector<16xi32>
    %reduce_max3A_519 = arith.constant true
    %reduce_max3A_520 = vector.broadcast %reduce_max3A_519 : i1 to vector<16xi1>
    %reduce_max3A_521 = arith.constant -2147483648 : i32
    %reduce_max3A_522 = vector.broadcast %reduce_max3A_521 : i32 to vector<16xi32>
    %reduce_max3A_523 = arith.xori %select_n3A_518, %reduce_max3A_522 : vector<16xi32>
    %reduce_max3A_524 = tpu.scan <max>, %reduce_max3A_523 masked %reduce_max3A_520 : vector<16xi32>, vector<16xi1> -> vector<16xi32>
    %reduce_max3A_525 = arith.xori %reduce_max3A_524, %reduce_max3A_522 : vector<16xi32>
    %reduce_max3A_526 = vector.extract %reduce_max3A_525[15] : i32 from vector<16xi32>
    %eq3A_527 = arith.constant 11 : i32
    %eq3A_528 = vector.broadcast %eq3A_527 : i32 to vector<16xi32>
    %eq3A_529 = arith.cmpi eq, %iota3A, %eq3A_528 : vector<16xi32>
    %select_n3A_530 = arith.select %eq3A_529, %get3A_490, %broadcast_in_dim3A_6 : vector<16xi1>, vector<16xi32>
    %reduce_max3A_531 = arith.constant true
    %reduce_max3A_532 = vector.broadcast %reduce_max3A_531 : i1 to vector<16xi1>
    %reduce_max3A_533 = arith.constant -2147483648 : i32
    %reduce_max3A_534 = vector.broadcast %reduce_max3A_533 : i32 to vector<16xi32>
    %reduce_max3A_535 = arith.xori %select_n3A_530, %reduce_max3A_534 : vector<16xi32>
    %reduce_max3A_536 = tpu.scan <max>, %reduce_max3A_535 masked %reduce_max3A_532 : vector<16xi32>, vector<16xi1> -> vector<16xi32>
    %reduce_max3A_537 = arith.xori %reduce_max3A_536, %reduce_max3A_534 : vector<16xi32>
    %reduce_max3A_538 = vector.extract %reduce_max3A_537[15] : i32 from vector<16xi32>
    %eq3A_539 = arith.constant 12 : i32
    %eq3A_540 = vector.broadcast %eq3A_539 : i32 to vector<16xi32>
    %eq3A_541 = arith.cmpi eq, %iota3A, %eq3A_540 : vector<16xi32>
    %select_n3A_542 = arith.select %eq3A_541, %get3A_490, %broadcast_in_dim3A_6 : vector<16xi1>, vector<16xi32>
    %reduce_max3A_543 = arith.constant true
    %reduce_max3A_544 = vector.broadcast %reduce_max3A_543 : i1 to vector<16xi1>
    %reduce_max3A_545 = arith.constant -2147483648 : i32
    %reduce_max3A_546 = vector.broadcast %reduce_max3A_545 : i32 to vector<16xi32>
    %reduce_max3A_547 = arith.xori %select_n3A_542, %reduce_max3A_546 : vector<16xi32>
    %reduce_max3A_548 = tpu.scan <max>, %reduce_max3A_547 masked %reduce_max3A_544 : vector<16xi32>, vector<16xi1> -> vector<16xi32>
    %reduce_max3A_549 = arith.xori %reduce_max3A_548, %reduce_max3A_546 : vector<16xi32>
    %reduce_max3A_550 = vector.extract %reduce_max3A_549[15] : i32 from vector<16xi32>
    %eq3A_551 = arith.constant 13 : i32
    %eq3A_552 = vector.broadcast %eq3A_551 : i32 to vector<16xi32>
    %eq3A_553 = arith.cmpi eq, %iota3A, %eq3A_552 : vector<16xi32>
    %select_n3A_554 = arith.select %eq3A_553, %get3A_490, %broadcast_in_dim3A_6 : vector<16xi1>, vector<16xi32>
    %reduce_max3A_555 = arith.constant true
    %reduce_max3A_556 = vector.broadcast %reduce_max3A_555 : i1 to vector<16xi1>
    %reduce_max3A_557 = arith.constant -2147483648 : i32
    %reduce_max3A_558 = vector.broadcast %reduce_max3A_557 : i32 to vector<16xi32>
    %reduce_max3A_559 = arith.xori %select_n3A_554, %reduce_max3A_558 : vector<16xi32>
    %reduce_max3A_560 = tpu.scan <max>, %reduce_max3A_559 masked %reduce_max3A_556 : vector<16xi32>, vector<16xi1> -> vector<16xi32>
    %reduce_max3A_561 = arith.xori %reduce_max3A_560, %reduce_max3A_558 : vector<16xi32>
    %reduce_max3A_562 = vector.extract %reduce_max3A_561[15] : i32 from vector<16xi32>
    %eq3A_563 = arith.constant 14 : i32
    %eq3A_564 = vector.broadcast %eq3A_563 : i32 to vector<16xi32>
    %eq3A_565 = arith.cmpi eq, %iota3A, %eq3A_564 : vector<16xi32>
    %select_n3A_566 = arith.select %eq3A_565, %get3A_490, %broadcast_in_dim3A_6 : vector<16xi1>, vector<16xi32>
    %reduce_max3A_567 = arith.constant true
    %reduce_max3A_568 = vector.broadcast %reduce_max3A_567 : i1 to vector<16xi1>
    %reduce_max3A_569 = arith.constant -2147483648 : i32
    %reduce_max3A_570 = vector.broadcast %reduce_max3A_569 : i32 to vector<16xi32>
    %reduce_max3A_571 = arith.xori %select_n3A_566, %reduce_max3A_570 : vector<16xi32>
    %reduce_max3A_572 = tpu.scan <max>, %reduce_max3A_571 masked %reduce_max3A_568 : vector<16xi32>, vector<16xi1> -> vector<16xi32>
    %reduce_max3A_573 = arith.xori %reduce_max3A_572, %reduce_max3A_570 : vector<16xi32>
    %reduce_max3A_574 = vector.extract %reduce_max3A_573[15] : i32 from vector<16xi32>
    %eq3A_575 = arith.constant 15 : i32
    %eq3A_576 = vector.broadcast %eq3A_575 : i32 to vector<16xi32>
    %eq3A_577 = arith.cmpi eq, %iota3A, %eq3A_576 : vector<16xi32>
    %select_n3A_578 = arith.select %eq3A_577, %get3A_490, %broadcast_in_dim3A_6 : vector<16xi1>, vector<16xi32>
    %reduce_max3A_579 = arith.constant true
    %reduce_max3A_580 = vector.broadcast %reduce_max3A_579 : i1 to vector<16xi1>
    %reduce_max3A_581 = arith.constant -2147483648 : i32
    %reduce_max3A_582 = vector.broadcast %reduce_max3A_581 : i32 to vector<16xi32>
    %reduce_max3A_583 = arith.xori %select_n3A_578, %reduce_max3A_582 : vector<16xi32>
    %reduce_max3A_584 = tpu.scan <max>, %reduce_max3A_583 masked %reduce_max3A_580 : vector<16xi32>, vector<16xi1> -> vector<16xi32>
    %reduce_max3A_585 = arith.xori %reduce_max3A_584, %reduce_max3A_582 : vector<16xi32>
    %reduce_max3A_586 = vector.extract %reduce_max3A_585[15] : i32 from vector<16xi32>
    %dma_wait3A = arith.constant 0 : i32
    %dma_wait3A_587 = arith.constant 0 : i32
    %dma_wait3A_588 = arith.constant 0 : i32
    %dma_wait3A_589 = tpu.memref_slice %arg6[%dma_wait3A, %dma_wait3A_587, %dma_wait3A_588] : memref<8x32x128xf32, #tpu.memory_space<vmem>> -> memref<1x32x128xf32, #tpu.memory_space<vmem>>
    %dma_wait3A_590 = tpu.memref_squeeze %dma_wait3A_589 : memref<1x32x128xf32, #tpu.memory_space<vmem>> -> memref<32x128xf32, #tpu.memory_space<vmem>>
    %dma_wait3A_591 = arith.constant 0 : i32
    %dma_wait3A_592 = arith.constant 0 : i32
    %dma_wait3A_593 = tpu.memref_slice %arg3[%dma_wait3A_591, %dma_wait3A_592] : memref<32x1000000xf32, #tpu.memory_space<hbm>> -> memref<32x128xf32, #tpu.memory_space<hbm>>
    %dma_wait3A_594 = arith.constant 0 : i32
    %dma_wait3A_595 = arith.constant 0 : i32
    %dma_wait3A_596 = tpu.memref_slice %arg6[%dma_wait3A, %dma_wait3A_594, %dma_wait3A_595] : memref<8x32x128xf32, #tpu.memory_space<vmem>> -> memref<1x32x128xf32, #tpu.memory_space<vmem>>
    %dma_wait3A_597 = tpu.memref_squeeze %dma_wait3A_596 : memref<1x32x128xf32, #tpu.memory_space<vmem>> -> memref<32x128xf32, #tpu.memory_space<vmem>>
    %dma_wait3A_598 = arith.constant 0 : i32
    %dma_wait3A_599 = arith.constant 0 : i32
    %dma_wait3A_600 = tpu.memref_slice %arg3[%dma_wait3A_598, %dma_wait3A_599] : memref<32x1000000xf32, #tpu.memory_space<hbm>> -> memref<32x128xf32, #tpu.memory_space<hbm>>
    tpu.wait_dma2 semaphore(%arg10 : memref<!tpu.dma_semaphore, #tpu.memory_space<semaphore_mem>>) src(%dma_wait3A_600 : memref<32x128xf32, #tpu.memory_space<hbm>>) dst(%dma_wait3A_597 : memref<32x128xf32, #tpu.memory_space<vmem>>)
    %dma_wait3A_601 = arith.constant 1 : i32
    %dma_wait3A_602 = arith.constant 0 : i32
    %dma_wait3A_603 = arith.constant 0 : i32
    %dma_wait3A_604 = tpu.memref_slice %arg6[%dma_wait3A_601, %dma_wait3A_602, %dma_wait3A_603] : memref<8x32x128xf32, #tpu.memory_space<vmem>> -> memref<1x32x128xf32, #tpu.memory_space<vmem>>
    %dma_wait3A_605 = tpu.memref_squeeze %dma_wait3A_604 : memref<1x32x128xf32, #tpu.memory_space<vmem>> -> memref<32x128xf32, #tpu.memory_space<vmem>>
    %dma_wait3A_606 = arith.constant 0 : i32
    %dma_wait3A_607 = arith.constant 0 : i32
    %dma_wait3A_608 = tpu.memref_slice %arg3[%dma_wait3A_606, %dma_wait3A_607] : memref<32x1000000xf32, #tpu.memory_space<hbm>> -> memref<32x128xf32, #tpu.memory_space<hbm>>
    %dma_wait3A_609 = arith.constant 0 : i32
    %dma_wait3A_610 = arith.constant 0 : i32
    %dma_wait3A_611 = tpu.memref_slice %arg6[%dma_wait3A_601, %dma_wait3A_609, %dma_wait3A_610] : memref<8x32x128xf32, #tpu.memory_space<vmem>> -> memref<1x32x128xf32, #tpu.memory_space<vmem>>
    %dma_wait3A_612 = tpu.memref_squeeze %dma_wait3A_611 : memref<1x32x128xf32, #tpu.memory_space<vmem>> -> memref<32x128xf32, #tpu.memory_space<vmem>>
    %dma_wait3A_613 = arith.constant 0 : i32
    %dma_wait3A_614 = arith.constant 0 : i32
    %dma_wait3A_615 = tpu.memref_slice %arg3[%dma_wait3A_613, %dma_wait3A_614] : memref<32x1000000xf32, #tpu.memory_space<hbm>> -> memref<32x128xf32, #tpu.memory_space<hbm>>
    tpu.wait_dma2 semaphore(%arg10 : memref<!tpu.dma_semaphore, #tpu.memory_space<semaphore_mem>>) src(%dma_wait3A_615 : memref<32x128xf32, #tpu.memory_space<hbm>>) dst(%dma_wait3A_612 : memref<32x128xf32, #tpu.memory_space<vmem>>)
    %dma_wait3A_616 = arith.constant 2 : i32
    %dma_wait3A_617 = arith.constant 0 : i32
    %dma_wait3A_618 = arith.constant 0 : i32
    %dma_wait3A_619 = tpu.memref_slice %arg6[%dma_wait3A_616, %dma_wait3A_617, %dma_wait3A_618] : memref<8x32x128xf32, #tpu.memory_space<vmem>> -> memref<1x32x128xf32, #tpu.memory_space<vmem>>
    %dma_wait3A_620 = tpu.memref_squeeze %dma_wait3A_619 : memref<1x32x128xf32, #tpu.memory_space<vmem>> -> memref<32x128xf32, #tpu.memory_space<vmem>>
    %dma_wait3A_621 = arith.constant 0 : i32
    %dma_wait3A_622 = arith.constant 0 : i32
    %dma_wait3A_623 = tpu.memref_slice %arg3[%dma_wait3A_621, %dma_wait3A_622] : memref<32x1000000xf32, #tpu.memory_space<hbm>> -> memref<32x128xf32, #tpu.memory_space<hbm>>
    %dma_wait3A_624 = arith.constant 0 : i32
    %dma_wait3A_625 = arith.constant 0 : i32
    %dma_wait3A_626 = tpu.memref_slice %arg6[%dma_wait3A_616, %dma_wait3A_624, %dma_wait3A_625] : memref<8x32x128xf32, #tpu.memory_space<vmem>> -> memref<1x32x128xf32, #tpu.memory_space<vmem>>
    %dma_wait3A_627 = tpu.memref_squeeze %dma_wait3A_626 : memref<1x32x128xf32, #tpu.memory_space<vmem>> -> memref<32x128xf32, #tpu.memory_space<vmem>>
    %dma_wait3A_628 = arith.constant 0 : i32
    %dma_wait3A_629 = arith.constant 0 : i32
    %dma_wait3A_630 = tpu.memref_slice %arg3[%dma_wait3A_628, %dma_wait3A_629] : memref<32x1000000xf32, #tpu.memory_space<hbm>> -> memref<32x128xf32, #tpu.memory_space<hbm>>
    tpu.wait_dma2 semaphore(%arg10 : memref<!tpu.dma_semaphore, #tpu.memory_space<semaphore_mem>>) src(%dma_wait3A_630 : memref<32x128xf32, #tpu.memory_space<hbm>>) dst(%dma_wait3A_627 : memref<32x128xf32, #tpu.memory_space<vmem>>)
    %dma_wait3A_631 = arith.constant 3 : i32
    %dma_wait3A_632 = arith.constant 0 : i32
    %dma_wait3A_633 = arith.constant 0 : i32
    %dma_wait3A_634 = tpu.memref_slice %arg6[%dma_wait3A_631, %dma_wait3A_632, %dma_wait3A_633] : memref<8x32x128xf32, #tpu.memory_space<vmem>> -> memref<1x32x128xf32, #tpu.memory_space<vmem>>
    %dma_wait3A_635 = tpu.memref_squeeze %dma_wait3A_634 : memref<1x32x128xf32, #tpu.memory_space<vmem>> -> memref<32x128xf32, #tpu.memory_space<vmem>>
    %dma_wait3A_636 = arith.constant 0 : i32
    %dma_wait3A_637 = arith.constant 0 : i32
    %dma_wait3A_638 = tpu.memref_slice %arg3[%dma_wait3A_636, %dma_wait3A_637] : memref<32x1000000xf32, #tpu.memory_space<hbm>> -> memref<32x128xf32, #tpu.memory_space<hbm>>
    %dma_wait3A_639 = arith.constant 0 : i32
    %dma_wait3A_640 = arith.constant 0 : i32
    %dma_wait3A_641 = tpu.memref_slice %arg6[%dma_wait3A_631, %dma_wait3A_639, %dma_wait3A_640] : memref<8x32x128xf32, #tpu.memory_space<vmem>> -> memref<1x32x128xf32, #tpu.memory_space<vmem>>
    %dma_wait3A_642 = tpu.memref_squeeze %dma_wait3A_641 : memref<1x32x128xf32, #tpu.memory_space<vmem>> -> memref<32x128xf32, #tpu.memory_space<vmem>>
    %dma_wait3A_643 = arith.constant 0 : i32
    %dma_wait3A_644 = arith.constant 0 : i32
    %dma_wait3A_645 = tpu.memref_slice %arg3[%dma_wait3A_643, %dma_wait3A_644] : memref<32x1000000xf32, #tpu.memory_space<hbm>> -> memref<32x128xf32, #tpu.memory_space<hbm>>
    tpu.wait_dma2 semaphore(%arg10 : memref<!tpu.dma_semaphore, #tpu.memory_space<semaphore_mem>>) src(%dma_wait3A_645 : memref<32x128xf32, #tpu.memory_space<hbm>>) dst(%dma_wait3A_642 : memref<32x128xf32, #tpu.memory_space<vmem>>)
    %dma_wait3A_646 = arith.constant 4 : i32
    %dma_wait3A_647 = arith.constant 0 : i32
    %dma_wait3A_648 = arith.constant 0 : i32
    %dma_wait3A_649 = tpu.memref_slice %arg6[%dma_wait3A_646, %dma_wait3A_647, %dma_wait3A_648] : memref<8x32x128xf32, #tpu.memory_space<vmem>> -> memref<1x32x128xf32, #tpu.memory_space<vmem>>
    %dma_wait3A_650 = tpu.memref_squeeze %dma_wait3A_649 : memref<1x32x128xf32, #tpu.memory_space<vmem>> -> memref<32x128xf32, #tpu.memory_space<vmem>>
    %dma_wait3A_651 = arith.constant 0 : i32
    %dma_wait3A_652 = arith.constant 0 : i32
    %dma_wait3A_653 = tpu.memref_slice %arg3[%dma_wait3A_651, %dma_wait3A_652] : memref<32x1000000xf32, #tpu.memory_space<hbm>> -> memref<32x128xf32, #tpu.memory_space<hbm>>
    %dma_wait3A_654 = arith.constant 0 : i32
    %dma_wait3A_655 = arith.constant 0 : i32
    %dma_wait3A_656 = tpu.memref_slice %arg6[%dma_wait3A_646, %dma_wait3A_654, %dma_wait3A_655] : memref<8x32x128xf32, #tpu.memory_space<vmem>> -> memref<1x32x128xf32, #tpu.memory_space<vmem>>
    %dma_wait3A_657 = tpu.memref_squeeze %dma_wait3A_656 : memref<1x32x128xf32, #tpu.memory_space<vmem>> -> memref<32x128xf32, #tpu.memory_space<vmem>>
    %dma_wait3A_658 = arith.constant 0 : i32
    %dma_wait3A_659 = arith.constant 0 : i32
    %dma_wait3A_660 = tpu.memref_slice %arg3[%dma_wait3A_658, %dma_wait3A_659] : memref<32x1000000xf32, #tpu.memory_space<hbm>> -> memref<32x128xf32, #tpu.memory_space<hbm>>
    tpu.wait_dma2 semaphore(%arg10 : memref<!tpu.dma_semaphore, #tpu.memory_space<semaphore_mem>>) src(%dma_wait3A_660 : memref<32x128xf32, #tpu.memory_space<hbm>>) dst(%dma_wait3A_657 : memref<32x128xf32, #tpu.memory_space<vmem>>)
    %dma_wait3A_661 = arith.constant 5 : i32
    %dma_wait3A_662 = arith.constant 0 : i32
    %dma_wait3A_663 = arith.constant 0 : i32
    %dma_wait3A_664 = tpu.memref_slice %arg6[%dma_wait3A_661, %dma_wait3A_662, %dma_wait3A_663] : memref<8x32x128xf32, #tpu.memory_space<vmem>> -> memref<1x32x128xf32, #tpu.memory_space<vmem>>
    %dma_wait3A_665 = tpu.memref_squeeze %dma_wait3A_664 : memref<1x32x128xf32, #tpu.memory_space<vmem>> -> memref<32x128xf32, #tpu.memory_space<vmem>>
    %dma_wait3A_666 = arith.constant 0 : i32
    %dma_wait3A_667 = arith.constant 0 : i32
    %dma_wait3A_668 = tpu.memref_slice %arg3[%dma_wait3A_666, %dma_wait3A_667] : memref<32x1000000xf32, #tpu.memory_space<hbm>> -> memref<32x128xf32, #tpu.memory_space<hbm>>
    %dma_wait3A_669 = arith.constant 0 : i32
    %dma_wait3A_670 = arith.constant 0 : i32
    %dma_wait3A_671 = tpu.memref_slice %arg6[%dma_wait3A_661, %dma_wait3A_669, %dma_wait3A_670] : memref<8x32x128xf32, #tpu.memory_space<vmem>> -> memref<1x32x128xf32, #tpu.memory_space<vmem>>
    %dma_wait3A_672 = tpu.memref_squeeze %dma_wait3A_671 : memref<1x32x128xf32, #tpu.memory_space<vmem>> -> memref<32x128xf32, #tpu.memory_space<vmem>>
    %dma_wait3A_673 = arith.constant 0 : i32
    %dma_wait3A_674 = arith.constant 0 : i32
    %dma_wait3A_675 = tpu.memref_slice %arg3[%dma_wait3A_673, %dma_wait3A_674] : memref<32x1000000xf32, #tpu.memory_space<hbm>> -> memref<32x128xf32, #tpu.memory_space<hbm>>
    tpu.wait_dma2 semaphore(%arg10 : memref<!tpu.dma_semaphore, #tpu.memory_space<semaphore_mem>>) src(%dma_wait3A_675 : memref<32x128xf32, #tpu.memory_space<hbm>>) dst(%dma_wait3A_672 : memref<32x128xf32, #tpu.memory_space<vmem>>)
    %dma_wait3A_676 = arith.constant 6 : i32
    %dma_wait3A_677 = arith.constant 0 : i32
    %dma_wait3A_678 = arith.constant 0 : i32
    %dma_wait3A_679 = tpu.memref_slice %arg6[%dma_wait3A_676, %dma_wait3A_677, %dma_wait3A_678] : memref<8x32x128xf32, #tpu.memory_space<vmem>> -> memref<1x32x128xf32, #tpu.memory_space<vmem>>
    %dma_wait3A_680 = tpu.memref_squeeze %dma_wait3A_679 : memref<1x32x128xf32, #tpu.memory_space<vmem>> -> memref<32x128xf32, #tpu.memory_space<vmem>>
    %dma_wait3A_681 = arith.constant 0 : i32
    %dma_wait3A_682 = arith.constant 0 : i32
    %dma_wait3A_683 = tpu.memref_slice %arg3[%dma_wait3A_681, %dma_wait3A_682] : memref<32x1000000xf32, #tpu.memory_space<hbm>> -> memref<32x128xf32, #tpu.memory_space<hbm>>
    %dma_wait3A_684 = arith.constant 0 : i32
    %dma_wait3A_685 = arith.constant 0 : i32
    %dma_wait3A_686 = tpu.memref_slice %arg6[%dma_wait3A_676, %dma_wait3A_684, %dma_wait3A_685] : memref<8x32x128xf32, #tpu.memory_space<vmem>> -> memref<1x32x128xf32, #tpu.memory_space<vmem>>
    %dma_wait3A_687 = tpu.memref_squeeze %dma_wait3A_686 : memref<1x32x128xf32, #tpu.memory_space<vmem>> -> memref<32x128xf32, #tpu.memory_space<vmem>>
    %dma_wait3A_688 = arith.constant 0 : i32
    %dma_wait3A_689 = arith.constant 0 : i32
    %dma_wait3A_690 = tpu.memref_slice %arg3[%dma_wait3A_688, %dma_wait3A_689] : memref<32x1000000xf32, #tpu.memory_space<hbm>> -> memref<32x128xf32, #tpu.memory_space<hbm>>
    tpu.wait_dma2 semaphore(%arg10 : memref<!tpu.dma_semaphore, #tpu.memory_space<semaphore_mem>>) src(%dma_wait3A_690 : memref<32x128xf32, #tpu.memory_space<hbm>>) dst(%dma_wait3A_687 : memref<32x128xf32, #tpu.memory_space<vmem>>)
    %dma_wait3A_691 = arith.constant 7 : i32
    %dma_wait3A_692 = arith.constant 0 : i32
    %dma_wait3A_693 = arith.constant 0 : i32
    %dma_wait3A_694 = tpu.memref_slice %arg6[%dma_wait3A_691, %dma_wait3A_692, %dma_wait3A_693] : memref<8x32x128xf32, #tpu.memory_space<vmem>> -> memref<1x32x128xf32, #tpu.memory_space<vmem>>
    %dma_wait3A_695 = tpu.memref_squeeze %dma_wait3A_694 : memref<1x32x128xf32, #tpu.memory_space<vmem>> -> memref<32x128xf32, #tpu.memory_space<vmem>>
    %dma_wait3A_696 = arith.constant 0 : i32
    %dma_wait3A_697 = arith.constant 0 : i32
    %dma_wait3A_698 = tpu.memref_slice %arg3[%dma_wait3A_696, %dma_wait3A_697] : memref<32x1000000xf32, #tpu.memory_space<hbm>> -> memref<32x128xf32, #tpu.memory_space<hbm>>
    %dma_wait3A_699 = arith.constant 0 : i32
    %dma_wait3A_700 = arith.constant 0 : i32
    %dma_wait3A_701 = tpu.memref_slice %arg6[%dma_wait3A_691, %dma_wait3A_699, %dma_wait3A_700] : memref<8x32x128xf32, #tpu.memory_space<vmem>> -> memref<1x32x128xf32, #tpu.memory_space<vmem>>
    %dma_wait3A_702 = tpu.memref_squeeze %dma_wait3A_701 : memref<1x32x128xf32, #tpu.memory_space<vmem>> -> memref<32x128xf32, #tpu.memory_space<vmem>>
    %dma_wait3A_703 = arith.constant 0 : i32
    %dma_wait3A_704 = arith.constant 0 : i32
    %dma_wait3A_705 = tpu.memref_slice %arg3[%dma_wait3A_703, %dma_wait3A_704] : memref<32x1000000xf32, #tpu.memory_space<hbm>> -> memref<32x128xf32, #tpu.memory_space<hbm>>
    tpu.wait_dma2 semaphore(%arg10 : memref<!tpu.dma_semaphore, #tpu.memory_space<semaphore_mem>>) src(%dma_wait3A_705 : memref<32x128xf32, #tpu.memory_space<hbm>>) dst(%dma_wait3A_702 : memref<32x128xf32, #tpu.memory_space<vmem>>)
    %and3A = arith.constant 127 : i32
    %and3A_706 = arith.andi %reduce_max3A_502, %and3A : i32
    %broadcast_in_dim3A_707 = vector.broadcast %and3A_706 : i32 to vector<16xi32>
    %broadcast_in_dim3A_708 = arith.constant 504 : i32
    %broadcast_in_dim3A_709 = vector.broadcast %broadcast_in_dim3A_708 : i32 to vector<16xi32>
    %gather3A = arith.constant 0 : i32
    %gather3A_710 = arith.constant 0 : i32
    %gather3A_711 = arith.constant 0 : i32
    %gather3A_712 = tpu.memref_slice %arg6[%gather3A, %gather3A_710, %gather3A_711] : memref<8x32x128xf32, #tpu.memory_space<vmem>> -> memref<1x32x128xf32, #tpu.memory_space<vmem>>
    %gather3A_713 = tpu.memref_squeeze %gather3A_712 : memref<1x32x128xf32, #tpu.memory_space<vmem>> -> memref<32x128xf32, #tpu.memory_space<vmem>>
    %gather3A_714 = tpu.vector_load_idx %gather3A_713[%iota3A, %broadcast_in_dim3A_707] : memref<32x128xf32, #tpu.memory_space<vmem>>[vector<16xi32>, vector<16xi32>], vector<16xf32>,
    %gather3A_715 = arith.constant 0 : i32
    %gather3A_716 = arith.constant 0 : i32
    %gather3A_717 = arith.constant 0 : i32
    %gather3A_718 = tpu.memref_slice %arg6[%gather3A_715, %gather3A_716, %gather3A_717] : memref<8x32x128xf32, #tpu.memory_space<vmem>> -> memref<1x32x128xf32, #tpu.memory_space<vmem>>
    %gather3A_719 = tpu.memref_squeeze %gather3A_718 : memref<1x32x128xf32, #tpu.memory_space<vmem>> -> memref<32x128xf32, #tpu.memory_space<vmem>>
    %gather3A_720 = tpu.vector_load_idx %gather3A_719[%add3A_5, %broadcast_in_dim3A_707] : memref<32x128xf32, #tpu.memory_space<vmem>>[vector<16xi32>, vector<16xi32>], vector<16xf32>,
    tpu.vector_store_idx %arg9[%iota3A, %broadcast_in_dim3A_709], %gather3A_714 : memref<32x512xf32, #tpu.memory_space<vmem>>[vector<16xi32>, vector<16xi32>], vector<16xf32>,
    tpu.vector_store_idx %arg9[%add3A_5, %broadcast_in_dim3A_709], %gather3A_720 : memref<32x512xf32, #tpu.memory_space<vmem>>[vector<16xi32>, vector<16xi32>], vector<16xf32>,
    %and3A_721 = arith.constant 127 : i32
    %and3A_722 = arith.andi %reduce_max3A_514, %and3A_721 : i32
    %broadcast_in_dim3A_723 = vector.broadcast %and3A_722 : i32 to vector<16xi32>
    %broadcast_in_dim3A_724 = arith.constant 505 : i32
    %broadcast_in_dim3A_725 = vector.broadcast %broadcast_in_dim3A_724 : i32 to vector<16xi32>
    %gather3A_726 = arith.constant 1 : i32
    %gather3A_727 = arith.constant 0 : i32
    %gather3A_728 = arith.constant 0 : i32
    %gather3A_729 = tpu.memref_slice %arg6[%gather3A_726, %gather3A_727, %gather3A_728] : memref<8x32x128xf32, #tpu.memory_space<vmem>> -> memref<1x32x128xf32, #tpu.memory_space<vmem>>
    %gather3A_730 = tpu.memref_squeeze %gather3A_729 : memref<1x32x128xf32, #tpu.memory_space<vmem>> -> memref<32x128xf32, #tpu.memory_space<vmem>>
    %gather3A_731 = tpu.vector_load_idx %gather3A_730[%iota3A, %broadcast_in_dim3A_723] : memref<32x128xf32, #tpu.memory_space<vmem>>[vector<16xi32>, vector<16xi32>], vector<16xf32>,
    %gather3A_732 = arith.constant 1 : i32
    %gather3A_733 = arith.constant 0 : i32
    %gather3A_734 = arith.constant 0 : i32
    %gather3A_735 = tpu.memref_slice %arg6[%gather3A_732, %gather3A_733, %gather3A_734] : memref<8x32x128xf32, #tpu.memory_space<vmem>> -> memref<1x32x128xf32, #tpu.memory_space<vmem>>
    %gather3A_736 = tpu.memref_squeeze %gather3A_735 : memref<1x32x128xf32, #tpu.memory_space<vmem>> -> memref<32x128xf32, #tpu.memory_space<vmem>>
    %gather3A_737 = tpu.vector_load_idx %gather3A_736[%add3A_5, %broadcast_in_dim3A_723] : memref<32x128xf32, #tpu.memory_space<vmem>>[vector<16xi32>, vector<16xi32>], vector<16xf32>,
    tpu.vector_store_idx %arg9[%iota3A, %broadcast_in_dim3A_725], %gather3A_731 : memref<32x512xf32, #tpu.memory_space<vmem>>[vector<16xi32>, vector<16xi32>], vector<16xf32>,
    tpu.vector_store_idx %arg9[%add3A_5, %broadcast_in_dim3A_725], %gather3A_737 : memref<32x512xf32, #tpu.memory_space<vmem>>[vector<16xi32>, vector<16xi32>], vector<16xf32>,
    %and3A_738 = arith.constant 127 : i32
    %and3A_739 = arith.andi %reduce_max3A_526, %and3A_738 : i32
    %broadcast_in_dim3A_740 = vector.broadcast %and3A_739 : i32 to vector<16xi32>
    %broadcast_in_dim3A_741 = arith.constant 506 : i32
    %broadcast_in_dim3A_742 = vector.broadcast %broadcast_in_dim3A_741 : i32 to vector<16xi32>
    %gather3A_743 = arith.constant 2 : i32
    %gather3A_744 = arith.constant 0 : i32
    %gather3A_745 = arith.constant 0 : i32
    %gather3A_746 = tpu.memref_slice %arg6[%gather3A_743, %gather3A_744, %gather3A_745] : memref<8x32x128xf32, #tpu.memory_space<vmem>> -> memref<1x32x128xf32, #tpu.memory_space<vmem>>
    %gather3A_747 = tpu.memref_squeeze %gather3A_746 : memref<1x32x128xf32, #tpu.memory_space<vmem>> -> memref<32x128xf32, #tpu.memory_space<vmem>>
    %gather3A_748 = tpu.vector_load_idx %gather3A_747[%iota3A, %broadcast_in_dim3A_740] : memref<32x128xf32, #tpu.memory_space<vmem>>[vector<16xi32>, vector<16xi32>], vector<16xf32>,
    %gather3A_749 = arith.constant 2 : i32
    %gather3A_750 = arith.constant 0 : i32
    %gather3A_751 = arith.constant 0 : i32
    %gather3A_752 = tpu.memref_slice %arg6[%gather3A_749, %gather3A_750, %gather3A_751] : memref<8x32x128xf32, #tpu.memory_space<vmem>> -> memref<1x32x128xf32, #tpu.memory_space<vmem>>
    %gather3A_753 = tpu.memref_squeeze %gather3A_752 : memref<1x32x128xf32, #tpu.memory_space<vmem>> -> memref<32x128xf32, #tpu.memory_space<vmem>>
    %gather3A_754 = tpu.vector_load_idx %gather3A_753[%add3A_5, %broadcast_in_dim3A_740] : memref<32x128xf32, #tpu.memory_space<vmem>>[vector<16xi32>, vector<16xi32>], vector<16xf32>,
    tpu.vector_store_idx %arg9[%iota3A, %broadcast_in_dim3A_742], %gather3A_748 : memref<32x512xf32, #tpu.memory_space<vmem>>[vector<16xi32>, vector<16xi32>], vector<16xf32>,
    tpu.vector_store_idx %arg9[%add3A_5, %broadcast_in_dim3A_742], %gather3A_754 : memref<32x512xf32, #tpu.memory_space<vmem>>[vector<16xi32>, vector<16xi32>], vector<16xf32>,
    %and3A_755 = arith.constant 127 : i32
    %and3A_756 = arith.andi %reduce_max3A_538, %and3A_755 : i32
    %broadcast_in_dim3A_757 = vector.broadcast %and3A_756 : i32 to vector<16xi32>
    %broadcast_in_dim3A_758 = arith.constant 507 : i32
    %broadcast_in_dim3A_759 = vector.broadcast %broadcast_in_dim3A_758 : i32 to vector<16xi32>
    %gather3A_760 = arith.constant 3 : i32
    %gather3A_761 = arith.constant 0 : i32
    %gather3A_762 = arith.constant 0 : i32
    %gather3A_763 = tpu.memref_slice %arg6[%gather3A_760, %gather3A_761, %gather3A_762] : memref<8x32x128xf32, #tpu.memory_space<vmem>> -> memref<1x32x128xf32, #tpu.memory_space<vmem>>
    %gather3A_764 = tpu.memref_squeeze %gather3A_763 : memref<1x32x128xf32, #tpu.memory_space<vmem>> -> memref<32x128xf32, #tpu.memory_space<vmem>>
    %gather3A_765 = tpu.vector_load_idx %gather3A_764[%iota3A, %broadcast_in_dim3A_757] : memref<32x128xf32, #tpu.memory_space<vmem>>[vector<16xi32>, vector<16xi32>], vector<16xf32>,
    %gather3A_766 = arith.constant 3 : i32
    %gather3A_767 = arith.constant 0 : i32
    %gather3A_768 = arith.constant 0 : i32
    %gather3A_769 = tpu.memref_slice %arg6[%gather3A_766, %gather3A_767, %gather3A_768] : memref<8x32x128xf32, #tpu.memory_space<vmem>> -> memref<1x32x128xf32, #tpu.memory_space<vmem>>
    %gather3A_770 = tpu.memref_squeeze %gather3A_769 : memref<1x32x128xf32, #tpu.memory_space<vmem>> -> memref<32x128xf32, #tpu.memory_space<vmem>>
    %gather3A_771 = tpu.vector_load_idx %gather3A_770[%add3A_5, %broadcast_in_dim3A_757] : memref<32x128xf32, #tpu.memory_space<vmem>>[vector<16xi32>, vector<16xi32>], vector<16xf32>,
    tpu.vector_store_idx %arg9[%iota3A, %broadcast_in_dim3A_759], %gather3A_765 : memref<32x512xf32, #tpu.memory_space<vmem>>[vector<16xi32>, vector<16xi32>], vector<16xf32>,
    tpu.vector_store_idx %arg9[%add3A_5, %broadcast_in_dim3A_759], %gather3A_771 : memref<32x512xf32, #tpu.memory_space<vmem>>[vector<16xi32>, vector<16xi32>], vector<16xf32>,
    %and3A_772 = arith.constant 127 : i32
    %and3A_773 = arith.andi %reduce_max3A_550, %and3A_772 : i32
    %broadcast_in_dim3A_774 = vector.broadcast %and3A_773 : i32 to vector<16xi32>
    %broadcast_in_dim3A_775 = arith.constant 508 : i32
    %broadcast_in_dim3A_776 = vector.broadcast %broadcast_in_dim3A_775 : i32 to vector<16xi32>
    %gather3A_777 = arith.constant 4 : i32
    %gather3A_778 = arith.constant 0 : i32
    %gather3A_779 = arith.constant 0 : i32
    %gather3A_780 = tpu.memref_slice %arg6[%gather3A_777, %gather3A_778, %gather3A_779] : memref<8x32x128xf32, #tpu.memory_space<vmem>> -> memref<1x32x128xf32, #tpu.memory_space<vmem>>
    %gather3A_781 = tpu.memref_squeeze %gather3A_780 : memref<1x32x128xf32, #tpu.memory_space<vmem>> -> memref<32x128xf32, #tpu.memory_space<vmem>>
    %gather3A_782 = tpu.vector_load_idx %gather3A_781[%iota3A, %broadcast_in_dim3A_774] : memref<32x128xf32, #tpu.memory_space<vmem>>[vector<16xi32>, vector<16xi32>], vector<16xf32>,
    %gather3A_783 = arith.constant 4 : i32
    %gather3A_784 = arith.constant 0 : i32
    %gather3A_785 = arith.constant 0 : i32
    %gather3A_786 = tpu.memref_slice %arg6[%gather3A_783, %gather3A_784, %gather3A_785] : memref<8x32x128xf32, #tpu.memory_space<vmem>> -> memref<1x32x128xf32, #tpu.memory_space<vmem>>
    %gather3A_787 = tpu.memref_squeeze %gather3A_786 : memref<1x32x128xf32, #tpu.memory_space<vmem>> -> memref<32x128xf32, #tpu.memory_space<vmem>>
    %gather3A_788 = tpu.vector_load_idx %gather3A_787[%add3A_5, %broadcast_in_dim3A_774] : memref<32x128xf32, #tpu.memory_space<vmem>>[vector<16xi32>, vector<16xi32>], vector<16xf32>,
    tpu.vector_store_idx %arg9[%iota3A, %broadcast_in_dim3A_776], %gather3A_782 : memref<32x512xf32, #tpu.memory_space<vmem>>[vector<16xi32>, vector<16xi32>], vector<16xf32>,
    tpu.vector_store_idx %arg9[%add3A_5, %broadcast_in_dim3A_776], %gather3A_788 : memref<32x512xf32, #tpu.memory_space<vmem>>[vector<16xi32>, vector<16xi32>], vector<16xf32>,
    %and3A_789 = arith.constant 127 : i32
    %and3A_790 = arith.andi %reduce_max3A_562, %and3A_789 : i32
    %broadcast_in_dim3A_791 = vector.broadcast %and3A_790 : i32 to vector<16xi32>
    %broadcast_in_dim3A_792 = arith.constant 509 : i32
    %broadcast_in_dim3A_793 = vector.broadcast %broadcast_in_dim3A_792 : i32 to vector<16xi32>
    %gather3A_794 = arith.constant 5 : i32
    %gather3A_795 = arith.constant 0 : i32
    %gather3A_796 = arith.constant 0 : i32
    %gather3A_797 = tpu.memref_slice %arg6[%gather3A_794, %gather3A_795, %gather3A_796] : memref<8x32x128xf32, #tpu.memory_space<vmem>> -> memref<1x32x128xf32, #tpu.memory_space<vmem>>
    %gather3A_798 = tpu.memref_squeeze %gather3A_797 : memref<1x32x128xf32, #tpu.memory_space<vmem>> -> memref<32x128xf32, #tpu.memory_space<vmem>>
    %gather3A_799 = tpu.vector_load_idx %gather3A_798[%iota3A, %broadcast_in_dim3A_791] : memref<32x128xf32, #tpu.memory_space<vmem>>[vector<16xi32>, vector<16xi32>], vector<16xf32>,
    %gather3A_800 = arith.constant 5 : i32
    %gather3A_801 = arith.constant 0 : i32
    %gather3A_802 = arith.constant 0 : i32
    %gather3A_803 = tpu.memref_slice %arg6[%gather3A_800, %gather3A_801, %gather3A_802] : memref<8x32x128xf32, #tpu.memory_space<vmem>> -> memref<1x32x128xf32, #tpu.memory_space<vmem>>
    %gather3A_804 = tpu.memref_squeeze %gather3A_803 : memref<1x32x128xf32, #tpu.memory_space<vmem>> -> memref<32x128xf32, #tpu.memory_space<vmem>>
    %gather3A_805 = tpu.vector_load_idx %gather3A_804[%add3A_5, %broadcast_in_dim3A_791] : memref<32x128xf32, #tpu.memory_space<vmem>>[vector<16xi32>, vector<16xi32>], vector<16xf32>,
    tpu.vector_store_idx %arg9[%iota3A, %broadcast_in_dim3A_793], %gather3A_799 : memref<32x512xf32, #tpu.memory_space<vmem>>[vector<16xi32>, vector<16xi32>], vector<16xf32>,
    tpu.vector_store_idx %arg9[%add3A_5, %broadcast_in_dim3A_793], %gather3A_805 : memref<32x512xf32, #tpu.memory_space<vmem>>[vector<16xi32>, vector<16xi32>], vector<16xf32>,
    %and3A_806 = arith.constant 127 : i32
    %and3A_807 = arith.andi %reduce_max3A_574, %and3A_806 : i32
    %broadcast_in_dim3A_808 = vector.broadcast %and3A_807 : i32 to vector<16xi32>
    %broadcast_in_dim3A_809 = arith.constant 510 : i32
    %broadcast_in_dim3A_810 = vector.broadcast %broadcast_in_dim3A_809 : i32 to vector<16xi32>
    %gather3A_811 = arith.constant 6 : i32
    %gather3A_812 = arith.constant 0 : i32
    %gather3A_813 = arith.constant 0 : i32
    %gather3A_814 = tpu.memref_slice %arg6[%gather3A_811, %gather3A_812, %gather3A_813] : memref<8x32x128xf32, #tpu.memory_space<vmem>> -> memref<1x32x128xf32, #tpu.memory_space<vmem>>
    %gather3A_815 = tpu.memref_squeeze %gather3A_814 : memref<1x32x128xf32, #tpu.memory_space<vmem>> -> memref<32x128xf32, #tpu.memory_space<vmem>>
    %gather3A_816 = tpu.vector_load_idx %gather3A_815[%iota3A, %broadcast_in_dim3A_808] : memref<32x128xf32, #tpu.memory_space<vmem>>[vector<16xi32>, vector<16xi32>], vector<16xf32>,
    %gather3A_817 = arith.constant 6 : i32
    %gather3A_818 = arith.constant 0 : i32
    %gather3A_819 = arith.constant 0 : i32
    %gather3A_820 = tpu.memref_slice %arg6[%gather3A_817, %gather3A_818, %gather3A_819] : memref<8x32x128xf32, #tpu.memory_space<vmem>> -> memref<1x32x128xf32, #tpu.memory_space<vmem>>
    %gather3A_821 = tpu.memref_squeeze %gather3A_820 : memref<1x32x128xf32, #tpu.memory_space<vmem>> -> memref<32x128xf32, #tpu.memory_space<vmem>>
    %gather3A_822 = tpu.vector_load_idx %gather3A_821[%add3A_5, %broadcast_in_dim3A_808] : memref<32x128xf32, #tpu.memory_space<vmem>>[vector<16xi32>, vector<16xi32>], vector<16xf32>,
    tpu.vector_store_idx %arg9[%iota3A, %broadcast_in_dim3A_810], %gather3A_816 : memref<32x512xf32, #tpu.memory_space<vmem>>[vector<16xi32>, vector<16xi32>], vector<16xf32>,
    tpu.vector_store_idx %arg9[%add3A_5, %broadcast_in_dim3A_810], %gather3A_822 : memref<32x512xf32, #tpu.memory_space<vmem>>[vector<16xi32>, vector<16xi32>], vector<16xf32>,
    %and3A_823 = arith.constant 127 : i32
    %and3A_824 = arith.andi %reduce_max3A_586, %and3A_823 : i32
    %broadcast_in_dim3A_825 = vector.broadcast %and3A_824 : i32 to vector<16xi32>
    %broadcast_in_dim3A_826 = arith.constant 511 : i32
    %broadcast_in_dim3A_827 = vector.broadcast %broadcast_in_dim3A_826 : i32 to vector<16xi32>
    %gather3A_828 = arith.constant 7 : i32
    %gather3A_829 = arith.constant 0 : i32
    %gather3A_830 = arith.constant 0 : i32
    %gather3A_831 = tpu.memref_slice %arg6[%gather3A_828, %gather3A_829, %gather3A_830] : memref<8x32x128xf32, #tpu.memory_space<vmem>> -> memref<1x32x128xf32, #tpu.memory_space<vmem>>
    %gather3A_832 = tpu.memref_squeeze %gather3A_831 : memref<1x32x128xf32, #tpu.memory_space<vmem>> -> memref<32x128xf32, #tpu.memory_space<vmem>>
    %gather3A_833 = tpu.vector_load_idx %gather3A_832[%iota3A, %broadcast_in_dim3A_825] : memref<32x128xf32, #tpu.memory_space<vmem>>[vector<16xi32>, vector<16xi32>], vector<16xf32>,
    %gather3A_834 = arith.constant 7 : i32
    %gather3A_835 = arith.constant 0 : i32
    %gather3A_836 = arith.constant 0 : i32
    %gather3A_837 = tpu.memref_slice %arg6[%gather3A_834, %gather3A_835, %gather3A_836] : memref<8x32x128xf32, #tpu.memory_space<vmem>> -> memref<1x32x128xf32, #tpu.memory_space<vmem>>
    %gather3A_838 = tpu.memref_squeeze %gather3A_837 : memref<1x32x128xf32, #tpu.memory_space<vmem>> -> memref<32x128xf32, #tpu.memory_space<vmem>>
    %gather3A_839 = tpu.vector_load_idx %gather3A_838[%add3A_5, %broadcast_in_dim3A_825] : memref<32x128xf32, #tpu.memory_space<vmem>>[vector<16xi32>, vector<16xi32>], vector<16xf32>,
    tpu.vector_store_idx %arg9[%iota3A, %broadcast_in_dim3A_827], %gather3A_833 : memref<32x512xf32, #tpu.memory_space<vmem>>[vector<16xi32>, vector<16xi32>], vector<16xf32>,
    tpu.vector_store_idx %arg9[%add3A_5, %broadcast_in_dim3A_827], %gather3A_839 : memref<32x512xf32, #tpu.memory_space<vmem>>[vector<16xi32>, vector<16xi32>], vector<16xf32>,
    "tpu.region"() ({
      %run_scoped3A = tpu.sem_alloc : memref<!tpu.dma_semaphore, #tpu.memory_space<semaphore_mem>>
      %dma_start3A_840 = arith.constant 0 : i32
      %dma_start3A_841 = tpu.memref_slice %arg4[%dma_start3A_840, %mul3A_2] : memref<32x16384xf32, #tpu.memory_space<hbm>> -> memref<32x512xf32, #tpu.memory_space<hbm>>
      %dma_start3A_842 = arith.constant 0 : i32
      %dma_start3A_843 = tpu.memref_slice %arg4[%dma_start3A_842, %mul3A_2] : memref<32x16384xf32, #tpu.memory_space<hbm>> -> memref<32x512xf32, #tpu.memory_space<hbm>>
      tpu.enqueue_dma source(%arg9 : memref<32x512xf32, #tpu.memory_space<vmem>>) target(%dma_start3A_843 : memref<32x512xf32, #tpu.memory_space<hbm>>) target_semaphore(%run_scoped3A : memref<!tpu.dma_semaphore, #tpu.memory_space<semaphore_mem>>)
      %dma_wait3A_844 = arith.constant 0 : i32
      %dma_wait3A_845 = tpu.memref_slice %arg4[%dma_wait3A_844, %mul3A_2] : memref<32x16384xf32, #tpu.memory_space<hbm>> -> memref<32x512xf32, #tpu.memory_space<hbm>>
      %dma_wait3A_846 = arith.constant 0 : i32
      %dma_wait3A_847 = tpu.memref_slice %arg4[%dma_wait3A_846, %mul3A_2] : memref<32x16384xf32, #tpu.memory_space<hbm>> -> memref<32x512xf32, #tpu.memory_space<hbm>>
      tpu.wait_dma2 semaphore(%run_scoped3A : memref<!tpu.dma_semaphore, #tpu.memory_space<semaphore_mem>>) src(%arg9 : memref<32x512xf32, #tpu.memory_space<vmem>>) dst(%dma_wait3A_847 : memref<32x512xf32, #tpu.memory_space<hbm>>)
      tpu.yield
    }) : () -> ()
    return
  }
}

</mosaic_0001>

<sc_bundles>
// kernel: kernel.3.cloned.1.call-start
scs
__scs_entry_jumppad:
0x0: {  	(pc) =	sbr.rel $0x88, $3  }
0x1: {  	(tag) =	ssettag $0x0;
	lr =	simm.s32 $0x1  }
0x2: {  	[smem:$0x3F9F] =	sst lr;
	_ =	strace $0xD0000000  }
0x3: {  	_ = 	snop  }
0x4: {  	_ = 	snop  }
0x5: {  	_ = 	snop  }
0x6: {  	_ = 	snop  }
0x7: {  	_ = 	snop  }
__scs_overlays_trampoline_lowered:
0x8: {  	[smem:$0x3FAE] =	sst s0  }
0x9: {  	[smem:$0x3FAF] =	sst s1  }
0xa: {  	[smem:$0x3FB0] =	sst s2  }
0xb: {  	[smem:$0x3FB1] =	sst s3  }
0xc: {  	[smem:$0x3FB2] =	sst s4  }
0xd: {  	[smem:$0x3FB3] =	sst s5  }
0xe: {  	[smem:$0x3FB4] =	sst s6  }
0xf: {  	[smem:$0x3FB5] =	sst s7  }
0x10: {  	[smem:$0x3FB6] =	sst s8  }
0x11: {  	[smem:$0x3FB7] =	sst s9;
	s0 =	simm.s32 @!p0 $0x0  }
0x12: {  	s1 =	sld [smem:$0x3F9D];
	s0 =	simm.s32 @p0 $0x1  }
0x13: {  	[smem:$0x3FB8] =	sst s0;
	s0 =	simm.s32 @!p1 $0x0  }
0x14: {  	s2 =	sld [smem:$0x3F9C];
	s0 =	simm.s32 @p1 $0x1  }
0x15: {  	[smem:$0x3FB9] =	sst s0;
	s0 =	simm.s32 @!p2 $0x0  }
0x16: {  	s3 =	sld [smem:$0x3FDB];
	s0 =	simm.s32 @p2 $0x1  }
0x17: {  	s4 =	simm.s32 $0x1BF5;
	[smem:$0x3FBB] =	sst s0  }
0x18: {  	s0 =	sld [smem:$0x3F9E];
	_ =	swait.ge [sflag:s4], $0x0  }
0x19: {  	s7 =	sld [smem:$0x3F9F]  }
0x1a: {  	s8 =	sadd.s32 $0xFFFFE003, lr  }
0x1b: {  	s9 =	sadd.s32 $0xFFFFFEF7, lr;
	s5 =	simm.s32 $0xFFFFFFFF;
	p2 =	slt.u32 s8, $0xFFFFF086  }
0x1c: {  	p1 =	slt.u32 s9, $0xF7A;
	s5 =	simm.s32 @!p2 $0x0  }
0x1d: {  	s5 =	simm.s32 @p1 $0x1;
	p0 =	seq.s32 s7, s2  }
0x1e: {  	s7 =	smul.u32 @!p0 $0xF7A, s2;
	p2 =	seq.s32 @!p0 s5, $0x0  }
0x1f: {  	s9 =	smul.u32 $0xF7A, s1;
	s8 =	simm.s32 @!p0 $0x1BF5;
	p2 =	por !p2, p0  }
0x20: {  	[sflag:s8] =	ssyncset.s32 @!p0 $0xFFFFF086;
	s6 =	sadd.s32 @!p0 s3, s7;
	s7 =	simm.s32 @!p0 $0x108  }
0x21: {  	s3 =	sadd.s32 s3, s9;
	s6 =	sadd.s32 @!p0 $0x88, s6;
	s7 =	simm.s32 @p2 $0x1082  }
0x22: {  	[simem:s7], [sflag:s8] =	dma.local @!p0 [hbm:s6], $0xF7A  }
0x23: {  	s9 =	sor.u32 $0xD0000000, s2;
	s6 =	simm.s32 $0x108;
	_ =	swait.ge @!p0 [sflag:s8], $0x0  }
0x24: {  	s3 =	sadd.s32 $0x88, s3;
	s6 =	simm.s32 @!p1 $0x1082;
	[sflag:s4] =	ssyncset.s32 $0xFFFFF086  }
0x25: {  	[simem:s6], [sflag:s4] =	dma.local [hbm:s3], $0xF7A  }
0x26: {  	[smem:$0x3F9F] =	sst s1;
	(tag) =	ssettag s2;
	_ =	strace s9  }
0x27: {  	s1 =	sld [smem:$0x3FAF]  }
0x28: {  	s2 =	sld [smem:$0x3FB0]  }
0x29: {  	s4 =	sld [smem:$0x3FB2]  }
0x2a: {  	p0 =	seq.s32 s5, $0x0;
	s5 =	sld [smem:$0x3FB3]  }
0x2b: {  	s6 =	sld [smem:$0x3FB4]  }
0x2c: {  	s7 =	sld [smem:$0x3FB5]  }
0x2d: {  	s3 =	simm.s32 $0x108;
	s8 =	sld [smem:$0x3FB6]  }
0x2e: {  	s3 =	simm.s32 @!p0 $0x1082;
	s9 =	sld [smem:$0x3FB7]  }
0x2f: {  	lr =	sadd.s32 s0, s3;
	s0 =	sld [smem:$0x3FAE]  }
0x30: {  	s3 =	sld [smem:$0x3FB1]  }
0x31: {  	[smem:$0x3FBA] =	sst s10  }
0x32: {  	s10 =	sld [smem:$0x3FB8];
	_ =	sdelay $0x3  }
0x33: {  	p0 =	seq.s32 s10, $0x1;
	s10 =	sld [smem:$0x3FBA];
	_ =	sdelay $0x3  }
0x34: {  	[smem:$0x3FBA] =	sst s10  }
0x35: {  	s10 =	sld [smem:$0x3FB9];
	_ =	sdelay $0x3  }
0x36: {  	p1 =	seq.s32 s10, $0x1;
	s10 =	sld [smem:$0x3FBA];
	_ =	sdelay $0x3  }
0x37: {  	[smem:$0x3FBA] =	sst s10  }
0x38: {  	s10 =	sld [smem:$0x3FBB]  }
0x39: {  	_ = 	snop;
	(pc) =	sbr.ind lr, $3  }
0x3a: {  	_ = 	snop  }
0x3b: {  	_ = 	snop  }
0x3c: {  	p2 =	seq.s32 s10, $0x1;
	s10 =	sld [smem:$0x3FBA]  }
0x3d: {  	_ =	shalt  }
0x3e: {  	_ =	shalt  }
0x3f: {  	_ =	shalt  }
0x40: {  	_ =	shalt  }
0x41: {  	_ =	shalt  }
0x42: {  	_ =	shalt  }
0x43: {  	_ =	shalt  }
0x44: {  	_ =	shalt  }
0x45: {  	_ =	shalt  }
0x46: {  	_ =	shalt  }
0x47: {  	_ =	shalt  }
0x48: {  	_ =	shalt  }
0x49: {  	_ =	shalt  }
0x4a: {  	_ =	shalt  }
0x4b: {  	_ =	shalt  }
0x4c: {  	_ =	shalt  }
0x4d: {  	_ =	shalt  }
0x4e: {  	_ =	shalt  }
0x4f: {  	_ =	shalt  }
0x50: {  	_ =	shalt  }
0x51: {  	_ =	shalt  }
0x52: {  	_ =	shalt  }
0x53: {  	_ =	shalt  }
0x54: {  	_ =	shalt  }
0x55: {  	_ =	shalt  }
0x56: {  	_ =	shalt  }
0x57: {  	_ =	shalt  }
0x58: {  	_ =	shalt  }
0x59: {  	_ =	shalt  }
0x5a: {  	_ =	shalt  }
0x5b: {  	_ =	shalt  }
0x5c: {  	_ =	shalt  }
0x5d: {  	_ =	shalt  }
0x5e: {  	_ =	shalt  }
0x5f: {  	_ =	shalt  }
0x60: {  	_ =	shalt  }
0x61: {  	_ =	shalt  }
0x62: {  	_ =	shalt  }
0x63: {  	_ =	shalt  }
0x64: {  	_ =	shalt  }
0x65: {  	_ =	shalt  }
0x66: {  	_ =	shalt  }
0x67: {  	_ =	shalt  }
0x68: {  	_ =	shalt  }
0x69: {  	_ =	shalt  }
0x6a: {  	_ =	shalt  }
0x6b: {  	_ =	shalt  }
0x6c: {  	_ =	shalt  }
0x6d: {  	_ =	shalt  }
0x6e: {  	_ =	shalt  }
0x6f: {  	_ =	shalt  }
0x70: {  	_ =	shalt  }
0x71: {  	_ =	shalt  }
0x72: {  	_ =	shalt  }
0x73: {  	_ =	shalt  }
0x74: {  	_ =	shalt  }
0x75: {  	_ =	shalt  }
0x76: {  	_ =	shalt  }
0x77: {  	_ =	shalt  }
0x78: {  	_ =	shalt  }
0x79: {  	_ =	shalt  }
0x7a: {  	_ =	shalt  }
0x7b: {  	_ =	shalt  }
0x7c: {  	_ =	shalt  }
0x7d: {  	_ =	shalt  }
0x7e: {  	_ =	shalt  }
0x7f: {  	_ =	shalt  }
0x80: {  	_ =	shalt  }
0x81: {  	_ =	shalt  }
0x82: {  	_ =	shalt  }
0x83: {  	_ =	shalt  }
0x84: {  	_ =	shalt  }
0x85: {  	_ =	shalt  }
0x86: {  	_ =	shalt  }
0x87: {  	_ =	shalt  }
.Lfunc_end0:
.L_simem_size_0:
called_computation_lowered:
.L_overlay_start_0:
0x88: {  	s2 =	sld [smem:$0x3FD9]  }
0x89: {  	s3 =	sld [smem:$0x3FFE];
	_ =	sdelay $0x1  }
0x8a: {  	s1 =	srdreg.scid  }
0x8b: {  	s0 =	sand.u32 $0x1, s1  }
0x8c: {  	s18 =	sshll.u32 s0, $0xA;
	s2 =	sadd.s32 s3, s2  }
0x8d: {  	s2 =	sadd.s32 s2, s18  }
0x8e: {  	[smem:$0x3FC6] =	sst s2  }
0x8f: {  	_ = 	snop  }
0x90: {  	s2 =	sld [smem:$0x3FC9]  }
0x91: {  	s19 =	sld [smem:$0x3FC8]  }
0x92: {  	s4 =	sld [smem:$0x3FD0];
	(tm) =	ssettm $0x1  }
0x93: {  	s5 =	sld [smem:$0x3FFB];
	_ =	sdelay $0x3  }
0x94: {  	_ =	strace s5  }
0x95: {  	s5 =	sld [smem:$0x3FFC];
	_ =	sdelay $0x3  }
0x96: {  	_ =	strace s5  }
0x97: {  	s5 =	sld [smem:$0x3FFD];
	_ =	sdelay $0x3  }
0x98: {  	_ =	strace s5  }
0x99: {  	_ =	strace $0x8FFFFFFF  }
0x9a: {  	s20 =	sld [smem:$0x3FDB];
	_ =	sdelay $0x1  }
0x9b: {  	s6 =	simm.s32 $_scs_section_size  }
0x9c: {  	s7 =	simm.s32 $_size__tile_overlayer_lowered;
	s8 =	simm.s32 $_tile_overlayer_lowered  }
0x9d: {  	s23 =	simm.s32 $0x1BFF;
	s22 =	sshll.u32 s8, $0x1;
	s5 =	sadd.s32 s6, s20  }
0x9e: {  	s9 =	simm.s32 $0x0;
	s21 =	sshll.u32 s7, $0x1;
	s7 =	sadd.s32 s22, s5  }
0x9f: {  	[timem:s9], [sflag:s23] =	dma.local [hbm:s7], s21  }
0xa0: {  	_ =	swait.ge [sflag:s23], s21  }
0xa1: {  	s6 =	ssub.s32 $0x0, s21;
	[sflag:s23] =	ssyncset.done $0x0  }
0xa2: {  	[sflag:s23] =	ssyncadd.s32 s6;
	_ =	sdelay $0x1  }
0xa3: {  	s24 =	simm.s32 $0x1B8B  }
0xa4: {  	_ =	swait.ge [sflag:s24], $0x1  }
0xa5: {  	[sflag:s24] =	ssyncset.done $0x0  }
0xa6: {  	s25 =	simm.s32 $0x1B8E;
	[sflag:s24] =	ssyncadd.s32 $0xFFFFFFFF  }
0xa7: {  	s26 =	simm.s32 $execute0_lowered;
	[smem:$0x3FD2] =	sst s25  }
0xa8: {  	s6 =	sshll.u32 s26, $0x1;
	_ =	strace $0x80000046;
	[dreg:$0x1] =	wrdreg $0xFFFFFFFF  }
0xa9: {  	s28 =	simm.s32 $_size_execute0_lowered;
	s5 =	sadd.s32 s5, s6;
	[dreg:$0x0] =	wrdreg $0x0  }
0xaa: {  	s6 =	sshll.u32 s28, $0x1;
	[dreg:$0x2] =	wrdreg s5  }
0xab: {  	[dreg:$0x3] =	wrdreg s6  }
0xac: {  	[dreg:$0x4] =	wrdreg $0xC0  }
0xad: {  	_ =	task [dreg:s9], $0x5FFFF  }
0xae: {  	[dreg:$0x1] =	wrdreg $0xFFFFFFFF  }
0xaf: {  	[dreg:$0x0] =	wrdreg $0x60  }
0xb0: {  	[dreg:$0x2] =	wrdreg s2  }
0xb1: {  	[dreg:$0x3] =	wrdreg s19  }
0xb2: {  	[dreg:$0x4] =	wrdreg s4  }
0xb3: {  	[dreg:$0x5] =	wrdreg $0x9  }
0xb4: {  	_ =	task.clear_ibuf [dreg:s9], $0x6FFFF;
	_ =	strace $0x90000046  }
0xb5: {  	s29 =	simm.s32 $0x9;
	_ =	strace $0x80000048  }
0xb6: {  	_ =	swait.ge [sflag:s29], $0x1  }
0xb7: {  	[sflag:s29] =	ssyncadd.s32 $0xFFFFFFFF  }
0xb8: {  	_ =	strace $0x90000048  }
0xb9: {  	_ =	sfence  }
0xba: {  	s30 =	sld [smem:$0x0];
	_ =	sdelay $0x2  }
0xbb: {  	s31 =	sshll.u32 s1, $0xD;
	s1 =	sshrl.u32 s1, $0x2  }
0xbc: {  	s3 =	sand.u32 $0x4000, s31;
	s1 =	sadd.s32 s1, s30  }
0xbd: {  	s0 =	sor.u32 s3, s0;
	s1 =	sshll.u32 s1, $0x11  }
0xbe: {  	s0 =	sor.u32 s1, s0  }
0xbf: {  	s0 =	sadd.s32 $0x8F2B, s0  }
0xc0: {  	[sflag:s0] =	ssyncadd.remote.s32 $0x1  }
0xc1: {  	_ =	sfence.sel $0xFFFF  }
0xc2: {  	[dreg:$0x0] =	wrdreg $0xFFFFFFFF;
	(pc) =	sbr.abs _section_cstart, $3  }
0xc3: {  	[dreg:$0x1] =	wrdreg $0xFFFFFFFF  }
0xc4: {  	_ =	task.clear_ibuf [dreg:s9], $0x2FFFF;
	_ =	strace $0x9FFFFFFF  }
0xc5: {  	(tm) =	ssettm $0x7FFFFFFF  }
tec
execute0_lowered:
.L_overlay_start_1:
0x0: {  	(tag) =	ssettag $0x1  }
0x1: {  	v0 =	vimm.s32 $0x1380  }
0x2: {  	vm2 =	vcmask $0x300;
	vm3 =	vcmask $0x704;
	vm0 =	vmmov $0x1  }
0x3: {  	v1 =	vimm.s32 $0x0;
	vm5 =	vcmask $0xB08;
	vm4 =	vcmask $0xF0C  }
0x4: {  	vm7 =	vcmask $0x272C;
	vm1 =	vcmask $0x1310;
	vm8 =	vcmask $0x2B30  }
0x5: {  	v2 =	vimm.s32 $0x1FF8;
	v3 =	vimm.s32 $0x3FF8;
	v4 =	vimm.s32 $0x1FF9  }
0x6: {  	v5 =	vimm.s32 $0x3FF9;
	v6 =	vimm.s32 $0x1FFA;
	v7 =	vimm.s32 $0x3FFA  }
0x7: {  	v8 =	vimm.s32 $0x1FFB;
	v9 =	vimm.s32 $0x3FFB;
	v10 =	vimm.s32 $0x1FFC  }
0x8: {  	v11 =	vimm.s32 $0x3FFC;
	v12 =	vimm.s32 $0x1FFD;
	v13 =	vimm.s32 $0x3FFD  }
0x9: {  	v14 =	vimm.s32 $0x1FFE;
	v15 =	vimm.s32 $0x3FFE;
	v16 =	vimm.s32 $0x1FFF  }
0xa: {  	v17 =	vimm.s32 $0x3FFF;
	vm9 =	vcmask $0x3338;
	v0 =	vsel vm2, $0x0, v0  }
0xb: {  	v1 =	vsel vm0, $0xFFFFFFFF, v1;
	vm0 =	vcmask $0x1714;
	v2 =	vsel vm2, $0xC78, v2  }
0xc: {  	v3 =	vsel vm2, $0x2C78, v3;
	v4 =	vsel vm2, $0xC79, v4;
	v5 =	vsel vm2, $0x2C79, v5  }
0xd: {  	v6 =	vsel vm2, $0xC7A, v6;
	v7 =	vsel vm2, $0x2C7A, v7;
	v8 =	vsel vm2, $0xC7B, v8  }
0xe: {  	v9 =	vsel vm2, $0x2C7B, v9;
	v10 =	vsel vm2, $0xC7C, v10;
	v11 =	vsel vm2, $0x2C7C, v11  }
0xf: {  	v12 =	vsel vm2, $0xC7D, v12;
	v13 =	vsel vm2, $0x2C7D, v13;
	v14 =	vsel vm2, $0xC7E, v14  }
0x10: {  	v15 =	vsel vm2, $0x2C7E, v15;
	v16 =	vsel vm2, $0xC7F, v16;
	v17 =	vsel vm2, $0x2C7F, v17  }
0x11: {  	[tilespmem:$0x1FFE0] =	vst v1;
	v0 =	vsel vm3, $0x80, v0;
	v1 =	vimm.s32 $0x3380;
	v2 =	vsel vm3, $0xCF8, v2  }
0x12: {  	v3 =	vsel vm3, $0x2CF8, v3;
	v4 =	vsel vm3, $0xCF9, v4;
	v5 =	vsel vm3, $0x2CF9, v5  }
0x13: {  	v6 =	vsel vm3, $0xCFA, v6;
	v7 =	vsel vm3, $0x2CFA, v7;
	v8 =	vsel vm3, $0xCFB, v8  }
0x14: {  	v9 =	vsel vm3, $0x2CFB, v9;
	v10 =	vsel vm3, $0xCFC, v10;
	v11 =	vsel vm3, $0x2CFC, v11  }
0x15: {  	v12 =	vsel vm3, $0xCFD, v12;
	v13 =	vsel vm3, $0x2CFD, v13;
	v14 =	vsel vm3, $0xCFE, v14  }
0x16: {  	v15 =	vsel vm3, $0x2CFE, v15;
	v16 =	vsel vm3, $0xCFF, v16;
	v17 =	vsel vm3, $0x2CFF, v17  }
0x17: {  	v0 =	vsel vm5, $0x100, v0;
	v1 =	vsel vm2, $0x2000, v1;
	vm2 =	vcmask $0x1B18  }
0x18: {  	v2 =	vsel vm5, $0xD78, v2;
	v3 =	vsel vm5, $0x2D78, v3;
	v4 =	vsel vm5, $0xD79, v4  }
0x19: {  	v5 =	vsel vm5, $0x2D79, v5;
	v6 =	vsel vm5, $0xD7A, v6;
	v7 =	vsel vm5, $0x2D7A, v7  }
0x1a: {  	v8 =	vsel vm5, $0xD7B, v8;
	v9 =	vsel vm5, $0x2D7B, v9;
	v10 =	vsel vm5, $0xD7C, v10  }
0x1b: {  	v11 =	vsel vm5, $0x2D7C, v11;
	v12 =	vsel vm5, $0xD7D, v12;
	v13 =	vsel vm5, $0x2D7D, v13  }
0x1c: {  	v14 =	vsel vm5, $0xD7E, v14;
	v15 =	vsel vm5, $0x2D7E, v15;
	v16 =	vsel vm5, $0xD7F, v16  }
0x1d: {  	v17 =	vsel vm5, $0x2D7F, v17;
	v0 =	vsel vm4, $0x180, v0;
	v1 =	vsel vm3, $0x2080, v1  }
0x1e: {  	vm3 =	vcmask $0x1F1C;
	v2 =	vsel vm4, $0xDF8, v2;
	v3 =	vsel vm4, $0x2DF8, v3  }
0x1f: {  	v4 =	vsel vm4, $0xDF9, v4;
	v5 =	vsel vm4, $0x2DF9, v5;
	v6 =	vsel vm4, $0xDFA, v6  }
0x20: {  	v7 =	vsel vm4, $0x2DFA, v7;
	v8 =	vsel vm4, $0xDFB, v8;
	v9 =	vsel vm4, $0x2DFB, v9  }
0x21: {  	v10 =	vsel vm4, $0xDFC, v10;
	v11 =	vsel vm4, $0x2DFC, v11;
	v12 =	vsel vm4, $0xDFD, v12  }
0x22: {  	v13 =	vsel vm4, $0x2DFD, v13;
	v14 =	vsel vm4, $0xDFE, v14;
	v15 =	vsel vm4, $0x2DFE, v15  }
0x23: {  	v16 =	vsel vm4, $0xDFF, v16;
	v17 =	vsel vm4, $0x2DFF, v17;
	v0 =	vsel vm1, $0x200, v0  }
0x24: {  	v1 =	vsel vm5, $0x2100, v1;
	vm5 =	vcmask $0x2F34;
	v2 =	vsel vm1, $0xE78, v2  }
0x25: {  	v3 =	vsel vm1, $0x2E78, v3;
	v4 =	vsel vm1, $0xE79, v4;
	v5 =	vsel vm1, $0x2E79, v5  }
0x26: {  	v6 =	vsel vm1, $0xE7A, v6;
	v7 =	vsel vm1, $0x2E7A, v7;
	v8 =	vsel vm1, $0xE7B, v8  }
0x27: {  	v9 =	vsel vm1, $0x2E7B, v9;
	v10 =	vsel vm1, $0xE7C, v10;
	v11 =	vsel vm1, $0x2E7C, v11  }
0x28: {  	v12 =	vsel vm1, $0xE7D, v12;
	v13 =	vsel vm1, $0x2E7D, v13;
	v14 =	vsel vm1, $0xE7E, v14  }
0x29: {  	v15 =	vsel vm1, $0x2E7E, v15;
	v16 =	vsel vm1, $0xE7F, v16;
	v17 =	vsel vm1, $0x2E7F, v17  }
0x2a: {  	v0 =	vsel vm0, $0x280, v0;
	v1 =	vsel vm4, $0x2180, v1;
	vm4 =	vcmask $0x2320  }
0x2b: {  	v2 =	vsel vm0, $0xEF8, v2;
	v3 =	vsel vm0, $0x2EF8, v3;
	v4 =	vsel vm0, $0xEF9, v4  }
0x2c: {  	v5 =	vsel vm0, $0x2EF9, v5;
	v6 =	vsel vm0, $0xEFA, v6;
	v7 =	vsel vm0, $0x2EFA, v7  }
0x2d: {  	v8 =	vsel vm0, $0xEFB, v8;
	v9 =	vsel vm0, $0x2EFB, v9;
	v10 =	vsel vm0, $0xEFC, v10  }
0x2e: {  	v11 =	vsel vm0, $0x2EFC, v11;
	v12 =	vsel vm0, $0xEFD, v12;
	v13 =	vsel vm0, $0x2EFD, v13  }
0x2f: {  	v14 =	vsel vm0, $0xEFE, v14;
	v15 =	vsel vm0, $0x2EFE, v15;
	v16 =	vsel vm0, $0xEFF, v16  }
0x30: {  	v17 =	vsel vm0, $0x2EFF, v17;
	v0 =	vsel vm2, $0x300, v0;
	v1 =	vsel vm1, $0x2200, v1  }
0x31: {  	v2 =	vsel vm2, $0xF78, v2;
	v3 =	vsel vm2, $0x2F78, v3;
	v4 =	vsel vm2, $0xF79, v4  }
0x32: {  	v5 =	vsel vm2, $0x2F79, v5;
	v6 =	vsel vm2, $0xF7A, v6;
	v7 =	vsel vm2, $0x2F7A, v7  }
0x33: {  	v8 =	vsel vm2, $0xF7B, v8;
	v9 =	vsel vm2, $0x2F7B, v9;
	v10 =	vsel vm2, $0xF7C, v10  }
0x34: {  	v11 =	vsel vm2, $0x2F7C, v11;
	v12 =	vsel vm2, $0xF7D, v12;
	v13 =	vsel vm2, $0x2F7D, v13  }
0x35: {  	v14 =	vsel vm2, $0xF7E, v14;
	v15 =	vsel vm2, $0x2F7E, v15;
	v16 =	vsel vm2, $0xF7F, v16  }
0x36: {  	v17 =	vsel vm2, $0x2F7F, v17;
	vm1 =	vcmask $0x2B28;
	v0 =	vsel vm3, $0x380, v0  }
0x37: {  	v1 =	vsel vm0, $0x2280, v1;
	vm0 =	vcmask $0x2724;
	v2 =	vsel vm3, $0xFF8, v2  }
0x38: {  	v3 =	vsel vm3, $0x2FF8, v3;
	v4 =	vsel vm3, $0xFF9, v4;
	v5 =	vsel vm3, $0x2FF9, v5  }
0x39: {  	v6 =	vsel vm3, $0xFFA, v6;
	v7 =	vsel vm3, $0x2FFA, v7;
	v8 =	vsel vm3, $0xFFB, v8  }
0x3a: {  	v9 =	vsel vm3, $0x2FFB, v9;
	v10 =	vsel vm3, $0xFFC, v10;
	v11 =	vsel vm3, $0x2FFC, v11  }
0x3b: {  	v12 =	vsel vm3, $0xFFD, v12;
	v13 =	vsel vm3, $0x2FFD, v13;
	v14 =	vsel vm3, $0xFFE, v14  }
0x3c: {  	v15 =	vsel vm3, $0x2FFE, v15;
	v16 =	vsel vm3, $0xFFF, v16;
	v17 =	vsel vm3, $0x2FFF, v17  }
0x3d: {  	v0 =	vsel vm4, $0x1000, v0;
	v1 =	vsel vm2, $0x2300, v1;
	v2 =	vsel vm4, $0x1C78, v2  }
0x3e: {  	v3 =	vsel vm4, $0x3C78, v3;
	v4 =	vsel vm4, $0x1C79, v4;
	v5 =	vsel vm4, $0x3C79, v5  }
0x3f: {  	v6 =	vsel vm4, $0x1C7A, v6;
	v7 =	vsel vm4, $0x3C7A, v7;
	v8 =	vsel vm4, $0x1C7B, v8  }
0x40: {  	v9 =	vsel vm4, $0x3C7B, v9;
	v10 =	vsel vm4, $0x1C7C, v10;
	v11 =	vsel vm4, $0x3C7C, v11  }
0x41: {  	v12 =	vsel vm4, $0x1C7D, v12;
	v13 =	vsel vm4, $0x3C7D, v13;
	v14 =	vsel vm4, $0x1C7E, v14  }
0x42: {  	v15 =	vsel vm4, $0x3C7E, v15;
	v16 =	vsel vm4, $0x1C7F, v16;
	v17 =	vsel vm4, $0x3C7F, v17  }
0x43: {  	vm2 =	vcmask $0x2F2C;
	v0 =	vsel vm0, $0x1080, v0;
	v1 =	vsel vm3, $0x2380, v1  }
0x44: {  	vm3 =	vcmask $0x373C;
	v2 =	vsel vm0, $0x1CF8, v2;
	v3 =	vsel vm0, $0x3CF8, v3  }
0x45: {  	v4 =	vsel vm0, $0x1CF9, v4;
	v5 =	vsel vm0, $0x3CF9, v5;
	v6 =	vsel vm0, $0x1CFA, v6  }
0x46: {  	v7 =	vsel vm0, $0x3CFA, v7;
	v8 =	vsel vm0, $0x1CFB, v8;
	v9 =	vsel vm0, $0x3CFB, v9  }
0x47: {  	v10 =	vsel vm0, $0x1CFC, v10;
	v11 =	vsel vm0, $0x3CFC, v11;
	v12 =	vsel vm0, $0x1CFD, v12  }
0x48: {  	v13 =	vsel vm0, $0x3CFD, v13;
	v14 =	vsel vm0, $0x1CFE, v14;
	v15 =	vsel vm0, $0x3CFE, v15  }
0x49: {  	v16 =	vsel vm0, $0x1CFF, v16;
	v17 =	vsel vm0, $0x3CFF, v17;
	v0 =	vsel vm1, $0x1100, v0  }
0x4a: {  	v1 =	vsel vm4, $0x3000, v1;
	v2 =	vsel vm1, $0x1D78, v2;
	v3 =	vsel vm1, $0x3D78, v3  }
0x4b: {  	v4 =	vsel vm1, $0x1D79, v4;
	v5 =	vsel vm1, $0x3D79, v5;
	v6 =	vsel vm1, $0x1D7A, v6  }
0x4c: {  	v7 =	vsel vm1, $0x3D7A, v7;
	v8 =	vsel vm1, $0x1D7B, v8;
	v9 =	vsel vm1, $0x3D7B, v9  }
0x4d: {  	v10 =	vsel vm1, $0x1D7C, v10;
	v11 =	vsel vm1, $0x3D7C, v11;
	v12 =	vsel vm1, $0x1D7D, v12  }
0x4e: {  	v13 =	vsel vm1, $0x3D7D, v13;
	v14 =	vsel vm1, $0x1D7E, v14;
	v15 =	vsel vm1, $0x3D7E, v15  }
0x4f: {  	v16 =	vsel vm1, $0x1D7F, v16;
	v17 =	vsel vm1, $0x3D7F, v17;
	v1 =	vsel vm0, $0x3080, v1  }
0x50: {  	v0 =	vsel vm2, $0x1180, v0;
	v1 =	vsel vm1, $0x3100, v1;
	vm1 =	vcmask $0x3330  }
0x51: {  	vm4 =	vmmov $0x7fff;
	vm0 =	vcmask $0x3734;
	v18 =	vsel vm1, $0x1200, v0  }
0x52: {  	v0 =	vsel vm2, $0x3180, v1;
	v1 =	vsel vm2, $0x1DF8, v2;
	v2 =	vsel vm2, $0x3DF8, v3  }
0x53: {  	v3 =	vsel vm2, $0x1DF9, v4;
	v4 =	vsel vm2, $0x3DF9, v5;
	v5 =	vsel vm2, $0x1DFA, v6  }
0x54: {  	v6 =	vsel vm2, $0x3DFA, v7;
	v7 =	vsel vm2, $0x1DFB, v8;
	v8 =	vsel vm2, $0x3DFB, v9  }
0x55: {  	v9 =	vsel vm2, $0x1DFC, v10;
	v10 =	vsel vm2, $0x3DFC, v11;
	v11 =	vsel vm2, $0x1DFD, v12  }
0x56: {  	v12 =	vsel vm2, $0x3DFD, v13;
	v13 =	vsel vm2, $0x1DFE, v14;
	v14 =	vsel vm2, $0x3DFE, v15  }
0x57: {  	v15 =	vsel vm2, $0x1DFF, v16;
	v16 =	vsel vm2, $0x3DFF, v17;
	vm2 =	vcmask $0x2328  }
0x58: {  	v17 =	vsel vm1, $0x3200, v0;
	v1 =	vsel vm1, $0x1E78, v1;
	v2 =	vsel vm1, $0x3E78, v2  }
0x59: {  	v3 =	vsel vm1, $0x1E79, v3;
	v4 =	vsel vm1, $0x3E79, v4;
	v5 =	vsel vm1, $0x1E7A, v5  }
0x5a: {  	v6 =	vsel vm1, $0x3E7A, v6;
	v7 =	vsel vm1, $0x1E7B, v7;
	v8 =	vsel vm1, $0x3E7B, v8  }
0x5b: {  	v9 =	vsel vm1, $0x1E7C, v9;
	v10 =	vsel vm1, $0x3E7C, v10;
	v11 =	vsel vm1, $0x1E7D, v11  }
0x5c: {  	v12 =	vsel vm1, $0x3E7D, v12;
	v13 =	vsel vm1, $0x1E7E, v13;
	v14 =	vsel vm1, $0x3E7E, v14  }
0x5d: {  	s1 =	rddreg [dreg:$0x0];
	v15 =	vsel vm1, $0x1E7F, v15;
	v16 =	vsel vm1, $0x3E7F, v16;
	vm1 =	vcmask $0x1F24  }
0x5e: {  	s0 =	rddreg [dreg:$0x1];
	s2 =	srdreg.scid;
	v0 =	vlaneseq.u32;
	v18 =	vsel vm0, $0x1280, v18;
	v17 =	vsel vm0, $0x3280, v17  }
0x5f: {  	s3 =	rddreg [dreg:$0x2];
	s4 =	stileid.u32;
	v19 =	vsel vm0, $0x1EF8, v1;
	v20 =	vsel vm0, $0x3EF8, v2;
	v21 =	vsel vm0, $0x1EF9, v3  }
0x60: {  	s6 =	simm.s32 $0x0;
	s7 =	simm.s32 $0x400;
	s9 =	simm.s32 $0x7A1400;
	v22 =	vsel vm0, $0x3EF9, v4;
	v23 =	vsel vm0, $0x1EFA, v5;
	v24 =	vsel vm0, $0x3EFA, v6  }
0x61: {  	s12 =	simm.s32 $0x4;
	s30 =	simm.s32 $0x200;
	s24 =	simm.s32 $0x1200;
	v25 =	vsel vm0, $0x1EFB, v7;
	v26 =	vsel vm0, $0x3EFB, v8;
	v27 =	vsel vm0, $0x1EFC, v9  }
0x62: {  	s28 =	simm.s32 $0x4200;
	s14 =	simm.s32 $0xC200;
	s15 =	simm.s32 $0xD200;
	v28 =	vsel vm0, $0x3EFC, v10;
	v29 =	vsel vm0, $0x1EFD, v11;
	v30 =	vsel vm0, $0x3EFD, v12  }
0x63: {  	s16 =	simm.s32 $0xF200;
	s8 =	simm.s32 $0x3;
	s2 =	sand.u32 $0x1, s2;
	v31 =	vsel vm0, $0x1EFE, v13;
	v32 =	vsel vm0, $0x3EFE, v14;
	v33 =	vsel vm0, $0x1EFF, v15  }
0x64: {  	s4 =	sshll.u32 s4, $0xA;
	[smem:$0x7FF] =	sst s6;
	s5 =	sshll.u32 s2, $0x9;
	v34 =	vsel vm0, $0x3EFF, v16;
	vm0 =	vcmask $0x3B38;
	v1 =	vmul.u32 $0x80, v0  }
0x65: {  	s6 =	simm.s32 $0x2;
	s2 =	ssub.s32 $0x2, s2;
	s4 =	sor.u32 s5, s4;
	v2 =	vsel vm0, $0x1300, v18;
	v3 =	vsel vm0, $0x3300, v17;
	v4 =	vsel vm0, $0x1F78, v19  }
0x66: {  	s25 =	sshrl.u32 s2, $0x1;
	_ =	strace $0x80000047;
	s5 =	simm.s32 $0x18200;
	v5 =	vsel vm0, $0x3F78, v20;
	v6 =	vsel vm0, $0x1F79, v21;
	v7 =	vsel vm0, $0x3F79, v22  }
.Ltmp0:
0x67: {  	s26 =	sshrl.u32 s4, $0x3;
	s2 =	ssub.s32 s2, s25;
	v8 =	vsel vm0, $0x1F7A, v23;
	v9 =	vsel vm0, $0x3F7A, v24;
	v10 =	vsel vm0, $0x1F7B, v25;
	(pc) =	sbr.rel .LBB2_1-.Ltmp0, $4  }
0x68: {  	s29 =	sadd.s32 s3, s4;
	s25 =	simm.s32 $0x2200;
	s3 =	simm.s32 $0x7200;
	v11 =	vsel vm0, $0x3F7B, v26;
	v12 =	vsel vm0, $0x1F7C, v27;
	v13 =	vsel vm0, $0x3F7C, v28  }
0x69: {  	s4 =	simm.s32 $0x1;
	s1 =	sadd.s32 s1, s26;
	[dreg:$0x5] =	wrdreg s29;
	v14 =	vsel vm0, $0x1F7D, v29;
	v15 =	vsel vm0, $0x3F7D, v30;
	v21 =	vimm.s32 $0x0  }
0x6a: {  	s31 =	smax.u32 s2, $0x1;
	s26 =	simm.s32 $0x3200;
	[dreg:$0x4] =	wrdreg s1;
	v16 =	vsel vm0, $0x1F7E, v31;
	v17 =	vsel vm0, $0x3F7E, v32;
	v21 =	vsel vm4, $0xFFFFFFFF, v21  }
0x6b: {  	s2 =	simm.s32 $0x0;
	[dreg:$0x6] =	wrdreg s31;
	s1 =	simm.s32 $0xE200;
	v18 =	vsel vm0, $0x1F7F, v33;
	v19 =	vsel vm0, $0x3F7F, v34;
	v20 =	vor.u32 $0x800, v1;
	[tilespmem:$0x1FFF0] =	vst v21  }
.LBB2_5:
0x6c: {  	v21 =	vld [tilespmem:$0x1F0];
	_ =	sdelay $0x4  }
0x6d: {  	v22 =	vsel vm15, $0x0, v21  }
0x6e: {  	v23 =	vsel vm13, $0x0, v21;
	v22 =	vxor.u32 $0x80000000, v22  }
0x6f: {  	(xrf0) =	vmax.scan.msk.u32 $0xffff, v22;
	v22 =	vxor.u32 $0x80000000, v23;
	v23 =	vsel vm6, $0x0, v21  }
0x70: {  	(xrf0) =	vmax.scan.msk.u32 $0xffff, v22;
	v22 =	vxor.u32 $0x80000000, v23;
	v23 =	vsel vm10, $0x0, v21  }
0x71: {  	(xrf0) =	vmax.scan.msk.u32 $0xffff, v22;
	v22 =	vxor.u32 $0x80000000, v23;
	v23 =	vsel vm11, $0x0, v21  }
0x72: {  	(xrf0) =	vmax.scan.msk.u32 $0xffff, v22;
	v22 =	vxor.u32 $0x80000000, v23;
	v23 =	vsel vm12, $0x0, v21  }
0x73: {  	(xrf0) =	vmax.scan.msk.u32 $0xffff, v22;
	v22 =	vxor.u32 $0x80000000, v23;
	v23 =	vsel vm14, $0x0, v21  }
0x74: {  	(xrf0) =	vmax.scan.msk.u32 $0xffff, v22;
	v22 =	vxor.u32 $0x80000000, v23;
	v23 =	vld [tilespmem:$0x1FFF0];
	_ =	sdelay $0x4  }
0x75: {  	vm4 =	vnez.u8 v23  }
0x76: {  	v21 =	vsel vm4, $0x0, v21  }
0x77: {  	v21 =	vxor.u32 $0x80000000, v21  }
0x78: {  	v23, _, _ =	vpop (xrf0);
	(xrf0) =	vmax.scan.msk.u32 $0xffff, v22  }
0x79: {  	(v2sf) =	vpush v23, $0xF;
	v22, _, _ =	vpop (xrf0);
	(xrf0) =	vmax.scan.msk.u32 $0xffff, v21  }
0x7a: {  	(v2sf) =	vpush v22, $0xF;
	v21, _, _ =	vpop (xrf0)  }
0x7b: {  	v22, _, _ =	vpop (xrf0);
	(v2sf) =	vpush v21, $0xF  }
0x7c: {  	v21, _, _ =	vpop (xrf0);
	(v2sf) =	vpush v22, $0xF  }
0x7d: {  	v22, _, _ =	vpop (xrf0);
	(v2sf) =	vpush v21, $0xF  }
0x7e: {  	v21, _, _ =	vpop (xrf0);
	(v2sf) =	vpush v22, $0xF  }
0x7f: {  	(v2sf) =	vpush v21, $0xF;
	v21, _, _ =	vpop (xrf0)  }
0x80: {  	(v2sf) =	vpush v21, $0xF;
	_ =	sdelay $0x7  }
0x81: {  	s11 =	spop (v2sf)  }
0x82: {  	s12 =	spop (v2sf)  }
0x83: {  	s19 =	spop (v2sf)  }
0x84: {  	s20 =	spop (v2sf)  }
0x85: {  	s21 =	spop (v2sf)  }
0x86: {  	s22 =	spop (v2sf)  }
0x87: {  	s18 =	spop (v2sf)  }
0x88: {  	s10 =	spop (v2sf)  }
0x89: {  	_ =	swait.ge [sflag:s4], $0x1000  }
0x8a: {  	[sflag:s4] =	ssyncset.done $0x0  }
0x8b: {  	[sflag:s4] =	ssyncadd.s32 $0xFFFFF000  }
0x8c: {  	_ =	swait.ge [sflag:s4], $0x1000  }
0x8d: {  	[sflag:s4] =	ssyncset.done $0x0  }
0x8e: {  	[sflag:s4] =	ssyncadd.s32 $0xFFFFF000  }
0x8f: {  	_ =	swait.ge [sflag:s4], $0x1000  }
0x90: {  	[sflag:s4] =	ssyncset.done $0x0  }
0x91: {  	[sflag:s4] =	ssyncadd.s32 $0xFFFFF000  }
0x92: {  	_ =	swait.ge [sflag:s4], $0x1000  }
0x93: {  	[sflag:s4] =	ssyncset.done $0x0  }
0x94: {  	[sflag:s4] =	ssyncadd.s32 $0xFFFFF000  }
0x95: {  	_ =	swait.ge [sflag:s4], $0x1000  }
0x96: {  	[sflag:s4] =	ssyncset.done $0x0  }
0x97: {  	[sflag:s4] =	ssyncadd.s32 $0xFFFFF000  }
0x98: {  	_ =	swait.ge [sflag:s4], $0x1000  }
0x99: {  	[sflag:s4] =	ssyncset.done $0x0  }
0x9a: {  	[sflag:s4] =	ssyncadd.s32 $0xFFFFF000  }
0x9b: {  	s11 =	sand.u32 $0x7F, s11;
	_ =	swait.ge [sflag:s4], $0x1000  }
0x9c: {  	v21 =	vor.u32 s11, v1;
	[sflag:s4] =	ssyncset.done $0x0  }
0x9d: {  	v22 =	vor.u32 s11, v20;
	[sflag:s4] =	ssyncadd.s32 $0xFFFFF000  }
0x9e: {  	_ =	swait.ge [sflag:s4], $0x1000  }
0x9f: {  	[sflag:s4] =	ssyncset.done $0x0  }
0xa0: {  	[sflag:s4] =	ssyncadd.s32 $0xFFFFF000  }
0xa1: {  	v21 =	vld.idx.msk [tilespmem:v21+s30+$0x0], $0xffff  }
0xa2: {  	s2 =	sand.u32 $0x7F, s12;
	v22 =	vld.idx.msk [tilespmem:v22+s30+$0x0], $0xffff  }
0xa3: {  	v23 =	vor.u32 s2, v1  }
0xa4: {  	v24 =	vor.u32 s2, v20;
	_ =	sdelay $0x1  }
0xa5: {  	[tilespmem:v4+s5+$0x0] =	vst.idx.msk $0xffff, v21  }
0xa6: {  	s24 =	simm.s32 $0x1200;
	[tilespmem:v5+s5+$0x0] =	vst.idx.msk $0xffff, v22  }
0xa7: {  	v21 =	vld.idx.msk [tilespmem:v23+s24+$0x0], $0xffff  }
0xa8: {  	s3 =	sand.u32 $0x7F, s19;
	v22 =	vld.idx.msk [tilespmem:v24+s24+$0x0], $0xffff  }
0xa9: {  	v23 =	vor.u32 s3, v1  }
0xaa: {  	v58 =	vor.u32 s3, v20;
	_ =	sdelay $0x1  }
0xab: {  	[tilespmem:v6+s5+$0x0] =	vst.idx.msk $0xffff, v21  }
0xac: {  	s25 =	simm.s32 $0x2200;
	[tilespmem:v7+s5+$0x0] =	vst.idx.msk $0xffff, v22  }
0xad: {  	v21 =	vld.idx.msk [tilespmem:v23+s25+$0x0], $0xffff  }
0xae: {  	s12 =	sand.u32 $0x7F, s20;
	v22 =	vld.idx.msk [tilespmem:v58+s25+$0x0], $0xffff  }
0xaf: {  	v23 =	vor.u32 s12, v1  }
0xb0: {  	v59 =	vor.u32 s12, v20;
	_ =	sdelay $0x1  }
0xb1: {  	[tilespmem:v8+s5+$0x0] =	vst.idx.msk $0xffff, v21  }
0xb2: {  	s26 =	simm.s32 $0x3200;
	[tilespmem:v9+s5+$0x0] =	vst.idx.msk $0xffff, v22  }
0xb3: {  	v21 =	vld.idx.msk [tilespmem:v23+s26+$0x0], $0xffff  }
0xb4: {  	s13 =	sand.u32 $0x7F, s21;
	v22 =	vld.idx.msk [tilespmem:v59+s26+$0x0], $0xffff  }
0xb5: {  	v23 =	vor.u32 s13, v1  }
0xb6: {  	v60 =	vor.u32 s13, v20;
	_ =	sdelay $0x1  }
0xb7: {  	[tilespmem:v10+s5+$0x0] =	vst.idx.msk $0xffff, v21  }
0xb8: {  	s28 =	simm.s32 $0x4200;
	[tilespmem:v11+s5+$0x0] =	vst.idx.msk $0xffff, v22  }
0xb9: {  	v21 =	vld.idx.msk [tilespmem:v23+s28+$0x0], $0xffff  }
0xba: {  	s17 =	sand.u32 $0x7F, s22;
	v22 =	vld.idx.msk [tilespmem:v60+s28+$0x0], $0xffff  }
0xbb: {  	v23 =	vor.u32 s17, v1  }
0xbc: {  	v61 =	vor.u32 s17, v20;
	_ =	sdelay $0x1  }
0xbd: {  	[tilespmem:v12+s5+$0x0] =	vst.idx.msk $0xffff, v21  }
0xbe: {  	s19 =	simm.s32 $0x5200;
	[tilespmem:v13+s5+$0x0] =	vst.idx.msk $0xffff, v22  }
0xbf: {  	v21 =	vld.idx.msk [tilespmem:v23+s19+$0x0], $0xffff  }
0xc0: {  	s20 =	sand.u32 $0x7F, s18;
	v22 =	vld.idx.msk [tilespmem:v61+s19+$0x0], $0xffff  }
0xc1: {  	v23 =	vor.u32 s20, v1  }
0xc2: {  	v62 =	vor.u32 s20, v20;
	_ =	sdelay $0x1  }
0xc3: {  	[tilespmem:v14+s5+$0x0] =	vst.idx.msk $0xffff, v21  }
0xc4: {  	s21 =	simm.s32 $0x6200;
	[tilespmem:v15+s5+$0x0] =	vst.idx.msk $0xffff, v22  }
0xc5: {  	v21 =	vld.idx.msk [tilespmem:v23+s21+$0x0], $0xffff  }
0xc6: {  	s10 =	sand.u32 $0x7F, s10;
	v22 =	vld.idx.msk [tilespmem:v62+s21+$0x0], $0xffff  }
0xc7: {  	v23 =	vor.u32 s10, v1  }
0xc8: {  	v63 =	vor.u32 s10, v20;
	_ =	sdelay $0x1  }
0xc9: {  	[tilespmem:v16+s5+$0x0] =	vst.idx.msk $0xffff, v21  }
0xca: {  	s3 =	simm.s32 $0x7200;
	[tilespmem:v17+s5+$0x0] =	vst.idx.msk $0xffff, v22  }
0xcb: {  	v21 =	vld.idx.msk [tilespmem:v23+s3+$0x0], $0xffff  }
0xcc: {  	v22 =	vld.idx.msk [tilespmem:v63+s3+$0x0], $0xffff;
	_ =	sdelay $0x3  }
0xcd: {  	s23 =	simm.s32 $0x20000;
	[tilespmem:v18+s5+$0x0] =	vst.idx.msk $0xffff, v21  }
0xce: {  	s2 =	simm.s32 $0x1000;
	s22 =	rddreg [dreg:$0x5];
	s12 =	simm.s32 $0x4;
	[tilespmem:v19+s5+$0x0] =	vst.idx.msk $0xffff, v22  }
0xcf: {  	[hbm4b:s22+s2] =	stream.strided.scatter [tilespmem:s5], [sflag:$0x4], $0x4000, s23, s2, $0x38;
	[tilespmem:$0x1C200] =	vst v63  }
0xd0: {  	_ =	swait.ge [sflag:s12], $0x4000  }
0xd1: {  	s29 =	rddreg [dreg:$0x7]  }
0xd2: {  	s31 =	rddreg [dreg:$0x6];
	s2 =	sadd.s32 $0x1, s29  }
0xd3: {  	p0 =	sne.s32 s2, s31  }
.Ltmp1:
0xd4: {  	_ = 	snop;
	(pc) =	sbr.rel @!p0 .LBB2_6-.Ltmp1, $4  }
0xd5: {  	_ = 	snop  }
0xd6: {  	vm1 =	vmmov vm15  }
0xd7: {  	vm2 =	vmmov vm13;
	vm7 =	vmmov vm6;
	vm8 =	vmmov vm10;
	[sflag:s12] =	ssyncset.done $0x0  }
0xd8: {  	vm5 =	vmmov vm11;
	vm9 =	vmmov vm12;
	vm3 =	vmmov vm14;
	[sflag:s12] =	ssyncadd.s32 $0xFFFFC000  }
.LBB2_1:
0xd9: {  	[dreg:$0x7] =	wrdreg s2  }
0xda: {  	s10 =	simm.s32 $0x0;
	s11 =	rddreg [dreg:$0x4]  }
0xdb: {  	[tilespmem:s10], [sflag:$0x4] =	stream.linear.gather [hbm4b:s11+s10], $0x200, $0x38;
	[tilespmem:$0x1C200] =	vst v63  }
0xdc: {  	_ =	swait.ge [sflag:s12], $0x200  }
0xdd: {  	[sflag:s12] =	ssyncset.done $0x0  }
0xde: {  	[sflag:s12] =	ssyncadd.s32 $0xFFFFFE00  }
0xdf: {  	v21 =	vld [tilespmem:$0x0];
	_ =	sdelay $0x3  }
0xe0: {  	vm0 =	vcmask $0x70C  }
0xe1: {  	v22 =	vsel vm0, $0x0, v21;
	vm0 =	vcmask $0xB10  }
0xe2: {  	v22 =	vxor.u32 $0x80000000, v22;
	v23 =	vsel vm0, $0x0, v21;
	vm0 =	vcmask $0xF14  }
0xe3: {  	(xrf0) =	vmax.scan.msk.u32 $0xffff, v22;
	v22 =	vxor.u32 $0x80000000, v23;
	v23 =	vsel vm0, $0x0, v21;
	vm0 =	vcmask $0x1318  }
0xe4: {  	(xrf0) =	vmax.scan.msk.u32 $0xffff, v22;
	v22 =	vxor.u32 $0x80000000, v23;
	v23 =	vsel vm0, $0x0, v21;
	vm0 =	vcmask $0x171C  }
0xe5: {  	(xrf0) =	vmax.scan.msk.u32 $0xffff, v22;
	v22 =	vxor.u32 $0x80000000, v23;
	v23 =	vsel vm0, $0x0, v21;
	vm0 =	vcmask $0x1B20  }
0xe6: {  	(xrf0) =	vmax.scan.msk.u32 $0xffff, v22;
	v22 =	vxor.u32 $0x80000000, v23;
	v23 =	vsel vm0, $0x0, v21  }
0xe7: {  	(xrf0) =	vmax.scan.msk.u32 $0xffff, v22;
	v22 =	vxor.u32 $0x80000000, v23;
	v23 =	vld [tilespmem:$0x1FFE0];
	_ =	sdelay $0x4  }
0xe8: {  	vm0 =	vnez.u8 v23  }
0xe9: {  	v23 =	vnsel vm0, $0x0, v21  }
0xea: {  	(xrf0) =	vmax.scan.msk.u32 $0xffff, v22;
	v22 =	vxor.u32 $0x80000000, v23;
	_ =	sdelay $0x1  }
0xeb: {  	vm0 =	vcmask $0x308;
	v23, _, _ =	vpop (xrf0);
	(xrf0) =	vmax.scan.msk.u32 $0xffff, v22  }
0xec: {  	v21 =	vsel vm0, $0x0, v21;
	(v2sf) =	vpush v23, $0xF;
	v22, _, _ =	vpop (xrf0)  }
0xed: {  	v21 =	vxor.u32 $0x80000000, v21;
	(v2sf) =	vpush v22, $0xF;
	v22, _, _ =	vpop (xrf0)  }
0xee: {  	(v2sf) =	vpush v22, $0xF;
	v22, _, _ =	vpop (xrf0)  }
0xef: {  	(v2sf) =	vpush v22, $0xF;
	v22, _, _ =	vpop (xrf0);
	(xrf0) =	vmax.scan.msk.u32 $0xffff, v21  }
0xf0: {  	(v2sf) =	vpush v22, $0xF;
	v21, _, _ =	vpop (xrf0)  }
0xf1: {  	(v2sf) =	vpush v21, $0xF;
	v21, _, _ =	vpop (xrf0)  }
0xf2: {  	(v2sf) =	vpush v21, $0xF;
	_ =	sdelay $0x2  }
0xf3: {  	v21, _, _ =	vpop (xrf0)  }
0xf4: {  	(v2sf) =	vpush v21, $0xF;
	_ =	sdelay $0x4  }
0xf5: {  	s17 =	spop (v2sf)  }
0xf6: {  	s18 =	spop (v2sf)  }
0xf7: {  	s19 =	spop (v2sf)  }
0xf8: {  	s20 =	spop (v2sf)  }
0xf9: {  	s21 =	spop (v2sf)  }
0xfa: {  	s22 =	spop (v2sf)  }
0xfb: {  	s23 =	spop (v2sf)  }
0xfc: {  	s23 =	sand.u32 $0x1FFFFF80, s23  }
0xfd: {  	s23 =	sadd.s32 s0, s23  }
0xfe: {  	[tilespmem:s30], [sflag:$0x1] =	stream.strided.gather [hbm4b:s23+s7], $0x1000, s9, s7, $0x38;
	[tilespmem:$0x1C200] =	vst v63  }
0xff: {  	s2 =	spop (v2sf)  }
0x100: {  	s23 =	sand.u32 $0x1FFFFF80, s2  }
0x101: {  	s10 =	sand.u32 $0x1FFFFF80, s17;
	s23 =	sadd.s32 s0, s23  }
0x102: {  	[tilespmem:s24], [sflag:$0x1] =	stream.strided.gather [hbm4b:s23+s7], $0x1000, s9, s7, $0x38;
	[tilespmem:$0x1C200] =	vst v63  }
0x103: {  	s10 =	sadd.s32 s0, s10;
	s13 =	sand.u32 $0x1FFFFF80, s18  }
0x104: {  	[tilespmem:s25], [sflag:$0x1] =	stream.strided.gather [hbm4b:s10+s7], $0x1000, s9, s7, $0x38;
	[tilespmem:$0x1C200] =	vst v63  }
0x105: {  	s17 =	sand.u32 $0x1FFFFF80, s19;
	s10 =	sadd.s32 s0, s13  }
0x106: {  	[tilespmem:s26], [sflag:$0x1] =	stream.strided.gather [hbm4b:s10+s7], $0x1000, s9, s7, $0x38;
	[tilespmem:$0x1C200] =	vst v63  }
0x107: {  	s18 =	sand.u32 $0x1FFFFF80, s20;
	s10 =	sadd.s32 s0, s17  }
0x108: {  	[tilespmem:s28], [sflag:$0x1] =	stream.strided.gather [hbm4b:s10+s7], $0x1000, s9, s7, $0x38;
	[tilespmem:$0x1C200] =	vst v63  }
0x109: {  	s11 =	simm.s32 $0x5200;
	s19 =	sand.u32 $0x1FFFFF80, s21;
	s10 =	sadd.s32 s0, s18  }
0x10a: {  	[tilespmem:s11], [sflag:$0x1] =	stream.strided.gather [hbm4b:s10+s7], $0x1000, s9, s7, $0x38;
	[tilespmem:$0x1C200] =	vst v63  }
0x10b: {  	s12 =	simm.s32 $0x6200;
	s20 =	sand.u32 $0x1FFFFF80, s22;
	s10 =	sadd.s32 s0, s19  }
0x10c: {  	[tilespmem:s12], [sflag:$0x1] =	stream.strided.gather [hbm4b:s10+s7], $0x1000, s9, s7, $0x38;
	[tilespmem:$0x1C200] =	vst v63  }
0x10d: {  	s10 =	sadd.s32 s0, s20  }
0x10e: {  	[tilespmem:s3], [sflag:$0x1] =	stream.strided.gather [hbm4b:s10+s7], $0x1000, s9, s7, $0x38;
	[tilespmem:$0x1C200] =	vst v63  }
0x10f: {  	v21 =	vld [tilespmem:$0x0];
	_ =	sdelay $0x4  }
0x110: {  	v22 =	vsel vm7, $0x0, v21  }
0x111: {  	v23 =	vsel vm8, $0x0, v21;
	v22 =	vxor.u32 $0x80000000, v22  }
0x112: {  	(xrf0) =	vmax.scan.msk.u32 $0xffff, v22;
	v22 =	vxor.u32 $0x80000000, v23;
	v23 =	vsel vm5, $0x0, v21  }
0x113: {  	(xrf0) =	vmax.scan.msk.u32 $0xffff, v22;
	v22 =	vxor.u32 $0x80000000, v23;
	v23 =	vsel vm9, $0x0, v21  }
0x114: {  	(xrf0) =	vmax.scan.msk.u32 $0xffff, v22;
	v22 =	vxor.u32 $0x80000000, v23;
	v23 =	vsel vm3, $0x0, v21  }
0x115: {  	(xrf0) =	vmax.scan.msk.u32 $0xffff, v22;
	v22 =	vxor.u32 $0x80000000, v23;
	v23 =	vsel vm4, $0x0, v21  }
0x116: {  	(xrf0) =	vmax.scan.msk.u32 $0xffff, v22;
	v22 =	vxor.u32 $0x80000000, v23;
	v23 =	vsel vm1, $0x0, v21  }
0x117: {  	(xrf0) =	vmax.scan.msk.u32 $0xffff, v22;
	v22 =	vxor.u32 $0x80000000, v23;
	_ =	sdelay $0x1  }
0x118: {  	v21 =	vsel vm2, $0x0, v21;
	v23, _, _ =	vpop (xrf0);
	(xrf0) =	vmax.scan.msk.u32 $0xffff, v22  }
0x119: {  	v21 =	vxor.u32 $0x80000000, v21;
	v22, _, _ =	vpop (xrf0);
	(v2sf) =	vpush v23, $0xF  }
0x11a: {  	(xrf0) =	vmax.scan.msk.u32 $0xffff, v21;
	v23, _, _ =	vpop (xrf0);
	(v2sf) =	vpush v22, $0xF  }
0x11b: {  	v22, _, _ =	vpop (xrf0);
	(v2sf) =	vpush v23, $0xF  }
0x11c: {  	(v2sf) =	vpush v22, $0xF;
	v22, _, _ =	vpop (xrf0)  }
0x11d: {  	v21, _, _ =	vpop (xrf0);
	(v2sf) =	vpush v22, $0xF  }
0x11e: {  	v22, _, _ =	vpop (xrf0);
	(v2sf) =	vpush v21, $0xF  }
0x11f: {  	(v2sf) =	vpush v22, $0xF  }
0x120: {  	v21, _, _ =	vpop (xrf0)  }
0x121: {  	(v2sf) =	vpush v21, $0xF;
	_ =	sdelay $0x6  }
0x122: {  	s21 =	spop (v2sf)  }
0x123: {  	s22 =	spop (v2sf)  }
0x124: {  	s24 =	spop (v2sf)  }
0x125: {  	s25 =	spop (v2sf)  }
0x126: {  	s26 =	spop (v2sf)  }
0x127: {  	s28 =	spop (v2sf)  }
0x128: {  	s3 =	spop (v2sf)  }
0x129: {  	s31 =	simm.s32 $0x12200;
	s29 =	simm.s32 $0x16200;
	s23 =	sand.u32 $0x1FFFFF80, s3  }
0x12a: {  	s11 =	simm.s32 $0x8200;
	s12 =	spop (v2sf);
	s23 =	sadd.s32 s0, s23  }
0x12b: {  	[tilespmem:s11], [sflag:$0x2] =	stream.strided.gather [hbm4b:s23+s7], $0x1000, s9, s7, $0x38;
	[tilespmem:$0x1C200] =	vst v63  }
0x12c: {  	s2 =	simm.s32 $0x15200;
	s13 =	simm.s32 $0x9200;
	s23 =	sand.u32 $0x1FFFFF80, s12  }
0x12d: {  	s17 =	simm.s32 $0xA200;
	s10 =	sand.u32 $0x1FFFFF80, s21;
	s23 =	sadd.s32 s0, s23  }
0x12e: {  	[tilespmem:s13], [sflag:$0x2] =	stream.strided.gather [hbm4b:s23+s7], $0x1000, s9, s7, $0x38;
	[tilespmem:$0x1C200] =	vst v63  }
0x12f: {  	s19 =	simm.s32 $0x0;
	s10 =	sadd.s32 s0, s10;
	s18 =	sand.u32 $0x1FFFFF80, s22  }
0x130: {  	[tilespmem:s17], [sflag:$0x2] =	stream.strided.gather [hbm4b:s10+s7], $0x1000, s9, s7, $0x38;
	[tilespmem:$0x1C200] =	vst v63  }
0x131: {  	s24 =	sand.u32 $0x1FFFFF80, s24;
	s23 =	simm.s32 $0xB200;
	s10 =	sadd.s32 s0, s18  }
0x132: {  	[tilespmem:s23], [sflag:$0x2] =	stream.strided.gather [hbm4b:s10+s7], $0x1000, s9, s7, $0x38;
	[tilespmem:$0x1C200] =	vst v63  }
0x133: {  	s21 =	simm.s32 $0x0;
	s25 =	sand.u32 $0x1FFFFF80, s25;
	s10 =	sadd.s32 s0, s24  }
0x134: {  	[tilespmem:s14], [sflag:$0x2] =	stream.strided.gather [hbm4b:s10+s7], $0x1000, s9, s7, $0x38;
	[tilespmem:$0x1C200] =	vst v63  }
0x135: {  	s26 =	sand.u32 $0x1FFFFF80, s26;
	s28 =	sand.u32 $0x1FFFFF80, s28;
	s10 =	sadd.s32 s0, s25  }
0x136: {  	[tilespmem:s15], [sflag:$0x2] =	stream.strided.gather [hbm4b:s10+s7], $0x1000, s9, s7, $0x38;
	[tilespmem:$0x1C200] =	vst v63  }
.Ltmp2:
0x137: {  	s3 =	simm.s32 $0x10200;
	s12 =	simm.s32 $0x13200;
	(pc) =	sbr.rel .LBB2_2-.Ltmp2, $4  }
0x138: {  	s11 =	simm.s32 $0x17200;
	s13 =	simm.s32 $0x14200;
	s10 =	sadd.s32 s0, s26  }
0x139: {  	vm6 =	vmmov vm7;
	[tilespmem:s1], [sflag:$0x2] =	stream.strided.gather [hbm4b:s10+s7], $0x1000, s9, s7, $0x38;
	[tilespmem:$0x1C200] =	vst v63  }
0x13a: {  	vm10 =	vmmov vm8;
	vm11 =	vmmov vm5;
	vm12 =	vmmov vm9;
	s18 =	simm.s32 $0x0;
	s17 =	simm.s32 $0x11200;
	s10 =	sadd.s32 s0, s28  }
0x13b: {  	vm14 =	vmmov vm3;
	vm15 =	vmmov vm1;
	vm13 =	vmmov vm2;
	[tilespmem:s16], [sflag:$0x2] =	stream.strided.gather [hbm4b:s10+s7], $0x1000, s9, s7, $0x38;
	[tilespmem:$0x1C200] =	vst v63  }
.LBB2_4:
0x13c: {  	v21 =	vld [tilespmem:s20+$0x0];
	_ =	sdelay $0x4  }
0x13d: {  	v21 =	vxor.u32 $0x80000000, v21  }
0x13e: {  	v22 =	vnsel vm7, $0x80000000, v21  }
0x13f: {  	(xrf0) =	vmax.scan.msk.u32 $0xffff, v22;
	v22 =	vnsel vm8, $0x80000000, v21  }
0x140: {  	(xrf0) =	vmax.scan.msk.u32 $0xffff, v22;
	v22 =	vnsel vm0, $0x80000000, v21  }
0x141: {  	(xrf0) =	vmax.scan.msk.u32 $0xffff, v22;
	v22 =	vnsel vm1, $0x80000000, v21  }
0x142: {  	(xrf0) =	vmax.scan.msk.u32 $0xffff, v22;
	v22 =	vnsel vm2, $0x80000000, v21  }
0x143: {  	(xrf0) =	vmax.scan.msk.u32 $0xffff, v22;
	v22 =	vnsel vm3, $0x80000000, v21  }
0x144: {  	(xrf0) =	vmax.scan.msk.u32 $0xffff, v22;
	v22 =	vnsel vm4, $0x80000000, v21  }
0x145: {  	v21 =	vnsel vm5, $0x80000000, v21  }
0x146: {  	v23, _, _ =	vpop (xrf0);
	(xrf0) =	vmax.scan.msk.u32 $0xffff, v22  }
0x147: {  	(v2sf) =	vpush v23, $0xF;
	v22, _, _ =	vpop (xrf0);
	(xrf0) =	vmax.scan.msk.u32 $0xffff, v21  }
0x148: {  	v21, _, _ =	vpop (xrf0);
	(v2sf) =	vpush v22, $0xF  }
0x149: {  	v22, _, _ =	vpop (xrf0);
	(v2sf) =	vpush v21, $0xF  }
0x14a: {  	v21, _, _ =	vpop (xrf0);
	(v2sf) =	vpush v22, $0xF  }
0x14b: {  	v22, _, _ =	vpop (xrf0);
	(v2sf) =	vpush v21, $0xF  }
0x14c: {  	v21, _, _ =	vpop (xrf0);
	(v2sf) =	vpush v22, $0xF  }
0x14d: {  	(v2sf) =	vpush v21, $0xF;
	v21, _, _ =	vpop (xrf0)  }
0x14e: {  	(v2sf) =	vpush v21, $0xF;
	_ =	sdelay $0x7  }
0x14f: {  	s11 =	spop (v2sf)  }
0x150: {  	s12 =	spop (v2sf)  }
0x151: {  	s26 =	spop (v2sf)  }
0x152: {  	s25 =	spop (v2sf)  }
0x153: {  	s10 =	spop (v2sf)  }
0x154: {  	s24 =	spop (v2sf)  }
0x155: {  	s21 =	spop (v2sf)  }
0x156: {  	s20 =	spop (v2sf)  }
0x157: {  	_ =	swait.ge [sflag:s8], $0x1000  }
0x158: {  	[sflag:s8] =	ssyncset.done $0x0  }
0x159: {  	[sflag:s8] =	ssyncadd.s32 $0xFFFFF000  }
0x15a: {  	_ =	swait.ge [sflag:s8], $0x1000  }
0x15b: {  	[sflag:s8] =	ssyncset.done $0x0  }
0x15c: {  	[sflag:s8] =	ssyncadd.s32 $0xFFFFF000  }
0x15d: {  	_ =	swait.ge [sflag:s8], $0x1000  }
0x15e: {  	[sflag:s8] =	ssyncset.done $0x0  }
0x15f: {  	[sflag:s8] =	ssyncadd.s32 $0xFFFFF000  }
0x160: {  	_ =	swait.ge [sflag:s8], $0x1000  }
0x161: {  	[sflag:s8] =	ssyncset.done $0x0  }
0x162: {  	[sflag:s8] =	ssyncadd.s32 $0xFFFFF000  }
0x163: {  	_ =	swait.ge [sflag:s8], $0x1000  }
0x164: {  	[sflag:s8] =	ssyncset.done $0x0  }
0x165: {  	[sflag:s8] =	ssyncadd.s32 $0xFFFFF000  }
0x166: {  	_ =	swait.ge [sflag:s8], $0x1000  }
0x167: {  	[sflag:s8] =	ssyncset.done $0x0  }
0x168: {  	[sflag:s8] =	ssyncadd.s32 $0xFFFFF000  }
0x169: {  	s11 =	sand.u32 $0x7F, s11;
	_ =	swait.ge [sflag:s8], $0x1000  }
0x16a: {  	s28 =	sadd.s32 $0x10, s19;
	v21 =	vor.u32 s11, v1;
	[sflag:s8] =	ssyncset.done $0x0  }
0x16b: {  	v22 =	vmov s28;
	v23 =	vor.u32 s11, v20;
	[sflag:s8] =	ssyncadd.s32 $0xFFFFF000  }
0x16c: {  	v24 =	vshll.u32 v22, $0x3;
	_ =	swait.ge [sflag:s8], $0x1000  }
0x16d: {  	v22 =	vand.u32 $0x78, v22;
	v24 =	vand.u32 $0x7FFFFC00, v24;
	[sflag:s8] =	ssyncset.done $0x0  }
0x16e: {  	s3 =	simm.s32 $0x10200;
	v22 =	vor.u32 v22, v24;
	[sflag:s8] =	ssyncadd.s32 $0xFFFFF000  }
0x16f: {  	v24 =	vadd.s32 v2, v22;
	v21 =	vld.idx.msk [tilespmem:v21+s3+$0x0], $0xffff  }
0x170: {  	v22 =	vadd.s32 v3, v22;
	s13 =	sand.u32 $0x7F, s12;
	v23 =	vld.idx.msk [tilespmem:v23+s3+$0x0], $0xffff  }
0x171: {  	s17 =	sadd.s32 $0x11, s19;
	v25 =	vor.u32 s13, v1  }
0x172: {  	v26 =	vmov s17;
	v27 =	vor.u32 s13, v20  }
0x173: {  	v28 =	vshll.u32 v26, $0x3  }
0x174: {  	v38 =	vand.u32 $0x7FFFFC00, v28;
	[tilespmem:v24+s5+$0x0] =	vst.idx.msk $0xffff, v21;
	v21 =	vand.u32 $0x79, v26  }
0x175: {  	s17 =	simm.s32 $0x11200;
	[tilespmem:v22+s5+$0x0] =	vst.idx.msk $0xffff, v23;
	v21 =	vor.u32 v21, v38  }
0x176: {  	v22 =	vld.idx.msk [tilespmem:v25+s17+$0x0], $0xffff;
	v23 =	vadd.s32 v2, v21  }
0x177: {  	s28 =	sand.u32 $0x7F, s26;
	v39 =	vld.idx.msk [tilespmem:v27+s17+$0x0], $0xffff;
	v21 =	vadd.s32 v3, v21  }
0x178: {  	s2 =	sadd.s32 $0x12, s19;
	v40 =	vor.u32 s28, v1  }
0x179: {  	v41 =	vmov s2;
	v42 =	vor.u32 s28, v20  }
0x17a: {  	v43 =	vshll.u32 v41, $0x3  }
0x17b: {  	[tilespmem:v23+s5+$0x0] =	vst.idx.msk $0xffff, v22;
	v22 =	vand.u32 $0x7A, v41;
	v23 =	vand.u32 $0x7FFFFC00, v43  }
0x17c: {  	s31 =	simm.s32 $0x12200;
	[tilespmem:v21+s5+$0x0] =	vst.idx.msk $0xffff, v39;
	v21 =	vor.u32 v22, v23  }
0x17d: {  	v22 =	vld.idx.msk [tilespmem:v40+s31+$0x0], $0xffff;
	v23 =	vadd.s32 v2, v21  }
0x17e: {  	s13 =	sand.u32 $0x7F, s25;
	v24 =	vld.idx.msk [tilespmem:v42+s31+$0x0], $0xffff;
	v21 =	vadd.s32 v3, v21  }
0x17f: {  	s25 =	sadd.s32 $0x13, s19;
	v44 =	vor.u32 s13, v1  }
0x180: {  	v45 =	vmov s25;
	v46 =	vor.u32 s13, v20  }
0x181: {  	v47 =	vshll.u32 v45, $0x3  }
0x182: {  	[tilespmem:v23+s5+$0x0] =	vst.idx.msk $0xffff, v22;
	v22 =	vand.u32 $0x7B, v45;
	v23 =	vand.u32 $0x7FFFFC00, v47  }
0x183: {  	s12 =	simm.s32 $0x13200;
	[tilespmem:v21+s5+$0x0] =	vst.idx.msk $0xffff, v24;
	v21 =	vor.u32 v22, v23  }
0x184: {  	v22 =	vld.idx.msk [tilespmem:v44+s12+$0x0], $0xffff;
	v23 =	vadd.s32 v2, v21  }
0x185: {  	s10 =	sand.u32 $0x7F, s10;
	v24 =	vld.idx.msk [tilespmem:v46+s12+$0x0], $0xffff;
	v21 =	vadd.s32 v3, v21  }
0x186: {  	s26 =	sadd.s32 $0x14, s19;
	v48 =	vor.u32 s10, v1  }
0x187: {  	v49 =	vmov s26;
	v50 =	vor.u32 s10, v20  }
0x188: {  	v51 =	vshll.u32 v49, $0x3  }
0x189: {  	[tilespmem:v23+s5+$0x0] =	vst.idx.msk $0xffff, v22;
	v22 =	vand.u32 $0x7C, v49;
	v23 =	vand.u32 $0x7FFFFC00, v51  }
0x18a: {  	s13 =	simm.s32 $0x14200;
	[tilespmem:v21+s5+$0x0] =	vst.idx.msk $0xffff, v24;
	v21 =	vor.u32 v22, v23  }
0x18b: {  	v22 =	vld.idx.msk [tilespmem:v48+s13+$0x0], $0xffff;
	v23 =	vadd.s32 v2, v21  }
0x18c: {  	s28 =	sand.u32 $0x7F, s24;
	v24 =	vld.idx.msk [tilespmem:v50+s13+$0x0], $0xffff;
	v21 =	vadd.s32 v3, v21  }
0x18d: {  	s2 =	sadd.s32 $0x15, s19;
	v52 =	vor.u32 s28, v1  }
0x18e: {  	v53 =	vmov s2;
	v54 =	vor.u32 s28, v20  }
0x18f: {  	v55 =	vshll.u32 v53, $0x3  }
0x190: {  	[tilespmem:v23+s5+$0x0] =	vst.idx.msk $0xffff, v22;
	v22 =	vand.u32 $0x7D, v53;
	v23 =	vand.u32 $0x7FFFFC00, v55  }
0x191: {  	s2 =	simm.s32 $0x15200;
	[tilespmem:v21+s5+$0x0] =	vst.idx.msk $0xffff, v24;
	v21 =	vor.u32 v22, v23  }
0x192: {  	v22 =	vld.idx.msk [tilespmem:v52+s2+$0x0], $0xffff;
	v23 =	vadd.s32 v2, v21  }
0x193: {  	s24 =	sand.u32 $0x7F, s21;
	v24 =	vld.idx.msk [tilespmem:v54+s2+$0x0], $0xffff;
	v21 =	vadd.s32 v3, v21  }
0x194: {  	s25 =	sadd.s32 $0x16, s19;
	v56 =	vor.u32 s24, v1  }
0x195: {  	v57 =	vmov s25;
	v58 =	vor.u32 s24, v20  }
0x196: {  	v59 =	vshll.u32 v57, $0x3  }
0x197: {  	[tilespmem:v23+s5+$0x0] =	vst.idx.msk $0xffff, v22;
	v22 =	vand.u32 $0x7E, v57;
	v23 =	vand.u32 $0x7FFFFC00, v59  }
0x198: {  	s29 =	simm.s32 $0x16200;
	[tilespmem:v21+s5+$0x0] =	vst.idx.msk $0xffff, v24;
	v21 =	vor.u32 v22, v23  }
0x199: {  	v22 =	vld.idx.msk [tilespmem:v56+s29+$0x0], $0xffff;
	v23 =	vadd.s32 v2, v21  }
0x19a: {  	s26 =	sand.u32 $0x7F, s20;
	v24 =	vld.idx.msk [tilespmem:v58+s29+$0x0], $0xffff;
	v21 =	vadd.s32 v3, v21  }
0x19b: {  	s28 =	sadd.s32 $0x17, s19;
	v60 =	vor.u32 s26, v1  }
0x19c: {  	v61 =	vmov s28;
	v62 =	vor.u32 s26, v20  }
0x19d: {  	v63 =	vshll.u32 v61, $0x3  }
0x19e: {  	[tilespmem:v23+s5+$0x0] =	vst.idx.msk $0xffff, v22;
	v22 =	vand.u32 $0x7F, v61;
	v23 =	vand.u32 $0x7FFFFC00, v63  }
0x19f: {  	s11 =	simm.s32 $0x17200;
	[tilespmem:v21+s5+$0x0] =	vst.idx.msk $0xffff, v24;
	v21 =	vor.u32 v22, v23  }
0x1a0: {  	v22 =	vld.idx.msk [tilespmem:v60+s11+$0x0], $0xffff;
	v23 =	vadd.s32 v2, v21  }
0x1a1: {  	p0 =	sne.s32 s23, $0x1F8;
	v24 =	vld.idx.msk [tilespmem:v62+s11+$0x0], $0xffff;
	v21 =	vadd.s32 v3, v21  }
.Ltmp3:
0x1a2: {  	_ = 	snop;
	(pc) =	sbr.rel @!p0 .LBB2_5-.Ltmp3, $3  }
0x1a3: {  	_ =	sdelay $0x1  }
0x1a4: {  	s18 =	sadd.s32 $0x8, s18;
	[tilespmem:v23+s5+$0x0] =	vst.idx.msk $0xffff, v22  }
0x1a5: {  	s30 =	simm.s32 $0x200;
	s21 =	smov.u32 s22;
	s19 =	smov.u32 s23;
	[tilespmem:v21+s5+$0x0] =	vst.idx.msk $0xffff, v24  }
.LBB2_2:
0x1a6: {  	s10 =	sadd.s32 $0x40, s21  }
0x1a7: {  	s10 =	sand.u32 $0x1FC0, s10  }
0x1a8: {  	s20 =	sshrl.u32 s10, $0x2  }
0x1a9: {  	v21 =	vld [tilespmem:s20+$0x0];
	_ =	sdelay $0x1  }
0x1aa: {  	s23 =	sand.u32 $0x8, s18  }
0x1ab: {  	s22 =	sor.u32 $0x2, s23  }
0x1ac: {  	s24 =	sor.u32 $0x3, s23;
	v22 =	vmov s22  }
0x1ad: {  	s25 =	sor.u32 $0x4, s23;
	vm0 =	veq.s32 v22, v0;
	v22 =	vmov s24;
	v21 =	vxor.u32 $0x80000000, v21  }
0x1ae: {  	s26 =	sor.u32 $0x5, s23;
	vm1 =	veq.s32 v22, v0;
	v22 =	vmov s25;
	v23 =	vnsel vm0, $0x80000000, v21  }
0x1af: {  	s28 =	sor.u32 $0x6, s23;
	vm2 =	veq.s32 v22, v0;
	v22 =	vmov s26;
	(xrf0) =	vmax.scan.msk.u32 $0xffff, v23;
	v23 =	vnsel vm1, $0x80000000, v21  }
0x1b0: {  	s1 =	sor.u32 $0x7, s23;
	vm3 =	veq.s32 v22, v0;
	v22 =	vmov s28;
	(xrf0) =	vmax.scan.msk.u32 $0xffff, v23;
	v23 =	vnsel vm2, $0x80000000, v21  }
0x1b1: {  	vm4 =	veq.s32 v22, v0;
	v22 =	vmov s1;
	(xrf0) =	vmax.scan.msk.u32 $0xffff, v23;
	v23 =	vnsel vm3, $0x80000000, v21  }
0x1b2: {  	v24 =	vmov s23;
	vm5 =	veq.s32 v22, v0;
	(xrf0) =	vmax.scan.msk.u32 $0xffff, v23;
	v23 =	vnsel vm4, $0x80000000, v21  }
0x1b3: {  	vm7 =	veq.s32 v24, v0;
	v22 =	vnsel vm5, $0x80000000, v21;
	(xrf0) =	vmax.scan.msk.u32 $0xffff, v23  }
0x1b4: {  	s10 =	sor.u32 $0x1, s23;
	(xrf0) =	vmax.scan.msk.u32 $0xffff, v22;
	v22 =	vnsel vm7, $0x80000000, v21  }
0x1b5: {  	v23, _, _ =	vpop (xrf0);
	(xrf0) =	vmax.scan.msk.u32 $0xffff, v22;
	v22 =	vmov s10;
	_ =	sdelay $0x1  }
0x1b6: {  	(v2sf) =	vpush v23, $0xF;
	v23, _, _ =	vpop (xrf0);
	vm8 =	veq.s32 v22, v0  }
0x1b7: {  	(v2sf) =	vpush v23, $0xF;
	v21 =	vnsel vm8, $0x80000000, v21;
	v22, _, _ =	vpop (xrf0)  }
0x1b8: {  	(v2sf) =	vpush v22, $0xF;
	v22, _, _ =	vpop (xrf0)  }
0x1b9: {  	(xrf0) =	vmax.scan.msk.u32 $0xffff, v21;
	(v2sf) =	vpush v22, $0xF;
	v22, _, _ =	vpop (xrf0)  }
0x1ba: {  	(v2sf) =	vpush v22, $0xF;
	v21, _, _ =	vpop (xrf0)  }
0x1bb: {  	(v2sf) =	vpush v21, $0xF;
	v21, _, _ =	vpop (xrf0)  }
0x1bc: {  	(v2sf) =	vpush v21, $0xF;
	_ =	sdelay $0x2  }
0x1bd: {  	v21, _, _ =	vpop (xrf0)  }
0x1be: {  	(v2sf) =	vpush v21, $0xF;
	_ =	sdelay $0x4  }
0x1bf: {  	s14 =	spop (v2sf)  }
0x1c0: {  	s15 =	spop (v2sf)  }
0x1c1: {  	s23 =	spop (v2sf)  }
0x1c2: {  	s24 =	spop (v2sf)  }
0x1c3: {  	s25 =	spop (v2sf)  }
0x1c4: {  	s26 =	spop (v2sf)  }
0x1c5: {  	s28 =	spop (v2sf)  }
0x1c6: {  	s28 =	sand.u32 $0x1FFFFF80, s28  }
0x1c7: {  	s28 =	sadd.s32 s0, s28  }
0x1c8: {  	[tilespmem:s3], [sflag:$0x3] =	stream.strided.gather [hbm4b:s28+s7], $0x1000, s9, s7, $0x38;
	[tilespmem:$0x1C200] =	vst v63  }
0x1c9: {  	s16 =	spop (v2sf)  }
0x1ca: {  	s28 =	sand.u32 $0x1FFFFF80, s16  }
0x1cb: {  	s10 =	sand.u32 $0x1FFFFF80, s14;
	s28 =	sadd.s32 s0, s28  }
0x1cc: {  	[tilespmem:s17], [sflag:$0x3] =	stream.strided.gather [hbm4b:s28+s7], $0x1000, s9, s7, $0x38;
	[tilespmem:$0x1C200] =	vst v63  }
0x1cd: {  	s10 =	sadd.s32 s0, s10;
	s1 =	sand.u32 $0x1FFFFF80, s15  }
0x1ce: {  	[tilespmem:s31], [sflag:$0x3] =	stream.strided.gather [hbm4b:s10+s7], $0x1000, s9, s7, $0x38;
	[tilespmem:$0x1C200] =	vst v63  }
0x1cf: {  	s3 =	sand.u32 $0x1FFFFF80, s23;
	s10 =	sadd.s32 s0, s1  }
0x1d0: {  	[tilespmem:s12], [sflag:$0x3] =	stream.strided.gather [hbm4b:s10+s7], $0x1000, s9, s7, $0x38;
	[tilespmem:$0x1C200] =	vst v63  }
0x1d1: {  	s10 =	sadd.s32 s0, s3;
	s12 =	sand.u32 $0x1FFFFF80, s24  }
0x1d2: {  	[tilespmem:s13], [sflag:$0x3] =	stream.strided.gather [hbm4b:s10+s7], $0x1000, s9, s7, $0x38;
	[tilespmem:$0x1C200] =	vst v63  }
0x1d3: {  	s10 =	sadd.s32 s0, s12;
	s13 =	sand.u32 $0x1FFFFF80, s25  }
0x1d4: {  	[tilespmem:s2], [sflag:$0x3] =	stream.strided.gather [hbm4b:s10+s7], $0x1000, s9, s7, $0x38;
	[tilespmem:$0x1C200] =	vst v63  }
0x1d5: {  	s14 =	sand.u32 $0x1FFFFF80, s26;
	s10 =	sadd.s32 s0, s13  }
0x1d6: {  	[tilespmem:s29], [sflag:$0x3] =	stream.strided.gather [hbm4b:s10+s7], $0x1000, s9, s7, $0x38;
	[tilespmem:$0x1C200] =	vst v63  }
0x1d7: {  	s15 =	sand.u32 $0xFC0, s21;
	s10 =	sadd.s32 s0, s14  }
0x1d8: {  	[tilespmem:s11], [sflag:$0x3] =	stream.strided.gather [hbm4b:s10+s7], $0x1000, s9, s7, $0x38;
	[tilespmem:$0x1C200] =	vst v63  }
0x1d9: {  	s10 =	sshrl.u32 s15, $0x2  }
0x1da: {  	v21 =	vld [tilespmem:s10+$0x0];
	_ =	sdelay $0x4  }
0x1db: {  	v21 =	vxor.u32 $0x80000000, v21  }
0x1dc: {  	v22 =	vnsel vm7, $0x80000000, v21  }
0x1dd: {  	(xrf0) =	vmax.scan.msk.u32 $0xffff, v22;
	v22 =	vnsel vm8, $0x80000000, v21  }
0x1de: {  	(xrf0) =	vmax.scan.msk.u32 $0xffff, v22;
	v22 =	vnsel vm0, $0x80000000, v21  }
0x1df: {  	(xrf0) =	vmax.scan.msk.u32 $0xffff, v22;
	v22 =	vnsel vm1, $0x80000000, v21  }
0x1e0: {  	(xrf0) =	vmax.scan.msk.u32 $0xffff, v22;
	v22 =	vnsel vm2, $0x80000000, v21  }
0x1e1: {  	(xrf0) =	vmax.scan.msk.u32 $0xffff, v22;
	v22 =	vnsel vm3, $0x80000000, v21  }
0x1e2: {  	(xrf0) =	vmax.scan.msk.u32 $0xffff, v22;
	v22 =	vnsel vm4, $0x80000000, v21  }
0x1e3: {  	v21 =	vnsel vm5, $0x80000000, v21  }
0x1e4: {  	v23, _, _ =	vpop (xrf0);
	(xrf0) =	vmax.scan.msk.u32 $0xffff, v22  }
0x1e5: {  	(v2sf) =	vpush v23, $0xF;
	v22, _, _ =	vpop (xrf0);
	(xrf0) =	vmax.scan.msk.u32 $0xffff, v21  }
0x1e6: {  	(v2sf) =	vpush v22, $0xF;
	v21, _, _ =	vpop (xrf0)  }
0x1e7: {  	(v2sf) =	vpush v21, $0xF;
	v21, _, _ =	vpop (xrf0)  }
0x1e8: {  	(v2sf) =	vpush v21, $0xF;
	v21, _, _ =	vpop (xrf0)  }
0x1e9: {  	(v2sf) =	vpush v21, $0xF;
	v21, _, _ =	vpop (xrf0)  }
0x1ea: {  	(v2sf) =	vpush v21, $0xF;
	v21, _, _ =	vpop (xrf0)  }
0x1eb: {  	(v2sf) =	vpush v21, $0xF;
	v21, _, _ =	vpop (xrf0)  }
0x1ec: {  	(v2sf) =	vpush v21, $0xF;
	_ =	sdelay $0x7  }
0x1ed: {  	s16 =	spop (v2sf)  }
0x1ee: {  	s17 =	spop (v2sf)  }
0x1ef: {  	s22 =	spop (v2sf)  }
0x1f0: {  	s23 =	spop (v2sf)  }
0x1f1: {  	s24 =	spop (v2sf)  }
0x1f2: {  	s1 =	spop (v2sf)  }
0x1f3: {  	s3 =	spop (v2sf)  }
0x1f4: {  	s11 =	spop (v2sf)  }
0x1f5: {  	_ =	swait.ge [sflag:s4], $0x1000  }
0x1f6: {  	[sflag:s4] =	ssyncset.done $0x0  }
0x1f7: {  	[sflag:s4] =	ssyncadd.s32 $0xFFFFF000  }
0x1f8: {  	_ =	swait.ge [sflag:s4], $0x1000  }
0x1f9: {  	[sflag:s4] =	ssyncset.done $0x0  }
0x1fa: {  	[sflag:s4] =	ssyncadd.s32 $0xFFFFF000  }
0x1fb: {  	_ =	swait.ge [sflag:s4], $0x1000  }
0x1fc: {  	[sflag:s4] =	ssyncset.done $0x0  }
0x1fd: {  	[sflag:s4] =	ssyncadd.s32 $0xFFFFF000  }
0x1fe: {  	_ =	swait.ge [sflag:s4], $0x1000  }
0x1ff: {  	[sflag:s4] =	ssyncset.done $0x0  }
0x200: {  	[sflag:s4] =	ssyncadd.s32 $0xFFFFF000  }
0x201: {  	_ =	swait.ge [sflag:s4], $0x1000  }
0x202: {  	[sflag:s4] =	ssyncset.done $0x0  }
0x203: {  	[sflag:s4] =	ssyncadd.s32 $0xFFFFF000  }
0x204: {  	_ =	swait.ge [sflag:s4], $0x1000  }
0x205: {  	[sflag:s4] =	ssyncset.done $0x0  }
0x206: {  	[sflag:s4] =	ssyncadd.s32 $0xFFFFF000  }
0x207: {  	s26 =	sand.u32 $0x7F, s16;
	_ =	swait.ge [sflag:s4], $0x1000  }
0x208: {  	v21 =	vor.u32 s26, v1;
	[sflag:s4] =	ssyncset.done $0x0  }
0x209: {  	v22 =	vmov s19;
	v23 =	vor.u32 s26, v20;
	[sflag:s4] =	ssyncadd.s32 $0xFFFFF000  }
0x20a: {  	v38 =	vshll.u32 v22, $0x3;
	_ =	swait.ge [sflag:s4], $0x1000  }
0x20b: {  	v22 =	vand.u32 $0x78, v22;
	v24 =	vand.u32 $0x1C00, v38;
	[sflag:s4] =	ssyncset.done $0x0  }
0x20c: {  	v22 =	vor.u32 v22, v24;
	[sflag:s4] =	ssyncadd.s32 $0xFFFFF000  }
0x20d: {  	v24 =	vadd.s32 v2, v22;
	v21 =	vld.idx.msk [tilespmem:v21+s30+$0x0], $0xffff  }
0x20e: {  	v22 =	vadd.s32 v3, v22;
	s12 =	sand.u32 $0x7F, s17;
	v23 =	vld.idx.msk [tilespmem:v23+s30+$0x0], $0xffff  }
0x20f: {  	s13 =	sadd.s32 $0x1, s19;
	v25 =	vor.u32 s12, v1  }
0x210: {  	v26 =	vmov s13;
	v27 =	vor.u32 s12, v20  }
0x211: {  	v28 =	vshll.u32 v26, $0x3  }
0x212: {  	v39 =	vand.u32 $0x1C00, v28;
	[tilespmem:v24+s5+$0x0] =	vst.idx.msk $0xffff, v21;
	v21 =	vand.u32 $0x79, v26  }
0x213: {  	s12 =	simm.s32 $0x1200;
	[tilespmem:v22+s5+$0x0] =	vst.idx.msk $0xffff, v23;
	v21 =	vor.u32 v21, v39  }
0x214: {  	v22 =	vld.idx.msk [tilespmem:v25+s12+$0x0], $0xffff;
	v23 =	vadd.s32 v2, v21  }
0x215: {  	s14 =	sand.u32 $0x7F, s22;
	v40 =	vld.idx.msk [tilespmem:v27+s12+$0x0], $0xffff;
	v21 =	vadd.s32 v3, v21  }
0x216: {  	s15 =	sadd.s32 $0x2, s19;
	v41 =	vor.u32 s14, v1  }
0x217: {  	v42 =	vmov s15;
	v43 =	vor.u32 s14, v20  }
0x218: {  	v44 =	vshll.u32 v42, $0x3  }
0x219: {  	[tilespmem:v23+s5+$0x0] =	vst.idx.msk $0xffff, v22;
	v22 =	vand.u32 $0x7A, v42;
	v23 =	vand.u32 $0x1C00, v44  }
0x21a: {  	s13 =	simm.s32 $0x2200;
	[tilespmem:v21+s5+$0x0] =	vst.idx.msk $0xffff, v40;
	v21 =	vor.u32 v22, v23  }
0x21b: {  	v22 =	vld.idx.msk [tilespmem:v41+s13+$0x0], $0xffff;
	v23 =	vadd.s32 v2, v21  }
0x21c: {  	s25 =	sand.u32 $0x7F, s23;
	v24 =	vld.idx.msk [tilespmem:v43+s13+$0x0], $0xffff;
	v21 =	vadd.s32 v3, v21  }
0x21d: {  	s16 =	sadd.s32 $0x3, s19;
	v45 =	vor.u32 s25, v1  }
0x21e: {  	v46 =	vmov s16;
	v47 =	vor.u32 s25, v20  }
0x21f: {  	v48 =	vshll.u32 v46, $0x3  }
0x220: {  	[tilespmem:v23+s5+$0x0] =	vst.idx.msk $0xffff, v22;
	v22 =	vand.u32 $0x7B, v46;
	v23 =	vand.u32 $0x1C00, v48  }
0x221: {  	s31 =	simm.s32 $0x3200;
	[tilespmem:v21+s5+$0x0] =	vst.idx.msk $0xffff, v24;
	v21 =	vor.u32 v22, v23  }
0x222: {  	v22 =	vld.idx.msk [tilespmem:v45+s31+$0x0], $0xffff;
	v23 =	vadd.s32 v2, v21  }
0x223: {  	s10 =	sand.u32 $0x7F, s24;
	v24 =	vld.idx.msk [tilespmem:v47+s31+$0x0], $0xffff;
	v21 =	vadd.s32 v3, v21  }
0x224: {  	s17 =	sadd.s32 $0x4, s19;
	v49 =	vor.u32 s10, v1  }
0x225: {  	v50 =	vmov s17;
	v51 =	vor.u32 s10, v20  }
0x226: {  	v52 =	vshll.u32 v50, $0x3  }
0x227: {  	[tilespmem:v23+s5+$0x0] =	vst.idx.msk $0xffff, v22;
	v22 =	vand.u32 $0x7C, v50;
	v23 =	vand.u32 $0x1C00, v52  }
0x228: {  	s2 =	simm.s32 $0x4200;
	[tilespmem:v21+s5+$0x0] =	vst.idx.msk $0xffff, v24;
	v21 =	vor.u32 v22, v23  }
0x229: {  	v22 =	vld.idx.msk [tilespmem:v49+s2+$0x0], $0xffff;
	v23 =	vadd.s32 v2, v21  }
0x22a: {  	s26 =	sand.u32 $0x7F, s1;
	v24 =	vld.idx.msk [tilespmem:v51+s2+$0x0], $0xffff;
	v21 =	vadd.s32 v3, v21  }
0x22b: {  	s28 =	sadd.s32 $0x5, s19;
	v53 =	vor.u32 s26, v1  }
0x22c: {  	v54 =	vmov s28;
	v55 =	vor.u32 s26, v20  }
0x22d: {  	v56 =	vshll.u32 v54, $0x3  }
0x22e: {  	[tilespmem:v23+s5+$0x0] =	vst.idx.msk $0xffff, v22;
	v22 =	vand.u32 $0x7D, v54;
	v23 =	vand.u32 $0x1C00, v56  }
0x22f: {  	s14 =	simm.s32 $0x5200;
	[tilespmem:v21+s5+$0x0] =	vst.idx.msk $0xffff, v24;
	v21 =	vor.u32 v22, v23  }
0x230: {  	v22 =	vld.idx.msk [tilespmem:v53+s14+$0x0], $0xffff;
	v23 =	vadd.s32 v2, v21  }
0x231: {  	s29 =	sand.u32 $0x7F, s3;
	v24 =	vld.idx.msk [tilespmem:v55+s14+$0x0], $0xffff;
	v21 =	vadd.s32 v3, v21  }
0x232: {  	s1 =	sadd.s32 $0x6, s19;
	v57 =	vor.u32 s29, v1  }
0x233: {  	v58 =	vmov s1;
	v59 =	vor.u32 s29, v20  }
0x234: {  	v60 =	vshll.u32 v58, $0x3  }
0x235: {  	[tilespmem:v23+s5+$0x0] =	vst.idx.msk $0xffff, v22;
	v22 =	vand.u32 $0x7E, v58;
	v23 =	vand.u32 $0x1C00, v60  }
0x236: {  	s1 =	simm.s32 $0x6200;
	[tilespmem:v21+s5+$0x0] =	vst.idx.msk $0xffff, v24;
	v21 =	vor.u32 v22, v23  }
0x237: {  	v22 =	vld.idx.msk [tilespmem:v57+s1+$0x0], $0xffff;
	v23 =	vadd.s32 v2, v21  }
0x238: {  	s3 =	sand.u32 $0x7F, s11;
	v24 =	vld.idx.msk [tilespmem:v59+s1+$0x0], $0xffff;
	v21 =	vadd.s32 v3, v21  }
0x239: {  	s11 =	sadd.s32 $0x7, s19;
	v61 =	vor.u32 s3, v1  }
0x23a: {  	v62 =	vmov s11;
	v63 =	vor.u32 s3, v20  }
0x23b: {  	v32 =	vshll.u32 v62, $0x3  }
0x23c: {  	[tilespmem:v23+s5+$0x0] =	vst.idx.msk $0xffff, v22;
	v22 =	vand.u32 $0x7F, v62;
	v23 =	vand.u32 $0x1C00, v32  }
0x23d: {  	s3 =	simm.s32 $0x7200;
	[tilespmem:v21+s5+$0x0] =	vst.idx.msk $0xffff, v24;
	v21 =	vor.u32 v22, v23  }
0x23e: {  	v22 =	vld.idx.msk [tilespmem:v61+s3+$0x0], $0xffff;
	v23 =	vadd.s32 v2, v21  }
0x23f: {  	v24 =	vld.idx.msk [tilespmem:v63+s3+$0x0], $0xffff;
	v21 =	vadd.s32 v3, v21;
	_ =	sdelay $0x2  }
0x240: {  	s22 =	sadd.s32 $0x60, s21  }
0x241: {  	s15 =	sand.u32 $0x1FC0, s22;
	[tilespmem:v23+s5+$0x0] =	vst.idx.msk $0xffff, v22  }
0x242: {  	s10 =	sshrl.u32 s15, $0x2;
	[tilespmem:v21+s5+$0x0] =	vst.idx.msk $0xffff, v24  }
0x243: {  	v21 =	vld [tilespmem:s10+$0x0]  }
0x244: {  	s23 =	sadd.s32 $0x18, s19  }
0x245: {  	s16 =	sand.u32 $0x8, s23  }
0x246: {  	s17 =	sor.u32 $0x2, s16  }
0x247: {  	s25 =	sor.u32 $0x3, s16;
	v22 =	vmov s17  }
0x248: {  	s26 =	sor.u32 $0x4, s16;
	vm9 =	veq.s32 v22, v0;
	v22 =	vmov s25;
	v21 =	vxor.u32 $0x80000000, v21  }
0x249: {  	s28 =	sor.u32 $0x5, s16;
	v23 =	vnsel vm9, $0x80000000, v21;
	vm9 =	veq.s32 v22, v0;
	v22 =	vmov s26  }
0x24a: {  	s29 =	sor.u32 $0x6, s16;
	(xrf0) =	vmax.scan.msk.u32 $0xffff, v23;
	v23 =	vnsel vm9, $0x80000000, v21;
	vm9 =	veq.s32 v22, v0;
	v22 =	vmov s28  }
0x24b: {  	s11 =	sor.u32 $0x7, s16;
	(xrf0) =	vmax.scan.msk.u32 $0xffff, v23;
	v23 =	vnsel vm9, $0x80000000, v21;
	vm9 =	veq.s32 v22, v0;
	v22 =	vmov s29  }
0x24c: {  	(xrf0) =	vmax.scan.msk.u32 $0xffff, v23;
	v23 =	vnsel vm9, $0x80000000, v21;
	vm9 =	veq.s32 v22, v0;
	v22 =	vmov s11  }
0x24d: {  	(xrf0) =	vmax.scan.msk.u32 $0xffff, v23;
	v23 =	vnsel vm9, $0x80000000, v21;
	vm9 =	veq.s32 v22, v0  }
0x24e: {  	v22 =	vmov s16;
	(xrf0) =	vmax.scan.msk.u32 $0xffff, v23;
	v23 =	vnsel vm9, $0x80000000, v21  }
0x24f: {  	vm9 =	veq.s32 v22, v0  }
0x250: {  	v22 =	vnsel vm9, $0x80000000, v21  }
0x251: {  	s10 =	sor.u32 $0x1, s16;
	(xrf0) =	vmax.scan.msk.u32 $0xffff, v23;
	v23, _, _ =	vpop (xrf0)  }
0x252: {  	(xrf0) =	vmax.scan.msk.u32 $0xffff, v22;
	(v2sf) =	vpush v23, $0xF;
	v23 =	vmov s10  }
0x253: {  	v22, _, _ =	vpop (xrf0);
	vm9 =	veq.s32 v23, v0  }
0x254: {  	(v2sf) =	vpush v22, $0xF;
	v22, _, _ =	vpop (xrf0);
	v21 =	vnsel vm9, $0x80000000, v21  }
0x255: {  	(v2sf) =	vpush v22, $0xF;
	v22, _, _ =	vpop (xrf0)  }
0x256: {  	(v2sf) =	vpush v22, $0xF;
	v22, _, _ =	vpop (xrf0);
	(xrf0) =	vmax.scan.msk.u32 $0xffff, v21  }
0x257: {  	(v2sf) =	vpush v22, $0xF;
	v21, _, _ =	vpop (xrf0)  }
0x258: {  	(v2sf) =	vpush v21, $0xF;
	v21, _, _ =	vpop (xrf0)  }
0x259: {  	(v2sf) =	vpush v21, $0xF;
	_ =	sdelay $0x2  }
0x25a: {  	v21, _, _ =	vpop (xrf0)  }
0x25b: {  	(v2sf) =	vpush v21, $0xF;
	_ =	sdelay $0x4  }
0x25c: {  	s10 =	spop (v2sf)  }
0x25d: {  	s24 =	spop (v2sf)  }
0x25e: {  	s25 =	spop (v2sf)  }
0x25f: {  	s26 =	spop (v2sf)  }
0x260: {  	s28 =	spop (v2sf)  }
0x261: {  	s15 =	spop (v2sf)  }
0x262: {  	s16 =	spop (v2sf)  }
0x263: {  	s11 =	sand.u32 $0x1FFFFF80, s16  }
0x264: {  	s11 =	sadd.s32 s0, s11  }
0x265: {  	[tilespmem:s30], [sflag:$0x1] =	stream.strided.gather [hbm4b:s11+s7], $0x1000, s9, s7, $0x38;
	[tilespmem:$0x1C200] =	vst v63  }
0x266: {  	s17 =	spop (v2sf)  }
0x267: {  	s11 =	sand.u32 $0x1FFFFF80, s17  }
0x268: {  	s10 =	sand.u32 $0x1FFFFF80, s10;
	s11 =	sadd.s32 s0, s11  }
0x269: {  	[tilespmem:s12], [sflag:$0x1] =	stream.strided.gather [hbm4b:s11+s7], $0x1000, s9, s7, $0x38;
	[tilespmem:$0x1C200] =	vst v63  }
0x26a: {  	s10 =	sadd.s32 s0, s10;
	s24 =	sand.u32 $0x1FFFFF80, s24  }
0x26b: {  	[tilespmem:s13], [sflag:$0x1] =	stream.strided.gather [hbm4b:s10+s7], $0x1000, s9, s7, $0x38;
	[tilespmem:$0x1C200] =	vst v63  }
0x26c: {  	s25 =	sand.u32 $0x1FFFFF80, s25;
	s10 =	sadd.s32 s0, s24  }
0x26d: {  	[tilespmem:s31], [sflag:$0x1] =	stream.strided.gather [hbm4b:s10+s7], $0x1000, s9, s7, $0x38;
	[tilespmem:$0x1C200] =	vst v63  }
0x26e: {  	s26 =	sand.u32 $0x1FFFFF80, s26;
	s10 =	sadd.s32 s0, s25  }
0x26f: {  	[tilespmem:s2], [sflag:$0x1] =	stream.strided.gather [hbm4b:s10+s7], $0x1000, s9, s7, $0x38;
	[tilespmem:$0x1C200] =	vst v63  }
0x270: {  	s30 =	sand.u32 $0x1FFFFF80, s28;
	s10 =	sadd.s32 s0, s26  }
0x271: {  	[tilespmem:s14], [sflag:$0x1] =	stream.strided.gather [hbm4b:s10+s7], $0x1000, s9, s7, $0x38;
	[tilespmem:$0x1C200] =	vst v63  }
0x272: {  	s31 =	sand.u32 $0x1FFFFF80, s15;
	s10 =	sadd.s32 s0, s30  }
0x273: {  	[tilespmem:s1], [sflag:$0x1] =	stream.strided.gather [hbm4b:s10+s7], $0x1000, s9, s7, $0x38;
	[tilespmem:$0x1C200] =	vst v63  }
0x274: {  	s10 =	sadd.s32 s0, s31;
	s1 =	sadd.s32 $0x20, s21  }
0x275: {  	[tilespmem:s3], [sflag:$0x1] =	stream.strided.gather [hbm4b:s10+s7], $0x1000, s9, s7, $0x38;
	[tilespmem:$0x1C200] =	vst v63  }
0x276: {  	s10 =	sand.u32 $0x1FC0, s1  }
0x277: {  	s10 =	sshrl.u32 s10, $0x2  }
0x278: {  	v21 =	vld [tilespmem:s10+$0x0];
	_ =	sdelay $0x1  }
0x279: {  	s10 =	sadd.s32 $0x8, s19  }
0x27a: {  	s2 =	sand.u32 $0x8, s10  }
0x27b: {  	v22 =	vmov s2;
	s3 =	sor.u32 $0x1, s2  }
0x27c: {  	s12 =	sor.u32 $0x2, s2;
	vm9 =	veq.s32 v22, v0;
	v22 =	vmov s3;
	v21 =	vxor.u32 $0x80000000, v21  }
0x27d: {  	s13 =	sor.u32 $0x3, s2;
	v23 =	vnsel vm9, $0x80000000, v21;
	vm9 =	veq.s32 v22, v0;
	v22 =	vmov s12  }
0x27e: {  	s14 =	sor.u32 $0x4, s2;
	(xrf0) =	vmax.scan.msk.u32 $0xffff, v23;
	v23 =	vnsel vm9, $0x80000000, v21;
	vm9 =	veq.s32 v22, v0;
	v22 =	vmov s13  }
0x27f: {  	s15 =	sor.u32 $0x5, s2;
	(xrf0) =	vmax.scan.msk.u32 $0xffff, v23;
	v23 =	vnsel vm9, $0x80000000, v21;
	vm9 =	veq.s32 v22, v0;
	v22 =	vmov s14  }
0x280: {  	s16 =	sor.u32 $0x6, s2;
	(xrf0) =	vmax.scan.msk.u32 $0xffff, v23;
	v23 =	vnsel vm9, $0x80000000, v21;
	vm9 =	veq.s32 v22, v0;
	v22 =	vmov s15  }
0x281: {  	s11 =	sor.u32 $0x7, s2;
	(xrf0) =	vmax.scan.msk.u32 $0xffff, v23;
	v23 =	vnsel vm9, $0x80000000, v21;
	vm9 =	veq.s32 v22, v0;
	v22 =	vmov s16  }
0x282: {  	(xrf0) =	vmax.scan.msk.u32 $0xffff, v23;
	v23 =	vnsel vm9, $0x80000000, v21;
	vm9 =	veq.s32 v22, v0;
	v22 =	vmov s11  }
0x283: {  	(xrf0) =	vmax.scan.msk.u32 $0xffff, v23;
	v23 =	vnsel vm9, $0x80000000, v21;
	vm9 =	veq.s32 v22, v0  }
0x284: {  	v21 =	vnsel vm9, $0x80000000, v21  }
0x285: {  	v22, _, _ =	vpop (xrf0);
	(xrf0) =	vmax.scan.msk.u32 $0xffff, v23  }
0x286: {  	(v2sf) =	vpush v22, $0xF;
	v22, _, _ =	vpop (xrf0);
	(xrf0) =	vmax.scan.msk.u32 $0xffff, v21  }
0x287: {  	v21, _, _ =	vpop (xrf0);
	(v2sf) =	vpush v22, $0xF  }
0x288: {  	v22, _, _ =	vpop (xrf0);
	(v2sf) =	vpush v21, $0xF  }
0x289: {  	v21, _, _ =	vpop (xrf0);
	(v2sf) =	vpush v22, $0xF  }
0x28a: {  	v22, _, _ =	vpop (xrf0);
	(v2sf) =	vpush v21, $0xF  }
0x28b: {  	v21, _, _ =	vpop (xrf0);
	(v2sf) =	vpush v22, $0xF  }
0x28c: {  	(v2sf) =	vpush v21, $0xF;
	v21, _, _ =	vpop (xrf0)  }
0x28d: {  	(v2sf) =	vpush v21, $0xF;
	_ =	sdelay $0x7  }
0x28e: {  	s17 =	spop (v2sf)  }
0x28f: {  	s31 =	spop (v2sf)  }
0x290: {  	s1 =	spop (v2sf)  }
0x291: {  	s2 =	spop (v2sf)  }
0x292: {  	s3 =	spop (v2sf)  }
0x293: {  	s26 =	spop (v2sf)  }
0x294: {  	s25 =	spop (v2sf)  }
0x295: {  	s24 =	spop (v2sf)  }
0x296: {  	_ =	swait.ge [sflag:s6], $0x1000  }
0x297: {  	[sflag:s6] =	ssyncset.done $0x0  }
0x298: {  	[sflag:s6] =	ssyncadd.s32 $0xFFFFF000  }
0x299: {  	_ =	swait.ge [sflag:s6], $0x1000  }
0x29a: {  	[sflag:s6] =	ssyncset.done $0x0  }
0x29b: {  	[sflag:s6] =	ssyncadd.s32 $0xFFFFF000  }
0x29c: {  	_ =	swait.ge [sflag:s6], $0x1000  }
0x29d: {  	[sflag:s6] =	ssyncset.done $0x0  }
0x29e: {  	[sflag:s6] =	ssyncadd.s32 $0xFFFFF000  }
0x29f: {  	_ =	swait.ge [sflag:s6], $0x1000  }
0x2a0: {  	[sflag:s6] =	ssyncset.done $0x0  }
0x2a1: {  	[sflag:s6] =	ssyncadd.s32 $0xFFFFF000  }
0x2a2: {  	_ =	swait.ge [sflag:s6], $0x1000  }
0x2a3: {  	[sflag:s6] =	ssyncset.done $0x0  }
0x2a4: {  	[sflag:s6] =	ssyncadd.s32 $0xFFFFF000  }
0x2a5: {  	_ =	swait.ge [sflag:s6], $0x1000  }
0x2a6: {  	[sflag:s6] =	ssyncset.done $0x0  }
0x2a7: {  	[sflag:s6] =	ssyncadd.s32 $0xFFFFF000  }
0x2a8: {  	s11 =	sand.u32 $0x7F, s17;
	_ =	swait.ge [sflag:s6], $0x1000  }
0x2a9: {  	v21 =	vor.u32 s11, v1;
	[sflag:s6] =	ssyncset.done $0x0  }
0x2aa: {  	v22 =	vmov s10;
	v23 =	vor.u32 s11, v20;
	[sflag:s6] =	ssyncadd.s32 $0xFFFFF000  }
0x2ab: {  	v33 =	vshll.u32 v22, $0x3;
	_ =	swait.ge [sflag:s6], $0x1000  }
0x2ac: {  	v22 =	vand.u32 $0x78, v22;
	v24 =	vand.u32 $0x7FFFFC00, v33;
	[sflag:s6] =	ssyncset.done $0x0  }
0x2ad: {  	v22 =	vor.u32 v22, v24;
	s11 =	simm.s32 $0x8200;
	[sflag:s6] =	ssyncadd.s32 $0xFFFFF000  }
0x2ae: {  	v24 =	vadd.s32 v2, v22;
	v21 =	vld.idx.msk [tilespmem:v21+s11+$0x0], $0xffff  }
0x2af: {  	v22 =	vadd.s32 v3, v22;
	s13 =	sand.u32 $0x7F, s31;
	v23 =	vld.idx.msk [tilespmem:v23+s11+$0x0], $0xffff  }
0x2b0: {  	s14 =	sadd.s32 $0x9, s19;
	v34 =	vor.u32 s13, v1  }
0x2b1: {  	v35 =	vmov s14;
	v36 =	vor.u32 s13, v20  }
0x2b2: {  	v37 =	vshll.u32 v35, $0x3  }
0x2b3: {  	v38 =	vand.u32 $0x7FFFFC00, v37;
	[tilespmem:v24+s5+$0x0] =	vst.idx.msk $0xffff, v21;
	v21 =	vand.u32 $0x79, v35  }
0x2b4: {  	s15 =	simm.s32 $0x9200;
	[tilespmem:v22+s5+$0x0] =	vst.idx.msk $0xffff, v23;
	v21 =	vor.u32 v21, v38  }
0x2b5: {  	v22 =	vld.idx.msk [tilespmem:v34+s15+$0x0], $0xffff;
	v23 =	vadd.s32 v2, v21  }
0x2b6: {  	s16 =	sand.u32 $0x7F, s1;
	v39 =	vld.idx.msk [tilespmem:v36+s15+$0x0], $0xffff;
	v21 =	vadd.s32 v3, v21  }
0x2b7: {  	s17 =	sadd.s32 $0xA, s19;
	v40 =	vor.u32 s16, v1  }
0x2b8: {  	v41 =	vmov s17;
	v42 =	vor.u32 s16, v20  }
0x2b9: {  	v43 =	vshll.u32 v41, $0x3  }
0x2ba: {  	[tilespmem:v23+s5+$0x0] =	vst.idx.msk $0xffff, v22;
	v22 =	vand.u32 $0x7A, v41;
	v23 =	vand.u32 $0x7FFFFC00, v43  }
0x2bb: {  	s30 =	simm.s32 $0xA200;
	[tilespmem:v21+s5+$0x0] =	vst.idx.msk $0xffff, v39;
	v21 =	vor.u32 v22, v23  }
0x2bc: {  	v22 =	vld.idx.msk [tilespmem:v40+s30+$0x0], $0xffff;
	v23 =	vadd.s32 v2, v21  }
0x2bd: {  	s31 =	sand.u32 $0x7F, s2;
	v24 =	vld.idx.msk [tilespmem:v42+s30+$0x0], $0xffff;
	v21 =	vadd.s32 v3, v21  }
0x2be: {  	s1 =	sadd.s32 $0xB, s19;
	v44 =	vor.u32 s31, v1  }
0x2bf: {  	v45 =	vmov s1;
	v46 =	vor.u32 s31, v20  }
0x2c0: {  	v47 =	vshll.u32 v45, $0x3  }
0x2c1: {  	[tilespmem:v23+s5+$0x0] =	vst.idx.msk $0xffff, v22;
	v22 =	vand.u32 $0x7B, v45;
	v23 =	vand.u32 $0x7FFFFC00, v47  }
0x2c2: {  	s2 =	simm.s32 $0xB200;
	[tilespmem:v21+s5+$0x0] =	vst.idx.msk $0xffff, v24;
	v21 =	vor.u32 v22, v23  }
0x2c3: {  	v22 =	vld.idx.msk [tilespmem:v44+s2+$0x0], $0xffff;
	v23 =	vadd.s32 v2, v21  }
0x2c4: {  	s3 =	sand.u32 $0x7F, s3;
	v24 =	vld.idx.msk [tilespmem:v46+s2+$0x0], $0xffff;
	v21 =	vadd.s32 v3, v21  }
0x2c5: {  	s12 =	sadd.s32 $0xC, s19;
	v48 =	vor.u32 s3, v1  }
0x2c6: {  	v49 =	vmov s12;
	v50 =	vor.u32 s3, v20  }
0x2c7: {  	v51 =	vshll.u32 v49, $0x3  }
0x2c8: {  	[tilespmem:v23+s5+$0x0] =	vst.idx.msk $0xffff, v22;
	v22 =	vand.u32 $0x7C, v49;
	v23 =	vand.u32 $0x7FFFFC00, v51  }
0x2c9: {  	s13 =	simm.s32 $0xC200;
	[tilespmem:v21+s5+$0x0] =	vst.idx.msk $0xffff, v24;
	v21 =	vor.u32 v22, v23  }
0x2ca: {  	v22 =	vld.idx.msk [tilespmem:v48+s13+$0x0], $0xffff;
	v23 =	vadd.s32 v2, v21  }
0x2cb: {  	s15 =	sand.u32 $0x7F, s26;
	v24 =	vld.idx.msk [tilespmem:v50+s13+$0x0], $0xffff;
	v21 =	vadd.s32 v3, v21  }
0x2cc: {  	s16 =	sadd.s32 $0xD, s19;
	v52 =	vor.u32 s15, v1  }
0x2cd: {  	v53 =	vmov s16;
	v54 =	vor.u32 s15, v20  }
0x2ce: {  	v55 =	vshll.u32 v53, $0x3  }
0x2cf: {  	[tilespmem:v23+s5+$0x0] =	vst.idx.msk $0xffff, v22;
	v22 =	vand.u32 $0x7D, v53;
	v23 =	vand.u32 $0x7FFFFC00, v55  }
0x2d0: {  	s17 =	simm.s32 $0xD200;
	[tilespmem:v21+s5+$0x0] =	vst.idx.msk $0xffff, v24;
	v21 =	vor.u32 v22, v23  }
0x2d1: {  	v22 =	vld.idx.msk [tilespmem:v52+s17+$0x0], $0xffff;
	v23 =	vadd.s32 v2, v21  }
0x2d2: {  	s25 =	sand.u32 $0x7F, s25;
	v24 =	vld.idx.msk [tilespmem:v54+s17+$0x0], $0xffff;
	v21 =	vadd.s32 v3, v21  }
0x2d3: {  	v56 =	vor.u32 s25, v1;
	s26 =	sadd.s32 $0xE, s19  }
0x2d4: {  	v58 =	vor.u32 s25, v20;
	v57 =	vmov s26  }
0x2d5: {  	v59 =	vshll.u32 v57, $0x3  }
0x2d6: {  	[tilespmem:v23+s5+$0x0] =	vst.idx.msk $0xffff, v22;
	v22 =	vand.u32 $0x7E, v57;
	v23 =	vand.u32 $0x7FFFFC00, v59  }
0x2d7: {  	s28 =	simm.s32 $0xE200;
	[tilespmem:v21+s5+$0x0] =	vst.idx.msk $0xffff, v24;
	v21 =	vor.u32 v22, v23  }
0x2d8: {  	v22 =	vld.idx.msk [tilespmem:v56+s28+$0x0], $0xffff;
	v23 =	vadd.s32 v2, v21  }
0x2d9: {  	s29 =	sand.u32 $0x7F, s24;
	v24 =	vld.idx.msk [tilespmem:v58+s28+$0x0], $0xffff;
	v21 =	vadd.s32 v3, v21  }
0x2da: {  	v60 =	vor.u32 s29, v1;
	s30 =	sadd.s32 $0xF, s19  }
0x2db: {  	v62 =	vor.u32 s29, v20;
	v61 =	vmov s30  }
0x2dc: {  	v63 =	vshll.u32 v61, $0x3  }
0x2dd: {  	[tilespmem:v23+s5+$0x0] =	vst.idx.msk $0xffff, v22;
	v22 =	vand.u32 $0x7F, v61;
	v23 =	vand.u32 $0x7FFFFC00, v63  }
0x2de: {  	s31 =	simm.s32 $0xF200;
	[tilespmem:v21+s5+$0x0] =	vst.idx.msk $0xffff, v24;
	v21 =	vor.u32 v22, v23  }
0x2df: {  	v22 =	vld.idx.msk [tilespmem:v60+s31+$0x0], $0xffff;
	v23 =	vadd.s32 v2, v21  }
0x2e0: {  	p0 =	seq.s32 s19, $0x1E0;
	v24 =	vld.idx.msk [tilespmem:v62+s31+$0x0], $0xffff;
	v21 =	vadd.s32 v3, v21  }
.Ltmp4:
0x2e1: {  	_ = 	snop;
	(pc) =	sbr.rel @p0 .LBB2_4-.Ltmp4, $3  }
0x2e2: {  	_ =	sdelay $0x1  }
0x2e3: {  	s14 =	simm.s32 $0xC200;
	[tilespmem:v23+s5+$0x0] =	vst.idx.msk $0xffff, v22  }
0x2e4: {  	s1 =	simm.s32 $0xE200;
	s16 =	simm.s32 $0xF200;
	s15 =	simm.s32 $0xD200;
	[tilespmem:v21+s5+$0x0] =	vst.idx.msk $0xffff, v24  }
0x2e5: {  	s10 =	sadd.s32 $0x80, s21  }
0x2e6: {  	s10 =	sand.u32 $0x1FC0, s10  }
0x2e7: {  	s10 =	sshrl.u32 s10, $0x2  }
0x2e8: {  	v21 =	vld [tilespmem:s10+$0x0];
	_ =	sdelay $0x4  }
0x2e9: {  	v21 =	vxor.u32 $0x80000000, v21  }
0x2ea: {  	v22 =	vnsel vm0, $0x80000000, v21  }
0x2eb: {  	(xrf0) =	vmax.scan.msk.u32 $0xffff, v22;
	v22 =	vnsel vm1, $0x80000000, v21  }
0x2ec: {  	(xrf0) =	vmax.scan.msk.u32 $0xffff, v22;
	v22 =	vnsel vm2, $0x80000000, v21  }
0x2ed: {  	(xrf0) =	vmax.scan.msk.u32 $0xffff, v22;
	v22 =	vnsel vm3, $0x80000000, v21  }
0x2ee: {  	(xrf0) =	vmax.scan.msk.u32 $0xffff, v22;
	v22 =	vnsel vm4, $0x80000000, v21  }
0x2ef: {  	(xrf0) =	vmax.scan.msk.u32 $0xffff, v22;
	v22 =	vnsel vm5, $0x80000000, v21  }
0x2f0: {  	(xrf0) =	vmax.scan.msk.u32 $0xffff, v22;
	v22 =	vnsel vm7, $0x80000000, v21;
	_ =	sdelay $0x1  }
0x2f1: {  	v23, _, _ =	vpop (xrf0);
	(xrf0) =	vmax.scan.msk.u32 $0xffff, v22  }
0x2f2: {  	(v2sf) =	vpush v23, $0xF;
	v22, _, _ =	vpop (xrf0)  }
0x2f3: {  	v21 =	vnsel vm8, $0x80000000, v21;
	v23, _, _ =	vpop (xrf0);
	(v2sf) =	vpush v22, $0xF  }
0x2f4: {  	v22, _, _ =	vpop (xrf0);
	(v2sf) =	vpush v23, $0xF  }
0x2f5: {  	(xrf0) =	vmax.scan.msk.u32 $0xffff, v21;
	(v2sf) =	vpush v22, $0xF;
	v22, _, _ =	vpop (xrf0)  }
0x2f6: {  	v21, _, _ =	vpop (xrf0);
	(v2sf) =	vpush v22, $0xF  }
0x2f7: {  	v22, _, _ =	vpop (xrf0);
	(v2sf) =	vpush v21, $0xF  }
0x2f8: {  	(v2sf) =	vpush v22, $0xF;
	_ =	sdelay $0x2  }
0x2f9: {  	v21, _, _ =	vpop (xrf0)  }
0x2fa: {  	(v2sf) =	vpush v21, $0xF;
	_ =	sdelay $0x4  }
0x2fb: {  	s30 =	spop (v2sf)  }
0x2fc: {  	s11 =	spop (v2sf)  }
0x2fd: {  	s12 =	spop (v2sf)  }
0x2fe: {  	s31 =	spop (v2sf)  }
0x2ff: {  	s24 =	spop (v2sf)  }
0x300: {  	s25 =	spop (v2sf)  }
0x301: {  	s26 =	spop (v2sf)  }
0x302: {  	s26 =	sand.u32 $0x1FFFFF80, s26  }
0x303: {  	s3 =	simm.s32 $0x8200;
	s26 =	sadd.s32 s0, s26  }
0x304: {  	[tilespmem:s3], [sflag:$0x2] =	stream.strided.gather [hbm4b:s26+s7], $0x1000, s9, s7, $0x38;
	[tilespmem:$0x1C200] =	vst v63  }
0x305: {  	s3 =	spop (v2sf)  }
0x306: {  	s26 =	sand.u32 $0x1FFFFF80, s3  }
0x307: {  	s13 =	simm.s32 $0x9200;
	s10 =	sand.u32 $0x1FFFFF80, s30;
	s26 =	sadd.s32 s0, s26  }
0x308: {  	[tilespmem:s13], [sflag:$0x2] =	stream.strided.gather [hbm4b:s26+s7], $0x1000, s9, s7, $0x38;
	[tilespmem:$0x1C200] =	vst v63  }
0x309: {  	s2 =	simm.s32 $0xA200;
	s10 =	sadd.s32 s0, s10;
	s17 =	sand.u32 $0x1FFFFF80, s11  }
0x30a: {  	[tilespmem:s2], [sflag:$0x2] =	stream.strided.gather [hbm4b:s10+s7], $0x1000, s9, s7, $0x38;
	[tilespmem:$0x1C200] =	vst v63  }
0x30b: {  	s28 =	sand.u32 $0x1FFFFF80, s12;
	s26 =	simm.s32 $0xB200;
	s10 =	sadd.s32 s0, s17  }
0x30c: {  	[tilespmem:s26], [sflag:$0x2] =	stream.strided.gather [hbm4b:s10+s7], $0x1000, s9, s7, $0x38;
	[tilespmem:$0x1C200] =	vst v63  }
0x30d: {  	s29 =	sand.u32 $0x1FFFFF80, s31;
	s10 =	sadd.s32 s0, s28  }
0x30e: {  	[tilespmem:s14], [sflag:$0x2] =	stream.strided.gather [hbm4b:s10+s7], $0x1000, s9, s7, $0x38;
	[tilespmem:$0x1C200] =	vst v63  }
0x30f: {  	s10 =	sadd.s32 s0, s29  }
0x310: {  	[tilespmem:s15], [sflag:$0x2] =	stream.strided.gather [hbm4b:s10+s7], $0x1000, s9, s7, $0x38;
	[tilespmem:$0x1C200] =	vst v63  }
.Ltmp5:
0x311: {  	s30 =	sand.u32 $0x1FFFFF80, s24;
	(pc) =	sbr.rel .LBB2_4-.Ltmp5, $4  }
0x312: {  	s31 =	sand.u32 $0x1FFFFF80, s25;
	s10 =	sadd.s32 s0, s30  }
0x313: {  	[tilespmem:s1], [sflag:$0x2] =	stream.strided.gather [hbm4b:s10+s7], $0x1000, s9, s7, $0x38;
	[tilespmem:$0x1C200] =	vst v63  }
0x314: {  	s10 =	sadd.s32 s0, s31  }
0x315: {  	[tilespmem:s16], [sflag:$0x2] =	stream.strided.gather [hbm4b:s10+s7], $0x1000, s9, s7, $0x38;
	[tilespmem:$0x1C200] =	vst v63  }
.LBB2_6:
0x316: {  	_ =	sfence.sel $0x180000  }
0x317: {  	[bflag:$0x0] =	sbarrier.arrive $0xFFFF  }
0x318: {  	_ =	strace $0x90000047  }
0x319: {  	s0 =	stileid.u32;
	[bflag:$0x2] =	sbarrier.arrive $0xFFFF  }
0x31a: {  	p0 =	sne.s32 s0, $0x0;
	s0 =	rddreg [dreg:$0x3]  }
0x31b: {  	s0 =	sadd.s32 @!p0 $0x100000, s0  }
0x31c: {  	[sflag:s0] =	ssyncadd.tile.s32 @!p0 $0x1;
	_ =	shalt  }
.Lfunc_end2:
_tile_overlayer_lowered:
.L_overlay_start_2:
0x31d: {  	(tag) =	ssettag $0x2  }
0x31e: {  	s0 =	rddreg [dreg:$0x0];
	s2 =	stileid.u32  }
0x31f: {  	s1 =	rddreg [dreg:$0x1];
	p0 =	sne.s32 s2, $0x0  }
0x320: {  	s3 =	rddreg [dreg:$0x2];
	[bflag:$0x3] =	sbarrier.arrive $0xFFFF;
	s2 =	simm.s32 @!p0 $0x1C04  }
0x321: {  	[timem:s3], [sflag:s2] =	dma.local @!p0 [hbm:s0], s1  }
0x322: {  	s0 =	simm.s32 @!p0 $0x4  }
0x323: {  	_ =	swait.ge @!p0 [sflag:s0], s1  }
0x324: {  	s1 =	ssub.s32 @!p0 $0x0, s1;
	[sflag:s0] =	ssyncset.done @!p0 $0x0  }
0x325: {  	[sflag:s0] =	ssyncadd.s32 @!p0 s1  }
0x326: {  	[bflag:$0x3] =	sbarrier.arrive $0xFFFF  }
0x327: {  	_ =	shalt  }

</sc_bundles>
